<compile_context>
chip_gen: v7x
topology: tpu7x:2x2x1
jax: 0.10.2.dev20260603
libtpu: 0.0.44.dev20260713+nightly
codegen_flags: <defaults>
</compile_context>

<pallas_src>
import functools

import jax
import jax.numpy as jnp
from jax import lax
from jax.experimental import pallas as pl
from jax.experimental.pallas import tpu as pltpu
from jax.experimental.pallas import tpu_sc as plsc

_N = 1000
_C = 2
_FEAT = 1024
_G = 16
_GEO = 64
_DG = 64
_K = 10
_NB = 8
_MC = 1000


def _proj_body(f_ref, wqw_ref, wqb_ref, wkw_ref, wkb_ref, cw_ref,
               wq_ref, wk_ref, fp_ref):
    fc = f_ref[0]
    dn = (((1,), (1,)), ((), ()))
    wq = lax.dot_general(fc, wqw_ref[...], dn, preferred_element_type=jnp.float32)
    wq_ref[0] = wq + wqb_ref[...]
    wk = lax.dot_general(fc, wkw_ref[...], dn, preferred_element_type=jnp.float32)
    wk_ref[0] = wk + wkb_ref[...]
    fp_ref[0] = lax.dot_general(fc, cw_ref[...], dn, preferred_element_type=jnp.float32)


def _proj_call(f_p, WQ_w, WQ_b, WK_w, WK_b, conv_w):
    full = lambda *shape: pl.BlockSpec(shape, lambda c: (0,) * len(shape))
    return pl.pallas_call(
        _proj_body,
        grid=(_C,),
        in_specs=[
            pl.BlockSpec((1, _N, _FEAT), lambda c: (c, 0, 0)),
            full(_FEAT, _FEAT),
            full(1, _FEAT),
            full(_FEAT, _FEAT),
            full(1, _FEAT),
            full(_FEAT, _FEAT),
        ],
        out_specs=[
            pl.BlockSpec((1, _N, _FEAT), lambda c: (c, 0, 0)),
            pl.BlockSpec((1, _N, _FEAT), lambda c: (c, 0, 0)),
            pl.BlockSpec((1, _N, _FEAT), lambda c: (c, 0, 0)),
        ],
        out_shape=[
            jax.ShapeDtypeStruct((_C, _N, _FEAT), jnp.float32),
            jax.ShapeDtypeStruct((_C, _N, _FEAT), jnp.float32),
            jax.ShapeDtypeStruct((_C, _N, _FEAT), jnp.float32),
        ],
        compiler_params=pltpu.CompilerParams(vmem_limit_bytes=100 * 2**20),
    )(f_p, WQ_w, WQ_b.reshape(1, _FEAT), WK_w, WK_b.reshape(1, _FEAT), conv_w)


_NBL = 5
_NG = _N // 8


def _attn_body(pe_ref, wq_ref, wk_ref, w8_ref, b8_ref, spr_ref, msk_ref,
               soft_ref, idx_ref):
    wk = wk_ref[0]
    row = lax.broadcasted_iota(jnp.int32, (_N, 128), 0)
    big = jnp.int32(2**30)
    for i in range(_NBL):
        pe2 = pe_ref[0, i]
        P = jnp.dot(pe2, w8_ref[...], preferred_element_type=jnp.float32)
        L = jnp.log(jnp.maximum(P + b8_ref[...], 1e-6))
        wqb = wq_ref[0, i * 8:(i + 1) * 8, :]
        wqS = jnp.dot(jnp.transpose(wqb), spr_ref[...],
                      preferred_element_type=jnp.float32) * msk_ref[...]
        A = jnp.dot(wk, wqS, preferred_element_type=jnp.float32) * 0.125
        X = A + L
        vals, idxs = [], []
        for _ in range(_K):
            mx = jnp.max(X, axis=0, keepdims=True)
            am = jnp.min(jnp.where(X == mx, row, big), axis=0, keepdims=True)
            vals.append(mx)
            idxs.append(am)
            X = jnp.where(row == am, -jnp.inf, X)
        V = jnp.concatenate(vals, axis=0)
        E = jnp.exp(V - V[0:1])
        S = E / jnp.sum(E, axis=0, keepdims=True)
        soft_ref[0, i] = jnp.concatenate(
            [S, jnp.zeros((16 - _K, 128), jnp.float32)], axis=0)
        idx_ref[0, i] = jnp.concatenate(
            idxs + [jnp.zeros((16 - _K, 128), jnp.int32)], axis=0)


def _attn_call(pe_t, wq, wk, W8, b8, spread, msk):
    return pl.pallas_call(
        _attn_body,
        grid=(_C, _NG // _NBL),
        in_specs=[
            pl.BlockSpec((1, _NBL, _N, 512), lambda c, nb: (c, nb, 0, 0)),
            pl.BlockSpec((1, 8 * _NBL, _FEAT), lambda c, nb: (c, nb, 0)),
            pl.BlockSpec((1, _N, _FEAT), lambda c, nb: (c, 0, 0)),
            pl.BlockSpec((512, 128), lambda c, nb: (0, 0)),
            pl.BlockSpec((1, 128), lambda c, nb: (0, 0)),
            pl.BlockSpec((8, 128), lambda c, nb: (0, 0)),
            pl.BlockSpec((_FEAT, 128), lambda c, nb: (0, 0)),
        ],
        out_specs=[
            pl.BlockSpec((1, _NBL, 16, 128), lambda c, nb: (c, nb, 0, 0)),
            pl.BlockSpec((1, _NBL, 16, 128), lambda c, nb: (c, nb, 0, 0)),
        ],
        out_shape=[
            jax.ShapeDtypeStruct((_C, _NG, 16, 128), jnp.float32),
            jax.ShapeDtypeStruct((_C, _NG, 16, 128), jnp.int32),
        ],
        compiler_params=pltpu.CompilerParams(vmem_limit_bytes=100 * 2**20),
    )(pe_t, wq, wk, W8, b8, spread, msk)


_CH = 8


def _sc_body(soft_hbm, idx_hbm, fp_hbm, cb_hbm, out_hbm,
             soft_v, idx_v, rid_v, rows_v, cb_v, outc_v, sem):
    nc = 2
    b = lax.axis_index("s") * nc + lax.axis_index("c")
    c = b // _G
    g = b % _G
    base = b * _N

    pltpu.sync_copy(soft_hbm.at[pl.ds(base, _N)], soft_v)
    pltpu.sync_copy(idx_hbm.at[pl.ds(base, _N)], idx_v)
    pltpu.sync_copy(cb_hbm.at[b], cb_v)

    off = c * (_G * _N) + g

    def rbody(i, carry):
        rid_v[i // _CH, pl.ds((i % _CH) * 16, 16)] = idx_v[i] * 16 + off
        return carry

    lax.fori_loop(0, _N, rbody, 0)

    def cbody(ch, carry):
        pltpu.async_copy(fp_hbm.at[rid_v.at[ch]], rows_v, sem).wait()
        for j in range(_CH):
            it = ch * _CH + j
            isp = jnp.full((16,), it, jnp.int32)
            accs = [cb_v[q * 16:(q + 1) * 16] for q in range(4)]
            for k in range(_K):
                ksp = jnp.full((16,), k, jnp.int32)
                w = plsc.load_gather(soft_v, [isp, ksp])
                r = j * 16 + k
                for q in range(4):
                    accs[q] = accs[q] + w * rows_v[r, q * 16:(q + 1) * 16]
            for q in range(4):
                outc_v[j, q * 16:(q + 1) * 16] = accs[q]
        pltpu.sync_copy(outc_v, out_hbm.at[pl.ds(base + ch * _CH, _CH)])
        return carry

    lax.fori_loop(0, _N // _CH, cbody, 0)


def _sc_call(soft2, idx2, fp_sc, cb32):
    mesh = plsc.VectorSubcoreMesh(core_axis_name="c", subcore_axis_name="s")
    fn = pl.kernel(
        _sc_body,
        out_type=jax.ShapeDtypeStruct((_C * _G * _N, _DG), jnp.float32),
        mesh=mesh,
        scratch_types=[
            pltpu.VMEM((_N, 16), jnp.float32),
            pltpu.VMEM((_N, 16), jnp.int32),
            pltpu.VMEM((_N // _CH, _CH * 16), jnp.int32),
            pltpu.VMEM((_CH * 16, _DG), jnp.float32),
            pltpu.VMEM((_DG,), jnp.float32),
            pltpu.VMEM((_CH, _DG), jnp.float32),
            pltpu.SemaphoreType.DMA,
        ],
        compiler_params=pltpu.CompilerParams(needs_layout_passes=False,
                                             use_tc_tiling_on_sc=False),
    )
    return fn(soft2, idx2, fp_sc, cb32)


def kernel(f_a, position_embedding, WG_w, WG_b, WK_w, WK_b, WQ_w, WQ_b,
           conv_w, conv_b):
    f_p = jnp.transpose(f_a, (1, 0, 2))
    wq, wk, fp = _proj_call(f_p, WQ_w, WQ_b, WK_w, WK_b, conv_w)
    pe_t = position_embedding.reshape(_C, _NG, 8, _N, _GEO)
    pe_t = jnp.transpose(pe_t, (0, 1, 3, 2, 4)).reshape(_C, _NG, _N, 512)
    eye8 = jnp.eye(8, dtype=jnp.float32)
    W8 = (eye8[:, None, :, None] * jnp.transpose(WG_w)[None, :, None, :]
          ).reshape(512, 128)
    b8 = jnp.tile(WG_b, (8,)).reshape(1, 128)
    spread = jnp.repeat(eye8, 16, axis=1)
    msk = jnp.tile(jnp.repeat(jnp.eye(_G, dtype=jnp.float32), _DG, axis=0),
                   (1, 8))
    soft, idx = _attn_call(pe_t, wq, wk, W8, b8, spread, msk)
    soft2 = jnp.transpose(soft.reshape(_C, _NG, 16, 8, _G),
                          (0, 4, 1, 3, 2)).reshape(_C * _G * _N, 16)
    idx2 = jnp.transpose(idx.reshape(_C, _NG, 16, 8, _G),
                         (0, 4, 1, 3, 2)).reshape(_C * _G * _N, 16)
    fp_sc = fp.reshape(_C * _N * _G, _DG)
    cbr = conv_b.reshape(_G, _DG)
    cb32 = jnp.concatenate([cbr, cbr], axis=0)
    out_sc = _sc_call(soft2, idx2, fp_sc, cb32)
    final = out_sc.reshape(_C, _G, _N, _DG)
    return jnp.transpose(final, (2, 0, 1, 3)).reshape(_N, _C, _G * _DG)

# --- scband reference (transcript-rebuilt; emitter-appended) ---
"""Pipeline reference for scband-duplication-removal-network-39204461478680 (READ-ONLY COPY).

The authoritative reference and input builder live on the scoring server;
editing this copy changes nothing except your own understanding.
"""

import jax, jax.numpy as jnp
import numpy as np

N = 1000
C = 2
FEAT = 1024
GROUP = 16
GEO = 64
FC1 = 16
TOPK = 10
DIM = 1024


def setup_inputs(seed: int = 0):
    key = jax.random.key(seed)
    ks = jax.random.split(key, 8)
    f_a = jax.random.normal(ks[0], (N, C, FEAT), dtype=jnp.float32)
    position_embedding = jax.random.normal(ks[1], (C, N, N, GEO), dtype=jnp.float32)
    WG_w = jax.random.normal(ks[2], (FC1, GEO), dtype=jnp.float32) * 0.05
    WG_b = jnp.zeros((FC1,), jnp.float32)
    WK_w = jax.random.normal(ks[3], (DIM, FEAT), dtype=jnp.float32) * 0.02
    WK_b = jnp.zeros((DIM,), jnp.float32)
    WQ_w = jax.random.normal(ks[4], (DIM, FEAT), dtype=jnp.float32) * 0.02
    WQ_b = jnp.zeros((DIM,), jnp.float32)
    conv_w = jax.random.normal(ks[5], (DIM, FC1 * FEAT // GROUP), dtype=jnp.float32) * 0.02
    conv_b = jnp.zeros((DIM,), jnp.float32)
    return {"f_a": f_a, "position_embedding": position_embedding,
            "WG_w": WG_w, "WG_b": WG_b, "WK_w": WK_w, "WK_b": WK_b,
            "WQ_w": WQ_w, "WQ_b": WQ_b, "conv_w": conv_w, "conv_b": conv_b}


def reference(f_a, position_embedding, WG_w, WG_b, WK_w, WK_b, WQ_w, WQ_b, conv_w, conv_b):
    Nn, num_cls, feat = f_a.shape
    dim_group = DIM // GROUP
    # f_a = f_a.permute(1,0,2); reshape
    f_a_p = jnp.transpose(f_a, (1, 0, 2))
    f_r = f_a_p.reshape(num_cls * Nn, feat)
    # geometric weights
    pe = position_embedding.reshape(-1, GEO)
    w_g = jax.nn.relu(pe @ WG_w.T + WG_b)
    # keys
    w_k = f_r @ WK_w.T + WK_b
    w_k = w_k.reshape(num_cls, Nn, GROUP, dim_group)
    w_k = jnp.transpose(w_k, (0, 2, 3, 1)).reshape(num_cls * GROUP, dim_group, Nn)
    # queries
    w_q = f_r @ WQ_w.T + WQ_b
    w_q = w_q.reshape(num_cls, Nn, GROUP, dim_group)
    w_q = jnp.transpose(w_q, (0, 2, 1, 3)).reshape(num_cls * GROUP, Nn, dim_group)
    aff = (1.0 / np.sqrt(float(dim_group))) * jnp.matmul(w_q, w_k)
    w_g = w_g.reshape(num_cls, Nn, Nn, FC1)
    w_g = jnp.transpose(w_g, (0, 3, 1, 2)).reshape(num_cls * GROUP, Nn, Nn)
    # iou is None in this config
    w_mn = jnp.log(jnp.clip(w_g, 1e-06, None)) + aff
    top_k = min(Nn, TOPK)
    topv, idx = jax.lax.top_k(w_mn, top_k)
    soft = jax.nn.softmax(topv, axis=2)
    B = num_cls * GROUP
    bidx = jnp.arange(B)[:, None, None]
    nidx = jnp.arange(Nn)[None, :, None]
    res = jnp.zeros_like(w_mn).at[bidx, nidx, idx].set(soft)
    w_topk = res.reshape(num_cls, GROUP * Nn, Nn)
    out = jnp.matmul(w_topk, f_a_p)
    out = out.reshape(num_cls, FC1, Nn, feat)
    out = jnp.transpose(out, (1, 3, 2, 0))  # [FC1, feat, N, C]
    # grouped 1x1 conv: in channels FC1*feat grouped into GROUP groups of feat
    x = out.reshape(GROUP, feat, Nn * num_cls)
    wgc = conv_w.reshape(GROUP, DIM // GROUP, feat)
    y = jnp.einsum('goi,gip->gop', wgc, x).reshape(DIM, Nn, num_cls)
    y = y + conv_b[:, None, None]
    # squeeze batch dim then permute(1,2,0)
    return jnp.transpose(y, (1, 2, 0))

if __name__ == "__main__":
    import jax
    _d = setup_inputs()
    print(jax.jit(kernel)(*tuple(_d.values())))

</pallas_src>

<mosaic_0001>
#map = affine_map<(d0, d1) -> (0, 0)>
module attributes {stable_mosaic.version = 14 : i64} {
  func.func @_sc_body(%arg0: i32, %arg1: i32, %arg2: memref<32000x16xf32, #tpu.memory_space<hbm>>, %arg3: memref<32000x16xi32, #tpu.memory_space<hbm>>, %arg4: memref<32000x64xf32, #tpu.memory_space<hbm>>, %arg5: memref<32x64xf32, #tpu.memory_space<hbm>>, %arg6: memref<32000x64xf32, #tpu.memory_space<hbm>>, %arg7: memref<1000x16xf32, #tpu.memory_space<vmem>>, %arg8: memref<1000x16xi32, #tpu.memory_space<vmem>>, %arg9: memref<125x128xi32, #tpu.memory_space<vmem>>, %arg10: memref<128x64xf32, #tpu.memory_space<vmem>>, %arg11: memref<64xf32, #tpu.memory_space<vmem>>, %arg12: memref<8x64xf32, #tpu.memory_space<vmem>>, %arg13: memref<!tpu.dma_semaphore, #tpu.memory_space<semaphore_mem>>) attributes {dimension_semantics = [#tpu.dimension_semantics<core_parallel>, #tpu.dimension_semantics<subcore_parallel>], iteration_bounds = array<i64: 2, 16>, scalar_prefetch = 0 : i64, scratch_operands = 7 : i64, tpu.core_type = #tpu.core_type<sc_vector_subcore>, window_params = [{transform_indices = #map}, {transform_indices = #map}, {transform_indices = #map}, {transform_indices = #map}, {transform_indices = #map}]} {
    %mul3A = arith.constant 2 : i32
    %mul3A_0 = arith.muli %arg1, %mul3A : i32
    %add3A = arith.addi %mul3A_0, %arg0 : i32
    %jit3A = arith.constant 16 : i32
    %div3A = arith.divsi %add3A, %jit3A : i32
    %sign3A = arith.constant 0 : i32
    %sign3A_1 = arith.cmpi sgt, %add3A, %sign3A : i32
    %sign3A_2 = arith.extui %sign3A_1 : i1 to i32
    %sign3A_3 = arith.constant 0 : i32
    %sign3A_4 = arith.cmpi slt, %add3A, %sign3A_3 : i32
    %sign3A_5 = arith.extui %sign3A_4 : i1 to i32
    %sign3A_6 = arith.subi %sign3A_2, %sign3A_5 : i32
    %sign3A_7 = arith.constant 0 : i32
    %sign3A_8 = arith.cmpi sgt, %jit3A, %sign3A_7 : i32
    %sign3A_9 = arith.extui %sign3A_8 : i1 to i32
    %sign3A_10 = arith.constant 0 : i32
    %sign3A_11 = arith.cmpi slt, %jit3A, %sign3A_10 : i32
    %sign3A_12 = arith.extui %sign3A_11 : i1 to i32
    %sign3A_13 = arith.subi %sign3A_9, %sign3A_12 : i32
    %ne3A = arith.cmpi ne, %sign3A_6, %sign3A_13 : i32
    %rem3A = arith.remsi %add3A, %jit3A : i32
    %ne3A_14 = arith.constant 0 : i32
    %ne3A_15 = arith.cmpi ne, %rem3A, %ne3A_14 : i32
    %and3A = arith.andi %ne3A, %ne3A_15 : i1
    %sub3A = arith.constant 1 : i32
    %sub3A_16 = arith.subi %div3A, %sub3A : i32
    %select_n3A = arith.select %and3A, %sub3A_16, %div3A : i32
    %jit3A_17 = arith.constant 16 : i32
    %eq3A = arith.constant 0 : i32
    %eq3A_18 = arith.cmpi eq, %jit3A_17, %eq3A : i32
    %jit3A_19 = arith.constant 1 : i32
    %select_n3A_20 = arith.select %eq3A_18, %jit3A_19, %jit3A_17 : i32
    %rem3A_21 = arith.remsi %add3A, %select_n3A_20 : i32
    %ne3A_22 = arith.constant 0 : i32
    %ne3A_23 = arith.cmpi ne, %rem3A_21, %ne3A_22 : i32
    %lt3A = arith.constant 0 : i32
    %lt3A_24 = arith.cmpi slt, %rem3A_21, %lt3A : i32
    %lt3A_25 = arith.constant 0 : i32
    %lt3A_26 = arith.cmpi slt, %select_n3A_20, %lt3A_25 : i32
    %ne3A_27 = arith.xori %lt3A_24, %lt3A_26 : i1
    %and3A_28 = arith.andi %ne3A_27, %ne3A_23 : i1
    %add3A_29 = arith.addi %rem3A_21, %select_n3A_20 : i32
    %select_n3A_30 = arith.select %and3A_28, %add3A_29, %rem3A_21 : i32
    %mul3A_31 = arith.constant 1000 : i32
    %mul3A_32 = arith.muli %add3A, %mul3A_31 : i32
    "tpu.region"() ({
      %run_scoped3A = tpu.sem_alloc : memref<!tpu.dma_semaphore, #tpu.memory_space<semaphore_mem>>
      %dma_start3A = arith.constant 0 : i32
      %dma_start3A_47 = tpu.memref_slice %arg2[%mul3A_32, %dma_start3A] : memref<32000x16xf32, #tpu.memory_space<hbm>> -> memref<1000x16xf32, #tpu.memory_space<hbm>>
      %dma_start3A_48 = arith.constant 0 : i32
      %dma_start3A_49 = tpu.memref_slice %arg2[%mul3A_32, %dma_start3A_48] : memref<32000x16xf32, #tpu.memory_space<hbm>> -> memref<1000x16xf32, #tpu.memory_space<hbm>>
      tpu.enqueue_dma source(%dma_start3A_49 : memref<1000x16xf32, #tpu.memory_space<hbm>>) target(%arg7 : memref<1000x16xf32, #tpu.memory_space<vmem>>) target_semaphore(%run_scoped3A : memref<!tpu.dma_semaphore, #tpu.memory_space<semaphore_mem>>)
      %dma_wait3A = arith.constant 0 : i32
      %dma_wait3A_50 = tpu.memref_slice %arg2[%mul3A_32, %dma_wait3A] : memref<32000x16xf32, #tpu.memory_space<hbm>> -> memref<1000x16xf32, #tpu.memory_space<hbm>>
      %dma_wait3A_51 = arith.constant 0 : i32
      %dma_wait3A_52 = tpu.memref_slice %arg2[%mul3A_32, %dma_wait3A_51] : memref<32000x16xf32, #tpu.memory_space<hbm>> -> memref<1000x16xf32, #tpu.memory_space<hbm>>
      tpu.wait_dma2 semaphore(%run_scoped3A : memref<!tpu.dma_semaphore, #tpu.memory_space<semaphore_mem>>) src(%dma_wait3A_52 : memref<1000x16xf32, #tpu.memory_space<hbm>>) dst(%arg7 : memref<1000x16xf32, #tpu.memory_space<vmem>>)
      tpu.yield
    }) : () -> ()
    "tpu.region"() ({
      %run_scoped3A = tpu.sem_alloc : memref<!tpu.dma_semaphore, #tpu.memory_space<semaphore_mem>>
      %dma_start3A = arith.constant 0 : i32
      %dma_start3A_47 = tpu.memref_slice %arg3[%mul3A_32, %dma_start3A] : memref<32000x16xi32, #tpu.memory_space<hbm>> -> memref<1000x16xi32, #tpu.memory_space<hbm>>
      %dma_start3A_48 = arith.constant 0 : i32
      %dma_start3A_49 = tpu.memref_slice %arg3[%mul3A_32, %dma_start3A_48] : memref<32000x16xi32, #tpu.memory_space<hbm>> -> memref<1000x16xi32, #tpu.memory_space<hbm>>
      tpu.enqueue_dma source(%dma_start3A_49 : memref<1000x16xi32, #tpu.memory_space<hbm>>) target(%arg8 : memref<1000x16xi32, #tpu.memory_space<vmem>>) target_semaphore(%run_scoped3A : memref<!tpu.dma_semaphore, #tpu.memory_space<semaphore_mem>>)
      %dma_wait3A = arith.constant 0 : i32
      %dma_wait3A_50 = tpu.memref_slice %arg3[%mul3A_32, %dma_wait3A] : memref<32000x16xi32, #tpu.memory_space<hbm>> -> memref<1000x16xi32, #tpu.memory_space<hbm>>
      %dma_wait3A_51 = arith.constant 0 : i32
      %dma_wait3A_52 = tpu.memref_slice %arg3[%mul3A_32, %dma_wait3A_51] : memref<32000x16xi32, #tpu.memory_space<hbm>> -> memref<1000x16xi32, #tpu.memory_space<hbm>>
      tpu.wait_dma2 semaphore(%run_scoped3A : memref<!tpu.dma_semaphore, #tpu.memory_space<semaphore_mem>>) src(%dma_wait3A_52 : memref<1000x16xi32, #tpu.memory_space<hbm>>) dst(%arg8 : memref<1000x16xi32, #tpu.memory_space<vmem>>)
      tpu.yield
    }) : () -> ()
    "tpu.region"() ({
      %run_scoped3A = tpu.sem_alloc : memref<!tpu.dma_semaphore, #tpu.memory_space<semaphore_mem>>
      %dma_start3A = arith.constant 0 : i32
      %dma_start3A_47 = tpu.memref_slice %arg5[%add3A, %dma_start3A] : memref<32x64xf32, #tpu.memory_space<hbm>> -> memref<1x64xf32, #tpu.memory_space<hbm>>
      %dma_start3A_48 = tpu.memref_squeeze %dma_start3A_47 : memref<1x64xf32, #tpu.memory_space<hbm>> -> memref<64xf32, #tpu.memory_space<hbm>>
      %dma_start3A_49 = arith.constant 0 : i32
      %dma_start3A_50 = tpu.memref_slice %arg5[%add3A, %dma_start3A_49] : memref<32x64xf32, #tpu.memory_space<hbm>> -> memref<1x64xf32, #tpu.memory_space<hbm>>
      %dma_start3A_51 = tpu.memref_squeeze %dma_start3A_50 : memref<1x64xf32, #tpu.memory_space<hbm>> -> memref<64xf32, #tpu.memory_space<hbm>>
      tpu.enqueue_dma source(%dma_start3A_51 : memref<64xf32, #tpu.memory_space<hbm>>) target(%arg11 : memref<64xf32, #tpu.memory_space<vmem>>) target_semaphore(%run_scoped3A : memref<!tpu.dma_semaphore, #tpu.memory_space<semaphore_mem>>)
      %dma_wait3A = arith.constant 0 : i32
      %dma_wait3A_52 = tpu.memref_slice %arg5[%add3A, %dma_wait3A] : memref<32x64xf32, #tpu.memory_space<hbm>> -> memref<1x64xf32, #tpu.memory_space<hbm>>
      %dma_wait3A_53 = tpu.memref_squeeze %dma_wait3A_52 : memref<1x64xf32, #tpu.memory_space<hbm>> -> memref<64xf32, #tpu.memory_space<hbm>>
      %dma_wait3A_54 = arith.constant 0 : i32
      %dma_wait3A_55 = tpu.memref_slice %arg5[%add3A, %dma_wait3A_54] : memref<32x64xf32, #tpu.memory_space<hbm>> -> memref<1x64xf32, #tpu.memory_space<hbm>>
      %dma_wait3A_56 = tpu.memref_squeeze %dma_wait3A_55 : memref<1x64xf32, #tpu.memory_space<hbm>> -> memref<64xf32, #tpu.memory_space<hbm>>
      tpu.wait_dma2 semaphore(%run_scoped3A : memref<!tpu.dma_semaphore, #tpu.memory_space<semaphore_mem>>) src(%dma_wait3A_56 : memref<64xf32, #tpu.memory_space<hbm>>) dst(%arg11 : memref<64xf32, #tpu.memory_space<vmem>>)
      tpu.yield
    }) : () -> ()
    %mul3A_33 = arith.constant 16000 : i32
    %mul3A_34 = arith.muli %select_n3A, %mul3A_33 : i32
    %add3A_35 = arith.addi %mul3A_34, %select_n3A_30 : i32
    %scan3A = arith.constant 0 : i32
    %scan3A_36 = arith.constant 0 : i32
    %scan3A_37 = arith.constant 1000 : i32
    %scan3A_38 = arith.addi %scan3A_36, %scan3A_37 : i32
    %scan3A_39 = arith.constant 1 : i32
    scf.for %scan3A_47 = %scan3A_36 to %scan3A_38 step %scan3A_39  : i32 {
      %get3A = arith.index_cast %scan3A_47 : i32 to index
      %get3A_48 = arith.constant 0 : index
      %get3A_49 = tpu.vector_load %arg8[%get3A, %get3A_48] {strides = array<i32>} : memref<1000x16xi32, #tpu.memory_space<vmem>>, vector<16xi32>,
      %mul3A_50 = arith.constant 16 : i32
      %mul3A_51 = vector.broadcast %mul3A_50 : i32 to vector<16xi32>
      %mul3A_52 = arith.muli %get3A_49, %mul3A_51 : vector<16xi32>
      %add3A_53 = vector.broadcast %add3A_35 : i32 to vector<16xi32>
      %add3A_54 = arith.addi %mul3A_52, %add3A_53 : vector<16xi32>
      %jit3A_55 = arith.constant 8 : i32
      %div3A_56 = arith.divsi %scan3A_47, %jit3A_55 : i32
      %sign3A_57 = arith.constant 0 : i32
      %sign3A_58 = arith.cmpi sgt, %scan3A_47, %sign3A_57 : i32
      %sign3A_59 = arith.extui %sign3A_58 : i1 to i32
      %sign3A_60 = arith.constant 0 : i32
      %sign3A_61 = arith.cmpi slt, %scan3A_47, %sign3A_60 : i32
      %sign3A_62 = arith.extui %sign3A_61 : i1 to i32
      %sign3A_63 = arith.subi %sign3A_59, %sign3A_62 : i32
      %sign3A_64 = arith.constant 0 : i32
      %sign3A_65 = arith.cmpi sgt, %jit3A_55, %sign3A_64 : i32
      %sign3A_66 = arith.extui %sign3A_65 : i1 to i32
      %sign3A_67 = arith.constant 0 : i32
      %sign3A_68 = arith.cmpi slt, %jit3A_55, %sign3A_67 : i32
      %sign3A_69 = arith.extui %sign3A_68 : i1 to i32
      %sign3A_70 = arith.subi %sign3A_66, %sign3A_69 : i32
      %ne3A_71 = arith.cmpi ne, %sign3A_63, %sign3A_70 : i32
      %rem3A_72 = arith.remsi %scan3A_47, %jit3A_55 : i32
      %ne3A_73 = arith.constant 0 : i32
      %ne3A_74 = arith.cmpi ne, %rem3A_72, %ne3A_73 : i32
      %and3A_75 = arith.andi %ne3A_71, %ne3A_74 : i1
      %sub3A_76 = arith.constant 1 : i32
      %sub3A_77 = arith.subi %div3A_56, %sub3A_76 : i32
      %select_n3A_78 = arith.select %and3A_75, %sub3A_77, %div3A_56 : i32
      %jit3A_79 = arith.constant 8 : i32
      %eq3A_80 = arith.constant 0 : i32
      %eq3A_81 = arith.cmpi eq, %jit3A_79, %eq3A_80 : i32
      %jit3A_82 = arith.constant 1 : i32
      %select_n3A_83 = arith.select %eq3A_81, %jit3A_82, %jit3A_79 : i32
      %rem3A_84 = arith.remsi %scan3A_47, %select_n3A_83 : i32
      %ne3A_85 = arith.constant 0 : i32
      %ne3A_86 = arith.cmpi ne, %rem3A_84, %ne3A_85 : i32
      %lt3A_87 = arith.constant 0 : i32
      %lt3A_88 = arith.cmpi slt, %rem3A_84, %lt3A_87 : i32
      %lt3A_89 = arith.constant 0 : i32
      %lt3A_90 = arith.cmpi slt, %select_n3A_83, %lt3A_89 : i32
      %ne3A_91 = arith.xori %lt3A_88, %lt3A_90 : i1
      %and3A_92 = arith.andi %ne3A_91, %ne3A_86 : i1
      %add3A_93 = arith.addi %rem3A_84, %select_n3A_83 : i32
      %select_n3A_94 = arith.select %and3A_92, %add3A_93, %rem3A_84 : i32
      %mul3A_95 = arith.constant 16 : i32
      %mul3A_96 = arith.muli %select_n3A_94, %mul3A_95 : i32
      %swap3A = arith.index_cast %select_n3A_78 : i32 to index
      %swap3A_97 = arith.index_cast %mul3A_96 : i32 to index
      %swap3A_98 = tpu.vector_load %arg9[%swap3A, %swap3A_97] {strides = array<i32>} : memref<125x128xi32, #tpu.memory_space<vmem>>, vector<16xi32>,
      tpu.vector_store %arg9[%swap3A, %swap3A_97], %add3A_54 {strides = array<i32>} : memref<125x128xi32, #tpu.memory_space<vmem>>, vector<16xi32>,
    }
    %scan3A_40 = arith.constant 1000 : i32
    %scan3A_41 = arith.constant 0 : i32
    %scan3A_42 = arith.constant 0 : i32
    %scan3A_43 = arith.constant 125 : i32
    %scan3A_44 = arith.addi %scan3A_42, %scan3A_43 : i32
    %scan3A_45 = arith.constant 1 : i32
    scf.for %scan3A_47 = %scan3A_42 to %scan3A_44 step %scan3A_45  : i32 {
      %dma_start3A = arith.constant 0 : i32
      %dma_start3A_48 = tpu.memref_slice %arg9[%scan3A_47, %dma_start3A] : memref<125x128xi32, #tpu.memory_space<vmem>> -> memref<1x128xi32, #tpu.memory_space<vmem>>
      %dma_start3A_49 = tpu.memref_squeeze %dma_start3A_48 : memref<1x128xi32, #tpu.memory_space<vmem>> -> memref<128xi32, #tpu.memory_space<vmem>>
      %dma_start3A_50 = arith.constant 0 : i32
      %dma_start3A_51 = arith.constant 0 : i32
      %dma_start3A_52 = tpu.memref_slice %arg4[%dma_start3A_50, %dma_start3A_51] : memref<32000x64xf32, #tpu.memory_space<hbm>> -> memref<32000x64xf32, #tpu.memory_space<hbm>>
      tpu.enqueue_indirect_dma source(%dma_start3A_52 : memref<32000x64xf32, #tpu.memory_space<hbm>>) target(%arg10 : memref<128x64xf32, #tpu.memory_space<vmem>>) offsets(%dma_start3A_49 : memref<128xi32, #tpu.memory_space<vmem>>) semaphore(%arg13 : memref<!tpu.dma_semaphore, #tpu.memory_space<semaphore_mem>>)
      %dma_wait3A = arith.constant 0 : i32
      %dma_wait3A_53 = tpu.memref_slice %arg9[%scan3A_47, %dma_wait3A] : memref<125x128xi32, #tpu.memory_space<vmem>> -> memref<1x128xi32, #tpu.memory_space<vmem>>
      %dma_wait3A_54 = tpu.memref_squeeze %dma_wait3A_53 : memref<1x128xi32, #tpu.memory_space<vmem>> -> memref<128xi32, #tpu.memory_space<vmem>>
      %dma_wait3A_55 = arith.constant 0 : i32
      %dma_wait3A_56 = arith.constant 0 : i32
      %dma_wait3A_57 = tpu.memref_slice %arg4[%dma_wait3A_55, %dma_wait3A_56] : memref<32000x64xf32, #tpu.memory_space<hbm>> -> memref<32000x64xf32, #tpu.memory_space<hbm>>
      tpu.wait_indirect_dma semaphore(%arg13 : memref<!tpu.dma_semaphore, #tpu.memory_space<semaphore_mem>>) src(%dma_wait3A_57 : memref<32000x64xf32, #tpu.memory_space<hbm>>) dst(%arg10 : memref<128x64xf32, #tpu.memory_space<vmem>>)
      %mul3A_58 = arith.constant 8 : i32
      %mul3A_59 = arith.muli %scan3A_47, %mul3A_58 : i32
      %add3A_60 = arith.constant 0 : i32
      %add3A_61 = arith.addi %mul3A_59, %add3A_60 : i32
      %broadcast_in_dim3A = vector.broadcast %add3A_61 : i32 to vector<16xi32>
      %get3A = arith.constant 0 : index
      %get3A_62 = tpu.vector_load %arg11[%get3A] {strides = array<i32>} : memref<64xf32, #tpu.memory_space<vmem>>, vector<16xf32>,
      %get3A_63 = arith.constant 16 : index
      %get3A_64 = tpu.vector_load %arg11[%get3A_63] {strides = array<i32>} : memref<64xf32, #tpu.memory_space<vmem>>, vector<16xf32>,
      %get3A_65 = arith.constant 32 : index
      %get3A_66 = tpu.vector_load %arg11[%get3A_65] {strides = array<i32>} : memref<64xf32, #tpu.memory_space<vmem>>, vector<16xf32>,
      %get3A_67 = arith.constant 48 : index
      %get3A_68 = tpu.vector_load %arg11[%get3A_67] {strides = array<i32>} : memref<64xf32, #tpu.memory_space<vmem>>, vector<16xf32>,
      %broadcast_in_dim3A_69 = arith.constant 0 : i32
      %broadcast_in_dim3A_70 = vector.broadcast %broadcast_in_dim3A_69 : i32 to vector<16xi32>
      %gather3A = tpu.vector_load_idx %arg7[%broadcast_in_dim3A, %broadcast_in_dim3A_70] : memref<1000x16xf32, #tpu.memory_space<vmem>>[vector<16xi32>, vector<16xi32>], vector<16xf32>,
      %get3A_71 = arith.constant 0 : i32
      %get3A_72 = arith.index_cast %get3A_71 : i32 to index
      %get3A_73 = arith.constant 0 : index
      %get3A_74 = tpu.vector_load %arg10[%get3A_72, %get3A_73] {strides = array<i32>} : memref<128x64xf32, #tpu.memory_space<vmem>>, vector<16xf32>,
      %mul3A_75 = arith.mulf %gather3A, %get3A_74 : vector<16xf32>
      %add3A_76 = arith.addf %get3A_62, %mul3A_75 : vector<16xf32>
      %get3A_77 = arith.constant 0 : i32
      %get3A_78 = arith.index_cast %get3A_77 : i32 to index
      %get3A_79 = arith.constant 16 : index
      %get3A_80 = tpu.vector_load %arg10[%get3A_78, %get3A_79] {strides = array<i32>} : memref<128x64xf32, #tpu.memory_space<vmem>>, vector<16xf32>,
      %mul3A_81 = arith.mulf %gather3A, %get3A_80 : vector<16xf32>
      %add3A_82 = arith.addf %get3A_64, %mul3A_81 : vector<16xf32>
      %get3A_83 = arith.constant 0 : i32
      %get3A_84 = arith.index_cast %get3A_83 : i32 to index
      %get3A_85 = arith.constant 32 : index
      %get3A_86 = tpu.vector_load %arg10[%get3A_84, %get3A_85] {strides = array<i32>} : memref<128x64xf32, #tpu.memory_space<vmem>>, vector<16xf32>,
      %mul3A_87 = arith.mulf %gather3A, %get3A_86 : vector<16xf32>
      %add3A_88 = arith.addf %get3A_66, %mul3A_87 : vector<16xf32>
      %get3A_89 = arith.constant 0 : i32
      %get3A_90 = arith.index_cast %get3A_89 : i32 to index
      %get3A_91 = arith.constant 48 : index
      %get3A_92 = tpu.vector_load %arg10[%get3A_90, %get3A_91] {strides = array<i32>} : memref<128x64xf32, #tpu.memory_space<vmem>>, vector<16xf32>,
      %mul3A_93 = arith.mulf %gather3A, %get3A_92 : vector<16xf32>
      %add3A_94 = arith.addf %get3A_68, %mul3A_93 : vector<16xf32>
      %broadcast_in_dim3A_95 = arith.constant 1 : i32
      %broadcast_in_dim3A_96 = vector.broadcast %broadcast_in_dim3A_95 : i32 to vector<16xi32>
      %gather3A_97 = tpu.vector_load_idx %arg7[%broadcast_in_dim3A, %broadcast_in_dim3A_96] : memref<1000x16xf32, #tpu.memory_space<vmem>>[vector<16xi32>, vector<16xi32>], vector<16xf32>,
      %get3A_98 = arith.constant 1 : i32
      %get3A_99 = arith.index_cast %get3A_98 : i32 to index
      %get3A_100 = arith.constant 0 : index
      %get3A_101 = tpu.vector_load %arg10[%get3A_99, %get3A_100] {strides = array<i32>} : memref<128x64xf32, #tpu.memory_space<vmem>>, vector<16xf32>,
      %mul3A_102 = arith.mulf %gather3A_97, %get3A_101 : vector<16xf32>
      %add3A_103 = arith.addf %add3A_76, %mul3A_102 : vector<16xf32>
      %get3A_104 = arith.constant 1 : i32
      %get3A_105 = arith.index_cast %get3A_104 : i32 to index
      %get3A_106 = arith.constant 16 : index
      %get3A_107 = tpu.vector_load %arg10[%get3A_105, %get3A_106] {strides = array<i32>} : memref<128x64xf32, #tpu.memory_space<vmem>>, vector<16xf32>,
      %mul3A_108 = arith.mulf %gather3A_97, %get3A_107 : vector<16xf32>
      %add3A_109 = arith.addf %add3A_82, %mul3A_108 : vector<16xf32>
      %get3A_110 = arith.constant 1 : i32
      %get3A_111 = arith.index_cast %get3A_110 : i32 to index
      %get3A_112 = arith.constant 32 : index
      %get3A_113 = tpu.vector_load %arg10[%get3A_111, %get3A_112] {strides = array<i32>} : memref<128x64xf32, #tpu.memory_space<vmem>>, vector<16xf32>,
      %mul3A_114 = arith.mulf %gather3A_97, %get3A_113 : vector<16xf32>
      %add3A_115 = arith.addf %add3A_88, %mul3A_114 : vector<16xf32>
      %get3A_116 = arith.constant 1 : i32
      %get3A_117 = arith.index_cast %get3A_116 : i32 to index
      %get3A_118 = arith.constant 48 : index
      %get3A_119 = tpu.vector_load %arg10[%get3A_117, %get3A_118] {strides = array<i32>} : memref<128x64xf32, #tpu.memory_space<vmem>>, vector<16xf32>,
      %mul3A_120 = arith.mulf %gather3A_97, %get3A_119 : vector<16xf32>
      %add3A_121 = arith.addf %add3A_94, %mul3A_120 : vector<16xf32>
      %broadcast_in_dim3A_122 = arith.constant 2 : i32
      %broadcast_in_dim3A_123 = vector.broadcast %broadcast_in_dim3A_122 : i32 to vector<16xi32>
      %gather3A_124 = tpu.vector_load_idx %arg7[%broadcast_in_dim3A, %broadcast_in_dim3A_123] : memref<1000x16xf32, #tpu.memory_space<vmem>>[vector<16xi32>, vector<16xi32>], vector<16xf32>,
      %get3A_125 = arith.constant 2 : i32
      %get3A_126 = arith.index_cast %get3A_125 : i32 to index
      %get3A_127 = arith.constant 0 : index
      %get3A_128 = tpu.vector_load %arg10[%get3A_126, %get3A_127] {strides = array<i32>} : memref<128x64xf32, #tpu.memory_space<vmem>>, vector<16xf32>,
      %mul3A_129 = arith.mulf %gather3A_124, %get3A_128 : vector<16xf32>
      %add3A_130 = arith.addf %add3A_103, %mul3A_129 : vector<16xf32>
      %get3A_131 = arith.constant 2 : i32
      %get3A_132 = arith.index_cast %get3A_131 : i32 to index
      %get3A_133 = arith.constant 16 : index
      %get3A_134 = tpu.vector_load %arg10[%get3A_132, %get3A_133] {strides = array<i32>} : memref<128x64xf32, #tpu.memory_space<vmem>>, vector<16xf32>,
      %mul3A_135 = arith.mulf %gather3A_124, %get3A_134 : vector<16xf32>
      %add3A_136 = arith.addf %add3A_109, %mul3A_135 : vector<16xf32>
      %get3A_137 = arith.constant 2 : i32
      %get3A_138 = arith.index_cast %get3A_137 : i32 to index
      %get3A_139 = arith.constant 32 : index
      %get3A_140 = tpu.vector_load %arg10[%get3A_138, %get3A_139] {strides = array<i32>} : memref<128x64xf32, #tpu.memory_space<vmem>>, vector<16xf32>,
      %mul3A_141 = arith.mulf %gather3A_124, %get3A_140 : vector<16xf32>
      %add3A_142 = arith.addf %add3A_115, %mul3A_141 : vector<16xf32>
      %get3A_143 = arith.constant 2 : i32
      %get3A_144 = arith.index_cast %get3A_143 : i32 to index
      %get3A_145 = arith.constant 48 : index
      %get3A_146 = tpu.vector_load %arg10[%get3A_144, %get3A_145] {strides = array<i32>} : memref<128x64xf32, #tpu.memory_space<vmem>>, vector<16xf32>,
      %mul3A_147 = arith.mulf %gather3A_124, %get3A_146 : vector<16xf32>
      %add3A_148 = arith.addf %add3A_121, %mul3A_147 : vector<16xf32>
      %broadcast_in_dim3A_149 = arith.constant 3 : i32
      %broadcast_in_dim3A_150 = vector.broadcast %broadcast_in_dim3A_149 : i32 to vector<16xi32>
      %gather3A_151 = tpu.vector_load_idx %arg7[%broadcast_in_dim3A, %broadcast_in_dim3A_150] : memref<1000x16xf32, #tpu.memory_space<vmem>>[vector<16xi32>, vector<16xi32>], vector<16xf32>,
      %get3A_152 = arith.constant 3 : i32
      %get3A_153 = arith.index_cast %get3A_152 : i32 to index
      %get3A_154 = arith.constant 0 : index
      %get3A_155 = tpu.vector_load %arg10[%get3A_153, %get3A_154] {strides = array<i32>} : memref<128x64xf32, #tpu.memory_space<vmem>>, vector<16xf32>,
      %mul3A_156 = arith.mulf %gather3A_151, %get3A_155 : vector<16xf32>
      %add3A_157 = arith.addf %add3A_130, %mul3A_156 : vector<16xf32>
      %get3A_158 = arith.constant 3 : i32
      %get3A_159 = arith.index_cast %get3A_158 : i32 to index
      %get3A_160 = arith.constant 16 : index
      %get3A_161 = tpu.vector_load %arg10[%get3A_159, %get3A_160] {strides = array<i32>} : memref<128x64xf32, #tpu.memory_space<vmem>>, vector<16xf32>,
      %mul3A_162 = arith.mulf %gather3A_151, %get3A_161 : vector<16xf32>
      %add3A_163 = arith.addf %add3A_136, %mul3A_162 : vector<16xf32>
      %get3A_164 = arith.constant 3 : i32
      %get3A_165 = arith.index_cast %get3A_164 : i32 to index
      %get3A_166 = arith.constant 32 : index
      %get3A_167 = tpu.vector_load %arg10[%get3A_165, %get3A_166] {strides = array<i32>} : memref<128x64xf32, #tpu.memory_space<vmem>>, vector<16xf32>,
      %mul3A_168 = arith.mulf %gather3A_151, %get3A_167 : vector<16xf32>
      %add3A_169 = arith.addf %add3A_142, %mul3A_168 : vector<16xf32>
      %get3A_170 = arith.constant 3 : i32
      %get3A_171 = arith.index_cast %get3A_170 : i32 to index
      %get3A_172 = arith.constant 48 : index
      %get3A_173 = tpu.vector_load %arg10[%get3A_171, %get3A_172] {strides = array<i32>} : memref<128x64xf32, #tpu.memory_space<vmem>>, vector<16xf32>,
      %mul3A_174 = arith.mulf %gather3A_151, %get3A_173 : vector<16xf32>
      %add3A_175 = arith.addf %add3A_148, %mul3A_174 : vector<16xf32>
      %broadcast_in_dim3A_176 = arith.constant 4 : i32
      %broadcast_in_dim3A_177 = vector.broadcast %broadcast_in_dim3A_176 : i32 to vector<16xi32>
      %gather3A_178 = tpu.vector_load_idx %arg7[%broadcast_in_dim3A, %broadcast_in_dim3A_177] : memref<1000x16xf32, #tpu.memory_space<vmem>>[vector<16xi32>, vector<16xi32>], vector<16xf32>,
      %get3A_179 = arith.constant 4 : i32
      %get3A_180 = arith.index_cast %get3A_179 : i32 to index
      %get3A_181 = arith.constant 0 : index
      %get3A_182 = tpu.vector_load %arg10[%get3A_180, %get3A_181] {strides = array<i32>} : memref<128x64xf32, #tpu.memory_space<vmem>>, vector<16xf32>,
      %mul3A_183 = arith.mulf %gather3A_178, %get3A_182 : vector<16xf32>
      %add3A_184 = arith.addf %add3A_157, %mul3A_183 : vector<16xf32>
      %get3A_185 = arith.constant 4 : i32
      %get3A_186 = arith.index_cast %get3A_185 : i32 to index
      %get3A_187 = arith.constant 16 : index
      %get3A_188 = tpu.vector_load %arg10[%get3A_186, %get3A_187] {strides = array<i32>} : memref<128x64xf32, #tpu.memory_space<vmem>>, vector<16xf32>,
      %mul3A_189 = arith.mulf %gather3A_178, %get3A_188 : vector<16xf32>
      %add3A_190 = arith.addf %add3A_163, %mul3A_189 : vector<16xf32>
      %get3A_191 = arith.constant 4 : i32
      %get3A_192 = arith.index_cast %get3A_191 : i32 to index
      %get3A_193 = arith.constant 32 : index
      %get3A_194 = tpu.vector_load %arg10[%get3A_192, %get3A_193] {strides = array<i32>} : memref<128x64xf32, #tpu.memory_space<vmem>>, vector<16xf32>,
      %mul3A_195 = arith.mulf %gather3A_178, %get3A_194 : vector<16xf32>
      %add3A_196 = arith.addf %add3A_169, %mul3A_195 : vector<16xf32>
      %get3A_197 = arith.constant 4 : i32
      %get3A_198 = arith.index_cast %get3A_197 : i32 to index
      %get3A_199 = arith.constant 48 : index
      %get3A_200 = tpu.vector_load %arg10[%get3A_198, %get3A_199] {strides = array<i32>} : memref<128x64xf32, #tpu.memory_space<vmem>>, vector<16xf32>,
      %mul3A_201 = arith.mulf %gather3A_178, %get3A_200 : vector<16xf32>
      %add3A_202 = arith.addf %add3A_175, %mul3A_201 : vector<16xf32>
      %broadcast_in_dim3A_203 = arith.constant 5 : i32
      %broadcast_in_dim3A_204 = vector.broadcast %broadcast_in_dim3A_203 : i32 to vector<16xi32>
      %gather3A_205 = tpu.vector_load_idx %arg7[%broadcast_in_dim3A, %broadcast_in_dim3A_204] : memref<1000x16xf32, #tpu.memory_space<vmem>>[vector<16xi32>, vector<16xi32>], vector<16xf32>,
      %get3A_206 = arith.constant 5 : i32
      %get3A_207 = arith.index_cast %get3A_206 : i32 to index
      %get3A_208 = arith.constant 0 : index
      %get3A_209 = tpu.vector_load %arg10[%get3A_207, %get3A_208] {strides = array<i32>} : memref<128x64xf32, #tpu.memory_space<vmem>>, vector<16xf32>,
      %mul3A_210 = arith.mulf %gather3A_205, %get3A_209 : vector<16xf32>
      %add3A_211 = arith.addf %add3A_184, %mul3A_210 : vector<16xf32>
      %get3A_212 = arith.constant 5 : i32
      %get3A_213 = arith.index_cast %get3A_212 : i32 to index
      %get3A_214 = arith.constant 16 : index
      %get3A_215 = tpu.vector_load %arg10[%get3A_213, %get3A_214] {strides = array<i32>} : memref<128x64xf32, #tpu.memory_space<vmem>>, vector<16xf32>,
      %mul3A_216 = arith.mulf %gather3A_205, %get3A_215 : vector<16xf32>
      %add3A_217 = arith.addf %add3A_190, %mul3A_216 : vector<16xf32>
      %get3A_218 = arith.constant 5 : i32
      %get3A_219 = arith.index_cast %get3A_218 : i32 to index
      %get3A_220 = arith.constant 32 : index
      %get3A_221 = tpu.vector_load %arg10[%get3A_219, %get3A_220] {strides = array<i32>} : memref<128x64xf32, #tpu.memory_space<vmem>>, vector<16xf32>,
      %mul3A_222 = arith.mulf %gather3A_205, %get3A_221 : vector<16xf32>
      %add3A_223 = arith.addf %add3A_196, %mul3A_222 : vector<16xf32>
      %get3A_224 = arith.constant 5 : i32
      %get3A_225 = arith.index_cast %get3A_224 : i32 to index
      %get3A_226 = arith.constant 48 : index
      %get3A_227 = tpu.vector_load %arg10[%get3A_225, %get3A_226] {strides = array<i32>} : memref<128x64xf32, #tpu.memory_space<vmem>>, vector<16xf32>,
      %mul3A_228 = arith.mulf %gather3A_205, %get3A_227 : vector<16xf32>
      %add3A_229 = arith.addf %add3A_202, %mul3A_228 : vector<16xf32>
      %broadcast_in_dim3A_230 = arith.constant 6 : i32
      %broadcast_in_dim3A_231 = vector.broadcast %broadcast_in_dim3A_230 : i32 to vector<16xi32>
      %gather3A_232 = tpu.vector_load_idx %arg7[%broadcast_in_dim3A, %broadcast_in_dim3A_231] : memref<1000x16xf32, #tpu.memory_space<vmem>>[vector<16xi32>, vector<16xi32>], vector<16xf32>,
      %get3A_233 = arith.constant 6 : i32
      %get3A_234 = arith.index_cast %get3A_233 : i32 to index
      %get3A_235 = arith.constant 0 : index
      %get3A_236 = tpu.vector_load %arg10[%get3A_234, %get3A_235] {strides = array<i32>} : memref<128x64xf32, #tpu.memory_space<vmem>>, vector<16xf32>,
      %mul3A_237 = arith.mulf %gather3A_232, %get3A_236 : vector<16xf32>
      %add3A_238 = arith.addf %add3A_211, %mul3A_237 : vector<16xf32>
      %get3A_239 = arith.constant 6 : i32
      %get3A_240 = arith.index_cast %get3A_239 : i32 to index
      %get3A_241 = arith.constant 16 : index
      %get3A_242 = tpu.vector_load %arg10[%get3A_240, %get3A_241] {strides = array<i32>} : memref<128x64xf32, #tpu.memory_space<vmem>>, vector<16xf32>,
      %mul3A_243 = arith.mulf %gather3A_232, %get3A_242 : vector<16xf32>
      %add3A_244 = arith.addf %add3A_217, %mul3A_243 : vector<16xf32>
      %get3A_245 = arith.constant 6 : i32
      %get3A_246 = arith.index_cast %get3A_245 : i32 to index
      %get3A_247 = arith.constant 32 : index
      %get3A_248 = tpu.vector_load %arg10[%get3A_246, %get3A_247] {strides = array<i32>} : memref<128x64xf32, #tpu.memory_space<vmem>>, vector<16xf32>,
      %mul3A_249 = arith.mulf %gather3A_232, %get3A_248 : vector<16xf32>
      %add3A_250 = arith.addf %add3A_223, %mul3A_249 : vector<16xf32>
      %get3A_251 = arith.constant 6 : i32
      %get3A_252 = arith.index_cast %get3A_251 : i32 to index
      %get3A_253 = arith.constant 48 : index
      %get3A_254 = tpu.vector_load %arg10[%get3A_252, %get3A_253] {strides = array<i32>} : memref<128x64xf32, #tpu.memory_space<vmem>>, vector<16xf32>,
      %mul3A_255 = arith.mulf %gather3A_232, %get3A_254 : vector<16xf32>
      %add3A_256 = arith.addf %add3A_229, %mul3A_255 : vector<16xf32>
      %broadcast_in_dim3A_257 = arith.constant 7 : i32
      %broadcast_in_dim3A_258 = vector.broadcast %broadcast_in_dim3A_257 : i32 to vector<16xi32>
      %gather3A_259 = tpu.vector_load_idx %arg7[%broadcast_in_dim3A, %broadcast_in_dim3A_258] : memref<1000x16xf32, #tpu.memory_space<vmem>>[vector<16xi32>, vector<16xi32>], vector<16xf32>,
      %get3A_260 = arith.constant 7 : i32
      %get3A_261 = arith.index_cast %get3A_260 : i32 to index
      %get3A_262 = arith.constant 0 : index
      %get3A_263 = tpu.vector_load %arg10[%get3A_261, %get3A_262] {strides = array<i32>} : memref<128x64xf32, #tpu.memory_space<vmem>>, vector<16xf32>,
      %mul3A_264 = arith.mulf %gather3A_259, %get3A_263 : vector<16xf32>
      %add3A_265 = arith.addf %add3A_238, %mul3A_264 : vector<16xf32>
      %get3A_266 = arith.constant 7 : i32
      %get3A_267 = arith.index_cast %get3A_266 : i32 to index
      %get3A_268 = arith.constant 16 : index
      %get3A_269 = tpu.vector_load %arg10[%get3A_267, %get3A_268] {strides = array<i32>} : memref<128x64xf32, #tpu.memory_space<vmem>>, vector<16xf32>,
      %mul3A_270 = arith.mulf %gather3A_259, %get3A_269 : vector<16xf32>
      %add3A_271 = arith.addf %add3A_244, %mul3A_270 : vector<16xf32>
      %get3A_272 = arith.constant 7 : i32
      %get3A_273 = arith.index_cast %get3A_272 : i32 to index
      %get3A_274 = arith.constant 32 : index
      %get3A_275 = tpu.vector_load %arg10[%get3A_273, %get3A_274] {strides = array<i32>} : memref<128x64xf32, #tpu.memory_space<vmem>>, vector<16xf32>,
      %mul3A_276 = arith.mulf %gather3A_259, %get3A_275 : vector<16xf32>
      %add3A_277 = arith.addf %add3A_250, %mul3A_276 : vector<16xf32>
      %get3A_278 = arith.constant 7 : i32
      %get3A_279 = arith.index_cast %get3A_278 : i32 to index
      %get3A_280 = arith.constant 48 : index
      %get3A_281 = tpu.vector_load %arg10[%get3A_279, %get3A_280] {strides = array<i32>} : memref<128x64xf32, #tpu.memory_space<vmem>>, vector<16xf32>,
      %mul3A_282 = arith.mulf %gather3A_259, %get3A_281 : vector<16xf32>
      %add3A_283 = arith.addf %add3A_256, %mul3A_282 : vector<16xf32>
      %broadcast_in_dim3A_284 = arith.constant 8 : i32
      %broadcast_in_dim3A_285 = vector.broadcast %broadcast_in_dim3A_284 : i32 to vector<16xi32>
      %gather3A_286 = tpu.vector_load_idx %arg7[%broadcast_in_dim3A, %broadcast_in_dim3A_285] : memref<1000x16xf32, #tpu.memory_space<vmem>>[vector<16xi32>, vector<16xi32>], vector<16xf32>,
      %get3A_287 = arith.constant 8 : i32
      %get3A_288 = arith.index_cast %get3A_287 : i32 to index
      %get3A_289 = arith.constant 0 : index
      %get3A_290 = tpu.vector_load %arg10[%get3A_288, %get3A_289] {strides = array<i32>} : memref<128x64xf32, #tpu.memory_space<vmem>>, vector<16xf32>,
      %mul3A_291 = arith.mulf %gather3A_286, %get3A_290 : vector<16xf32>
      %add3A_292 = arith.addf %add3A_265, %mul3A_291 : vector<16xf32>
      %get3A_293 = arith.constant 8 : i32
      %get3A_294 = arith.index_cast %get3A_293 : i32 to index
      %get3A_295 = arith.constant 16 : index
      %get3A_296 = tpu.vector_load %arg10[%get3A_294, %get3A_295] {strides = array<i32>} : memref<128x64xf32, #tpu.memory_space<vmem>>, vector<16xf32>,
      %mul3A_297 = arith.mulf %gather3A_286, %get3A_296 : vector<16xf32>
      %add3A_298 = arith.addf %add3A_271, %mul3A_297 : vector<16xf32>
      %get3A_299 = arith.constant 8 : i32
      %get3A_300 = arith.index_cast %get3A_299 : i32 to index
      %get3A_301 = arith.constant 32 : index
      %get3A_302 = tpu.vector_load %arg10[%get3A_300, %get3A_301] {strides = array<i32>} : memref<128x64xf32, #tpu.memory_space<vmem>>, vector<16xf32>,
      %mul3A_303 = arith.mulf %gather3A_286, %get3A_302 : vector<16xf32>
      %add3A_304 = arith.addf %add3A_277, %mul3A_303 : vector<16xf32>
      %get3A_305 = arith.constant 8 : i32
      %get3A_306 = arith.index_cast %get3A_305 : i32 to index
      %get3A_307 = arith.constant 48 : index
      %get3A_308 = tpu.vector_load %arg10[%get3A_306, %get3A_307] {strides = array<i32>} : memref<128x64xf32, #tpu.memory_space<vmem>>, vector<16xf32>,
      %mul3A_309 = arith.mulf %gather3A_286, %get3A_308 : vector<16xf32>
      %add3A_310 = arith.addf %add3A_283, %mul3A_309 : vector<16xf32>
      %broadcast_in_dim3A_311 = arith.constant 9 : i32
      %broadcast_in_dim3A_312 = vector.broadcast %broadcast_in_dim3A_311 : i32 to vector<16xi32>
      %gather3A_313 = tpu.vector_load_idx %arg7[%broadcast_in_dim3A, %broadcast_in_dim3A_312] : memref<1000x16xf32, #tpu.memory_space<vmem>>[vector<16xi32>, vector<16xi32>], vector<16xf32>,
      %get3A_314 = arith.constant 9 : i32
      %get3A_315 = arith.index_cast %get3A_314 : i32 to index
      %get3A_316 = arith.constant 0 : index
      %get3A_317 = tpu.vector_load %arg10[%get3A_315, %get3A_316] {strides = array<i32>} : memref<128x64xf32, #tpu.memory_space<vmem>>, vector<16xf32>,
      %mul3A_318 = arith.mulf %gather3A_313, %get3A_317 : vector<16xf32>
      %add3A_319 = arith.addf %add3A_292, %mul3A_318 : vector<16xf32>
      %get3A_320 = arith.constant 9 : i32
      %get3A_321 = arith.index_cast %get3A_320 : i32 to index
      %get3A_322 = arith.constant 16 : index
      %get3A_323 = tpu.vector_load %arg10[%get3A_321, %get3A_322] {strides = array<i32>} : memref<128x64xf32, #tpu.memory_space<vmem>>, vector<16xf32>,
      %mul3A_324 = arith.mulf %gather3A_313, %get3A_323 : vector<16xf32>
      %add3A_325 = arith.addf %add3A_298, %mul3A_324 : vector<16xf32>
      %get3A_326 = arith.constant 9 : i32
      %get3A_327 = arith.index_cast %get3A_326 : i32 to index
      %get3A_328 = arith.constant 32 : index
      %get3A_329 = tpu.vector_load %arg10[%get3A_327, %get3A_328] {strides = array<i32>} : memref<128x64xf32, #tpu.memory_space<vmem>>, vector<16xf32>,
      %mul3A_330 = arith.mulf %gather3A_313, %get3A_329 : vector<16xf32>
      %add3A_331 = arith.addf %add3A_304, %mul3A_330 : vector<16xf32>
      %get3A_332 = arith.constant 9 : i32
      %get3A_333 = arith.index_cast %get3A_332 : i32 to index
      %get3A_334 = arith.constant 48 : index
      %get3A_335 = tpu.vector_load %arg10[%get3A_333, %get3A_334] {strides = array<i32>} : memref<128x64xf32, #tpu.memory_space<vmem>>, vector<16xf32>,
      %mul3A_336 = arith.mulf %gather3A_313, %get3A_335 : vector<16xf32>
      %add3A_337 = arith.addf %add3A_310, %mul3A_336 : vector<16xf32>
      %swap3A = arith.constant 0 : i32
      %swap3A_338 = arith.index_cast %swap3A : i32 to index
      %swap3A_339 = arith.constant 0 : index
      %swap3A_340 = tpu.vector_load %arg12[%swap3A_338, %swap3A_339] {strides = array<i32>} : memref<8x64xf32, #tpu.memory_space<vmem>>, vector<16xf32>,
      tpu.vector_store %arg12[%swap3A_338, %swap3A_339], %add3A_319 {strides = array<i32>} : memref<8x64xf32, #tpu.memory_space<vmem>>, vector<16xf32>,
      %swap3A_341 = arith.constant 0 : i32
      %swap3A_342 = arith.index_cast %swap3A_341 : i32 to index
      %swap3A_343 = arith.constant 16 : index
      %swap3A_344 = tpu.vector_load %arg12[%swap3A_342, %swap3A_343] {strides = array<i32>} : memref<8x64xf32, #tpu.memory_space<vmem>>, vector<16xf32>,
      tpu.vector_store %arg12[%swap3A_342, %swap3A_343], %add3A_325 {strides = array<i32>} : memref<8x64xf32, #tpu.memory_space<vmem>>, vector<16xf32>,
      %swap3A_345 = arith.constant 0 : i32
      %swap3A_346 = arith.index_cast %swap3A_345 : i32 to index
      %swap3A_347 = arith.constant 32 : index
      %swap3A_348 = tpu.vector_load %arg12[%swap3A_346, %swap3A_347] {strides = array<i32>} : memref<8x64xf32, #tpu.memory_space<vmem>>, vector<16xf32>,
      tpu.vector_store %arg12[%swap3A_346, %swap3A_347], %add3A_331 {strides = array<i32>} : memref<8x64xf32, #tpu.memory_space<vmem>>, vector<16xf32>,
      %swap3A_349 = arith.constant 0 : i32
      %swap3A_350 = arith.index_cast %swap3A_349 : i32 to index
      %swap3A_351 = arith.constant 48 : index
      %swap3A_352 = tpu.vector_load %arg12[%swap3A_350, %swap3A_351] {strides = array<i32>} : memref<8x64xf32, #tpu.memory_space<vmem>>, vector<16xf32>,
      tpu.vector_store %arg12[%swap3A_350, %swap3A_351], %add3A_337 {strides = array<i32>} : memref<8x64xf32, #tpu.memory_space<vmem>>, vector<16xf32>,
      %mul3A_353 = arith.constant 8 : i32
      %mul3A_354 = arith.muli %scan3A_47, %mul3A_353 : i32
      %add3A_355 = arith.constant 1 : i32
      %add3A_356 = arith.addi %mul3A_354, %add3A_355 : i32
      %broadcast_in_dim3A_357 = vector.broadcast %add3A_356 : i32 to vector<16xi32>
      %get3A_358 = arith.constant 0 : index
      %get3A_359 = tpu.vector_load %arg11[%get3A_358] {strides = array<i32>} : memref<64xf32, #tpu.memory_space<vmem>>, vector<16xf32>,
      %get3A_360 = arith.constant 16 : index
      %get3A_361 = tpu.vector_load %arg11[%get3A_360] {strides = array<i32>} : memref<64xf32, #tpu.memory_space<vmem>>, vector<16xf32>,
      %get3A_362 = arith.constant 32 : index
      %get3A_363 = tpu.vector_load %arg11[%get3A_362] {strides = array<i32>} : memref<64xf32, #tpu.memory_space<vmem>>, vector<16xf32>,
      %get3A_364 = arith.constant 48 : index
      %get3A_365 = tpu.vector_load %arg11[%get3A_364] {strides = array<i32>} : memref<64xf32, #tpu.memory_space<vmem>>, vector<16xf32>,
      %broadcast_in_dim3A_366 = arith.constant 0 : i32
      %broadcast_in_dim3A_367 = vector.broadcast %broadcast_in_dim3A_366 : i32 to vector<16xi32>
      %gather3A_368 = tpu.vector_load_idx %arg7[%broadcast_in_dim3A_357, %broadcast_in_dim3A_367] : memref<1000x16xf32, #tpu.memory_space<vmem>>[vector<16xi32>, vector<16xi32>], vector<16xf32>,
      %get3A_369 = arith.constant 16 : i32
      %get3A_370 = arith.index_cast %get3A_369 : i32 to index
      %get3A_371 = arith.constant 0 : index
      %get3A_372 = tpu.vector_load %arg10[%get3A_370, %get3A_371] {strides = array<i32>} : memref<128x64xf32, #tpu.memory_space<vmem>>, vector<16xf32>,
      %mul3A_373 = arith.mulf %gather3A_368, %get3A_372 : vector<16xf32>
      %add3A_374 = arith.addf %get3A_359, %mul3A_373 : vector<16xf32>
      %get3A_375 = arith.constant 16 : i32
      %get3A_376 = arith.index_cast %get3A_375 : i32 to index
      %get3A_377 = arith.constant 16 : index
      %get3A_378 = tpu.vector_load %arg10[%get3A_376, %get3A_377] {strides = array<i32>} : memref<128x64xf32, #tpu.memory_space<vmem>>, vector<16xf32>,
      %mul3A_379 = arith.mulf %gather3A_368, %get3A_378 : vector<16xf32>
      %add3A_380 = arith.addf %get3A_361, %mul3A_379 : vector<16xf32>
      %get3A_381 = arith.constant 16 : i32
      %get3A_382 = arith.index_cast %get3A_381 : i32 to index
      %get3A_383 = arith.constant 32 : index
      %get3A_384 = tpu.vector_load %arg10[%get3A_382, %get3A_383] {strides = array<i32>} : memref<128x64xf32, #tpu.memory_space<vmem>>, vector<16xf32>,
      %mul3A_385 = arith.mulf %gather3A_368, %get3A_384 : vector<16xf32>
      %add3A_386 = arith.addf %get3A_363, %mul3A_385 : vector<16xf32>
      %get3A_387 = arith.constant 16 : i32
      %get3A_388 = arith.index_cast %get3A_387 : i32 to index
      %get3A_389 = arith.constant 48 : index
      %get3A_390 = tpu.vector_load %arg10[%get3A_388, %get3A_389] {strides = array<i32>} : memref<128x64xf32, #tpu.memory_space<vmem>>, vector<16xf32>,
      %mul3A_391 = arith.mulf %gather3A_368, %get3A_390 : vector<16xf32>
      %add3A_392 = arith.addf %get3A_365, %mul3A_391 : vector<16xf32>
      %broadcast_in_dim3A_393 = arith.constant 1 : i32
      %broadcast_in_dim3A_394 = vector.broadcast %broadcast_in_dim3A_393 : i32 to vector<16xi32>
      %gather3A_395 = tpu.vector_load_idx %arg7[%broadcast_in_dim3A_357, %broadcast_in_dim3A_394] : memref<1000x16xf32, #tpu.memory_space<vmem>>[vector<16xi32>, vector<16xi32>], vector<16xf32>,
      %get3A_396 = arith.constant 17 : i32
      %get3A_397 = arith.index_cast %get3A_396 : i32 to index
      %get3A_398 = arith.constant 0 : index
      %get3A_399 = tpu.vector_load %arg10[%get3A_397, %get3A_398] {strides = array<i32>} : memref<128x64xf32, #tpu.memory_space<vmem>>, vector<16xf32>,
      %mul3A_400 = arith.mulf %gather3A_395, %get3A_399 : vector<16xf32>
      %add3A_401 = arith.addf %add3A_374, %mul3A_400 : vector<16xf32>
      %get3A_402 = arith.constant 17 : i32
      %get3A_403 = arith.index_cast %get3A_402 : i32 to index
      %get3A_404 = arith.constant 16 : index
      %get3A_405 = tpu.vector_load %arg10[%get3A_403, %get3A_404] {strides = array<i32>} : memref<128x64xf32, #tpu.memory_space<vmem>>, vector<16xf32>,
      %mul3A_406 = arith.mulf %gather3A_395, %get3A_405 : vector<16xf32>
      %add3A_407 = arith.addf %add3A_380, %mul3A_406 : vector<16xf32>
      %get3A_408 = arith.constant 17 : i32
      %get3A_409 = arith.index_cast %get3A_408 : i32 to index
      %get3A_410 = arith.constant 32 : index
      %get3A_411 = tpu.vector_load %arg10[%get3A_409, %get3A_410] {strides = array<i32>} : memref<128x64xf32, #tpu.memory_space<vmem>>, vector<16xf32>,
      %mul3A_412 = arith.mulf %gather3A_395, %get3A_411 : vector<16xf32>
      %add3A_413 = arith.addf %add3A_386, %mul3A_412 : vector<16xf32>
      %get3A_414 = arith.constant 17 : i32
      %get3A_415 = arith.index_cast %get3A_414 : i32 to index
      %get3A_416 = arith.constant 48 : index
      %get3A_417 = tpu.vector_load %arg10[%get3A_415, %get3A_416] {strides = array<i32>} : memref<128x64xf32, #tpu.memory_space<vmem>>, vector<16xf32>,
      %mul3A_418 = arith.mulf %gather3A_395, %get3A_417 : vector<16xf32>
      %add3A_419 = arith.addf %add3A_392, %mul3A_418 : vector<16xf32>
      %broadcast_in_dim3A_420 = arith.constant 2 : i32
      %broadcast_in_dim3A_421 = vector.broadcast %broadcast_in_dim3A_420 : i32 to vector<16xi32>
      %gather3A_422 = tpu.vector_load_idx %arg7[%broadcast_in_dim3A_357, %broadcast_in_dim3A_421] : memref<1000x16xf32, #tpu.memory_space<vmem>>[vector<16xi32>, vector<16xi32>], vector<16xf32>,
      %get3A_423 = arith.constant 18 : i32
      %get3A_424 = arith.index_cast %get3A_423 : i32 to index
      %get3A_425 = arith.constant 0 : index
      %get3A_426 = tpu.vector_load %arg10[%get3A_424, %get3A_425] {strides = array<i32>} : memref<128x64xf32, #tpu.memory_space<vmem>>, vector<16xf32>,
      %mul3A_427 = arith.mulf %gather3A_422, %get3A_426 : vector<16xf32>
      %add3A_428 = arith.addf %add3A_401, %mul3A_427 : vector<16xf32>
      %get3A_429 = arith.constant 18 : i32
      %get3A_430 = arith.index_cast %get3A_429 : i32 to index
      %get3A_431 = arith.constant 16 : index
      %get3A_432 = tpu.vector_load %arg10[%get3A_430, %get3A_431] {strides = array<i32>} : memref<128x64xf32, #tpu.memory_space<vmem>>, vector<16xf32>,
      %mul3A_433 = arith.mulf %gather3A_422, %get3A_432 : vector<16xf32>
      %add3A_434 = arith.addf %add3A_407, %mul3A_433 : vector<16xf32>
      %get3A_435 = arith.constant 18 : i32
      %get3A_436 = arith.index_cast %get3A_435 : i32 to index
      %get3A_437 = arith.constant 32 : index
      %get3A_438 = tpu.vector_load %arg10[%get3A_436, %get3A_437] {strides = array<i32>} : memref<128x64xf32, #tpu.memory_space<vmem>>, vector<16xf32>,
      %mul3A_439 = arith.mulf %gather3A_422, %get3A_438 : vector<16xf32>
      %add3A_440 = arith.addf %add3A_413, %mul3A_439 : vector<16xf32>
      %get3A_441 = arith.constant 18 : i32
      %get3A_442 = arith.index_cast %get3A_441 : i32 to index
      %get3A_443 = arith.constant 48 : index
      %get3A_444 = tpu.vector_load %arg10[%get3A_442, %get3A_443] {strides = array<i32>} : memref<128x64xf32, #tpu.memory_space<vmem>>, vector<16xf32>,
      %mul3A_445 = arith.mulf %gather3A_422, %get3A_444 : vector<16xf32>
      %add3A_446 = arith.addf %add3A_419, %mul3A_445 : vector<16xf32>
      %broadcast_in_dim3A_447 = arith.constant 3 : i32
      %broadcast_in_dim3A_448 = vector.broadcast %broadcast_in_dim3A_447 : i32 to vector<16xi32>
      %gather3A_449 = tpu.vector_load_idx %arg7[%broadcast_in_dim3A_357, %broadcast_in_dim3A_448] : memref<1000x16xf32, #tpu.memory_space<vmem>>[vector<16xi32>, vector<16xi32>], vector<16xf32>,
      %get3A_450 = arith.constant 19 : i32
      %get3A_451 = arith.index_cast %get3A_450 : i32 to index
      %get3A_452 = arith.constant 0 : index
      %get3A_453 = tpu.vector_load %arg10[%get3A_451, %get3A_452] {strides = array<i32>} : memref<128x64xf32, #tpu.memory_space<vmem>>, vector<16xf32>,
      %mul3A_454 = arith.mulf %gather3A_449, %get3A_453 : vector<16xf32>
      %add3A_455 = arith.addf %add3A_428, %mul3A_454 : vector<16xf32>
      %get3A_456 = arith.constant 19 : i32
      %get3A_457 = arith.index_cast %get3A_456 : i32 to index
      %get3A_458 = arith.constant 16 : index
      %get3A_459 = tpu.vector_load %arg10[%get3A_457, %get3A_458] {strides = array<i32>} : memref<128x64xf32, #tpu.memory_space<vmem>>, vector<16xf32>,
      %mul3A_460 = arith.mulf %gather3A_449, %get3A_459 : vector<16xf32>
      %add3A_461 = arith.addf %add3A_434, %mul3A_460 : vector<16xf32>
      %get3A_462 = arith.constant 19 : i32
      %get3A_463 = arith.index_cast %get3A_462 : i32 to index
      %get3A_464 = arith.constant 32 : index
      %get3A_465 = tpu.vector_load %arg10[%get3A_463, %get3A_464] {strides = array<i32>} : memref<128x64xf32, #tpu.memory_space<vmem>>, vector<16xf32>,
      %mul3A_466 = arith.mulf %gather3A_449, %get3A_465 : vector<16xf32>
      %add3A_467 = arith.addf %add3A_440, %mul3A_466 : vector<16xf32>
      %get3A_468 = arith.constant 19 : i32
      %get3A_469 = arith.index_cast %get3A_468 : i32 to index
      %get3A_470 = arith.constant 48 : index
      %get3A_471 = tpu.vector_load %arg10[%get3A_469, %get3A_470] {strides = array<i32>} : memref<128x64xf32, #tpu.memory_space<vmem>>, vector<16xf32>,
      %mul3A_472 = arith.mulf %gather3A_449, %get3A_471 : vector<16xf32>
      %add3A_473 = arith.addf %add3A_446, %mul3A_472 : vector<16xf32>
      %broadcast_in_dim3A_474 = arith.constant 4 : i32
      %broadcast_in_dim3A_475 = vector.broadcast %broadcast_in_dim3A_474 : i32 to vector<16xi32>
      %gather3A_476 = tpu.vector_load_idx %arg7[%broadcast_in_dim3A_357, %broadcast_in_dim3A_475] : memref<1000x16xf32, #tpu.memory_space<vmem>>[vector<16xi32>, vector<16xi32>], vector<16xf32>,
      %get3A_477 = arith.constant 20 : i32
      %get3A_478 = arith.index_cast %get3A_477 : i32 to index
      %get3A_479 = arith.constant 0 : index
      %get3A_480 = tpu.vector_load %arg10[%get3A_478, %get3A_479] {strides = array<i32>} : memref<128x64xf32, #tpu.memory_space<vmem>>, vector<16xf32>,
      %mul3A_481 = arith.mulf %gather3A_476, %get3A_480 : vector<16xf32>
      %add3A_482 = arith.addf %add3A_455, %mul3A_481 : vector<16xf32>
      %get3A_483 = arith.constant 20 : i32
      %get3A_484 = arith.index_cast %get3A_483 : i32 to index
      %get3A_485 = arith.constant 16 : index
      %get3A_486 = tpu.vector_load %arg10[%get3A_484, %get3A_485] {strides = array<i32>} : memref<128x64xf32, #tpu.memory_space<vmem>>, vector<16xf32>,
      %mul3A_487 = arith.mulf %gather3A_476, %get3A_486 : vector<16xf32>
      %add3A_488 = arith.addf %add3A_461, %mul3A_487 : vector<16xf32>
      %get3A_489 = arith.constant 20 : i32
      %get3A_490 = arith.index_cast %get3A_489 : i32 to index
      %get3A_491 = arith.constant 32 : index
      %get3A_492 = tpu.vector_load %arg10[%get3A_490, %get3A_491] {strides = array<i32>} : memref<128x64xf32, #tpu.memory_space<vmem>>, vector<16xf32>,
      %mul3A_493 = arith.mulf %gather3A_476, %get3A_492 : vector<16xf32>
      %add3A_494 = arith.addf %add3A_467, %mul3A_493 : vector<16xf32>
      %get3A_495 = arith.constant 20 : i32
      %get3A_496 = arith.index_cast %get3A_495 : i32 to index
      %get3A_497 = arith.constant 48 : index
      %get3A_498 = tpu.vector_load %arg10[%get3A_496, %get3A_497] {strides = array<i32>} : memref<128x64xf32, #tpu.memory_space<vmem>>, vector<16xf32>,
      %mul3A_499 = arith.mulf %gather3A_476, %get3A_498 : vector<16xf32>
      %add3A_500 = arith.addf %add3A_473, %mul3A_499 : vector<16xf32>
      %broadcast_in_dim3A_501 = arith.constant 5 : i32
      %broadcast_in_dim3A_502 = vector.broadcast %broadcast_in_dim3A_501 : i32 to vector<16xi32>
      %gather3A_503 = tpu.vector_load_idx %arg7[%broadcast_in_dim3A_357, %broadcast_in_dim3A_502] : memref<1000x16xf32, #tpu.memory_space<vmem>>[vector<16xi32>, vector<16xi32>], vector<16xf32>,
      %get3A_504 = arith.constant 21 : i32
      %get3A_505 = arith.index_cast %get3A_504 : i32 to index
      %get3A_506 = arith.constant 0 : index
      %get3A_507 = tpu.vector_load %arg10[%get3A_505, %get3A_506] {strides = array<i32>} : memref<128x64xf32, #tpu.memory_space<vmem>>, vector<16xf32>,
      %mul3A_508 = arith.mulf %gather3A_503, %get3A_507 : vector<16xf32>
      %add3A_509 = arith.addf %add3A_482, %mul3A_508 : vector<16xf32>
      %get3A_510 = arith.constant 21 : i32
      %get3A_511 = arith.index_cast %get3A_510 : i32 to index
      %get3A_512 = arith.constant 16 : index
      %get3A_513 = tpu.vector_load %arg10[%get3A_511, %get3A_512] {strides = array<i32>} : memref<128x64xf32, #tpu.memory_space<vmem>>, vector<16xf32>,
      %mul3A_514 = arith.mulf %gather3A_503, %get3A_513 : vector<16xf32>
      %add3A_515 = arith.addf %add3A_488, %mul3A_514 : vector<16xf32>
      %get3A_516 = arith.constant 21 : i32
      %get3A_517 = arith.index_cast %get3A_516 : i32 to index
      %get3A_518 = arith.constant 32 : index
      %get3A_519 = tpu.vector_load %arg10[%get3A_517, %get3A_518] {strides = array<i32>} : memref<128x64xf32, #tpu.memory_space<vmem>>, vector<16xf32>,
      %mul3A_520 = arith.mulf %gather3A_503, %get3A_519 : vector<16xf32>
      %add3A_521 = arith.addf %add3A_494, %mul3A_520 : vector<16xf32>
      %get3A_522 = arith.constant 21 : i32
      %get3A_523 = arith.index_cast %get3A_522 : i32 to index
      %get3A_524 = arith.constant 48 : index
      %get3A_525 = tpu.vector_load %arg10[%get3A_523, %get3A_524] {strides = array<i32>} : memref<128x64xf32, #tpu.memory_space<vmem>>, vector<16xf32>,
      %mul3A_526 = arith.mulf %gather3A_503, %get3A_525 : vector<16xf32>
      %add3A_527 = arith.addf %add3A_500, %mul3A_526 : vector<16xf32>
      %broadcast_in_dim3A_528 = arith.constant 6 : i32
      %broadcast_in_dim3A_529 = vector.broadcast %broadcast_in_dim3A_528 : i32 to vector<16xi32>
      %gather3A_530 = tpu.vector_load_idx %arg7[%broadcast_in_dim3A_357, %broadcast_in_dim3A_529] : memref<1000x16xf32, #tpu.memory_space<vmem>>[vector<16xi32>, vector<16xi32>], vector<16xf32>,
      %get3A_531 = arith.constant 22 : i32
      %get3A_532 = arith.index_cast %get3A_531 : i32 to index
      %get3A_533 = arith.constant 0 : index
      %get3A_534 = tpu.vector_load %arg10[%get3A_532, %get3A_533] {strides = array<i32>} : memref<128x64xf32, #tpu.memory_space<vmem>>, vector<16xf32>,
      %mul3A_535 = arith.mulf %gather3A_530, %get3A_534 : vector<16xf32>
      %add3A_536 = arith.addf %add3A_509, %mul3A_535 : vector<16xf32>
      %get3A_537 = arith.constant 22 : i32
      %get3A_538 = arith.index_cast %get3A_537 : i32 to index
      %get3A_539 = arith.constant 16 : index
      %get3A_540 = tpu.vector_load %arg10[%get3A_538, %get3A_539] {strides = array<i32>} : memref<128x64xf32, #tpu.memory_space<vmem>>, vector<16xf32>,
      %mul3A_541 = arith.mulf %gather3A_530, %get3A_540 : vector<16xf32>
      %add3A_542 = arith.addf %add3A_515, %mul3A_541 : vector<16xf32>
      %get3A_543 = arith.constant 22 : i32
      %get3A_544 = arith.index_cast %get3A_543 : i32 to index
      %get3A_545 = arith.constant 32 : index
      %get3A_546 = tpu.vector_load %arg10[%get3A_544, %get3A_545] {strides = array<i32>} : memref<128x64xf32, #tpu.memory_space<vmem>>, vector<16xf32>,
      %mul3A_547 = arith.mulf %gather3A_530, %get3A_546 : vector<16xf32>
      %add3A_548 = arith.addf %add3A_521, %mul3A_547 : vector<16xf32>
      %get3A_549 = arith.constant 22 : i32
      %get3A_550 = arith.index_cast %get3A_549 : i32 to index
      %get3A_551 = arith.constant 48 : index
      %get3A_552 = tpu.vector_load %arg10[%get3A_550, %get3A_551] {strides = array<i32>} : memref<128x64xf32, #tpu.memory_space<vmem>>, vector<16xf32>,
      %mul3A_553 = arith.mulf %gather3A_530, %get3A_552 : vector<16xf32>
      %add3A_554 = arith.addf %add3A_527, %mul3A_553 : vector<16xf32>
      %broadcast_in_dim3A_555 = arith.constant 7 : i32
      %broadcast_in_dim3A_556 = vector.broadcast %broadcast_in_dim3A_555 : i32 to vector<16xi32>
      %gather3A_557 = tpu.vector_load_idx %arg7[%broadcast_in_dim3A_357, %broadcast_in_dim3A_556] : memref<1000x16xf32, #tpu.memory_space<vmem>>[vector<16xi32>, vector<16xi32>], vector<16xf32>,
      %get3A_558 = arith.constant 23 : i32
      %get3A_559 = arith.index_cast %get3A_558 : i32 to index
      %get3A_560 = arith.constant 0 : index
      %get3A_561 = tpu.vector_load %arg10[%get3A_559, %get3A_560] {strides = array<i32>} : memref<128x64xf32, #tpu.memory_space<vmem>>, vector<16xf32>,
      %mul3A_562 = arith.mulf %gather3A_557, %get3A_561 : vector<16xf32>
      %add3A_563 = arith.addf %add3A_536, %mul3A_562 : vector<16xf32>
      %get3A_564 = arith.constant 23 : i32
      %get3A_565 = arith.index_cast %get3A_564 : i32 to index
      %get3A_566 = arith.constant 16 : index
      %get3A_567 = tpu.vector_load %arg10[%get3A_565, %get3A_566] {strides = array<i32>} : memref<128x64xf32, #tpu.memory_space<vmem>>, vector<16xf32>,
      %mul3A_568 = arith.mulf %gather3A_557, %get3A_567 : vector<16xf32>
      %add3A_569 = arith.addf %add3A_542, %mul3A_568 : vector<16xf32>
      %get3A_570 = arith.constant 23 : i32
      %get3A_571 = arith.index_cast %get3A_570 : i32 to index
      %get3A_572 = arith.constant 32 : index
      %get3A_573 = tpu.vector_load %arg10[%get3A_571, %get3A_572] {strides = array<i32>} : memref<128x64xf32, #tpu.memory_space<vmem>>, vector<16xf32>,
      %mul3A_574 = arith.mulf %gather3A_557, %get3A_573 : vector<16xf32>
      %add3A_575 = arith.addf %add3A_548, %mul3A_574 : vector<16xf32>
      %get3A_576 = arith.constant 23 : i32
      %get3A_577 = arith.index_cast %get3A_576 : i32 to index
      %get3A_578 = arith.constant 48 : index
      %get3A_579 = tpu.vector_load %arg10[%get3A_577, %get3A_578] {strides = array<i32>} : memref<128x64xf32, #tpu.memory_space<vmem>>, vector<16xf32>,
      %mul3A_580 = arith.mulf %gather3A_557, %get3A_579 : vector<16xf32>
      %add3A_581 = arith.addf %add3A_554, %mul3A_580 : vector<16xf32>
      %broadcast_in_dim3A_582 = arith.constant 8 : i32
      %broadcast_in_dim3A_583 = vector.broadcast %broadcast_in_dim3A_582 : i32 to vector<16xi32>
      %gather3A_584 = tpu.vector_load_idx %arg7[%broadcast_in_dim3A_357, %broadcast_in_dim3A_583] : memref<1000x16xf32, #tpu.memory_space<vmem>>[vector<16xi32>, vector<16xi32>], vector<16xf32>,
      %get3A_585 = arith.constant 24 : i32
      %get3A_586 = arith.index_cast %get3A_585 : i32 to index
      %get3A_587 = arith.constant 0 : index
      %get3A_588 = tpu.vector_load %arg10[%get3A_586, %get3A_587] {strides = array<i32>} : memref<128x64xf32, #tpu.memory_space<vmem>>, vector<16xf32>,
      %mul3A_589 = arith.mulf %gather3A_584, %get3A_588 : vector<16xf32>
      %add3A_590 = arith.addf %add3A_563, %mul3A_589 : vector<16xf32>
      %get3A_591 = arith.constant 24 : i32
      %get3A_592 = arith.index_cast %get3A_591 : i32 to index
      %get3A_593 = arith.constant 16 : index
      %get3A_594 = tpu.vector_load %arg10[%get3A_592, %get3A_593] {strides = array<i32>} : memref<128x64xf32, #tpu.memory_space<vmem>>, vector<16xf32>,
      %mul3A_595 = arith.mulf %gather3A_584, %get3A_594 : vector<16xf32>
      %add3A_596 = arith.addf %add3A_569, %mul3A_595 : vector<16xf32>
      %get3A_597 = arith.constant 24 : i32
      %get3A_598 = arith.index_cast %get3A_597 : i32 to index
      %get3A_599 = arith.constant 32 : index
      %get3A_600 = tpu.vector_load %arg10[%get3A_598, %get3A_599] {strides = array<i32>} : memref<128x64xf32, #tpu.memory_space<vmem>>, vector<16xf32>,
      %mul3A_601 = arith.mulf %gather3A_584, %get3A_600 : vector<16xf32>
      %add3A_602 = arith.addf %add3A_575, %mul3A_601 : vector<16xf32>
      %get3A_603 = arith.constant 24 : i32
      %get3A_604 = arith.index_cast %get3A_603 : i32 to index
      %get3A_605 = arith.constant 48 : index
      %get3A_606 = tpu.vector_load %arg10[%get3A_604, %get3A_605] {strides = array<i32>} : memref<128x64xf32, #tpu.memory_space<vmem>>, vector<16xf32>,
      %mul3A_607 = arith.mulf %gather3A_584, %get3A_606 : vector<16xf32>
      %add3A_608 = arith.addf %add3A_581, %mul3A_607 : vector<16xf32>
      %broadcast_in_dim3A_609 = arith.constant 9 : i32
      %broadcast_in_dim3A_610 = vector.broadcast %broadcast_in_dim3A_609 : i32 to vector<16xi32>
      %gather3A_611 = tpu.vector_load_idx %arg7[%broadcast_in_dim3A_357, %broadcast_in_dim3A_610] : memref<1000x16xf32, #tpu.memory_space<vmem>>[vector<16xi32>, vector<16xi32>], vector<16xf32>,
      %get3A_612 = arith.constant 25 : i32
      %get3A_613 = arith.index_cast %get3A_612 : i32 to index
      %get3A_614 = arith.constant 0 : index
      %get3A_615 = tpu.vector_load %arg10[%get3A_613, %get3A_614] {strides = array<i32>} : memref<128x64xf32, #tpu.memory_space<vmem>>, vector<16xf32>,
      %mul3A_616 = arith.mulf %gather3A_611, %get3A_615 : vector<16xf32>
      %add3A_617 = arith.addf %add3A_590, %mul3A_616 : vector<16xf32>
      %get3A_618 = arith.constant 25 : i32
      %get3A_619 = arith.index_cast %get3A_618 : i32 to index
      %get3A_620 = arith.constant 16 : index
      %get3A_621 = tpu.vector_load %arg10[%get3A_619, %get3A_620] {strides = array<i32>} : memref<128x64xf32, #tpu.memory_space<vmem>>, vector<16xf32>,
      %mul3A_622 = arith.mulf %gather3A_611, %get3A_621 : vector<16xf32>
      %add3A_623 = arith.addf %add3A_596, %mul3A_622 : vector<16xf32>
      %get3A_624 = arith.constant 25 : i32
      %get3A_625 = arith.index_cast %get3A_624 : i32 to index
      %get3A_626 = arith.constant 32 : index
      %get3A_627 = tpu.vector_load %arg10[%get3A_625, %get3A_626] {strides = array<i32>} : memref<128x64xf32, #tpu.memory_space<vmem>>, vector<16xf32>,
      %mul3A_628 = arith.mulf %gather3A_611, %get3A_627 : vector<16xf32>
      %add3A_629 = arith.addf %add3A_602, %mul3A_628 : vector<16xf32>
      %get3A_630 = arith.constant 25 : i32
      %get3A_631 = arith.index_cast %get3A_630 : i32 to index
      %get3A_632 = arith.constant 48 : index
      %get3A_633 = tpu.vector_load %arg10[%get3A_631, %get3A_632] {strides = array<i32>} : memref<128x64xf32, #tpu.memory_space<vmem>>, vector<16xf32>,
      %mul3A_634 = arith.mulf %gather3A_611, %get3A_633 : vector<16xf32>
      %add3A_635 = arith.addf %add3A_608, %mul3A_634 : vector<16xf32>
      %swap3A_636 = arith.constant 1 : i32
      %swap3A_637 = arith.index_cast %swap3A_636 : i32 to index
      %swap3A_638 = arith.constant 0 : index
      %swap3A_639 = tpu.vector_load %arg12[%swap3A_637, %swap3A_638] {strides = array<i32>} : memref<8x64xf32, #tpu.memory_space<vmem>>, vector<16xf32>,
      tpu.vector_store %arg12[%swap3A_637, %swap3A_638], %add3A_617 {strides = array<i32>} : memref<8x64xf32, #tpu.memory_space<vmem>>, vector<16xf32>,
      %swap3A_640 = arith.constant 1 : i32
      %swap3A_641 = arith.index_cast %swap3A_640 : i32 to index
      %swap3A_642 = arith.constant 16 : index
      %swap3A_643 = tpu.vector_load %arg12[%swap3A_641, %swap3A_642] {strides = array<i32>} : memref<8x64xf32, #tpu.memory_space<vmem>>, vector<16xf32>,
      tpu.vector_store %arg12[%swap3A_641, %swap3A_642], %add3A_623 {strides = array<i32>} : memref<8x64xf32, #tpu.memory_space<vmem>>, vector<16xf32>,
      %swap3A_644 = arith.constant 1 : i32
      %swap3A_645 = arith.index_cast %swap3A_644 : i32 to index
      %swap3A_646 = arith.constant 32 : index
      %swap3A_647 = tpu.vector_load %arg12[%swap3A_645, %swap3A_646] {strides = array<i32>} : memref<8x64xf32, #tpu.memory_space<vmem>>, vector<16xf32>,
      tpu.vector_store %arg12[%swap3A_645, %swap3A_646], %add3A_629 {strides = array<i32>} : memref<8x64xf32, #tpu.memory_space<vmem>>, vector<16xf32>,
      %swap3A_648 = arith.constant 1 : i32
      %swap3A_649 = arith.index_cast %swap3A_648 : i32 to index
      %swap3A_650 = arith.constant 48 : index
      %swap3A_651 = tpu.vector_load %arg12[%swap3A_649, %swap3A_650] {strides = array<i32>} : memref<8x64xf32, #tpu.memory_space<vmem>>, vector<16xf32>,
      tpu.vector_store %arg12[%swap3A_649, %swap3A_650], %add3A_635 {strides = array<i32>} : memref<8x64xf32, #tpu.memory_space<vmem>>, vector<16xf32>,
      %mul3A_652 = arith.constant 8 : i32
      %mul3A_653 = arith.muli %scan3A_47, %mul3A_652 : i32
      %add3A_654 = arith.constant 2 : i32
      %add3A_655 = arith.addi %mul3A_653, %add3A_654 : i32
      %broadcast_in_dim3A_656 = vector.broadcast %add3A_655 : i32 to vector<16xi32>
      %get3A_657 = arith.constant 0 : index
      %get3A_658 = tpu.vector_load %arg11[%get3A_657] {strides = array<i32>} : memref<64xf32, #tpu.memory_space<vmem>>, vector<16xf32>,
      %get3A_659 = arith.constant 16 : index
      %get3A_660 = tpu.vector_load %arg11[%get3A_659] {strides = array<i32>} : memref<64xf32, #tpu.memory_space<vmem>>, vector<16xf32>,
      %get3A_661 = arith.constant 32 : index
      %get3A_662 = tpu.vector_load %arg11[%get3A_661] {strides = array<i32>} : memref<64xf32, #tpu.memory_space<vmem>>, vector<16xf32>,
      %get3A_663 = arith.constant 48 : index
      %get3A_664 = tpu.vector_load %arg11[%get3A_663] {strides = array<i32>} : memref<64xf32, #tpu.memory_space<vmem>>, vector<16xf32>,
      %broadcast_in_dim3A_665 = arith.constant 0 : i32
      %broadcast_in_dim3A_666 = vector.broadcast %broadcast_in_dim3A_665 : i32 to vector<16xi32>
      %gather3A_667 = tpu.vector_load_idx %arg7[%broadcast_in_dim3A_656, %broadcast_in_dim3A_666] : memref<1000x16xf32, #tpu.memory_space<vmem>>[vector<16xi32>, vector<16xi32>], vector<16xf32>,
      %get3A_668 = arith.constant 32 : i32
      %get3A_669 = arith.index_cast %get3A_668 : i32 to index
      %get3A_670 = arith.constant 0 : index
      %get3A_671 = tpu.vector_load %arg10[%get3A_669, %get3A_670] {strides = array<i32>} : memref<128x64xf32, #tpu.memory_space<vmem>>, vector<16xf32>,
      %mul3A_672 = arith.mulf %gather3A_667, %get3A_671 : vector<16xf32>
      %add3A_673 = arith.addf %get3A_658, %mul3A_672 : vector<16xf32>
      %get3A_674 = arith.constant 32 : i32
      %get3A_675 = arith.index_cast %get3A_674 : i32 to index
      %get3A_676 = arith.constant 16 : index
      %get3A_677 = tpu.vector_load %arg10[%get3A_675, %get3A_676] {strides = array<i32>} : memref<128x64xf32, #tpu.memory_space<vmem>>, vector<16xf32>,
      %mul3A_678 = arith.mulf %gather3A_667, %get3A_677 : vector<16xf32>
      %add3A_679 = arith.addf %get3A_660, %mul3A_678 : vector<16xf32>
      %get3A_680 = arith.constant 32 : i32
      %get3A_681 = arith.index_cast %get3A_680 : i32 to index
      %get3A_682 = arith.constant 32 : index
      %get3A_683 = tpu.vector_load %arg10[%get3A_681, %get3A_682] {strides = array<i32>} : memref<128x64xf32, #tpu.memory_space<vmem>>, vector<16xf32>,
      %mul3A_684 = arith.mulf %gather3A_667, %get3A_683 : vector<16xf32>
      %add3A_685 = arith.addf %get3A_662, %mul3A_684 : vector<16xf32>
      %get3A_686 = arith.constant 32 : i32
      %get3A_687 = arith.index_cast %get3A_686 : i32 to index
      %get3A_688 = arith.constant 48 : index
      %get3A_689 = tpu.vector_load %arg10[%get3A_687, %get3A_688] {strides = array<i32>} : memref<128x64xf32, #tpu.memory_space<vmem>>, vector<16xf32>,
      %mul3A_690 = arith.mulf %gather3A_667, %get3A_689 : vector<16xf32>
      %add3A_691 = arith.addf %get3A_664, %mul3A_690 : vector<16xf32>
      %broadcast_in_dim3A_692 = arith.constant 1 : i32
      %broadcast_in_dim3A_693 = vector.broadcast %broadcast_in_dim3A_692 : i32 to vector<16xi32>
      %gather3A_694 = tpu.vector_load_idx %arg7[%broadcast_in_dim3A_656, %broadcast_in_dim3A_693] : memref<1000x16xf32, #tpu.memory_space<vmem>>[vector<16xi32>, vector<16xi32>], vector<16xf32>,
      %get3A_695 = arith.constant 33 : i32
      %get3A_696 = arith.index_cast %get3A_695 : i32 to index
      %get3A_697 = arith.constant 0 : index
      %get3A_698 = tpu.vector_load %arg10[%get3A_696, %get3A_697] {strides = array<i32>} : memref<128x64xf32, #tpu.memory_space<vmem>>, vector<16xf32>,
      %mul3A_699 = arith.mulf %gather3A_694, %get3A_698 : vector<16xf32>
      %add3A_700 = arith.addf %add3A_673, %mul3A_699 : vector<16xf32>
      %get3A_701 = arith.constant 33 : i32
      %get3A_702 = arith.index_cast %get3A_701 : i32 to index
      %get3A_703 = arith.constant 16 : index
      %get3A_704 = tpu.vector_load %arg10[%get3A_702, %get3A_703] {strides = array<i32>} : memref<128x64xf32, #tpu.memory_space<vmem>>, vector<16xf32>,
      %mul3A_705 = arith.mulf %gather3A_694, %get3A_704 : vector<16xf32>
      %add3A_706 = arith.addf %add3A_679, %mul3A_705 : vector<16xf32>
      %get3A_707 = arith.constant 33 : i32
      %get3A_708 = arith.index_cast %get3A_707 : i32 to index
      %get3A_709 = arith.constant 32 : index
      %get3A_710 = tpu.vector_load %arg10[%get3A_708, %get3A_709] {strides = array<i32>} : memref<128x64xf32, #tpu.memory_space<vmem>>, vector<16xf32>,
      %mul3A_711 = arith.mulf %gather3A_694, %get3A_710 : vector<16xf32>
      %add3A_712 = arith.addf %add3A_685, %mul3A_711 : vector<16xf32>
      %get3A_713 = arith.constant 33 : i32
      %get3A_714 = arith.index_cast %get3A_713 : i32 to index
      %get3A_715 = arith.constant 48 : index
      %get3A_716 = tpu.vector_load %arg10[%get3A_714, %get3A_715] {strides = array<i32>} : memref<128x64xf32, #tpu.memory_space<vmem>>, vector<16xf32>,
      %mul3A_717 = arith.mulf %gather3A_694, %get3A_716 : vector<16xf32>
      %add3A_718 = arith.addf %add3A_691, %mul3A_717 : vector<16xf32>
      %broadcast_in_dim3A_719 = arith.constant 2 : i32
      %broadcast_in_dim3A_720 = vector.broadcast %broadcast_in_dim3A_719 : i32 to vector<16xi32>
      %gather3A_721 = tpu.vector_load_idx %arg7[%broadcast_in_dim3A_656, %broadcast_in_dim3A_720] : memref<1000x16xf32, #tpu.memory_space<vmem>>[vector<16xi32>, vector<16xi32>], vector<16xf32>,
      %get3A_722 = arith.constant 34 : i32
      %get3A_723 = arith.index_cast %get3A_722 : i32 to index
      %get3A_724 = arith.constant 0 : index
      %get3A_725 = tpu.vector_load %arg10[%get3A_723, %get3A_724] {strides = array<i32>} : memref<128x64xf32, #tpu.memory_space<vmem>>, vector<16xf32>,
      %mul3A_726 = arith.mulf %gather3A_721, %get3A_725 : vector<16xf32>
      %add3A_727 = arith.addf %add3A_700, %mul3A_726 : vector<16xf32>
      %get3A_728 = arith.constant 34 : i32
      %get3A_729 = arith.index_cast %get3A_728 : i32 to index
      %get3A_730 = arith.constant 16 : index
      %get3A_731 = tpu.vector_load %arg10[%get3A_729, %get3A_730] {strides = array<i32>} : memref<128x64xf32, #tpu.memory_space<vmem>>, vector<16xf32>,
      %mul3A_732 = arith.mulf %gather3A_721, %get3A_731 : vector<16xf32>
      %add3A_733 = arith.addf %add3A_706, %mul3A_732 : vector<16xf32>
      %get3A_734 = arith.constant 34 : i32
      %get3A_735 = arith.index_cast %get3A_734 : i32 to index
      %get3A_736 = arith.constant 32 : index
      %get3A_737 = tpu.vector_load %arg10[%get3A_735, %get3A_736] {strides = array<i32>} : memref<128x64xf32, #tpu.memory_space<vmem>>, vector<16xf32>,
      %mul3A_738 = arith.mulf %gather3A_721, %get3A_737 : vector<16xf32>
      %add3A_739 = arith.addf %add3A_712, %mul3A_738 : vector<16xf32>
      %get3A_740 = arith.constant 34 : i32
      %get3A_741 = arith.index_cast %get3A_740 : i32 to index
      %get3A_742 = arith.constant 48 : index
      %get3A_743 = tpu.vector_load %arg10[%get3A_741, %get3A_742] {strides = array<i32>} : memref<128x64xf32, #tpu.memory_space<vmem>>, vector<16xf32>,
      %mul3A_744 = arith.mulf %gather3A_721, %get3A_743 : vector<16xf32>
      %add3A_745 = arith.addf %add3A_718, %mul3A_744 : vector<16xf32>
      %broadcast_in_dim3A_746 = arith.constant 3 : i32
      %broadcast_in_dim3A_747 = vector.broadcast %broadcast_in_dim3A_746 : i32 to vector<16xi32>
      %gather3A_748 = tpu.vector_load_idx %arg7[%broadcast_in_dim3A_656, %broadcast_in_dim3A_747] : memref<1000x16xf32, #tpu.memory_space<vmem>>[vector<16xi32>, vector<16xi32>], vector<16xf32>,
      %get3A_749 = arith.constant 35 : i32
      %get3A_750 = arith.index_cast %get3A_749 : i32 to index
      %get3A_751 = arith.constant 0 : index
      %get3A_752 = tpu.vector_load %arg10[%get3A_750, %get3A_751] {strides = array<i32>} : memref<128x64xf32, #tpu.memory_space<vmem>>, vector<16xf32>,
      %mul3A_753 = arith.mulf %gather3A_748, %get3A_752 : vector<16xf32>
      %add3A_754 = arith.addf %add3A_727, %mul3A_753 : vector<16xf32>
      %get3A_755 = arith.constant 35 : i32
      %get3A_756 = arith.index_cast %get3A_755 : i32 to index
      %get3A_757 = arith.constant 16 : index
      %get3A_758 = tpu.vector_load %arg10[%get3A_756, %get3A_757] {strides = array<i32>} : memref<128x64xf32, #tpu.memory_space<vmem>>, vector<16xf32>,
      %mul3A_759 = arith.mulf %gather3A_748, %get3A_758 : vector<16xf32>
      %add3A_760 = arith.addf %add3A_733, %mul3A_759 : vector<16xf32>
      %get3A_761 = arith.constant 35 : i32
      %get3A_762 = arith.index_cast %get3A_761 : i32 to index
      %get3A_763 = arith.constant 32 : index
      %get3A_764 = tpu.vector_load %arg10[%get3A_762, %get3A_763] {strides = array<i32>} : memref<128x64xf32, #tpu.memory_space<vmem>>, vector<16xf32>,
      %mul3A_765 = arith.mulf %gather3A_748, %get3A_764 : vector<16xf32>
      %add3A_766 = arith.addf %add3A_739, %mul3A_765 : vector<16xf32>
      %get3A_767 = arith.constant 35 : i32
      %get3A_768 = arith.index_cast %get3A_767 : i32 to index
      %get3A_769 = arith.constant 48 : index
      %get3A_770 = tpu.vector_load %arg10[%get3A_768, %get3A_769] {strides = array<i32>} : memref<128x64xf32, #tpu.memory_space<vmem>>, vector<16xf32>,
      %mul3A_771 = arith.mulf %gather3A_748, %get3A_770 : vector<16xf32>
      %add3A_772 = arith.addf %add3A_745, %mul3A_771 : vector<16xf32>
      %broadcast_in_dim3A_773 = arith.constant 4 : i32
      %broadcast_in_dim3A_774 = vector.broadcast %broadcast_in_dim3A_773 : i32 to vector<16xi32>
      %gather3A_775 = tpu.vector_load_idx %arg7[%broadcast_in_dim3A_656, %broadcast_in_dim3A_774] : memref<1000x16xf32, #tpu.memory_space<vmem>>[vector<16xi32>, vector<16xi32>], vector<16xf32>,
      %get3A_776 = arith.constant 36 : i32
      %get3A_777 = arith.index_cast %get3A_776 : i32 to index
      %get3A_778 = arith.constant 0 : index
      %get3A_779 = tpu.vector_load %arg10[%get3A_777, %get3A_778] {strides = array<i32>} : memref<128x64xf32, #tpu.memory_space<vmem>>, vector<16xf32>,
      %mul3A_780 = arith.mulf %gather3A_775, %get3A_779 : vector<16xf32>
      %add3A_781 = arith.addf %add3A_754, %mul3A_780 : vector<16xf32>
      %get3A_782 = arith.constant 36 : i32
      %get3A_783 = arith.index_cast %get3A_782 : i32 to index
      %get3A_784 = arith.constant 16 : index
      %get3A_785 = tpu.vector_load %arg10[%get3A_783, %get3A_784] {strides = array<i32>} : memref<128x64xf32, #tpu.memory_space<vmem>>, vector<16xf32>,
      %mul3A_786 = arith.mulf %gather3A_775, %get3A_785 : vector<16xf32>
      %add3A_787 = arith.addf %add3A_760, %mul3A_786 : vector<16xf32>
      %get3A_788 = arith.constant 36 : i32
      %get3A_789 = arith.index_cast %get3A_788 : i32 to index
      %get3A_790 = arith.constant 32 : index
      %get3A_791 = tpu.vector_load %arg10[%get3A_789, %get3A_790] {strides = array<i32>} : memref<128x64xf32, #tpu.memory_space<vmem>>, vector<16xf32>,
      %mul3A_792 = arith.mulf %gather3A_775, %get3A_791 : vector<16xf32>
      %add3A_793 = arith.addf %add3A_766, %mul3A_792 : vector<16xf32>
      %get3A_794 = arith.constant 36 : i32
      %get3A_795 = arith.index_cast %get3A_794 : i32 to index
      %get3A_796 = arith.constant 48 : index
      %get3A_797 = tpu.vector_load %arg10[%get3A_795, %get3A_796] {strides = array<i32>} : memref<128x64xf32, #tpu.memory_space<vmem>>, vector<16xf32>,
      %mul3A_798 = arith.mulf %gather3A_775, %get3A_797 : vector<16xf32>
      %add3A_799 = arith.addf %add3A_772, %mul3A_798 : vector<16xf32>
      %broadcast_in_dim3A_800 = arith.constant 5 : i32
      %broadcast_in_dim3A_801 = vector.broadcast %broadcast_in_dim3A_800 : i32 to vector<16xi32>
      %gather3A_802 = tpu.vector_load_idx %arg7[%broadcast_in_dim3A_656, %broadcast_in_dim3A_801] : memref<1000x16xf32, #tpu.memory_space<vmem>>[vector<16xi32>, vector<16xi32>], vector<16xf32>,
      %get3A_803 = arith.constant 37 : i32
      %get3A_804 = arith.index_cast %get3A_803 : i32 to index
      %get3A_805 = arith.constant 0 : index
      %get3A_806 = tpu.vector_load %arg10[%get3A_804, %get3A_805] {strides = array<i32>} : memref<128x64xf32, #tpu.memory_space<vmem>>, vector<16xf32>,
      %mul3A_807 = arith.mulf %gather3A_802, %get3A_806 : vector<16xf32>
      %add3A_808 = arith.addf %add3A_781, %mul3A_807 : vector<16xf32>
      %get3A_809 = arith.constant 37 : i32
      %get3A_810 = arith.index_cast %get3A_809 : i32 to index
      %get3A_811 = arith.constant 16 : index
      %get3A_812 = tpu.vector_load %arg10[%get3A_810, %get3A_811] {strides = array<i32>} : memref<128x64xf32, #tpu.memory_space<vmem>>, vector<16xf32>,
      %mul3A_813 = arith.mulf %gather3A_802, %get3A_812 : vector<16xf32>
      %add3A_814 = arith.addf %add3A_787, %mul3A_813 : vector<16xf32>
      %get3A_815 = arith.constant 37 : i32
      %get3A_816 = arith.index_cast %get3A_815 : i32 to index
      %get3A_817 = arith.constant 32 : index
      %get3A_818 = tpu.vector_load %arg10[%get3A_816, %get3A_817] {strides = array<i32>} : memref<128x64xf32, #tpu.memory_space<vmem>>, vector<16xf32>,
      %mul3A_819 = arith.mulf %gather3A_802, %get3A_818 : vector<16xf32>
      %add3A_820 = arith.addf %add3A_793, %mul3A_819 : vector<16xf32>
      %get3A_821 = arith.constant 37 : i32
      %get3A_822 = arith.index_cast %get3A_821 : i32 to index
      %get3A_823 = arith.constant 48 : index
      %get3A_824 = tpu.vector_load %arg10[%get3A_822, %get3A_823] {strides = array<i32>} : memref<128x64xf32, #tpu.memory_space<vmem>>, vector<16xf32>,
      %mul3A_825 = arith.mulf %gather3A_802, %get3A_824 : vector<16xf32>
      %add3A_826 = arith.addf %add3A_799, %mul3A_825 : vector<16xf32>
      %broadcast_in_dim3A_827 = arith.constant 6 : i32
      %broadcast_in_dim3A_828 = vector.broadcast %broadcast_in_dim3A_827 : i32 to vector<16xi32>
      %gather3A_829 = tpu.vector_load_idx %arg7[%broadcast_in_dim3A_656, %broadcast_in_dim3A_828] : memref<1000x16xf32, #tpu.memory_space<vmem>>[vector<16xi32>, vector<16xi32>], vector<16xf32>,
      %get3A_830 = arith.constant 38 : i32
      %get3A_831 = arith.index_cast %get3A_830 : i32 to index
      %get3A_832 = arith.constant 0 : index
      %get3A_833 = tpu.vector_load %arg10[%get3A_831, %get3A_832] {strides = array<i32>} : memref<128x64xf32, #tpu.memory_space<vmem>>, vector<16xf32>,
      %mul3A_834 = arith.mulf %gather3A_829, %get3A_833 : vector<16xf32>
      %add3A_835 = arith.addf %add3A_808, %mul3A_834 : vector<16xf32>
      %get3A_836 = arith.constant 38 : i32
      %get3A_837 = arith.index_cast %get3A_836 : i32 to index
      %get3A_838 = arith.constant 16 : index
      %get3A_839 = tpu.vector_load %arg10[%get3A_837, %get3A_838] {strides = array<i32>} : memref<128x64xf32, #tpu.memory_space<vmem>>, vector<16xf32>,
      %mul3A_840 = arith.mulf %gather3A_829, %get3A_839 : vector<16xf32>
      %add3A_841 = arith.addf %add3A_814, %mul3A_840 : vector<16xf32>
      %get3A_842 = arith.constant 38 : i32
      %get3A_843 = arith.index_cast %get3A_842 : i32 to index
      %get3A_844 = arith.constant 32 : index
      %get3A_845 = tpu.vector_load %arg10[%get3A_843, %get3A_844] {strides = array<i32>} : memref<128x64xf32, #tpu.memory_space<vmem>>, vector<16xf32>,
      %mul3A_846 = arith.mulf %gather3A_829, %get3A_845 : vector<16xf32>
      %add3A_847 = arith.addf %add3A_820, %mul3A_846 : vector<16xf32>
      %get3A_848 = arith.constant 38 : i32
      %get3A_849 = arith.index_cast %get3A_848 : i32 to index
      %get3A_850 = arith.constant 48 : index
      %get3A_851 = tpu.vector_load %arg10[%get3A_849, %get3A_850] {strides = array<i32>} : memref<128x64xf32, #tpu.memory_space<vmem>>, vector<16xf32>,
      %mul3A_852 = arith.mulf %gather3A_829, %get3A_851 : vector<16xf32>
      %add3A_853 = arith.addf %add3A_826, %mul3A_852 : vector<16xf32>
      %broadcast_in_dim3A_854 = arith.constant 7 : i32
      %broadcast_in_dim3A_855 = vector.broadcast %broadcast_in_dim3A_854 : i32 to vector<16xi32>
      %gather3A_856 = tpu.vector_load_idx %arg7[%broadcast_in_dim3A_656, %broadcast_in_dim3A_855] : memref<1000x16xf32, #tpu.memory_space<vmem>>[vector<16xi32>, vector<16xi32>], vector<16xf32>,
      %get3A_857 = arith.constant 39 : i32
      %get3A_858 = arith.index_cast %get3A_857 : i32 to index
      %get3A_859 = arith.constant 0 : index
      %get3A_860 = tpu.vector_load %arg10[%get3A_858, %get3A_859] {strides = array<i32>} : memref<128x64xf32, #tpu.memory_space<vmem>>, vector<16xf32>,
      %mul3A_861 = arith.mulf %gather3A_856, %get3A_860 : vector<16xf32>
      %add3A_862 = arith.addf %add3A_835, %mul3A_861 : vector<16xf32>
      %get3A_863 = arith.constant 39 : i32
      %get3A_864 = arith.index_cast %get3A_863 : i32 to index
      %get3A_865 = arith.constant 16 : index
      %get3A_866 = tpu.vector_load %arg10[%get3A_864, %get3A_865] {strides = array<i32>} : memref<128x64xf32, #tpu.memory_space<vmem>>, vector<16xf32>,
      %mul3A_867 = arith.mulf %gather3A_856, %get3A_866 : vector<16xf32>
      %add3A_868 = arith.addf %add3A_841, %mul3A_867 : vector<16xf32>
      %get3A_869 = arith.constant 39 : i32
      %get3A_870 = arith.index_cast %get3A_869 : i32 to index
      %get3A_871 = arith.constant 32 : index
      %get3A_872 = tpu.vector_load %arg10[%get3A_870, %get3A_871] {strides = array<i32>} : memref<128x64xf32, #tpu.memory_space<vmem>>, vector<16xf32>,
      %mul3A_873 = arith.mulf %gather3A_856, %get3A_872 : vector<16xf32>
      %add3A_874 = arith.addf %add3A_847, %mul3A_873 : vector<16xf32>
      %get3A_875 = arith.constant 39 : i32
      %get3A_876 = arith.index_cast %get3A_875 : i32 to index
      %get3A_877 = arith.constant 48 : index
      %get3A_878 = tpu.vector_load %arg10[%get3A_876, %get3A_877] {strides = array<i32>} : memref<128x64xf32, #tpu.memory_space<vmem>>, vector<16xf32>,
      %mul3A_879 = arith.mulf %gather3A_856, %get3A_878 : vector<16xf32>
      %add3A_880 = arith.addf %add3A_853, %mul3A_879 : vector<16xf32>
      %broadcast_in_dim3A_881 = arith.constant 8 : i32
      %broadcast_in_dim3A_882 = vector.broadcast %broadcast_in_dim3A_881 : i32 to vector<16xi32>
      %gather3A_883 = tpu.vector_load_idx %arg7[%broadcast_in_dim3A_656, %broadcast_in_dim3A_882] : memref<1000x16xf32, #tpu.memory_space<vmem>>[vector<16xi32>, vector<16xi32>], vector<16xf32>,
      %get3A_884 = arith.constant 40 : i32
      %get3A_885 = arith.index_cast %get3A_884 : i32 to index
      %get3A_886 = arith.constant 0 : index
      %get3A_887 = tpu.vector_load %arg10[%get3A_885, %get3A_886] {strides = array<i32>} : memref<128x64xf32, #tpu.memory_space<vmem>>, vector<16xf32>,
      %mul3A_888 = arith.mulf %gather3A_883, %get3A_887 : vector<16xf32>
      %add3A_889 = arith.addf %add3A_862, %mul3A_888 : vector<16xf32>
      %get3A_890 = arith.constant 40 : i32
      %get3A_891 = arith.index_cast %get3A_890 : i32 to index
      %get3A_892 = arith.constant 16 : index
      %get3A_893 = tpu.vector_load %arg10[%get3A_891, %get3A_892] {strides = array<i32>} : memref<128x64xf32, #tpu.memory_space<vmem>>, vector<16xf32>,
      %mul3A_894 = arith.mulf %gather3A_883, %get3A_893 : vector<16xf32>
      %add3A_895 = arith.addf %add3A_868, %mul3A_894 : vector<16xf32>
      %get3A_896 = arith.constant 40 : i32
      %get3A_897 = arith.index_cast %get3A_896 : i32 to index
      %get3A_898 = arith.constant 32 : index
      %get3A_899 = tpu.vector_load %arg10[%get3A_897, %get3A_898] {strides = array<i32>} : memref<128x64xf32, #tpu.memory_space<vmem>>, vector<16xf32>,
      %mul3A_900 = arith.mulf %gather3A_883, %get3A_899 : vector<16xf32>
      %add3A_901 = arith.addf %add3A_874, %mul3A_900 : vector<16xf32>
      %get3A_902 = arith.constant 40 : i32
      %get3A_903 = arith.index_cast %get3A_902 : i32 to index
      %get3A_904 = arith.constant 48 : index
      %get3A_905 = tpu.vector_load %arg10[%get3A_903, %get3A_904] {strides = array<i32>} : memref<128x64xf32, #tpu.memory_space<vmem>>, vector<16xf32>,
      %mul3A_906 = arith.mulf %gather3A_883, %get3A_905 : vector<16xf32>
      %add3A_907 = arith.addf %add3A_880, %mul3A_906 : vector<16xf32>
      %broadcast_in_dim3A_908 = arith.constant 9 : i32
      %broadcast_in_dim3A_909 = vector.broadcast %broadcast_in_dim3A_908 : i32 to vector<16xi32>
      %gather3A_910 = tpu.vector_load_idx %arg7[%broadcast_in_dim3A_656, %broadcast_in_dim3A_909] : memref<1000x16xf32, #tpu.memory_space<vmem>>[vector<16xi32>, vector<16xi32>], vector<16xf32>,
      %get3A_911 = arith.constant 41 : i32
      %get3A_912 = arith.index_cast %get3A_911 : i32 to index
      %get3A_913 = arith.constant 0 : index
      %get3A_914 = tpu.vector_load %arg10[%get3A_912, %get3A_913] {strides = array<i32>} : memref<128x64xf32, #tpu.memory_space<vmem>>, vector<16xf32>,
      %mul3A_915 = arith.mulf %gather3A_910, %get3A_914 : vector<16xf32>
      %add3A_916 = arith.addf %add3A_889, %mul3A_915 : vector<16xf32>
      %get3A_917 = arith.constant 41 : i32
      %get3A_918 = arith.index_cast %get3A_917 : i32 to index
      %get3A_919 = arith.constant 16 : index
      %get3A_920 = tpu.vector_load %arg10[%get3A_918, %get3A_919] {strides = array<i32>} : memref<128x64xf32, #tpu.memory_space<vmem>>, vector<16xf32>,
      %mul3A_921 = arith.mulf %gather3A_910, %get3A_920 : vector<16xf32>
      %add3A_922 = arith.addf %add3A_895, %mul3A_921 : vector<16xf32>
      %get3A_923 = arith.constant 41 : i32
      %get3A_924 = arith.index_cast %get3A_923 : i32 to index
      %get3A_925 = arith.constant 32 : index
      %get3A_926 = tpu.vector_load %arg10[%get3A_924, %get3A_925] {strides = array<i32>} : memref<128x64xf32, #tpu.memory_space<vmem>>, vector<16xf32>,
      %mul3A_927 = arith.mulf %gather3A_910, %get3A_926 : vector<16xf32>
      %add3A_928 = arith.addf %add3A_901, %mul3A_927 : vector<16xf32>
      %get3A_929 = arith.constant 41 : i32
      %get3A_930 = arith.index_cast %get3A_929 : i32 to index
      %get3A_931 = arith.constant 48 : index
      %get3A_932 = tpu.vector_load %arg10[%get3A_930, %get3A_931] {strides = array<i32>} : memref<128x64xf32, #tpu.memory_space<vmem>>, vector<16xf32>,
      %mul3A_933 = arith.mulf %gather3A_910, %get3A_932 : vector<16xf32>
      %add3A_934 = arith.addf %add3A_907, %mul3A_933 : vector<16xf32>
      %swap3A_935 = arith.constant 2 : i32
      %swap3A_936 = arith.index_cast %swap3A_935 : i32 to index
      %swap3A_937 = arith.constant 0 : index
      %swap3A_938 = tpu.vector_load %arg12[%swap3A_936, %swap3A_937] {strides = array<i32>} : memref<8x64xf32, #tpu.memory_space<vmem>>, vector<16xf32>,
      tpu.vector_store %arg12[%swap3A_936, %swap3A_937], %add3A_916 {strides = array<i32>} : memref<8x64xf32, #tpu.memory_space<vmem>>, vector<16xf32>,
      %swap3A_939 = arith.constant 2 : i32
      %swap3A_940 = arith.index_cast %swap3A_939 : i32 to index
      %swap3A_941 = arith.constant 16 : index
      %swap3A_942 = tpu.vector_load %arg12[%swap3A_940, %swap3A_941] {strides = array<i32>} : memref<8x64xf32, #tpu.memory_space<vmem>>, vector<16xf32>,
      tpu.vector_store %arg12[%swap3A_940, %swap3A_941], %add3A_922 {strides = array<i32>} : memref<8x64xf32, #tpu.memory_space<vmem>>, vector<16xf32>,
      %swap3A_943 = arith.constant 2 : i32
      %swap3A_944 = arith.index_cast %swap3A_943 : i32 to index
      %swap3A_945 = arith.constant 32 : index
      %swap3A_946 = tpu.vector_load %arg12[%swap3A_944, %swap3A_945] {strides = array<i32>} : memref<8x64xf32, #tpu.memory_space<vmem>>, vector<16xf32>,
      tpu.vector_store %arg12[%swap3A_944, %swap3A_945], %add3A_928 {strides = array<i32>} : memref<8x64xf32, #tpu.memory_space<vmem>>, vector<16xf32>,
      %swap3A_947 = arith.constant 2 : i32
      %swap3A_948 = arith.index_cast %swap3A_947 : i32 to index
      %swap3A_949 = arith.constant 48 : index
      %swap3A_950 = tpu.vector_load %arg12[%swap3A_948, %swap3A_949] {strides = array<i32>} : memref<8x64xf32, #tpu.memory_space<vmem>>, vector<16xf32>,
      tpu.vector_store %arg12[%swap3A_948, %swap3A_949], %add3A_934 {strides = array<i32>} : memref<8x64xf32, #tpu.memory_space<vmem>>, vector<16xf32>,
      %mul3A_951 = arith.constant 8 : i32
      %mul3A_952 = arith.muli %scan3A_47, %mul3A_951 : i32
      %add3A_953 = arith.constant 3 : i32
      %add3A_954 = arith.addi %mul3A_952, %add3A_953 : i32
      %broadcast_in_dim3A_955 = vector.broadcast %add3A_954 : i32 to vector<16xi32>
      %get3A_956 = arith.constant 0 : index
      %get3A_957 = tpu.vector_load %arg11[%get3A_956] {strides = array<i32>} : memref<64xf32, #tpu.memory_space<vmem>>, vector<16xf32>,
      %get3A_958 = arith.constant 16 : index
      %get3A_959 = tpu.vector_load %arg11[%get3A_958] {strides = array<i32>} : memref<64xf32, #tpu.memory_space<vmem>>, vector<16xf32>,
      %get3A_960 = arith.constant 32 : index
      %get3A_961 = tpu.vector_load %arg11[%get3A_960] {strides = array<i32>} : memref<64xf32, #tpu.memory_space<vmem>>, vector<16xf32>,
      %get3A_962 = arith.constant 48 : index
      %get3A_963 = tpu.vector_load %arg11[%get3A_962] {strides = array<i32>} : memref<64xf32, #tpu.memory_space<vmem>>, vector<16xf32>,
      %broadcast_in_dim3A_964 = arith.constant 0 : i32
      %broadcast_in_dim3A_965 = vector.broadcast %broadcast_in_dim3A_964 : i32 to vector<16xi32>
      %gather3A_966 = tpu.vector_load_idx %arg7[%broadcast_in_dim3A_955, %broadcast_in_dim3A_965] : memref<1000x16xf32, #tpu.memory_space<vmem>>[vector<16xi32>, vector<16xi32>], vector<16xf32>,
      %get3A_967 = arith.constant 48 : i32
      %get3A_968 = arith.index_cast %get3A_967 : i32 to index
      %get3A_969 = arith.constant 0 : index
      %get3A_970 = tpu.vector_load %arg10[%get3A_968, %get3A_969] {strides = array<i32>} : memref<128x64xf32, #tpu.memory_space<vmem>>, vector<16xf32>,
      %mul3A_971 = arith.mulf %gather3A_966, %get3A_970 : vector<16xf32>
      %add3A_972 = arith.addf %get3A_957, %mul3A_971 : vector<16xf32>
      %get3A_973 = arith.constant 48 : i32
      %get3A_974 = arith.index_cast %get3A_973 : i32 to index
      %get3A_975 = arith.constant 16 : index
      %get3A_976 = tpu.vector_load %arg10[%get3A_974, %get3A_975] {strides = array<i32>} : memref<128x64xf32, #tpu.memory_space<vmem>>, vector<16xf32>,
      %mul3A_977 = arith.mulf %gather3A_966, %get3A_976 : vector<16xf32>
      %add3A_978 = arith.addf %get3A_959, %mul3A_977 : vector<16xf32>
      %get3A_979 = arith.constant 48 : i32
      %get3A_980 = arith.index_cast %get3A_979 : i32 to index
      %get3A_981 = arith.constant 32 : index
      %get3A_982 = tpu.vector_load %arg10[%get3A_980, %get3A_981] {strides = array<i32>} : memref<128x64xf32, #tpu.memory_space<vmem>>, vector<16xf32>,
      %mul3A_983 = arith.mulf %gather3A_966, %get3A_982 : vector<16xf32>
      %add3A_984 = arith.addf %get3A_961, %mul3A_983 : vector<16xf32>
      %get3A_985 = arith.constant 48 : i32
      %get3A_986 = arith.index_cast %get3A_985 : i32 to index
      %get3A_987 = arith.constant 48 : index
      %get3A_988 = tpu.vector_load %arg10[%get3A_986, %get3A_987] {strides = array<i32>} : memref<128x64xf32, #tpu.memory_space<vmem>>, vector<16xf32>,
      %mul3A_989 = arith.mulf %gather3A_966, %get3A_988 : vector<16xf32>
      %add3A_990 = arith.addf %get3A_963, %mul3A_989 : vector<16xf32>
      %broadcast_in_dim3A_991 = arith.constant 1 : i32
      %broadcast_in_dim3A_992 = vector.broadcast %broadcast_in_dim3A_991 : i32 to vector<16xi32>
      %gather3A_993 = tpu.vector_load_idx %arg7[%broadcast_in_dim3A_955, %broadcast_in_dim3A_992] : memref<1000x16xf32, #tpu.memory_space<vmem>>[vector<16xi32>, vector<16xi32>], vector<16xf32>,
      %get3A_994 = arith.constant 49 : i32
      %get3A_995 = arith.index_cast %get3A_994 : i32 to index
      %get3A_996 = arith.constant 0 : index
      %get3A_997 = tpu.vector_load %arg10[%get3A_995, %get3A_996] {strides = array<i32>} : memref<128x64xf32, #tpu.memory_space<vmem>>, vector<16xf32>,
      %mul3A_998 = arith.mulf %gather3A_993, %get3A_997 : vector<16xf32>
      %add3A_999 = arith.addf %add3A_972, %mul3A_998 : vector<16xf32>
      %get3A_1000 = arith.constant 49 : i32
      %get3A_1001 = arith.index_cast %get3A_1000 : i32 to index
      %get3A_1002 = arith.constant 16 : index
      %get3A_1003 = tpu.vector_load %arg10[%get3A_1001, %get3A_1002] {strides = array<i32>} : memref<128x64xf32, #tpu.memory_space<vmem>>, vector<16xf32>,
      %mul3A_1004 = arith.mulf %gather3A_993, %get3A_1003 : vector<16xf32>
      %add3A_1005 = arith.addf %add3A_978, %mul3A_1004 : vector<16xf32>
      %get3A_1006 = arith.constant 49 : i32
      %get3A_1007 = arith.index_cast %get3A_1006 : i32 to index
      %get3A_1008 = arith.constant 32 : index
      %get3A_1009 = tpu.vector_load %arg10[%get3A_1007, %get3A_1008] {strides = array<i32>} : memref<128x64xf32, #tpu.memory_space<vmem>>, vector<16xf32>,
      %mul3A_1010 = arith.mulf %gather3A_993, %get3A_1009 : vector<16xf32>
      %add3A_1011 = arith.addf %add3A_984, %mul3A_1010 : vector<16xf32>
      %get3A_1012 = arith.constant 49 : i32
      %get3A_1013 = arith.index_cast %get3A_1012 : i32 to index
      %get3A_1014 = arith.constant 48 : index
      %get3A_1015 = tpu.vector_load %arg10[%get3A_1013, %get3A_1014] {strides = array<i32>} : memref<128x64xf32, #tpu.memory_space<vmem>>, vector<16xf32>,
      %mul3A_1016 = arith.mulf %gather3A_993, %get3A_1015 : vector<16xf32>
      %add3A_1017 = arith.addf %add3A_990, %mul3A_1016 : vector<16xf32>
      %broadcast_in_dim3A_1018 = arith.constant 2 : i32
      %broadcast_in_dim3A_1019 = vector.broadcast %broadcast_in_dim3A_1018 : i32 to vector<16xi32>
      %gather3A_1020 = tpu.vector_load_idx %arg7[%broadcast_in_dim3A_955, %broadcast_in_dim3A_1019] : memref<1000x16xf32, #tpu.memory_space<vmem>>[vector<16xi32>, vector<16xi32>], vector<16xf32>,
      %get3A_1021 = arith.constant 50 : i32
      %get3A_1022 = arith.index_cast %get3A_1021 : i32 to index
      %get3A_1023 = arith.constant 0 : index
      %get3A_1024 = tpu.vector_load %arg10[%get3A_1022, %get3A_1023] {strides = array<i32>} : memref<128x64xf32, #tpu.memory_space<vmem>>, vector<16xf32>,
      %mul3A_1025 = arith.mulf %gather3A_1020, %get3A_1024 : vector<16xf32>
      %add3A_1026 = arith.addf %add3A_999, %mul3A_1025 : vector<16xf32>
      %get3A_1027 = arith.constant 50 : i32
      %get3A_1028 = arith.index_cast %get3A_1027 : i32 to index
      %get3A_1029 = arith.constant 16 : index
      %get3A_1030 = tpu.vector_load %arg10[%get3A_1028, %get3A_1029] {strides = array<i32>} : memref<128x64xf32, #tpu.memory_space<vmem>>, vector<16xf32>,
      %mul3A_1031 = arith.mulf %gather3A_1020, %get3A_1030 : vector<16xf32>
      %add3A_1032 = arith.addf %add3A_1005, %mul3A_1031 : vector<16xf32>
      %get3A_1033 = arith.constant 50 : i32
      %get3A_1034 = arith.index_cast %get3A_1033 : i32 to index
      %get3A_1035 = arith.constant 32 : index
      %get3A_1036 = tpu.vector_load %arg10[%get3A_1034, %get3A_1035] {strides = array<i32>} : memref<128x64xf32, #tpu.memory_space<vmem>>, vector<16xf32>,
      %mul3A_1037 = arith.mulf %gather3A_1020, %get3A_1036 : vector<16xf32>
      %add3A_1038 = arith.addf %add3A_1011, %mul3A_1037 : vector<16xf32>
      %get3A_1039 = arith.constant 50 : i32
      %get3A_1040 = arith.index_cast %get3A_1039 : i32 to index
      %get3A_1041 = arith.constant 48 : index
      %get3A_1042 = tpu.vector_load %arg10[%get3A_1040, %get3A_1041] {strides = array<i32>} : memref<128x64xf32, #tpu.memory_space<vmem>>, vector<16xf32>,
      %mul3A_1043 = arith.mulf %gather3A_1020, %get3A_1042 : vector<16xf32>
      %add3A_1044 = arith.addf %add3A_1017, %mul3A_1043 : vector<16xf32>
      %broadcast_in_dim3A_1045 = arith.constant 3 : i32
      %broadcast_in_dim3A_1046 = vector.broadcast %broadcast_in_dim3A_1045 : i32 to vector<16xi32>
      %gather3A_1047 = tpu.vector_load_idx %arg7[%broadcast_in_dim3A_955, %broadcast_in_dim3A_1046] : memref<1000x16xf32, #tpu.memory_space<vmem>>[vector<16xi32>, vector<16xi32>], vector<16xf32>,
      %get3A_1048 = arith.constant 51 : i32
      %get3A_1049 = arith.index_cast %get3A_1048 : i32 to index
      %get3A_1050 = arith.constant 0 : index
      %get3A_1051 = tpu.vector_load %arg10[%get3A_1049, %get3A_1050] {strides = array<i32>} : memref<128x64xf32, #tpu.memory_space<vmem>>, vector<16xf32>,
      %mul3A_1052 = arith.mulf %gather3A_1047, %get3A_1051 : vector<16xf32>
      %add3A_1053 = arith.addf %add3A_1026, %mul3A_1052 : vector<16xf32>
      %get3A_1054 = arith.constant 51 : i32
      %get3A_1055 = arith.index_cast %get3A_1054 : i32 to index
      %get3A_1056 = arith.constant 16 : index
      %get3A_1057 = tpu.vector_load %arg10[%get3A_1055, %get3A_1056] {strides = array<i32>} : memref<128x64xf32, #tpu.memory_space<vmem>>, vector<16xf32>,
      %mul3A_1058 = arith.mulf %gather3A_1047, %get3A_1057 : vector<16xf32>
      %add3A_1059 = arith.addf %add3A_1032, %mul3A_1058 : vector<16xf32>
      %get3A_1060 = arith.constant 51 : i32
      %get3A_1061 = arith.index_cast %get3A_1060 : i32 to index
      %get3A_1062 = arith.constant 32 : index
      %get3A_1063 = tpu.vector_load %arg10[%get3A_1061, %get3A_1062] {strides = array<i32>} : memref<128x64xf32, #tpu.memory_space<vmem>>, vector<16xf32>,
      %mul3A_1064 = arith.mulf %gather3A_1047, %get3A_1063 : vector<16xf32>
      %add3A_1065 = arith.addf %add3A_1038, %mul3A_1064 : vector<16xf32>
      %get3A_1066 = arith.constant 51 : i32
      %get3A_1067 = arith.index_cast %get3A_1066 : i32 to index
      %get3A_1068 = arith.constant 48 : index
      %get3A_1069 = tpu.vector_load %arg10[%get3A_1067, %get3A_1068] {strides = array<i32>} : memref<128x64xf32, #tpu.memory_space<vmem>>, vector<16xf32>,
      %mul3A_1070 = arith.mulf %gather3A_1047, %get3A_1069 : vector<16xf32>
      %add3A_1071 = arith.addf %add3A_1044, %mul3A_1070 : vector<16xf32>
      %broadcast_in_dim3A_1072 = arith.constant 4 : i32
      %broadcast_in_dim3A_1073 = vector.broadcast %broadcast_in_dim3A_1072 : i32 to vector<16xi32>
      %gather3A_1074 = tpu.vector_load_idx %arg7[%broadcast_in_dim3A_955, %broadcast_in_dim3A_1073] : memref<1000x16xf32, #tpu.memory_space<vmem>>[vector<16xi32>, vector<16xi32>], vector<16xf32>,
      %get3A_1075 = arith.constant 52 : i32
      %get3A_1076 = arith.index_cast %get3A_1075 : i32 to index
      %get3A_1077 = arith.constant 0 : index
      %get3A_1078 = tpu.vector_load %arg10[%get3A_1076, %get3A_1077] {strides = array<i32>} : memref<128x64xf32, #tpu.memory_space<vmem>>, vector<16xf32>,
      %mul3A_1079 = arith.mulf %gather3A_1074, %get3A_1078 : vector<16xf32>
      %add3A_1080 = arith.addf %add3A_1053, %mul3A_1079 : vector<16xf32>
      %get3A_1081 = arith.constant 52 : i32
      %get3A_1082 = arith.index_cast %get3A_1081 : i32 to index
      %get3A_1083 = arith.constant 16 : index
      %get3A_1084 = tpu.vector_load %arg10[%get3A_1082, %get3A_1083] {strides = array<i32>} : memref<128x64xf32, #tpu.memory_space<vmem>>, vector<16xf32>,
      %mul3A_1085 = arith.mulf %gather3A_1074, %get3A_1084 : vector<16xf32>
      %add3A_1086 = arith.addf %add3A_1059, %mul3A_1085 : vector<16xf32>
      %get3A_1087 = arith.constant 52 : i32
      %get3A_1088 = arith.index_cast %get3A_1087 : i32 to index
      %get3A_1089 = arith.constant 32 : index
      %get3A_1090 = tpu.vector_load %arg10[%get3A_1088, %get3A_1089] {strides = array<i32>} : memref<128x64xf32, #tpu.memory_space<vmem>>, vector<16xf32>,
      %mul3A_1091 = arith.mulf %gather3A_1074, %get3A_1090 : vector<16xf32>
      %add3A_1092 = arith.addf %add3A_1065, %mul3A_1091 : vector<16xf32>
      %get3A_1093 = arith.constant 52 : i32
      %get3A_1094 = arith.index_cast %get3A_1093 : i32 to index
      %get3A_1095 = arith.constant 48 : index
      %get3A_1096 = tpu.vector_load %arg10[%get3A_1094, %get3A_1095] {strides = array<i32>} : memref<128x64xf32, #tpu.memory_space<vmem>>, vector<16xf32>,
      %mul3A_1097 = arith.mulf %gather3A_1074, %get3A_1096 : vector<16xf32>
      %add3A_1098 = arith.addf %add3A_1071, %mul3A_1097 : vector<16xf32>
      %broadcast_in_dim3A_1099 = arith.constant 5 : i32
      %broadcast_in_dim3A_1100 = vector.broadcast %broadcast_in_dim3A_1099 : i32 to vector<16xi32>
      %gather3A_1101 = tpu.vector_load_idx %arg7[%broadcast_in_dim3A_955, %broadcast_in_dim3A_1100] : memref<1000x16xf32, #tpu.memory_space<vmem>>[vector<16xi32>, vector<16xi32>], vector<16xf32>,
      %get3A_1102 = arith.constant 53 : i32
      %get3A_1103 = arith.index_cast %get3A_1102 : i32 to index
      %get3A_1104 = arith.constant 0 : index
      %get3A_1105 = tpu.vector_load %arg10[%get3A_1103, %get3A_1104] {strides = array<i32>} : memref<128x64xf32, #tpu.memory_space<vmem>>, vector<16xf32>,
      %mul3A_1106 = arith.mulf %gather3A_1101, %get3A_1105 : vector<16xf32>
      %add3A_1107 = arith.addf %add3A_1080, %mul3A_1106 : vector<16xf32>
      %get3A_1108 = arith.constant 53 : i32
      %get3A_1109 = arith.index_cast %get3A_1108 : i32 to index
      %get3A_1110 = arith.constant 16 : index
      %get3A_1111 = tpu.vector_load %arg10[%get3A_1109, %get3A_1110] {strides = array<i32>} : memref<128x64xf32, #tpu.memory_space<vmem>>, vector<16xf32>,
      %mul3A_1112 = arith.mulf %gather3A_1101, %get3A_1111 : vector<16xf32>
      %add3A_1113 = arith.addf %add3A_1086, %mul3A_1112 : vector<16xf32>
      %get3A_1114 = arith.constant 53 : i32
      %get3A_1115 = arith.index_cast %get3A_1114 : i32 to index
      %get3A_1116 = arith.constant 32 : index
      %get3A_1117 = tpu.vector_load %arg10[%get3A_1115, %get3A_1116] {strides = array<i32>} : memref<128x64xf32, #tpu.memory_space<vmem>>, vector<16xf32>,
      %mul3A_1118 = arith.mulf %gather3A_1101, %get3A_1117 : vector<16xf32>
      %add3A_1119 = arith.addf %add3A_1092, %mul3A_1118 : vector<16xf32>
      %get3A_1120 = arith.constant 53 : i32
      %get3A_1121 = arith.index_cast %get3A_1120 : i32 to index
      %get3A_1122 = arith.constant 48 : index
      %get3A_1123 = tpu.vector_load %arg10[%get3A_1121, %get3A_1122] {strides = array<i32>} : memref<128x64xf32, #tpu.memory_space<vmem>>, vector<16xf32>,
      %mul3A_1124 = arith.mulf %gather3A_1101, %get3A_1123 : vector<16xf32>
      %add3A_1125 = arith.addf %add3A_1098, %mul3A_1124 : vector<16xf32>
      %broadcast_in_dim3A_1126 = arith.constant 6 : i32
      %broadcast_in_dim3A_1127 = vector.broadcast %broadcast_in_dim3A_1126 : i32 to vector<16xi32>
      %gather3A_1128 = tpu.vector_load_idx %arg7[%broadcast_in_dim3A_955, %broadcast_in_dim3A_1127] : memref<1000x16xf32, #tpu.memory_space<vmem>>[vector<16xi32>, vector<16xi32>], vector<16xf32>,
      %get3A_1129 = arith.constant 54 : i32
      %get3A_1130 = arith.index_cast %get3A_1129 : i32 to index
      %get3A_1131 = arith.constant 0 : index
      %get3A_1132 = tpu.vector_load %arg10[%get3A_1130, %get3A_1131] {strides = array<i32>} : memref<128x64xf32, #tpu.memory_space<vmem>>, vector<16xf32>,
      %mul3A_1133 = arith.mulf %gather3A_1128, %get3A_1132 : vector<16xf32>
      %add3A_1134 = arith.addf %add3A_1107, %mul3A_1133 : vector<16xf32>
      %get3A_1135 = arith.constant 54 : i32
      %get3A_1136 = arith.index_cast %get3A_1135 : i32 to index
      %get3A_1137 = arith.constant 16 : index
      %get3A_1138 = tpu.vector_load %arg10[%get3A_1136, %get3A_1137] {strides = array<i32>} : memref<128x64xf32, #tpu.memory_space<vmem>>, vector<16xf32>,
      %mul3A_1139 = arith.mulf %gather3A_1128, %get3A_1138 : vector<16xf32>
      %add3A_1140 = arith.addf %add3A_1113, %mul3A_1139 : vector<16xf32>
      %get3A_1141 = arith.constant 54 : i32
      %get3A_1142 = arith.index_cast %get3A_1141 : i32 to index
      %get3A_1143 = arith.constant 32 : index
      %get3A_1144 = tpu.vector_load %arg10[%get3A_1142, %get3A_1143] {strides = array<i32>} : memref<128x64xf32, #tpu.memory_space<vmem>>, vector<16xf32>,
      %mul3A_1145 = arith.mulf %gather3A_1128, %get3A_1144 : vector<16xf32>
      %add3A_1146 = arith.addf %add3A_1119, %mul3A_1145 : vector<16xf32>
      %get3A_1147 = arith.constant 54 : i32
      %get3A_1148 = arith.index_cast %get3A_1147 : i32 to index
      %get3A_1149 = arith.constant 48 : index
      %get3A_1150 = tpu.vector_load %arg10[%get3A_1148, %get3A_1149] {strides = array<i32>} : memref<128x64xf32, #tpu.memory_space<vmem>>, vector<16xf32>,
      %mul3A_1151 = arith.mulf %gather3A_1128, %get3A_1150 : vector<16xf32>
      %add3A_1152 = arith.addf %add3A_1125, %mul3A_1151 : vector<16xf32>
      %broadcast_in_dim3A_1153 = arith.constant 7 : i32
      %broadcast_in_dim3A_1154 = vector.broadcast %broadcast_in_dim3A_1153 : i32 to vector<16xi32>
      %gather3A_1155 = tpu.vector_load_idx %arg7[%broadcast_in_dim3A_955, %broadcast_in_dim3A_1154] : memref<1000x16xf32, #tpu.memory_space<vmem>>[vector<16xi32>, vector<16xi32>], vector<16xf32>,
      %get3A_1156 = arith.constant 55 : i32
      %get3A_1157 = arith.index_cast %get3A_1156 : i32 to index
      %get3A_1158 = arith.constant 0 : index
      %get3A_1159 = tpu.vector_load %arg10[%get3A_1157, %get3A_1158] {strides = array<i32>} : memref<128x64xf32, #tpu.memory_space<vmem>>, vector<16xf32>,
      %mul3A_1160 = arith.mulf %gather3A_1155, %get3A_1159 : vector<16xf32>
      %add3A_1161 = arith.addf %add3A_1134, %mul3A_1160 : vector<16xf32>
      %get3A_1162 = arith.constant 55 : i32
      %get3A_1163 = arith.index_cast %get3A_1162 : i32 to index
      %get3A_1164 = arith.constant 16 : index
      %get3A_1165 = tpu.vector_load %arg10[%get3A_1163, %get3A_1164] {strides = array<i32>} : memref<128x64xf32, #tpu.memory_space<vmem>>, vector<16xf32>,
      %mul3A_1166 = arith.mulf %gather3A_1155, %get3A_1165 : vector<16xf32>
      %add3A_1167 = arith.addf %add3A_1140, %mul3A_1166 : vector<16xf32>
      %get3A_1168 = arith.constant 55 : i32
      %get3A_1169 = arith.index_cast %get3A_1168 : i32 to index
      %get3A_1170 = arith.constant 32 : index
      %get3A_1171 = tpu.vector_load %arg10[%get3A_1169, %get3A_1170] {strides = array<i32>} : memref<128x64xf32, #tpu.memory_space<vmem>>, vector<16xf32>,
      %mul3A_1172 = arith.mulf %gather3A_1155, %get3A_1171 : vector<16xf32>
      %add3A_1173 = arith.addf %add3A_1146, %mul3A_1172 : vector<16xf32>
      %get3A_1174 = arith.constant 55 : i32
      %get3A_1175 = arith.index_cast %get3A_1174 : i32 to index
      %get3A_1176 = arith.constant 48 : index
      %get3A_1177 = tpu.vector_load %arg10[%get3A_1175, %get3A_1176] {strides = array<i32>} : memref<128x64xf32, #tpu.memory_space<vmem>>, vector<16xf32>,
      %mul3A_1178 = arith.mulf %gather3A_1155, %get3A_1177 : vector<16xf32>
      %add3A_1179 = arith.addf %add3A_1152, %mul3A_1178 : vector<16xf32>
      %broadcast_in_dim3A_1180 = arith.constant 8 : i32
      %broadcast_in_dim3A_1181 = vector.broadcast %broadcast_in_dim3A_1180 : i32 to vector<16xi32>
      %gather3A_1182 = tpu.vector_load_idx %arg7[%broadcast_in_dim3A_955, %broadcast_in_dim3A_1181] : memref<1000x16xf32, #tpu.memory_space<vmem>>[vector<16xi32>, vector<16xi32>], vector<16xf32>,
      %get3A_1183 = arith.constant 56 : i32
      %get3A_1184 = arith.index_cast %get3A_1183 : i32 to index
      %get3A_1185 = arith.constant 0 : index
      %get3A_1186 = tpu.vector_load %arg10[%get3A_1184, %get3A_1185] {strides = array<i32>} : memref<128x64xf32, #tpu.memory_space<vmem>>, vector<16xf32>,
      %mul3A_1187 = arith.mulf %gather3A_1182, %get3A_1186 : vector<16xf32>
      %add3A_1188 = arith.addf %add3A_1161, %mul3A_1187 : vector<16xf32>
      %get3A_1189 = arith.constant 56 : i32
      %get3A_1190 = arith.index_cast %get3A_1189 : i32 to index
      %get3A_1191 = arith.constant 16 : index
      %get3A_1192 = tpu.vector_load %arg10[%get3A_1190, %get3A_1191] {strides = array<i32>} : memref<128x64xf32, #tpu.memory_space<vmem>>, vector<16xf32>,
      %mul3A_1193 = arith.mulf %gather3A_1182, %get3A_1192 : vector<16xf32>
      %add3A_1194 = arith.addf %add3A_1167, %mul3A_1193 : vector<16xf32>
      %get3A_1195 = arith.constant 56 : i32
      %get3A_1196 = arith.index_cast %get3A_1195 : i32 to index
      %get3A_1197 = arith.constant 32 : index
      %get3A_1198 = tpu.vector_load %arg10[%get3A_1196, %get3A_1197] {strides = array<i32>} : memref<128x64xf32, #tpu.memory_space<vmem>>, vector<16xf32>,
      %mul3A_1199 = arith.mulf %gather3A_1182, %get3A_1198 : vector<16xf32>
      %add3A_1200 = arith.addf %add3A_1173, %mul3A_1199 : vector<16xf32>
      %get3A_1201 = arith.constant 56 : i32
      %get3A_1202 = arith.index_cast %get3A_1201 : i32 to index
      %get3A_1203 = arith.constant 48 : index
      %get3A_1204 = tpu.vector_load %arg10[%get3A_1202, %get3A_1203] {strides = array<i32>} : memref<128x64xf32, #tpu.memory_space<vmem>>, vector<16xf32>,
      %mul3A_1205 = arith.mulf %gather3A_1182, %get3A_1204 : vector<16xf32>
      %add3A_1206 = arith.addf %add3A_1179, %mul3A_1205 : vector<16xf32>
      %broadcast_in_dim3A_1207 = arith.constant 9 : i32
      %broadcast_in_dim3A_1208 = vector.broadcast %broadcast_in_dim3A_1207 : i32 to vector<16xi32>
      %gather3A_1209 = tpu.vector_load_idx %arg7[%broadcast_in_dim3A_955, %broadcast_in_dim3A_1208] : memref<1000x16xf32, #tpu.memory_space<vmem>>[vector<16xi32>, vector<16xi32>], vector<16xf32>,
      %get3A_1210 = arith.constant 57 : i32
      %get3A_1211 = arith.index_cast %get3A_1210 : i32 to index
      %get3A_1212 = arith.constant 0 : index
      %get3A_1213 = tpu.vector_load %arg10[%get3A_1211, %get3A_1212] {strides = array<i32>} : memref<128x64xf32, #tpu.memory_space<vmem>>, vector<16xf32>,
      %mul3A_1214 = arith.mulf %gather3A_1209, %get3A_1213 : vector<16xf32>
      %add3A_1215 = arith.addf %add3A_1188, %mul3A_1214 : vector<16xf32>
      %get3A_1216 = arith.constant 57 : i32
      %get3A_1217 = arith.index_cast %get3A_1216 : i32 to index
      %get3A_1218 = arith.constant 16 : index
      %get3A_1219 = tpu.vector_load %arg10[%get3A_1217, %get3A_1218] {strides = array<i32>} : memref<128x64xf32, #tpu.memory_space<vmem>>, vector<16xf32>,
      %mul3A_1220 = arith.mulf %gather3A_1209, %get3A_1219 : vector<16xf32>
      %add3A_1221 = arith.addf %add3A_1194, %mul3A_1220 : vector<16xf32>
      %get3A_1222 = arith.constant 57 : i32
      %get3A_1223 = arith.index_cast %get3A_1222 : i32 to index
      %get3A_1224 = arith.constant 32 : index
      %get3A_1225 = tpu.vector_load %arg10[%get3A_1223, %get3A_1224] {strides = array<i32>} : memref<128x64xf32, #tpu.memory_space<vmem>>, vector<16xf32>,
      %mul3A_1226 = arith.mulf %gather3A_1209, %get3A_1225 : vector<16xf32>
      %add3A_1227 = arith.addf %add3A_1200, %mul3A_1226 : vector<16xf32>
      %get3A_1228 = arith.constant 57 : i32
      %get3A_1229 = arith.index_cast %get3A_1228 : i32 to index
      %get3A_1230 = arith.constant 48 : index
      %get3A_1231 = tpu.vector_load %arg10[%get3A_1229, %get3A_1230] {strides = array<i32>} : memref<128x64xf32, #tpu.memory_space<vmem>>, vector<16xf32>,
      %mul3A_1232 = arith.mulf %gather3A_1209, %get3A_1231 : vector<16xf32>
      %add3A_1233 = arith.addf %add3A_1206, %mul3A_1232 : vector<16xf32>
      %swap3A_1234 = arith.constant 3 : i32
      %swap3A_1235 = arith.index_cast %swap3A_1234 : i32 to index
      %swap3A_1236 = arith.constant 0 : index
      %swap3A_1237 = tpu.vector_load %arg12[%swap3A_1235, %swap3A_1236] {strides = array<i32>} : memref<8x64xf32, #tpu.memory_space<vmem>>, vector<16xf32>,
      tpu.vector_store %arg12[%swap3A_1235, %swap3A_1236], %add3A_1215 {strides = array<i32>} : memref<8x64xf32, #tpu.memory_space<vmem>>, vector<16xf32>,
      %swap3A_1238 = arith.constant 3 : i32
      %swap3A_1239 = arith.index_cast %swap3A_1238 : i32 to index
      %swap3A_1240 = arith.constant 16 : index
      %swap3A_1241 = tpu.vector_load %arg12[%swap3A_1239, %swap3A_1240] {strides = array<i32>} : memref<8x64xf32, #tpu.memory_space<vmem>>, vector<16xf32>,
      tpu.vector_store %arg12[%swap3A_1239, %swap3A_1240], %add3A_1221 {strides = array<i32>} : memref<8x64xf32, #tpu.memory_space<vmem>>, vector<16xf32>,
      %swap3A_1242 = arith.constant 3 : i32
      %swap3A_1243 = arith.index_cast %swap3A_1242 : i32 to index
      %swap3A_1244 = arith.constant 32 : index
      %swap3A_1245 = tpu.vector_load %arg12[%swap3A_1243, %swap3A_1244] {strides = array<i32>} : memref<8x64xf32, #tpu.memory_space<vmem>>, vector<16xf32>,
      tpu.vector_store %arg12[%swap3A_1243, %swap3A_1244], %add3A_1227 {strides = array<i32>} : memref<8x64xf32, #tpu.memory_space<vmem>>, vector<16xf32>,
      %swap3A_1246 = arith.constant 3 : i32
      %swap3A_1247 = arith.index_cast %swap3A_1246 : i32 to index
      %swap3A_1248 = arith.constant 48 : index
      %swap3A_1249 = tpu.vector_load %arg12[%swap3A_1247, %swap3A_1248] {strides = array<i32>} : memref<8x64xf32, #tpu.memory_space<vmem>>, vector<16xf32>,
      tpu.vector_store %arg12[%swap3A_1247, %swap3A_1248], %add3A_1233 {strides = array<i32>} : memref<8x64xf32, #tpu.memory_space<vmem>>, vector<16xf32>,
      %mul3A_1250 = arith.constant 8 : i32
      %mul3A_1251 = arith.muli %scan3A_47, %mul3A_1250 : i32
      %add3A_1252 = arith.constant 4 : i32
      %add3A_1253 = arith.addi %mul3A_1251, %add3A_1252 : i32
      %broadcast_in_dim3A_1254 = vector.broadcast %add3A_1253 : i32 to vector<16xi32>
      %get3A_1255 = arith.constant 0 : index
      %get3A_1256 = tpu.vector_load %arg11[%get3A_1255] {strides = array<i32>} : memref<64xf32, #tpu.memory_space<vmem>>, vector<16xf32>,
      %get3A_1257 = arith.constant 16 : index
      %get3A_1258 = tpu.vector_load %arg11[%get3A_1257] {strides = array<i32>} : memref<64xf32, #tpu.memory_space<vmem>>, vector<16xf32>,
      %get3A_1259 = arith.constant 32 : index
      %get3A_1260 = tpu.vector_load %arg11[%get3A_1259] {strides = array<i32>} : memref<64xf32, #tpu.memory_space<vmem>>, vector<16xf32>,
      %get3A_1261 = arith.constant 48 : index
      %get3A_1262 = tpu.vector_load %arg11[%get3A_1261] {strides = array<i32>} : memref<64xf32, #tpu.memory_space<vmem>>, vector<16xf32>,
      %broadcast_in_dim3A_1263 = arith.constant 0 : i32
      %broadcast_in_dim3A_1264 = vector.broadcast %broadcast_in_dim3A_1263 : i32 to vector<16xi32>
      %gather3A_1265 = tpu.vector_load_idx %arg7[%broadcast_in_dim3A_1254, %broadcast_in_dim3A_1264] : memref<1000x16xf32, #tpu.memory_space<vmem>>[vector<16xi32>, vector<16xi32>], vector<16xf32>,
      %get3A_1266 = arith.constant 64 : i32
      %get3A_1267 = arith.index_cast %get3A_1266 : i32 to index
      %get3A_1268 = arith.constant 0 : index
      %get3A_1269 = tpu.vector_load %arg10[%get3A_1267, %get3A_1268] {strides = array<i32>} : memref<128x64xf32, #tpu.memory_space<vmem>>, vector<16xf32>,
      %mul3A_1270 = arith.mulf %gather3A_1265, %get3A_1269 : vector<16xf32>
      %add3A_1271 = arith.addf %get3A_1256, %mul3A_1270 : vector<16xf32>
      %get3A_1272 = arith.constant 64 : i32
      %get3A_1273 = arith.index_cast %get3A_1272 : i32 to index
      %get3A_1274 = arith.constant 16 : index
      %get3A_1275 = tpu.vector_load %arg10[%get3A_1273, %get3A_1274] {strides = array<i32>} : memref<128x64xf32, #tpu.memory_space<vmem>>, vector<16xf32>,
      %mul3A_1276 = arith.mulf %gather3A_1265, %get3A_1275 : vector<16xf32>
      %add3A_1277 = arith.addf %get3A_1258, %mul3A_1276 : vector<16xf32>
      %get3A_1278 = arith.constant 64 : i32
      %get3A_1279 = arith.index_cast %get3A_1278 : i32 to index
      %get3A_1280 = arith.constant 32 : index
      %get3A_1281 = tpu.vector_load %arg10[%get3A_1279, %get3A_1280] {strides = array<i32>} : memref<128x64xf32, #tpu.memory_space<vmem>>, vector<16xf32>,
      %mul3A_1282 = arith.mulf %gather3A_1265, %get3A_1281 : vector<16xf32>
      %add3A_1283 = arith.addf %get3A_1260, %mul3A_1282 : vector<16xf32>
      %get3A_1284 = arith.constant 64 : i32
      %get3A_1285 = arith.index_cast %get3A_1284 : i32 to index
      %get3A_1286 = arith.constant 48 : index
      %get3A_1287 = tpu.vector_load %arg10[%get3A_1285, %get3A_1286] {strides = array<i32>} : memref<128x64xf32, #tpu.memory_space<vmem>>, vector<16xf32>,
      %mul3A_1288 = arith.mulf %gather3A_1265, %get3A_1287 : vector<16xf32>
      %add3A_1289 = arith.addf %get3A_1262, %mul3A_1288 : vector<16xf32>
      %broadcast_in_dim3A_1290 = arith.constant 1 : i32
      %broadcast_in_dim3A_1291 = vector.broadcast %broadcast_in_dim3A_1290 : i32 to vector<16xi32>
      %gather3A_1292 = tpu.vector_load_idx %arg7[%broadcast_in_dim3A_1254, %broadcast_in_dim3A_1291] : memref<1000x16xf32, #tpu.memory_space<vmem>>[vector<16xi32>, vector<16xi32>], vector<16xf32>,
      %get3A_1293 = arith.constant 65 : i32
      %get3A_1294 = arith.index_cast %get3A_1293 : i32 to index
      %get3A_1295 = arith.constant 0 : index
      %get3A_1296 = tpu.vector_load %arg10[%get3A_1294, %get3A_1295] {strides = array<i32>} : memref<128x64xf32, #tpu.memory_space<vmem>>, vector<16xf32>,
      %mul3A_1297 = arith.mulf %gather3A_1292, %get3A_1296 : vector<16xf32>
      %add3A_1298 = arith.addf %add3A_1271, %mul3A_1297 : vector<16xf32>
      %get3A_1299 = arith.constant 65 : i32
      %get3A_1300 = arith.index_cast %get3A_1299 : i32 to index
      %get3A_1301 = arith.constant 16 : index
      %get3A_1302 = tpu.vector_load %arg10[%get3A_1300, %get3A_1301] {strides = array<i32>} : memref<128x64xf32, #tpu.memory_space<vmem>>, vector<16xf32>,
      %mul3A_1303 = arith.mulf %gather3A_1292, %get3A_1302 : vector<16xf32>
      %add3A_1304 = arith.addf %add3A_1277, %mul3A_1303 : vector<16xf32>
      %get3A_1305 = arith.constant 65 : i32
      %get3A_1306 = arith.index_cast %get3A_1305 : i32 to index
      %get3A_1307 = arith.constant 32 : index
      %get3A_1308 = tpu.vector_load %arg10[%get3A_1306, %get3A_1307] {strides = array<i32>} : memref<128x64xf32, #tpu.memory_space<vmem>>, vector<16xf32>,
      %mul3A_1309 = arith.mulf %gather3A_1292, %get3A_1308 : vector<16xf32>
      %add3A_1310 = arith.addf %add3A_1283, %mul3A_1309 : vector<16xf32>
      %get3A_1311 = arith.constant 65 : i32
      %get3A_1312 = arith.index_cast %get3A_1311 : i32 to index
      %get3A_1313 = arith.constant 48 : index
      %get3A_1314 = tpu.vector_load %arg10[%get3A_1312, %get3A_1313] {strides = array<i32>} : memref<128x64xf32, #tpu.memory_space<vmem>>, vector<16xf32>,
      %mul3A_1315 = arith.mulf %gather3A_1292, %get3A_1314 : vector<16xf32>
      %add3A_1316 = arith.addf %add3A_1289, %mul3A_1315 : vector<16xf32>
      %broadcast_in_dim3A_1317 = arith.constant 2 : i32
      %broadcast_in_dim3A_1318 = vector.broadcast %broadcast_in_dim3A_1317 : i32 to vector<16xi32>
      %gather3A_1319 = tpu.vector_load_idx %arg7[%broadcast_in_dim3A_1254, %broadcast_in_dim3A_1318] : memref<1000x16xf32, #tpu.memory_space<vmem>>[vector<16xi32>, vector<16xi32>], vector<16xf32>,
      %get3A_1320 = arith.constant 66 : i32
      %get3A_1321 = arith.index_cast %get3A_1320 : i32 to index
      %get3A_1322 = arith.constant 0 : index
      %get3A_1323 = tpu.vector_load %arg10[%get3A_1321, %get3A_1322] {strides = array<i32>} : memref<128x64xf32, #tpu.memory_space<vmem>>, vector<16xf32>,
      %mul3A_1324 = arith.mulf %gather3A_1319, %get3A_1323 : vector<16xf32>
      %add3A_1325 = arith.addf %add3A_1298, %mul3A_1324 : vector<16xf32>
      %get3A_1326 = arith.constant 66 : i32
      %get3A_1327 = arith.index_cast %get3A_1326 : i32 to index
      %get3A_1328 = arith.constant 16 : index
      %get3A_1329 = tpu.vector_load %arg10[%get3A_1327, %get3A_1328] {strides = array<i32>} : memref<128x64xf32, #tpu.memory_space<vmem>>, vector<16xf32>,
      %mul3A_1330 = arith.mulf %gather3A_1319, %get3A_1329 : vector<16xf32>
      %add3A_1331 = arith.addf %add3A_1304, %mul3A_1330 : vector<16xf32>
      %get3A_1332 = arith.constant 66 : i32
      %get3A_1333 = arith.index_cast %get3A_1332 : i32 to index
      %get3A_1334 = arith.constant 32 : index
      %get3A_1335 = tpu.vector_load %arg10[%get3A_1333, %get3A_1334] {strides = array<i32>} : memref<128x64xf32, #tpu.memory_space<vmem>>, vector<16xf32>,
      %mul3A_1336 = arith.mulf %gather3A_1319, %get3A_1335 : vector<16xf32>
      %add3A_1337 = arith.addf %add3A_1310, %mul3A_1336 : vector<16xf32>
      %get3A_1338 = arith.constant 66 : i32
      %get3A_1339 = arith.index_cast %get3A_1338 : i32 to index
      %get3A_1340 = arith.constant 48 : index
      %get3A_1341 = tpu.vector_load %arg10[%get3A_1339, %get3A_1340] {strides = array<i32>} : memref<128x64xf32, #tpu.memory_space<vmem>>, vector<16xf32>,
      %mul3A_1342 = arith.mulf %gather3A_1319, %get3A_1341 : vector<16xf32>
      %add3A_1343 = arith.addf %add3A_1316, %mul3A_1342 : vector<16xf32>
      %broadcast_in_dim3A_1344 = arith.constant 3 : i32
      %broadcast_in_dim3A_1345 = vector.broadcast %broadcast_in_dim3A_1344 : i32 to vector<16xi32>
      %gather3A_1346 = tpu.vector_load_idx %arg7[%broadcast_in_dim3A_1254, %broadcast_in_dim3A_1345] : memref<1000x16xf32, #tpu.memory_space<vmem>>[vector<16xi32>, vector<16xi32>], vector<16xf32>,
      %get3A_1347 = arith.constant 67 : i32
      %get3A_1348 = arith.index_cast %get3A_1347 : i32 to index
      %get3A_1349 = arith.constant 0 : index
      %get3A_1350 = tpu.vector_load %arg10[%get3A_1348, %get3A_1349] {strides = array<i32>} : memref<128x64xf32, #tpu.memory_space<vmem>>, vector<16xf32>,
      %mul3A_1351 = arith.mulf %gather3A_1346, %get3A_1350 : vector<16xf32>
      %add3A_1352 = arith.addf %add3A_1325, %mul3A_1351 : vector<16xf32>
      %get3A_1353 = arith.constant 67 : i32
      %get3A_1354 = arith.index_cast %get3A_1353 : i32 to index
      %get3A_1355 = arith.constant 16 : index
      %get3A_1356 = tpu.vector_load %arg10[%get3A_1354, %get3A_1355] {strides = array<i32>} : memref<128x64xf32, #tpu.memory_space<vmem>>, vector<16xf32>,
      %mul3A_1357 = arith.mulf %gather3A_1346, %get3A_1356 : vector<16xf32>
      %add3A_1358 = arith.addf %add3A_1331, %mul3A_1357 : vector<16xf32>
      %get3A_1359 = arith.constant 67 : i32
      %get3A_1360 = arith.index_cast %get3A_1359 : i32 to index
      %get3A_1361 = arith.constant 32 : index
      %get3A_1362 = tpu.vector_load %arg10[%get3A_1360, %get3A_1361] {strides = array<i32>} : memref<128x64xf32, #tpu.memory_space<vmem>>, vector<16xf32>,
      %mul3A_1363 = arith.mulf %gather3A_1346, %get3A_1362 : vector<16xf32>
      %add3A_1364 = arith.addf %add3A_1337, %mul3A_1363 : vector<16xf32>
      %get3A_1365 = arith.constant 67 : i32
      %get3A_1366 = arith.index_cast %get3A_1365 : i32 to index
      %get3A_1367 = arith.constant 48 : index
      %get3A_1368 = tpu.vector_load %arg10[%get3A_1366, %get3A_1367] {strides = array<i32>} : memref<128x64xf32, #tpu.memory_space<vmem>>, vector<16xf32>,
      %mul3A_1369 = arith.mulf %gather3A_1346, %get3A_1368 : vector<16xf32>
      %add3A_1370 = arith.addf %add3A_1343, %mul3A_1369 : vector<16xf32>
      %broadcast_in_dim3A_1371 = arith.constant 4 : i32
      %broadcast_in_dim3A_1372 = vector.broadcast %broadcast_in_dim3A_1371 : i32 to vector<16xi32>
      %gather3A_1373 = tpu.vector_load_idx %arg7[%broadcast_in_dim3A_1254, %broadcast_in_dim3A_1372] : memref<1000x16xf32, #tpu.memory_space<vmem>>[vector<16xi32>, vector<16xi32>], vector<16xf32>,
      %get3A_1374 = arith.constant 68 : i32
      %get3A_1375 = arith.index_cast %get3A_1374 : i32 to index
      %get3A_1376 = arith.constant 0 : index
      %get3A_1377 = tpu.vector_load %arg10[%get3A_1375, %get3A_1376] {strides = array<i32>} : memref<128x64xf32, #tpu.memory_space<vmem>>, vector<16xf32>,
      %mul3A_1378 = arith.mulf %gather3A_1373, %get3A_1377 : vector<16xf32>
      %add3A_1379 = arith.addf %add3A_1352, %mul3A_1378 : vector<16xf32>
      %get3A_1380 = arith.constant 68 : i32
      %get3A_1381 = arith.index_cast %get3A_1380 : i32 to index
      %get3A_1382 = arith.constant 16 : index
      %get3A_1383 = tpu.vector_load %arg10[%get3A_1381, %get3A_1382] {strides = array<i32>} : memref<128x64xf32, #tpu.memory_space<vmem>>, vector<16xf32>,
      %mul3A_1384 = arith.mulf %gather3A_1373, %get3A_1383 : vector<16xf32>
      %add3A_1385 = arith.addf %add3A_1358, %mul3A_1384 : vector<16xf32>
      %get3A_1386 = arith.constant 68 : i32
      %get3A_1387 = arith.index_cast %get3A_1386 : i32 to index
      %get3A_1388 = arith.constant 32 : index
      %get3A_1389 = tpu.vector_load %arg10[%get3A_1387, %get3A_1388] {strides = array<i32>} : memref<128x64xf32, #tpu.memory_space<vmem>>, vector<16xf32>,
      %mul3A_1390 = arith.mulf %gather3A_1373, %get3A_1389 : vector<16xf32>
      %add3A_1391 = arith.addf %add3A_1364, %mul3A_1390 : vector<16xf32>
      %get3A_1392 = arith.constant 68 : i32
      %get3A_1393 = arith.index_cast %get3A_1392 : i32 to index
      %get3A_1394 = arith.constant 48 : index
      %get3A_1395 = tpu.vector_load %arg10[%get3A_1393, %get3A_1394] {strides = array<i32>} : memref<128x64xf32, #tpu.memory_space<vmem>>, vector<16xf32>,
      %mul3A_1396 = arith.mulf %gather3A_1373, %get3A_1395 : vector<16xf32>
      %add3A_1397 = arith.addf %add3A_1370, %mul3A_1396 : vector<16xf32>
      %broadcast_in_dim3A_1398 = arith.constant 5 : i32
      %broadcast_in_dim3A_1399 = vector.broadcast %broadcast_in_dim3A_1398 : i32 to vector<16xi32>
      %gather3A_1400 = tpu.vector_load_idx %arg7[%broadcast_in_dim3A_1254, %broadcast_in_dim3A_1399] : memref<1000x16xf32, #tpu.memory_space<vmem>>[vector<16xi32>, vector<16xi32>], vector<16xf32>,
      %get3A_1401 = arith.constant 69 : i32
      %get3A_1402 = arith.index_cast %get3A_1401 : i32 to index
      %get3A_1403 = arith.constant 0 : index
      %get3A_1404 = tpu.vector_load %arg10[%get3A_1402, %get3A_1403] {strides = array<i32>} : memref<128x64xf32, #tpu.memory_space<vmem>>, vector<16xf32>,
      %mul3A_1405 = arith.mulf %gather3A_1400, %get3A_1404 : vector<16xf32>
      %add3A_1406 = arith.addf %add3A_1379, %mul3A_1405 : vector<16xf32>
      %get3A_1407 = arith.constant 69 : i32
      %get3A_1408 = arith.index_cast %get3A_1407 : i32 to index
      %get3A_1409 = arith.constant 16 : index
      %get3A_1410 = tpu.vector_load %arg10[%get3A_1408, %get3A_1409] {strides = array<i32>} : memref<128x64xf32, #tpu.memory_space<vmem>>, vector<16xf32>,
      %mul3A_1411 = arith.mulf %gather3A_1400, %get3A_1410 : vector<16xf32>
      %add3A_1412 = arith.addf %add3A_1385, %mul3A_1411 : vector<16xf32>
      %get3A_1413 = arith.constant 69 : i32
      %get3A_1414 = arith.index_cast %get3A_1413 : i32 to index
      %get3A_1415 = arith.constant 32 : index
      %get3A_1416 = tpu.vector_load %arg10[%get3A_1414, %get3A_1415] {strides = array<i32>} : memref<128x64xf32, #tpu.memory_space<vmem>>, vector<16xf32>,
      %mul3A_1417 = arith.mulf %gather3A_1400, %get3A_1416 : vector<16xf32>
      %add3A_1418 = arith.addf %add3A_1391, %mul3A_1417 : vector<16xf32>
      %get3A_1419 = arith.constant 69 : i32
      %get3A_1420 = arith.index_cast %get3A_1419 : i32 to index
      %get3A_1421 = arith.constant 48 : index
      %get3A_1422 = tpu.vector_load %arg10[%get3A_1420, %get3A_1421] {strides = array<i32>} : memref<128x64xf32, #tpu.memory_space<vmem>>, vector<16xf32>,
      %mul3A_1423 = arith.mulf %gather3A_1400, %get3A_1422 : vector<16xf32>
      %add3A_1424 = arith.addf %add3A_1397, %mul3A_1423 : vector<16xf32>
      %broadcast_in_dim3A_1425 = arith.constant 6 : i32
      %broadcast_in_dim3A_1426 = vector.broadcast %broadcast_in_dim3A_1425 : i32 to vector<16xi32>
      %gather3A_1427 = tpu.vector_load_idx %arg7[%broadcast_in_dim3A_1254, %broadcast_in_dim3A_1426] : memref<1000x16xf32, #tpu.memory_space<vmem>>[vector<16xi32>, vector<16xi32>], vector<16xf32>,
      %get3A_1428 = arith.constant 70 : i32
      %get3A_1429 = arith.index_cast %get3A_1428 : i32 to index
      %get3A_1430 = arith.constant 0 : index
      %get3A_1431 = tpu.vector_load %arg10[%get3A_1429, %get3A_1430] {strides = array<i32>} : memref<128x64xf32, #tpu.memory_space<vmem>>, vector<16xf32>,
      %mul3A_1432 = arith.mulf %gather3A_1427, %get3A_1431 : vector<16xf32>
      %add3A_1433 = arith.addf %add3A_1406, %mul3A_1432 : vector<16xf32>
      %get3A_1434 = arith.constant 70 : i32
      %get3A_1435 = arith.index_cast %get3A_1434 : i32 to index
      %get3A_1436 = arith.constant 16 : index
      %get3A_1437 = tpu.vector_load %arg10[%get3A_1435, %get3A_1436] {strides = array<i32>} : memref<128x64xf32, #tpu.memory_space<vmem>>, vector<16xf32>,
      %mul3A_1438 = arith.mulf %gather3A_1427, %get3A_1437 : vector<16xf32>
      %add3A_1439 = arith.addf %add3A_1412, %mul3A_1438 : vector<16xf32>
      %get3A_1440 = arith.constant 70 : i32
      %get3A_1441 = arith.index_cast %get3A_1440 : i32 to index
      %get3A_1442 = arith.constant 32 : index
      %get3A_1443 = tpu.vector_load %arg10[%get3A_1441, %get3A_1442] {strides = array<i32>} : memref<128x64xf32, #tpu.memory_space<vmem>>, vector<16xf32>,
      %mul3A_1444 = arith.mulf %gather3A_1427, %get3A_1443 : vector<16xf32>
      %add3A_1445 = arith.addf %add3A_1418, %mul3A_1444 : vector<16xf32>
      %get3A_1446 = arith.constant 70 : i32
      %get3A_1447 = arith.index_cast %get3A_1446 : i32 to index
      %get3A_1448 = arith.constant 48 : index
      %get3A_1449 = tpu.vector_load %arg10[%get3A_1447, %get3A_1448] {strides = array<i32>} : memref<128x64xf32, #tpu.memory_space<vmem>>, vector<16xf32>,
      %mul3A_1450 = arith.mulf %gather3A_1427, %get3A_1449 : vector<16xf32>
      %add3A_1451 = arith.addf %add3A_1424, %mul3A_1450 : vector<16xf32>
      %broadcast_in_dim3A_1452 = arith.constant 7 : i32
      %broadcast_in_dim3A_1453 = vector.broadcast %broadcast_in_dim3A_1452 : i32 to vector<16xi32>
      %gather3A_1454 = tpu.vector_load_idx %arg7[%broadcast_in_dim3A_1254, %broadcast_in_dim3A_1453] : memref<1000x16xf32, #tpu.memory_space<vmem>>[vector<16xi32>, vector<16xi32>], vector<16xf32>,
      %get3A_1455 = arith.constant 71 : i32
      %get3A_1456 = arith.index_cast %get3A_1455 : i32 to index
      %get3A_1457 = arith.constant 0 : index
      %get3A_1458 = tpu.vector_load %arg10[%get3A_1456, %get3A_1457] {strides = array<i32>} : memref<128x64xf32, #tpu.memory_space<vmem>>, vector<16xf32>,
      %mul3A_1459 = arith.mulf %gather3A_1454, %get3A_1458 : vector<16xf32>
      %add3A_1460 = arith.addf %add3A_1433, %mul3A_1459 : vector<16xf32>
      %get3A_1461 = arith.constant 71 : i32
      %get3A_1462 = arith.index_cast %get3A_1461 : i32 to index
      %get3A_1463 = arith.constant 16 : index
      %get3A_1464 = tpu.vector_load %arg10[%get3A_1462, %get3A_1463] {strides = array<i32>} : memref<128x64xf32, #tpu.memory_space<vmem>>, vector<16xf32>,
      %mul3A_1465 = arith.mulf %gather3A_1454, %get3A_1464 : vector<16xf32>
      %add3A_1466 = arith.addf %add3A_1439, %mul3A_1465 : vector<16xf32>
      %get3A_1467 = arith.constant 71 : i32
      %get3A_1468 = arith.index_cast %get3A_1467 : i32 to index
      %get3A_1469 = arith.constant 32 : index
      %get3A_1470 = tpu.vector_load %arg10[%get3A_1468, %get3A_1469] {strides = array<i32>} : memref<128x64xf32, #tpu.memory_space<vmem>>, vector<16xf32>,
      %mul3A_1471 = arith.mulf %gather3A_1454, %get3A_1470 : vector<16xf32>
      %add3A_1472 = arith.addf %add3A_1445, %mul3A_1471 : vector<16xf32>
      %get3A_1473 = arith.constant 71 : i32
      %get3A_1474 = arith.index_cast %get3A_1473 : i32 to index
      %get3A_1475 = arith.constant 48 : index
      %get3A_1476 = tpu.vector_load %arg10[%get3A_1474, %get3A_1475] {strides = array<i32>} : memref<128x64xf32, #tpu.memory_space<vmem>>, vector<16xf32>,
      %mul3A_1477 = arith.mulf %gather3A_1454, %get3A_1476 : vector<16xf32>
      %add3A_1478 = arith.addf %add3A_1451, %mul3A_1477 : vector<16xf32>
      %broadcast_in_dim3A_1479 = arith.constant 8 : i32
      %broadcast_in_dim3A_1480 = vector.broadcast %broadcast_in_dim3A_1479 : i32 to vector<16xi32>
      %gather3A_1481 = tpu.vector_load_idx %arg7[%broadcast_in_dim3A_1254, %broadcast_in_dim3A_1480] : memref<1000x16xf32, #tpu.memory_space<vmem>>[vector<16xi32>, vector<16xi32>], vector<16xf32>,
      %get3A_1482 = arith.constant 72 : i32
      %get3A_1483 = arith.index_cast %get3A_1482 : i32 to index
      %get3A_1484 = arith.constant 0 : index
      %get3A_1485 = tpu.vector_load %arg10[%get3A_1483, %get3A_1484] {strides = array<i32>} : memref<128x64xf32, #tpu.memory_space<vmem>>, vector<16xf32>,
      %mul3A_1486 = arith.mulf %gather3A_1481, %get3A_1485 : vector<16xf32>
      %add3A_1487 = arith.addf %add3A_1460, %mul3A_1486 : vector<16xf32>
      %get3A_1488 = arith.constant 72 : i32
      %get3A_1489 = arith.index_cast %get3A_1488 : i32 to index
      %get3A_1490 = arith.constant 16 : index
      %get3A_1491 = tpu.vector_load %arg10[%get3A_1489, %get3A_1490] {strides = array<i32>} : memref<128x64xf32, #tpu.memory_space<vmem>>, vector<16xf32>,
      %mul3A_1492 = arith.mulf %gather3A_1481, %get3A_1491 : vector<16xf32>
      %add3A_1493 = arith.addf %add3A_1466, %mul3A_1492 : vector<16xf32>
      %get3A_1494 = arith.constant 72 : i32
      %get3A_1495 = arith.index_cast %get3A_1494 : i32 to index
      %get3A_1496 = arith.constant 32 : index
      %get3A_1497 = tpu.vector_load %arg10[%get3A_1495, %get3A_1496] {strides = array<i32>} : memref<128x64xf32, #tpu.memory_space<vmem>>, vector<16xf32>,
      %mul3A_1498 = arith.mulf %gather3A_1481, %get3A_1497 : vector<16xf32>
      %add3A_1499 = arith.addf %add3A_1472, %mul3A_1498 : vector<16xf32>
      %get3A_1500 = arith.constant 72 : i32
      %get3A_1501 = arith.index_cast %get3A_1500 : i32 to index
      %get3A_1502 = arith.constant 48 : index
      %get3A_1503 = tpu.vector_load %arg10[%get3A_1501, %get3A_1502] {strides = array<i32>} : memref<128x64xf32, #tpu.memory_space<vmem>>, vector<16xf32>,
      %mul3A_1504 = arith.mulf %gather3A_1481, %get3A_1503 : vector<16xf32>
      %add3A_1505 = arith.addf %add3A_1478, %mul3A_1504 : vector<16xf32>
      %broadcast_in_dim3A_1506 = arith.constant 9 : i32
      %broadcast_in_dim3A_1507 = vector.broadcast %broadcast_in_dim3A_1506 : i32 to vector<16xi32>
      %gather3A_1508 = tpu.vector_load_idx %arg7[%broadcast_in_dim3A_1254, %broadcast_in_dim3A_1507] : memref<1000x16xf32, #tpu.memory_space<vmem>>[vector<16xi32>, vector<16xi32>], vector<16xf32>,
      %get3A_1509 = arith.constant 73 : i32
      %get3A_1510 = arith.index_cast %get3A_1509 : i32 to index
      %get3A_1511 = arith.constant 0 : index
      %get3A_1512 = tpu.vector_load %arg10[%get3A_1510, %get3A_1511] {strides = array<i32>} : memref<128x64xf32, #tpu.memory_space<vmem>>, vector<16xf32>,
      %mul3A_1513 = arith.mulf %gather3A_1508, %get3A_1512 : vector<16xf32>
      %add3A_1514 = arith.addf %add3A_1487, %mul3A_1513 : vector<16xf32>
      %get3A_1515 = arith.constant 73 : i32
      %get3A_1516 = arith.index_cast %get3A_1515 : i32 to index
      %get3A_1517 = arith.constant 16 : index
      %get3A_1518 = tpu.vector_load %arg10[%get3A_1516, %get3A_1517] {strides = array<i32>} : memref<128x64xf32, #tpu.memory_space<vmem>>, vector<16xf32>,
      %mul3A_1519 = arith.mulf %gather3A_1508, %get3A_1518 : vector<16xf32>
      %add3A_1520 = arith.addf %add3A_1493, %mul3A_1519 : vector<16xf32>
      %get3A_1521 = arith.constant 73 : i32
      %get3A_1522 = arith.index_cast %get3A_1521 : i32 to index
      %get3A_1523 = arith.constant 32 : index
      %get3A_1524 = tpu.vector_load %arg10[%get3A_1522, %get3A_1523] {strides = array<i32>} : memref<128x64xf32, #tpu.memory_space<vmem>>, vector<16xf32>,
      %mul3A_1525 = arith.mulf %gather3A_1508, %get3A_1524 : vector<16xf32>
      %add3A_1526 = arith.addf %add3A_1499, %mul3A_1525 : vector<16xf32>
      %get3A_1527 = arith.constant 73 : i32
      %get3A_1528 = arith.index_cast %get3A_1527 : i32 to index
      %get3A_1529 = arith.constant 48 : index
      %get3A_1530 = tpu.vector_load %arg10[%get3A_1528, %get3A_1529] {strides = array<i32>} : memref<128x64xf32, #tpu.memory_space<vmem>>, vector<16xf32>,
      %mul3A_1531 = arith.mulf %gather3A_1508, %get3A_1530 : vector<16xf32>
      %add3A_1532 = arith.addf %add3A_1505, %mul3A_1531 : vector<16xf32>
      %swap3A_1533 = arith.constant 4 : i32
      %swap3A_1534 = arith.index_cast %swap3A_1533 : i32 to index
      %swap3A_1535 = arith.constant 0 : index
      %swap3A_1536 = tpu.vector_load %arg12[%swap3A_1534, %swap3A_1535] {strides = array<i32>} : memref<8x64xf32, #tpu.memory_space<vmem>>, vector<16xf32>,
      tpu.vector_store %arg12[%swap3A_1534, %swap3A_1535], %add3A_1514 {strides = array<i32>} : memref<8x64xf32, #tpu.memory_space<vmem>>, vector<16xf32>,
      %swap3A_1537 = arith.constant 4 : i32
      %swap3A_1538 = arith.index_cast %swap3A_1537 : i32 to index
      %swap3A_1539 = arith.constant 16 : index
      %swap3A_1540 = tpu.vector_load %arg12[%swap3A_1538, %swap3A_1539] {strides = array<i32>} : memref<8x64xf32, #tpu.memory_space<vmem>>, vector<16xf32>,
      tpu.vector_store %arg12[%swap3A_1538, %swap3A_1539], %add3A_1520 {strides = array<i32>} : memref<8x64xf32, #tpu.memory_space<vmem>>, vector<16xf32>,
      %swap3A_1541 = arith.constant 4 : i32
      %swap3A_1542 = arith.index_cast %swap3A_1541 : i32 to index
      %swap3A_1543 = arith.constant 32 : index
      %swap3A_1544 = tpu.vector_load %arg12[%swap3A_1542, %swap3A_1543] {strides = array<i32>} : memref<8x64xf32, #tpu.memory_space<vmem>>, vector<16xf32>,
      tpu.vector_store %arg12[%swap3A_1542, %swap3A_1543], %add3A_1526 {strides = array<i32>} : memref<8x64xf32, #tpu.memory_space<vmem>>, vector<16xf32>,
      %swap3A_1545 = arith.constant 4 : i32
      %swap3A_1546 = arith.index_cast %swap3A_1545 : i32 to index
      %swap3A_1547 = arith.constant 48 : index
      %swap3A_1548 = tpu.vector_load %arg12[%swap3A_1546, %swap3A_1547] {strides = array<i32>} : memref<8x64xf32, #tpu.memory_space<vmem>>, vector<16xf32>,
      tpu.vector_store %arg12[%swap3A_1546, %swap3A_1547], %add3A_1532 {strides = array<i32>} : memref<8x64xf32, #tpu.memory_space<vmem>>, vector<16xf32>,
      %mul3A_1549 = arith.constant 8 : i32
      %mul3A_1550 = arith.muli %scan3A_47, %mul3A_1549 : i32
      %add3A_1551 = arith.constant 5 : i32
      %add3A_1552 = arith.addi %mul3A_1550, %add3A_1551 : i32
      %broadcast_in_dim3A_1553 = vector.broadcast %add3A_1552 : i32 to vector<16xi32>
      %get3A_1554 = arith.constant 0 : index
      %get3A_1555 = tpu.vector_load %arg11[%get3A_1554] {strides = array<i32>} : memref<64xf32, #tpu.memory_space<vmem>>, vector<16xf32>,
      %get3A_1556 = arith.constant 16 : index
      %get3A_1557 = tpu.vector_load %arg11[%get3A_1556] {strides = array<i32>} : memref<64xf32, #tpu.memory_space<vmem>>, vector<16xf32>,
      %get3A_1558 = arith.constant 32 : index
      %get3A_1559 = tpu.vector_load %arg11[%get3A_1558] {strides = array<i32>} : memref<64xf32, #tpu.memory_space<vmem>>, vector<16xf32>,
      %get3A_1560 = arith.constant 48 : index
      %get3A_1561 = tpu.vector_load %arg11[%get3A_1560] {strides = array<i32>} : memref<64xf32, #tpu.memory_space<vmem>>, vector<16xf32>,
      %broadcast_in_dim3A_1562 = arith.constant 0 : i32
      %broadcast_in_dim3A_1563 = vector.broadcast %broadcast_in_dim3A_1562 : i32 to vector<16xi32>
      %gather3A_1564 = tpu.vector_load_idx %arg7[%broadcast_in_dim3A_1553, %broadcast_in_dim3A_1563] : memref<1000x16xf32, #tpu.memory_space<vmem>>[vector<16xi32>, vector<16xi32>], vector<16xf32>,
      %get3A_1565 = arith.constant 80 : i32
      %get3A_1566 = arith.index_cast %get3A_1565 : i32 to index
      %get3A_1567 = arith.constant 0 : index
      %get3A_1568 = tpu.vector_load %arg10[%get3A_1566, %get3A_1567] {strides = array<i32>} : memref<128x64xf32, #tpu.memory_space<vmem>>, vector<16xf32>,
      %mul3A_1569 = arith.mulf %gather3A_1564, %get3A_1568 : vector<16xf32>
      %add3A_1570 = arith.addf %get3A_1555, %mul3A_1569 : vector<16xf32>
      %get3A_1571 = arith.constant 80 : i32
      %get3A_1572 = arith.index_cast %get3A_1571 : i32 to index
      %get3A_1573 = arith.constant 16 : index
      %get3A_1574 = tpu.vector_load %arg10[%get3A_1572, %get3A_1573] {strides = array<i32>} : memref<128x64xf32, #tpu.memory_space<vmem>>, vector<16xf32>,
      %mul3A_1575 = arith.mulf %gather3A_1564, %get3A_1574 : vector<16xf32>
      %add3A_1576 = arith.addf %get3A_1557, %mul3A_1575 : vector<16xf32>
      %get3A_1577 = arith.constant 80 : i32
      %get3A_1578 = arith.index_cast %get3A_1577 : i32 to index
      %get3A_1579 = arith.constant 32 : index
      %get3A_1580 = tpu.vector_load %arg10[%get3A_1578, %get3A_1579] {strides = array<i32>} : memref<128x64xf32, #tpu.memory_space<vmem>>, vector<16xf32>,
      %mul3A_1581 = arith.mulf %gather3A_1564, %get3A_1580 : vector<16xf32>
      %add3A_1582 = arith.addf %get3A_1559, %mul3A_1581 : vector<16xf32>
      %get3A_1583 = arith.constant 80 : i32
      %get3A_1584 = arith.index_cast %get3A_1583 : i32 to index
      %get3A_1585 = arith.constant 48 : index
      %get3A_1586 = tpu.vector_load %arg10[%get3A_1584, %get3A_1585] {strides = array<i32>} : memref<128x64xf32, #tpu.memory_space<vmem>>, vector<16xf32>,
      %mul3A_1587 = arith.mulf %gather3A_1564, %get3A_1586 : vector<16xf32>
      %add3A_1588 = arith.addf %get3A_1561, %mul3A_1587 : vector<16xf32>
      %broadcast_in_dim3A_1589 = arith.constant 1 : i32
      %broadcast_in_dim3A_1590 = vector.broadcast %broadcast_in_dim3A_1589 : i32 to vector<16xi32>
      %gather3A_1591 = tpu.vector_load_idx %arg7[%broadcast_in_dim3A_1553, %broadcast_in_dim3A_1590] : memref<1000x16xf32, #tpu.memory_space<vmem>>[vector<16xi32>, vector<16xi32>], vector<16xf32>,
      %get3A_1592 = arith.constant 81 : i32
      %get3A_1593 = arith.index_cast %get3A_1592 : i32 to index
      %get3A_1594 = arith.constant 0 : index
      %get3A_1595 = tpu.vector_load %arg10[%get3A_1593, %get3A_1594] {strides = array<i32>} : memref<128x64xf32, #tpu.memory_space<vmem>>, vector<16xf32>,
      %mul3A_1596 = arith.mulf %gather3A_1591, %get3A_1595 : vector<16xf32>
      %add3A_1597 = arith.addf %add3A_1570, %mul3A_1596 : vector<16xf32>
      %get3A_1598 = arith.constant 81 : i32
      %get3A_1599 = arith.index_cast %get3A_1598 : i32 to index
      %get3A_1600 = arith.constant 16 : index
      %get3A_1601 = tpu.vector_load %arg10[%get3A_1599, %get3A_1600] {strides = array<i32>} : memref<128x64xf32, #tpu.memory_space<vmem>>, vector<16xf32>,
      %mul3A_1602 = arith.mulf %gather3A_1591, %get3A_1601 : vector<16xf32>
      %add3A_1603 = arith.addf %add3A_1576, %mul3A_1602 : vector<16xf32>
      %get3A_1604 = arith.constant 81 : i32
      %get3A_1605 = arith.index_cast %get3A_1604 : i32 to index
      %get3A_1606 = arith.constant 32 : index
      %get3A_1607 = tpu.vector_load %arg10[%get3A_1605, %get3A_1606] {strides = array<i32>} : memref<128x64xf32, #tpu.memory_space<vmem>>, vector<16xf32>,
      %mul3A_1608 = arith.mulf %gather3A_1591, %get3A_1607 : vector<16xf32>
      %add3A_1609 = arith.addf %add3A_1582, %mul3A_1608 : vector<16xf32>
      %get3A_1610 = arith.constant 81 : i32
      %get3A_1611 = arith.index_cast %get3A_1610 : i32 to index
      %get3A_1612 = arith.constant 48 : index
      %get3A_1613 = tpu.vector_load %arg10[%get3A_1611, %get3A_1612] {strides = array<i32>} : memref<128x64xf32, #tpu.memory_space<vmem>>, vector<16xf32>,
      %mul3A_1614 = arith.mulf %gather3A_1591, %get3A_1613 : vector<16xf32>
      %add3A_1615 = arith.addf %add3A_1588, %mul3A_1614 : vector<16xf32>
      %broadcast_in_dim3A_1616 = arith.constant 2 : i32
      %broadcast_in_dim3A_1617 = vector.broadcast %broadcast_in_dim3A_1616 : i32 to vector<16xi32>
      %gather3A_1618 = tpu.vector_load_idx %arg7[%broadcast_in_dim3A_1553, %broadcast_in_dim3A_1617] : memref<1000x16xf32, #tpu.memory_space<vmem>>[vector<16xi32>, vector<16xi32>], vector<16xf32>,
      %get3A_1619 = arith.constant 82 : i32
      %get3A_1620 = arith.index_cast %get3A_1619 : i32 to index
      %get3A_1621 = arith.constant 0 : index
      %get3A_1622 = tpu.vector_load %arg10[%get3A_1620, %get3A_1621] {strides = array<i32>} : memref<128x64xf32, #tpu.memory_space<vmem>>, vector<16xf32>,
      %mul3A_1623 = arith.mulf %gather3A_1618, %get3A_1622 : vector<16xf32>
      %add3A_1624 = arith.addf %add3A_1597, %mul3A_1623 : vector<16xf32>
      %get3A_1625 = arith.constant 82 : i32
      %get3A_1626 = arith.index_cast %get3A_1625 : i32 to index
      %get3A_1627 = arith.constant 16 : index
      %get3A_1628 = tpu.vector_load %arg10[%get3A_1626, %get3A_1627] {strides = array<i32>} : memref<128x64xf32, #tpu.memory_space<vmem>>, vector<16xf32>,
      %mul3A_1629 = arith.mulf %gather3A_1618, %get3A_1628 : vector<16xf32>
      %add3A_1630 = arith.addf %add3A_1603, %mul3A_1629 : vector<16xf32>
      %get3A_1631 = arith.constant 82 : i32
      %get3A_1632 = arith.index_cast %get3A_1631 : i32 to index
      %get3A_1633 = arith.constant 32 : index
      %get3A_1634 = tpu.vector_load %arg10[%get3A_1632, %get3A_1633] {strides = array<i32>} : memref<128x64xf32, #tpu.memory_space<vmem>>, vector<16xf32>,
      %mul3A_1635 = arith.mulf %gather3A_1618, %get3A_1634 : vector<16xf32>
      %add3A_1636 = arith.addf %add3A_1609, %mul3A_1635 : vector<16xf32>
      %get3A_1637 = arith.constant 82 : i32
      %get3A_1638 = arith.index_cast %get3A_1637 : i32 to index
      %get3A_1639 = arith.constant 48 : index
      %get3A_1640 = tpu.vector_load %arg10[%get3A_1638, %get3A_1639] {strides = array<i32>} : memref<128x64xf32, #tpu.memory_space<vmem>>, vector<16xf32>,
      %mul3A_1641 = arith.mulf %gather3A_1618, %get3A_1640 : vector<16xf32>
      %add3A_1642 = arith.addf %add3A_1615, %mul3A_1641 : vector<16xf32>
      %broadcast_in_dim3A_1643 = arith.constant 3 : i32
      %broadcast_in_dim3A_1644 = vector.broadcast %broadcast_in_dim3A_1643 : i32 to vector<16xi32>
      %gather3A_1645 = tpu.vector_load_idx %arg7[%broadcast_in_dim3A_1553, %broadcast_in_dim3A_1644] : memref<1000x16xf32, #tpu.memory_space<vmem>>[vector<16xi32>, vector<16xi32>], vector<16xf32>,
      %get3A_1646 = arith.constant 83 : i32
      %get3A_1647 = arith.index_cast %get3A_1646 : i32 to index
      %get3A_1648 = arith.constant 0 : index
      %get3A_1649 = tpu.vector_load %arg10[%get3A_1647, %get3A_1648] {strides = array<i32>} : memref<128x64xf32, #tpu.memory_space<vmem>>, vector<16xf32>,
      %mul3A_1650 = arith.mulf %gather3A_1645, %get3A_1649 : vector<16xf32>
      %add3A_1651 = arith.addf %add3A_1624, %mul3A_1650 : vector<16xf32>
      %get3A_1652 = arith.constant 83 : i32
      %get3A_1653 = arith.index_cast %get3A_1652 : i32 to index
      %get3A_1654 = arith.constant 16 : index
      %get3A_1655 = tpu.vector_load %arg10[%get3A_1653, %get3A_1654] {strides = array<i32>} : memref<128x64xf32, #tpu.memory_space<vmem>>, vector<16xf32>,
      %mul3A_1656 = arith.mulf %gather3A_1645, %get3A_1655 : vector<16xf32>
      %add3A_1657 = arith.addf %add3A_1630, %mul3A_1656 : vector<16xf32>
      %get3A_1658 = arith.constant 83 : i32
      %get3A_1659 = arith.index_cast %get3A_1658 : i32 to index
      %get3A_1660 = arith.constant 32 : index
      %get3A_1661 = tpu.vector_load %arg10[%get3A_1659, %get3A_1660] {strides = array<i32>} : memref<128x64xf32, #tpu.memory_space<vmem>>, vector<16xf32>,
      %mul3A_1662 = arith.mulf %gather3A_1645, %get3A_1661 : vector<16xf32>
      %add3A_1663 = arith.addf %add3A_1636, %mul3A_1662 : vector<16xf32>
      %get3A_1664 = arith.constant 83 : i32
      %get3A_1665 = arith.index_cast %get3A_1664 : i32 to index
      %get3A_1666 = arith.constant 48 : index
      %get3A_1667 = tpu.vector_load %arg10[%get3A_1665, %get3A_1666] {strides = array<i32>} : memref<128x64xf32, #tpu.memory_space<vmem>>, vector<16xf32>,
      %mul3A_1668 = arith.mulf %gather3A_1645, %get3A_1667 : vector<16xf32>
      %add3A_1669 = arith.addf %add3A_1642, %mul3A_1668 : vector<16xf32>
      %broadcast_in_dim3A_1670 = arith.constant 4 : i32
      %broadcast_in_dim3A_1671 = vector.broadcast %broadcast_in_dim3A_1670 : i32 to vector<16xi32>
      %gather3A_1672 = tpu.vector_load_idx %arg7[%broadcast_in_dim3A_1553, %broadcast_in_dim3A_1671] : memref<1000x16xf32, #tpu.memory_space<vmem>>[vector<16xi32>, vector<16xi32>], vector<16xf32>,
      %get3A_1673 = arith.constant 84 : i32
      %get3A_1674 = arith.index_cast %get3A_1673 : i32 to index
      %get3A_1675 = arith.constant 0 : index
      %get3A_1676 = tpu.vector_load %arg10[%get3A_1674, %get3A_1675] {strides = array<i32>} : memref<128x64xf32, #tpu.memory_space<vmem>>, vector<16xf32>,
      %mul3A_1677 = arith.mulf %gather3A_1672, %get3A_1676 : vector<16xf32>
      %add3A_1678 = arith.addf %add3A_1651, %mul3A_1677 : vector<16xf32>
      %get3A_1679 = arith.constant 84 : i32
      %get3A_1680 = arith.index_cast %get3A_1679 : i32 to index
      %get3A_1681 = arith.constant 16 : index
      %get3A_1682 = tpu.vector_load %arg10[%get3A_1680, %get3A_1681] {strides = array<i32>} : memref<128x64xf32, #tpu.memory_space<vmem>>, vector<16xf32>,
      %mul3A_1683 = arith.mulf %gather3A_1672, %get3A_1682 : vector<16xf32>
      %add3A_1684 = arith.addf %add3A_1657, %mul3A_1683 : vector<16xf32>
      %get3A_1685 = arith.constant 84 : i32
      %get3A_1686 = arith.index_cast %get3A_1685 : i32 to index
      %get3A_1687 = arith.constant 32 : index
      %get3A_1688 = tpu.vector_load %arg10[%get3A_1686, %get3A_1687] {strides = array<i32>} : memref<128x64xf32, #tpu.memory_space<vmem>>, vector<16xf32>,
      %mul3A_1689 = arith.mulf %gather3A_1672, %get3A_1688 : vector<16xf32>
      %add3A_1690 = arith.addf %add3A_1663, %mul3A_1689 : vector<16xf32>
      %get3A_1691 = arith.constant 84 : i32
      %get3A_1692 = arith.index_cast %get3A_1691 : i32 to index
      %get3A_1693 = arith.constant 48 : index
      %get3A_1694 = tpu.vector_load %arg10[%get3A_1692, %get3A_1693] {strides = array<i32>} : memref<128x64xf32, #tpu.memory_space<vmem>>, vector<16xf32>,
      %mul3A_1695 = arith.mulf %gather3A_1672, %get3A_1694 : vector<16xf32>
      %add3A_1696 = arith.addf %add3A_1669, %mul3A_1695 : vector<16xf32>
      %broadcast_in_dim3A_1697 = arith.constant 5 : i32
      %broadcast_in_dim3A_1698 = vector.broadcast %broadcast_in_dim3A_1697 : i32 to vector<16xi32>
      %gather3A_1699 = tpu.vector_load_idx %arg7[%broadcast_in_dim3A_1553, %broadcast_in_dim3A_1698] : memref<1000x16xf32, #tpu.memory_space<vmem>>[vector<16xi32>, vector<16xi32>], vector<16xf32>,
      %get3A_1700 = arith.constant 85 : i32
      %get3A_1701 = arith.index_cast %get3A_1700 : i32 to index
      %get3A_1702 = arith.constant 0 : index
      %get3A_1703 = tpu.vector_load %arg10[%get3A_1701, %get3A_1702] {strides = array<i32>} : memref<128x64xf32, #tpu.memory_space<vmem>>, vector<16xf32>,
      %mul3A_1704 = arith.mulf %gather3A_1699, %get3A_1703 : vector<16xf32>
      %add3A_1705 = arith.addf %add3A_1678, %mul3A_1704 : vector<16xf32>
      %get3A_1706 = arith.constant 85 : i32
      %get3A_1707 = arith.index_cast %get3A_1706 : i32 to index
      %get3A_1708 = arith.constant 16 : index
      %get3A_1709 = tpu.vector_load %arg10[%get3A_1707, %get3A_1708] {strides = array<i32>} : memref<128x64xf32, #tpu.memory_space<vmem>>, vector<16xf32>,
      %mul3A_1710 = arith.mulf %gather3A_1699, %get3A_1709 : vector<16xf32>
      %add3A_1711 = arith.addf %add3A_1684, %mul3A_1710 : vector<16xf32>
      %get3A_1712 = arith.constant 85 : i32
      %get3A_1713 = arith.index_cast %get3A_1712 : i32 to index
      %get3A_1714 = arith.constant 32 : index
      %get3A_1715 = tpu.vector_load %arg10[%get3A_1713, %get3A_1714] {strides = array<i32>} : memref<128x64xf32, #tpu.memory_space<vmem>>, vector<16xf32>,
      %mul3A_1716 = arith.mulf %gather3A_1699, %get3A_1715 : vector<16xf32>
      %add3A_1717 = arith.addf %add3A_1690, %mul3A_1716 : vector<16xf32>
      %get3A_1718 = arith.constant 85 : i32
      %get3A_1719 = arith.index_cast %get3A_1718 : i32 to index
      %get3A_1720 = arith.constant 48 : index
      %get3A_1721 = tpu.vector_load %arg10[%get3A_1719, %get3A_1720] {strides = array<i32>} : memref<128x64xf32, #tpu.memory_space<vmem>>, vector<16xf32>,
      %mul3A_1722 = arith.mulf %gather3A_1699, %get3A_1721 : vector<16xf32>
      %add3A_1723 = arith.addf %add3A_1696, %mul3A_1722 : vector<16xf32>
      %broadcast_in_dim3A_1724 = arith.constant 6 : i32
      %broadcast_in_dim3A_1725 = vector.broadcast %broadcast_in_dim3A_1724 : i32 to vector<16xi32>
      %gather3A_1726 = tpu.vector_load_idx %arg7[%broadcast_in_dim3A_1553, %broadcast_in_dim3A_1725] : memref<1000x16xf32, #tpu.memory_space<vmem>>[vector<16xi32>, vector<16xi32>], vector<16xf32>,
      %get3A_1727 = arith.constant 86 : i32
      %get3A_1728 = arith.index_cast %get3A_1727 : i32 to index
      %get3A_1729 = arith.constant 0 : index
      %get3A_1730 = tpu.vector_load %arg10[%get3A_1728, %get3A_1729] {strides = array<i32>} : memref<128x64xf32, #tpu.memory_space<vmem>>, vector<16xf32>,
      %mul3A_1731 = arith.mulf %gather3A_1726, %get3A_1730 : vector<16xf32>
      %add3A_1732 = arith.addf %add3A_1705, %mul3A_1731 : vector<16xf32>
      %get3A_1733 = arith.constant 86 : i32
      %get3A_1734 = arith.index_cast %get3A_1733 : i32 to index
      %get3A_1735 = arith.constant 16 : index
      %get3A_1736 = tpu.vector_load %arg10[%get3A_1734, %get3A_1735] {strides = array<i32>} : memref<128x64xf32, #tpu.memory_space<vmem>>, vector<16xf32>,
      %mul3A_1737 = arith.mulf %gather3A_1726, %get3A_1736 : vector<16xf32>
      %add3A_1738 = arith.addf %add3A_1711, %mul3A_1737 : vector<16xf32>
      %get3A_1739 = arith.constant 86 : i32
      %get3A_1740 = arith.index_cast %get3A_1739 : i32 to index
      %get3A_1741 = arith.constant 32 : index
      %get3A_1742 = tpu.vector_load %arg10[%get3A_1740, %get3A_1741] {strides = array<i32>} : memref<128x64xf32, #tpu.memory_space<vmem>>, vector<16xf32>,
      %mul3A_1743 = arith.mulf %gather3A_1726, %get3A_1742 : vector<16xf32>
      %add3A_1744 = arith.addf %add3A_1717, %mul3A_1743 : vector<16xf32>
      %get3A_1745 = arith.constant 86 : i32
      %get3A_1746 = arith.index_cast %get3A_1745 : i32 to index
      %get3A_1747 = arith.constant 48 : index
      %get3A_1748 = tpu.vector_load %arg10[%get3A_1746, %get3A_1747] {strides = array<i32>} : memref<128x64xf32, #tpu.memory_space<vmem>>, vector<16xf32>,
      %mul3A_1749 = arith.mulf %gather3A_1726, %get3A_1748 : vector<16xf32>
      %add3A_1750 = arith.addf %add3A_1723, %mul3A_1749 : vector<16xf32>
      %broadcast_in_dim3A_1751 = arith.constant 7 : i32
      %broadcast_in_dim3A_1752 = vector.broadcast %broadcast_in_dim3A_1751 : i32 to vector<16xi32>
      %gather3A_1753 = tpu.vector_load_idx %arg7[%broadcast_in_dim3A_1553, %broadcast_in_dim3A_1752] : memref<1000x16xf32, #tpu.memory_space<vmem>>[vector<16xi32>, vector<16xi32>], vector<16xf32>,
      %get3A_1754 = arith.constant 87 : i32
      %get3A_1755 = arith.index_cast %get3A_1754 : i32 to index
      %get3A_1756 = arith.constant 0 : index
      %get3A_1757 = tpu.vector_load %arg10[%get3A_1755, %get3A_1756] {strides = array<i32>} : memref<128x64xf32, #tpu.memory_space<vmem>>, vector<16xf32>,
      %mul3A_1758 = arith.mulf %gather3A_1753, %get3A_1757 : vector<16xf32>
      %add3A_1759 = arith.addf %add3A_1732, %mul3A_1758 : vector<16xf32>
      %get3A_1760 = arith.constant 87 : i32
      %get3A_1761 = arith.index_cast %get3A_1760 : i32 to index
      %get3A_1762 = arith.constant 16 : index
      %get3A_1763 = tpu.vector_load %arg10[%get3A_1761, %get3A_1762] {strides = array<i32>} : memref<128x64xf32, #tpu.memory_space<vmem>>, vector<16xf32>,
      %mul3A_1764 = arith.mulf %gather3A_1753, %get3A_1763 : vector<16xf32>
      %add3A_1765 = arith.addf %add3A_1738, %mul3A_1764 : vector<16xf32>
      %get3A_1766 = arith.constant 87 : i32
      %get3A_1767 = arith.index_cast %get3A_1766 : i32 to index
      %get3A_1768 = arith.constant 32 : index
      %get3A_1769 = tpu.vector_load %arg10[%get3A_1767, %get3A_1768] {strides = array<i32>} : memref<128x64xf32, #tpu.memory_space<vmem>>, vector<16xf32>,
      %mul3A_1770 = arith.mulf %gather3A_1753, %get3A_1769 : vector<16xf32>
      %add3A_1771 = arith.addf %add3A_1744, %mul3A_1770 : vector<16xf32>
      %get3A_1772 = arith.constant 87 : i32
      %get3A_1773 = arith.index_cast %get3A_1772 : i32 to index
      %get3A_1774 = arith.constant 48 : index
      %get3A_1775 = tpu.vector_load %arg10[%get3A_1773, %get3A_1774] {strides = array<i32>} : memref<128x64xf32, #tpu.memory_space<vmem>>, vector<16xf32>,
      %mul3A_1776 = arith.mulf %gather3A_1753, %get3A_1775 : vector<16xf32>
      %add3A_1777 = arith.addf %add3A_1750, %mul3A_1776 : vector<16xf32>
      %broadcast_in_dim3A_1778 = arith.constant 8 : i32
      %broadcast_in_dim3A_1779 = vector.broadcast %broadcast_in_dim3A_1778 : i32 to vector<16xi32>
      %gather3A_1780 = tpu.vector_load_idx %arg7[%broadcast_in_dim3A_1553, %broadcast_in_dim3A_1779] : memref<1000x16xf32, #tpu.memory_space<vmem>>[vector<16xi32>, vector<16xi32>], vector<16xf32>,
      %get3A_1781 = arith.constant 88 : i32
      %get3A_1782 = arith.index_cast %get3A_1781 : i32 to index
      %get3A_1783 = arith.constant 0 : index
      %get3A_1784 = tpu.vector_load %arg10[%get3A_1782, %get3A_1783] {strides = array<i32>} : memref<128x64xf32, #tpu.memory_space<vmem>>, vector<16xf32>,
      %mul3A_1785 = arith.mulf %gather3A_1780, %get3A_1784 : vector<16xf32>
      %add3A_1786 = arith.addf %add3A_1759, %mul3A_1785 : vector<16xf32>
      %get3A_1787 = arith.constant 88 : i32
      %get3A_1788 = arith.index_cast %get3A_1787 : i32 to index
      %get3A_1789 = arith.constant 16 : index
      %get3A_1790 = tpu.vector_load %arg10[%get3A_1788, %get3A_1789] {strides = array<i32>} : memref<128x64xf32, #tpu.memory_space<vmem>>, vector<16xf32>,
      %mul3A_1791 = arith.mulf %gather3A_1780, %get3A_1790 : vector<16xf32>
      %add3A_1792 = arith.addf %add3A_1765, %mul3A_1791 : vector<16xf32>
      %get3A_1793 = arith.constant 88 : i32
      %get3A_1794 = arith.index_cast %get3A_1793 : i32 to index
      %get3A_1795 = arith.constant 32 : index
      %get3A_1796 = tpu.vector_load %arg10[%get3A_1794, %get3A_1795] {strides = array<i32>} : memref<128x64xf32, #tpu.memory_space<vmem>>, vector<16xf32>,
      %mul3A_1797 = arith.mulf %gather3A_1780, %get3A_1796 : vector<16xf32>
      %add3A_1798 = arith.addf %add3A_1771, %mul3A_1797 : vector<16xf32>
      %get3A_1799 = arith.constant 88 : i32
      %get3A_1800 = arith.index_cast %get3A_1799 : i32 to index
      %get3A_1801 = arith.constant 48 : index
      %get3A_1802 = tpu.vector_load %arg10[%get3A_1800, %get3A_1801] {strides = array<i32>} : memref<128x64xf32, #tpu.memory_space<vmem>>, vector<16xf32>,
      %mul3A_1803 = arith.mulf %gather3A_1780, %get3A_1802 : vector<16xf32>
      %add3A_1804 = arith.addf %add3A_1777, %mul3A_1803 : vector<16xf32>
      %broadcast_in_dim3A_1805 = arith.constant 9 : i32
      %broadcast_in_dim3A_1806 = vector.broadcast %broadcast_in_dim3A_1805 : i32 to vector<16xi32>
      %gather3A_1807 = tpu.vector_load_idx %arg7[%broadcast_in_dim3A_1553, %broadcast_in_dim3A_1806] : memref<1000x16xf32, #tpu.memory_space<vmem>>[vector<16xi32>, vector<16xi32>], vector<16xf32>,
      %get3A_1808 = arith.constant 89 : i32
      %get3A_1809 = arith.index_cast %get3A_1808 : i32 to index
      %get3A_1810 = arith.constant 0 : index
      %get3A_1811 = tpu.vector_load %arg10[%get3A_1809, %get3A_1810] {strides = array<i32>} : memref<128x64xf32, #tpu.memory_space<vmem>>, vector<16xf32>,
      %mul3A_1812 = arith.mulf %gather3A_1807, %get3A_1811 : vector<16xf32>
      %add3A_1813 = arith.addf %add3A_1786, %mul3A_1812 : vector<16xf32>
      %get3A_1814 = arith.constant 89 : i32
      %get3A_1815 = arith.index_cast %get3A_1814 : i32 to index
      %get3A_1816 = arith.constant 16 : index
      %get3A_1817 = tpu.vector_load %arg10[%get3A_1815, %get3A_1816] {strides = array<i32>} : memref<128x64xf32, #tpu.memory_space<vmem>>, vector<16xf32>,
      %mul3A_1818 = arith.mulf %gather3A_1807, %get3A_1817 : vector<16xf32>
      %add3A_1819 = arith.addf %add3A_1792, %mul3A_1818 : vector<16xf32>
      %get3A_1820 = arith.constant 89 : i32
      %get3A_1821 = arith.index_cast %get3A_1820 : i32 to index
      %get3A_1822 = arith.constant 32 : index
      %get3A_1823 = tpu.vector_load %arg10[%get3A_1821, %get3A_1822] {strides = array<i32>} : memref<128x64xf32, #tpu.memory_space<vmem>>, vector<16xf32>,
      %mul3A_1824 = arith.mulf %gather3A_1807, %get3A_1823 : vector<16xf32>
      %add3A_1825 = arith.addf %add3A_1798, %mul3A_1824 : vector<16xf32>
      %get3A_1826 = arith.constant 89 : i32
      %get3A_1827 = arith.index_cast %get3A_1826 : i32 to index
      %get3A_1828 = arith.constant 48 : index
      %get3A_1829 = tpu.vector_load %arg10[%get3A_1827, %get3A_1828] {strides = array<i32>} : memref<128x64xf32, #tpu.memory_space<vmem>>, vector<16xf32>,
      %mul3A_1830 = arith.mulf %gather3A_1807, %get3A_1829 : vector<16xf32>
      %add3A_1831 = arith.addf %add3A_1804, %mul3A_1830 : vector<16xf32>
      %swap3A_1832 = arith.constant 5 : i32
      %swap3A_1833 = arith.index_cast %swap3A_1832 : i32 to index
      %swap3A_1834 = arith.constant 0 : index
      %swap3A_1835 = tpu.vector_load %arg12[%swap3A_1833, %swap3A_1834] {strides = array<i32>} : memref<8x64xf32, #tpu.memory_space<vmem>>, vector<16xf32>,
      tpu.vector_store %arg12[%swap3A_1833, %swap3A_1834], %add3A_1813 {strides = array<i32>} : memref<8x64xf32, #tpu.memory_space<vmem>>, vector<16xf32>,
      %swap3A_1836 = arith.constant 5 : i32
      %swap3A_1837 = arith.index_cast %swap3A_1836 : i32 to index
      %swap3A_1838 = arith.constant 16 : index
      %swap3A_1839 = tpu.vector_load %arg12[%swap3A_1837, %swap3A_1838] {strides = array<i32>} : memref<8x64xf32, #tpu.memory_space<vmem>>, vector<16xf32>,
      tpu.vector_store %arg12[%swap3A_1837, %swap3A_1838], %add3A_1819 {strides = array<i32>} : memref<8x64xf32, #tpu.memory_space<vmem>>, vector<16xf32>,
      %swap3A_1840 = arith.constant 5 : i32
      %swap3A_1841 = arith.index_cast %swap3A_1840 : i32 to index
      %swap3A_1842 = arith.constant 32 : index
      %swap3A_1843 = tpu.vector_load %arg12[%swap3A_1841, %swap3A_1842] {strides = array<i32>} : memref<8x64xf32, #tpu.memory_space<vmem>>, vector<16xf32>,
      tpu.vector_store %arg12[%swap3A_1841, %swap3A_1842], %add3A_1825 {strides = array<i32>} : memref<8x64xf32, #tpu.memory_space<vmem>>, vector<16xf32>,
      %swap3A_1844 = arith.constant 5 : i32
      %swap3A_1845 = arith.index_cast %swap3A_1844 : i32 to index
      %swap3A_1846 = arith.constant 48 : index
      %swap3A_1847 = tpu.vector_load %arg12[%swap3A_1845, %swap3A_1846] {strides = array<i32>} : memref<8x64xf32, #tpu.memory_space<vmem>>, vector<16xf32>,
      tpu.vector_store %arg12[%swap3A_1845, %swap3A_1846], %add3A_1831 {strides = array<i32>} : memref<8x64xf32, #tpu.memory_space<vmem>>, vector<16xf32>,
      %mul3A_1848 = arith.constant 8 : i32
      %mul3A_1849 = arith.muli %scan3A_47, %mul3A_1848 : i32
      %add3A_1850 = arith.constant 6 : i32
      %add3A_1851 = arith.addi %mul3A_1849, %add3A_1850 : i32
      %broadcast_in_dim3A_1852 = vector.broadcast %add3A_1851 : i32 to vector<16xi32>
      %get3A_1853 = arith.constant 0 : index
      %get3A_1854 = tpu.vector_load %arg11[%get3A_1853] {strides = array<i32>} : memref<64xf32, #tpu.memory_space<vmem>>, vector<16xf32>,
      %get3A_1855 = arith.constant 16 : index
      %get3A_1856 = tpu.vector_load %arg11[%get3A_1855] {strides = array<i32>} : memref<64xf32, #tpu.memory_space<vmem>>, vector<16xf32>,
      %get3A_1857 = arith.constant 32 : index
      %get3A_1858 = tpu.vector_load %arg11[%get3A_1857] {strides = array<i32>} : memref<64xf32, #tpu.memory_space<vmem>>, vector<16xf32>,
      %get3A_1859 = arith.constant 48 : index
      %get3A_1860 = tpu.vector_load %arg11[%get3A_1859] {strides = array<i32>} : memref<64xf32, #tpu.memory_space<vmem>>, vector<16xf32>,
      %broadcast_in_dim3A_1861 = arith.constant 0 : i32
      %broadcast_in_dim3A_1862 = vector.broadcast %broadcast_in_dim3A_1861 : i32 to vector<16xi32>
      %gather3A_1863 = tpu.vector_load_idx %arg7[%broadcast_in_dim3A_1852, %broadcast_in_dim3A_1862] : memref<1000x16xf32, #tpu.memory_space<vmem>>[vector<16xi32>, vector<16xi32>], vector<16xf32>,
      %get3A_1864 = arith.constant 96 : i32
      %get3A_1865 = arith.index_cast %get3A_1864 : i32 to index
      %get3A_1866 = arith.constant 0 : index
      %get3A_1867 = tpu.vector_load %arg10[%get3A_1865, %get3A_1866] {strides = array<i32>} : memref<128x64xf32, #tpu.memory_space<vmem>>, vector<16xf32>,
      %mul3A_1868 = arith.mulf %gather3A_1863, %get3A_1867 : vector<16xf32>
      %add3A_1869 = arith.addf %get3A_1854, %mul3A_1868 : vector<16xf32>
      %get3A_1870 = arith.constant 96 : i32
      %get3A_1871 = arith.index_cast %get3A_1870 : i32 to index
      %get3A_1872 = arith.constant 16 : index
      %get3A_1873 = tpu.vector_load %arg10[%get3A_1871, %get3A_1872] {strides = array<i32>} : memref<128x64xf32, #tpu.memory_space<vmem>>, vector<16xf32>,
      %mul3A_1874 = arith.mulf %gather3A_1863, %get3A_1873 : vector<16xf32>
      %add3A_1875 = arith.addf %get3A_1856, %mul3A_1874 : vector<16xf32>
      %get3A_1876 = arith.constant 96 : i32
      %get3A_1877 = arith.index_cast %get3A_1876 : i32 to index
      %get3A_1878 = arith.constant 32 : index
      %get3A_1879 = tpu.vector_load %arg10[%get3A_1877, %get3A_1878] {strides = array<i32>} : memref<128x64xf32, #tpu.memory_space<vmem>>, vector<16xf32>,
      %mul3A_1880 = arith.mulf %gather3A_1863, %get3A_1879 : vector<16xf32>
      %add3A_1881 = arith.addf %get3A_1858, %mul3A_1880 : vector<16xf32>
      %get3A_1882 = arith.constant 96 : i32
      %get3A_1883 = arith.index_cast %get3A_1882 : i32 to index
      %get3A_1884 = arith.constant 48 : index
      %get3A_1885 = tpu.vector_load %arg10[%get3A_1883, %get3A_1884] {strides = array<i32>} : memref<128x64xf32, #tpu.memory_space<vmem>>, vector<16xf32>,
      %mul3A_1886 = arith.mulf %gather3A_1863, %get3A_1885 : vector<16xf32>
      %add3A_1887 = arith.addf %get3A_1860, %mul3A_1886 : vector<16xf32>
      %broadcast_in_dim3A_1888 = arith.constant 1 : i32
      %broadcast_in_dim3A_1889 = vector.broadcast %broadcast_in_dim3A_1888 : i32 to vector<16xi32>
      %gather3A_1890 = tpu.vector_load_idx %arg7[%broadcast_in_dim3A_1852, %broadcast_in_dim3A_1889] : memref<1000x16xf32, #tpu.memory_space<vmem>>[vector<16xi32>, vector<16xi32>], vector<16xf32>,
      %get3A_1891 = arith.constant 97 : i32
      %get3A_1892 = arith.index_cast %get3A_1891 : i32 to index
      %get3A_1893 = arith.constant 0 : index
      %get3A_1894 = tpu.vector_load %arg10[%get3A_1892, %get3A_1893] {strides = array<i32>} : memref<128x64xf32, #tpu.memory_space<vmem>>, vector<16xf32>,
      %mul3A_1895 = arith.mulf %gather3A_1890, %get3A_1894 : vector<16xf32>
      %add3A_1896 = arith.addf %add3A_1869, %mul3A_1895 : vector<16xf32>
      %get3A_1897 = arith.constant 97 : i32
      %get3A_1898 = arith.index_cast %get3A_1897 : i32 to index
      %get3A_1899 = arith.constant 16 : index
      %get3A_1900 = tpu.vector_load %arg10[%get3A_1898, %get3A_1899] {strides = array<i32>} : memref<128x64xf32, #tpu.memory_space<vmem>>, vector<16xf32>,
      %mul3A_1901 = arith.mulf %gather3A_1890, %get3A_1900 : vector<16xf32>
      %add3A_1902 = arith.addf %add3A_1875, %mul3A_1901 : vector<16xf32>
      %get3A_1903 = arith.constant 97 : i32
      %get3A_1904 = arith.index_cast %get3A_1903 : i32 to index
      %get3A_1905 = arith.constant 32 : index
      %get3A_1906 = tpu.vector_load %arg10[%get3A_1904, %get3A_1905] {strides = array<i32>} : memref<128x64xf32, #tpu.memory_space<vmem>>, vector<16xf32>,
      %mul3A_1907 = arith.mulf %gather3A_1890, %get3A_1906 : vector<16xf32>
      %add3A_1908 = arith.addf %add3A_1881, %mul3A_1907 : vector<16xf32>
      %get3A_1909 = arith.constant 97 : i32
      %get3A_1910 = arith.index_cast %get3A_1909 : i32 to index
      %get3A_1911 = arith.constant 48 : index
      %get3A_1912 = tpu.vector_load %arg10[%get3A_1910, %get3A_1911] {strides = array<i32>} : memref<128x64xf32, #tpu.memory_space<vmem>>, vector<16xf32>,
      %mul3A_1913 = arith.mulf %gather3A_1890, %get3A_1912 : vector<16xf32>
      %add3A_1914 = arith.addf %add3A_1887, %mul3A_1913 : vector<16xf32>
      %broadcast_in_dim3A_1915 = arith.constant 2 : i32
      %broadcast_in_dim3A_1916 = vector.broadcast %broadcast_in_dim3A_1915 : i32 to vector<16xi32>
      %gather3A_1917 = tpu.vector_load_idx %arg7[%broadcast_in_dim3A_1852, %broadcast_in_dim3A_1916] : memref<1000x16xf32, #tpu.memory_space<vmem>>[vector<16xi32>, vector<16xi32>], vector<16xf32>,
      %get3A_1918 = arith.constant 98 : i32
      %get3A_1919 = arith.index_cast %get3A_1918 : i32 to index
      %get3A_1920 = arith.constant 0 : index
      %get3A_1921 = tpu.vector_load %arg10[%get3A_1919, %get3A_1920] {strides = array<i32>} : memref<128x64xf32, #tpu.memory_space<vmem>>, vector<16xf32>,
      %mul3A_1922 = arith.mulf %gather3A_1917, %get3A_1921 : vector<16xf32>
      %add3A_1923 = arith.addf %add3A_1896, %mul3A_1922 : vector<16xf32>
      %get3A_1924 = arith.constant 98 : i32
      %get3A_1925 = arith.index_cast %get3A_1924 : i32 to index
      %get3A_1926 = arith.constant 16 : index
      %get3A_1927 = tpu.vector_load %arg10[%get3A_1925, %get3A_1926] {strides = array<i32>} : memref<128x64xf32, #tpu.memory_space<vmem>>, vector<16xf32>,
      %mul3A_1928 = arith.mulf %gather3A_1917, %get3A_1927 : vector<16xf32>
      %add3A_1929 = arith.addf %add3A_1902, %mul3A_1928 : vector<16xf32>
      %get3A_1930 = arith.constant 98 : i32
      %get3A_1931 = arith.index_cast %get3A_1930 : i32 to index
      %get3A_1932 = arith.constant 32 : index
      %get3A_1933 = tpu.vector_load %arg10[%get3A_1931, %get3A_1932] {strides = array<i32>} : memref<128x64xf32, #tpu.memory_space<vmem>>, vector<16xf32>,
      %mul3A_1934 = arith.mulf %gather3A_1917, %get3A_1933 : vector<16xf32>
      %add3A_1935 = arith.addf %add3A_1908, %mul3A_1934 : vector<16xf32>
      %get3A_1936 = arith.constant 98 : i32
      %get3A_1937 = arith.index_cast %get3A_1936 : i32 to index
      %get3A_1938 = arith.constant 48 : index
      %get3A_1939 = tpu.vector_load %arg10[%get3A_1937, %get3A_1938] {strides = array<i32>} : memref<128x64xf32, #tpu.memory_space<vmem>>, vector<16xf32>,
      %mul3A_1940 = arith.mulf %gather3A_1917, %get3A_1939 : vector<16xf32>
      %add3A_1941 = arith.addf %add3A_1914, %mul3A_1940 : vector<16xf32>
      %broadcast_in_dim3A_1942 = arith.constant 3 : i32
      %broadcast_in_dim3A_1943 = vector.broadcast %broadcast_in_dim3A_1942 : i32 to vector<16xi32>
      %gather3A_1944 = tpu.vector_load_idx %arg7[%broadcast_in_dim3A_1852, %broadcast_in_dim3A_1943] : memref<1000x16xf32, #tpu.memory_space<vmem>>[vector<16xi32>, vector<16xi32>], vector<16xf32>,
      %get3A_1945 = arith.constant 99 : i32
      %get3A_1946 = arith.index_cast %get3A_1945 : i32 to index
      %get3A_1947 = arith.constant 0 : index
      %get3A_1948 = tpu.vector_load %arg10[%get3A_1946, %get3A_1947] {strides = array<i32>} : memref<128x64xf32, #tpu.memory_space<vmem>>, vector<16xf32>,
      %mul3A_1949 = arith.mulf %gather3A_1944, %get3A_1948 : vector<16xf32>
      %add3A_1950 = arith.addf %add3A_1923, %mul3A_1949 : vector<16xf32>
      %get3A_1951 = arith.constant 99 : i32
      %get3A_1952 = arith.index_cast %get3A_1951 : i32 to index
      %get3A_1953 = arith.constant 16 : index
      %get3A_1954 = tpu.vector_load %arg10[%get3A_1952, %get3A_1953] {strides = array<i32>} : memref<128x64xf32, #tpu.memory_space<vmem>>, vector<16xf32>,
      %mul3A_1955 = arith.mulf %gather3A_1944, %get3A_1954 : vector<16xf32>
      %add3A_1956 = arith.addf %add3A_1929, %mul3A_1955 : vector<16xf32>
      %get3A_1957 = arith.constant 99 : i32
      %get3A_1958 = arith.index_cast %get3A_1957 : i32 to index
      %get3A_1959 = arith.constant 32 : index
      %get3A_1960 = tpu.vector_load %arg10[%get3A_1958, %get3A_1959] {strides = array<i32>} : memref<128x64xf32, #tpu.memory_space<vmem>>, vector<16xf32>,
      %mul3A_1961 = arith.mulf %gather3A_1944, %get3A_1960 : vector<16xf32>
      %add3A_1962 = arith.addf %add3A_1935, %mul3A_1961 : vector<16xf32>
      %get3A_1963 = arith.constant 99 : i32
      %get3A_1964 = arith.index_cast %get3A_1963 : i32 to index
      %get3A_1965 = arith.constant 48 : index
      %get3A_1966 = tpu.vector_load %arg10[%get3A_1964, %get3A_1965] {strides = array<i32>} : memref<128x64xf32, #tpu.memory_space<vmem>>, vector<16xf32>,
      %mul3A_1967 = arith.mulf %gather3A_1944, %get3A_1966 : vector<16xf32>
      %add3A_1968 = arith.addf %add3A_1941, %mul3A_1967 : vector<16xf32>
      %broadcast_in_dim3A_1969 = arith.constant 4 : i32
      %broadcast_in_dim3A_1970 = vector.broadcast %broadcast_in_dim3A_1969 : i32 to vector<16xi32>
      %gather3A_1971 = tpu.vector_load_idx %arg7[%broadcast_in_dim3A_1852, %broadcast_in_dim3A_1970] : memref<1000x16xf32, #tpu.memory_space<vmem>>[vector<16xi32>, vector<16xi32>], vector<16xf32>,
      %get3A_1972 = arith.constant 100 : i32
      %get3A_1973 = arith.index_cast %get3A_1972 : i32 to index
      %get3A_1974 = arith.constant 0 : index
      %get3A_1975 = tpu.vector_load %arg10[%get3A_1973, %get3A_1974] {strides = array<i32>} : memref<128x64xf32, #tpu.memory_space<vmem>>, vector<16xf32>,
      %mul3A_1976 = arith.mulf %gather3A_1971, %get3A_1975 : vector<16xf32>
      %add3A_1977 = arith.addf %add3A_1950, %mul3A_1976 : vector<16xf32>
      %get3A_1978 = arith.constant 100 : i32
      %get3A_1979 = arith.index_cast %get3A_1978 : i32 to index
      %get3A_1980 = arith.constant 16 : index
      %get3A_1981 = tpu.vector_load %arg10[%get3A_1979, %get3A_1980] {strides = array<i32>} : memref<128x64xf32, #tpu.memory_space<vmem>>, vector<16xf32>,
      %mul3A_1982 = arith.mulf %gather3A_1971, %get3A_1981 : vector<16xf32>
      %add3A_1983 = arith.addf %add3A_1956, %mul3A_1982 : vector<16xf32>
      %get3A_1984 = arith.constant 100 : i32
      %get3A_1985 = arith.index_cast %get3A_1984 : i32 to index
      %get3A_1986 = arith.constant 32 : index
      %get3A_1987 = tpu.vector_load %arg10[%get3A_1985, %get3A_1986] {strides = array<i32>} : memref<128x64xf32, #tpu.memory_space<vmem>>, vector<16xf32>,
      %mul3A_1988 = arith.mulf %gather3A_1971, %get3A_1987 : vector<16xf32>
      %add3A_1989 = arith.addf %add3A_1962, %mul3A_1988 : vector<16xf32>
      %get3A_1990 = arith.constant 100 : i32
      %get3A_1991 = arith.index_cast %get3A_1990 : i32 to index
      %get3A_1992 = arith.constant 48 : index
      %get3A_1993 = tpu.vector_load %arg10[%get3A_1991, %get3A_1992] {strides = array<i32>} : memref<128x64xf32, #tpu.memory_space<vmem>>, vector<16xf32>,
      %mul3A_1994 = arith.mulf %gather3A_1971, %get3A_1993 : vector<16xf32>
      %add3A_1995 = arith.addf %add3A_1968, %mul3A_1994 : vector<16xf32>
      %broadcast_in_dim3A_1996 = arith.constant 5 : i32
      %broadcast_in_dim3A_1997 = vector.broadcast %broadcast_in_dim3A_1996 : i32 to vector<16xi32>
      %gather3A_1998 = tpu.vector_load_idx %arg7[%broadcast_in_dim3A_1852, %broadcast_in_dim3A_1997] : memref<1000x16xf32, #tpu.memory_space<vmem>>[vector<16xi32>, vector<16xi32>], vector<16xf32>,
      %get3A_1999 = arith.constant 101 : i32
      %get3A_2000 = arith.index_cast %get3A_1999 : i32 to index
      %get3A_2001 = arith.constant 0 : index
      %get3A_2002 = tpu.vector_load %arg10[%get3A_2000, %get3A_2001] {strides = array<i32>} : memref<128x64xf32, #tpu.memory_space<vmem>>, vector<16xf32>,
      %mul3A_2003 = arith.mulf %gather3A_1998, %get3A_2002 : vector<16xf32>
      %add3A_2004 = arith.addf %add3A_1977, %mul3A_2003 : vector<16xf32>
      %get3A_2005 = arith.constant 101 : i32
      %get3A_2006 = arith.index_cast %get3A_2005 : i32 to index
      %get3A_2007 = arith.constant 16 : index
      %get3A_2008 = tpu.vector_load %arg10[%get3A_2006, %get3A_2007] {strides = array<i32>} : memref<128x64xf32, #tpu.memory_space<vmem>>, vector<16xf32>,
      %mul3A_2009 = arith.mulf %gather3A_1998, %get3A_2008 : vector<16xf32>
      %add3A_2010 = arith.addf %add3A_1983, %mul3A_2009 : vector<16xf32>
      %get3A_2011 = arith.constant 101 : i32
      %get3A_2012 = arith.index_cast %get3A_2011 : i32 to index
      %get3A_2013 = arith.constant 32 : index
      %get3A_2014 = tpu.vector_load %arg10[%get3A_2012, %get3A_2013] {strides = array<i32>} : memref<128x64xf32, #tpu.memory_space<vmem>>, vector<16xf32>,
      %mul3A_2015 = arith.mulf %gather3A_1998, %get3A_2014 : vector<16xf32>
      %add3A_2016 = arith.addf %add3A_1989, %mul3A_2015 : vector<16xf32>
      %get3A_2017 = arith.constant 101 : i32
      %get3A_2018 = arith.index_cast %get3A_2017 : i32 to index
      %get3A_2019 = arith.constant 48 : index
      %get3A_2020 = tpu.vector_load %arg10[%get3A_2018, %get3A_2019] {strides = array<i32>} : memref<128x64xf32, #tpu.memory_space<vmem>>, vector<16xf32>,
      %mul3A_2021 = arith.mulf %gather3A_1998, %get3A_2020 : vector<16xf32>
      %add3A_2022 = arith.addf %add3A_1995, %mul3A_2021 : vector<16xf32>
      %broadcast_in_dim3A_2023 = arith.constant 6 : i32
      %broadcast_in_dim3A_2024 = vector.broadcast %broadcast_in_dim3A_2023 : i32 to vector<16xi32>
      %gather3A_2025 = tpu.vector_load_idx %arg7[%broadcast_in_dim3A_1852, %broadcast_in_dim3A_2024] : memref<1000x16xf32, #tpu.memory_space<vmem>>[vector<16xi32>, vector<16xi32>], vector<16xf32>,
      %get3A_2026 = arith.constant 102 : i32
      %get3A_2027 = arith.index_cast %get3A_2026 : i32 to index
      %get3A_2028 = arith.constant 0 : index
      %get3A_2029 = tpu.vector_load %arg10[%get3A_2027, %get3A_2028] {strides = array<i32>} : memref<128x64xf32, #tpu.memory_space<vmem>>, vector<16xf32>,
      %mul3A_2030 = arith.mulf %gather3A_2025, %get3A_2029 : vector<16xf32>
      %add3A_2031 = arith.addf %add3A_2004, %mul3A_2030 : vector<16xf32>
      %get3A_2032 = arith.constant 102 : i32
      %get3A_2033 = arith.index_cast %get3A_2032 : i32 to index
      %get3A_2034 = arith.constant 16 : index
      %get3A_2035 = tpu.vector_load %arg10[%get3A_2033, %get3A_2034] {strides = array<i32>} : memref<128x64xf32, #tpu.memory_space<vmem>>, vector<16xf32>,
      %mul3A_2036 = arith.mulf %gather3A_2025, %get3A_2035 : vector<16xf32>
      %add3A_2037 = arith.addf %add3A_2010, %mul3A_2036 : vector<16xf32>
      %get3A_2038 = arith.constant 102 : i32
      %get3A_2039 = arith.index_cast %get3A_2038 : i32 to index
      %get3A_2040 = arith.constant 32 : index
      %get3A_2041 = tpu.vector_load %arg10[%get3A_2039, %get3A_2040] {strides = array<i32>} : memref<128x64xf32, #tpu.memory_space<vmem>>, vector<16xf32>,
      %mul3A_2042 = arith.mulf %gather3A_2025, %get3A_2041 : vector<16xf32>
      %add3A_2043 = arith.addf %add3A_2016, %mul3A_2042 : vector<16xf32>
      %get3A_2044 = arith.constant 102 : i32
      %get3A_2045 = arith.index_cast %get3A_2044 : i32 to index
      %get3A_2046 = arith.constant 48 : index
      %get3A_2047 = tpu.vector_load %arg10[%get3A_2045, %get3A_2046] {strides = array<i32>} : memref<128x64xf32, #tpu.memory_space<vmem>>, vector<16xf32>,
      %mul3A_2048 = arith.mulf %gather3A_2025, %get3A_2047 : vector<16xf32>
      %add3A_2049 = arith.addf %add3A_2022, %mul3A_2048 : vector<16xf32>
      %broadcast_in_dim3A_2050 = arith.constant 7 : i32
      %broadcast_in_dim3A_2051 = vector.broadcast %broadcast_in_dim3A_2050 : i32 to vector<16xi32>
      %gather3A_2052 = tpu.vector_load_idx %arg7[%broadcast_in_dim3A_1852, %broadcast_in_dim3A_2051] : memref<1000x16xf32, #tpu.memory_space<vmem>>[vector<16xi32>, vector<16xi32>], vector<16xf32>,
      %get3A_2053 = arith.constant 103 : i32
      %get3A_2054 = arith.index_cast %get3A_2053 : i32 to index
      %get3A_2055 = arith.constant 0 : index
      %get3A_2056 = tpu.vector_load %arg10[%get3A_2054, %get3A_2055] {strides = array<i32>} : memref<128x64xf32, #tpu.memory_space<vmem>>, vector<16xf32>,
      %mul3A_2057 = arith.mulf %gather3A_2052, %get3A_2056 : vector<16xf32>
      %add3A_2058 = arith.addf %add3A_2031, %mul3A_2057 : vector<16xf32>
      %get3A_2059 = arith.constant 103 : i32
      %get3A_2060 = arith.index_cast %get3A_2059 : i32 to index
      %get3A_2061 = arith.constant 16 : index
      %get3A_2062 = tpu.vector_load %arg10[%get3A_2060, %get3A_2061] {strides = array<i32>} : memref<128x64xf32, #tpu.memory_space<vmem>>, vector<16xf32>,
      %mul3A_2063 = arith.mulf %gather3A_2052, %get3A_2062 : vector<16xf32>
      %add3A_2064 = arith.addf %add3A_2037, %mul3A_2063 : vector<16xf32>
      %get3A_2065 = arith.constant 103 : i32
      %get3A_2066 = arith.index_cast %get3A_2065 : i32 to index
      %get3A_2067 = arith.constant 32 : index
      %get3A_2068 = tpu.vector_load %arg10[%get3A_2066, %get3A_2067] {strides = array<i32>} : memref<128x64xf32, #tpu.memory_space<vmem>>, vector<16xf32>,
      %mul3A_2069 = arith.mulf %gather3A_2052, %get3A_2068 : vector<16xf32>
      %add3A_2070 = arith.addf %add3A_2043, %mul3A_2069 : vector<16xf32>
      %get3A_2071 = arith.constant 103 : i32
      %get3A_2072 = arith.index_cast %get3A_2071 : i32 to index
      %get3A_2073 = arith.constant 48 : index
      %get3A_2074 = tpu.vector_load %arg10[%get3A_2072, %get3A_2073] {strides = array<i32>} : memref<128x64xf32, #tpu.memory_space<vmem>>, vector<16xf32>,
      %mul3A_2075 = arith.mulf %gather3A_2052, %get3A_2074 : vector<16xf32>
      %add3A_2076 = arith.addf %add3A_2049, %mul3A_2075 : vector<16xf32>
      %broadcast_in_dim3A_2077 = arith.constant 8 : i32
      %broadcast_in_dim3A_2078 = vector.broadcast %broadcast_in_dim3A_2077 : i32 to vector<16xi32>
      %gather3A_2079 = tpu.vector_load_idx %arg7[%broadcast_in_dim3A_1852, %broadcast_in_dim3A_2078] : memref<1000x16xf32, #tpu.memory_space<vmem>>[vector<16xi32>, vector<16xi32>], vector<16xf32>,
      %get3A_2080 = arith.constant 104 : i32
      %get3A_2081 = arith.index_cast %get3A_2080 : i32 to index
      %get3A_2082 = arith.constant 0 : index
      %get3A_2083 = tpu.vector_load %arg10[%get3A_2081, %get3A_2082] {strides = array<i32>} : memref<128x64xf32, #tpu.memory_space<vmem>>, vector<16xf32>,
      %mul3A_2084 = arith.mulf %gather3A_2079, %get3A_2083 : vector<16xf32>
      %add3A_2085 = arith.addf %add3A_2058, %mul3A_2084 : vector<16xf32>
      %get3A_2086 = arith.constant 104 : i32
      %get3A_2087 = arith.index_cast %get3A_2086 : i32 to index
      %get3A_2088 = arith.constant 16 : index
      %get3A_2089 = tpu.vector_load %arg10[%get3A_2087, %get3A_2088] {strides = array<i32>} : memref<128x64xf32, #tpu.memory_space<vmem>>, vector<16xf32>,
      %mul3A_2090 = arith.mulf %gather3A_2079, %get3A_2089 : vector<16xf32>
      %add3A_2091 = arith.addf %add3A_2064, %mul3A_2090 : vector<16xf32>
      %get3A_2092 = arith.constant 104 : i32
      %get3A_2093 = arith.index_cast %get3A_2092 : i32 to index
      %get3A_2094 = arith.constant 32 : index
      %get3A_2095 = tpu.vector_load %arg10[%get3A_2093, %get3A_2094] {strides = array<i32>} : memref<128x64xf32, #tpu.memory_space<vmem>>, vector<16xf32>,
      %mul3A_2096 = arith.mulf %gather3A_2079, %get3A_2095 : vector<16xf32>
      %add3A_2097 = arith.addf %add3A_2070, %mul3A_2096 : vector<16xf32>
      %get3A_2098 = arith.constant 104 : i32
      %get3A_2099 = arith.index_cast %get3A_2098 : i32 to index
      %get3A_2100 = arith.constant 48 : index
      %get3A_2101 = tpu.vector_load %arg10[%get3A_2099, %get3A_2100] {strides = array<i32>} : memref<128x64xf32, #tpu.memory_space<vmem>>, vector<16xf32>,
      %mul3A_2102 = arith.mulf %gather3A_2079, %get3A_2101 : vector<16xf32>
      %add3A_2103 = arith.addf %add3A_2076, %mul3A_2102 : vector<16xf32>
      %broadcast_in_dim3A_2104 = arith.constant 9 : i32
      %broadcast_in_dim3A_2105 = vector.broadcast %broadcast_in_dim3A_2104 : i32 to vector<16xi32>
      %gather3A_2106 = tpu.vector_load_idx %arg7[%broadcast_in_dim3A_1852, %broadcast_in_dim3A_2105] : memref<1000x16xf32, #tpu.memory_space<vmem>>[vector<16xi32>, vector<16xi32>], vector<16xf32>,
      %get3A_2107 = arith.constant 105 : i32
      %get3A_2108 = arith.index_cast %get3A_2107 : i32 to index
      %get3A_2109 = arith.constant 0 : index
      %get3A_2110 = tpu.vector_load %arg10[%get3A_2108, %get3A_2109] {strides = array<i32>} : memref<128x64xf32, #tpu.memory_space<vmem>>, vector<16xf32>,
      %mul3A_2111 = arith.mulf %gather3A_2106, %get3A_2110 : vector<16xf32>
      %add3A_2112 = arith.addf %add3A_2085, %mul3A_2111 : vector<16xf32>
      %get3A_2113 = arith.constant 105 : i32
      %get3A_2114 = arith.index_cast %get3A_2113 : i32 to index
      %get3A_2115 = arith.constant 16 : index
      %get3A_2116 = tpu.vector_load %arg10[%get3A_2114, %get3A_2115] {strides = array<i32>} : memref<128x64xf32, #tpu.memory_space<vmem>>, vector<16xf32>,
      %mul3A_2117 = arith.mulf %gather3A_2106, %get3A_2116 : vector<16xf32>
      %add3A_2118 = arith.addf %add3A_2091, %mul3A_2117 : vector<16xf32>
      %get3A_2119 = arith.constant 105 : i32
      %get3A_2120 = arith.index_cast %get3A_2119 : i32 to index
      %get3A_2121 = arith.constant 32 : index
      %get3A_2122 = tpu.vector_load %arg10[%get3A_2120, %get3A_2121] {strides = array<i32>} : memref<128x64xf32, #tpu.memory_space<vmem>>, vector<16xf32>,
      %mul3A_2123 = arith.mulf %gather3A_2106, %get3A_2122 : vector<16xf32>
      %add3A_2124 = arith.addf %add3A_2097, %mul3A_2123 : vector<16xf32>
      %get3A_2125 = arith.constant 105 : i32
      %get3A_2126 = arith.index_cast %get3A_2125 : i32 to index
      %get3A_2127 = arith.constant 48 : index
      %get3A_2128 = tpu.vector_load %arg10[%get3A_2126, %get3A_2127] {strides = array<i32>} : memref<128x64xf32, #tpu.memory_space<vmem>>, vector<16xf32>,
      %mul3A_2129 = arith.mulf %gather3A_2106, %get3A_2128 : vector<16xf32>
      %add3A_2130 = arith.addf %add3A_2103, %mul3A_2129 : vector<16xf32>
      %swap3A_2131 = arith.constant 6 : i32
      %swap3A_2132 = arith.index_cast %swap3A_2131 : i32 to index
      %swap3A_2133 = arith.constant 0 : index
      %swap3A_2134 = tpu.vector_load %arg12[%swap3A_2132, %swap3A_2133] {strides = array<i32>} : memref<8x64xf32, #tpu.memory_space<vmem>>, vector<16xf32>,
      tpu.vector_store %arg12[%swap3A_2132, %swap3A_2133], %add3A_2112 {strides = array<i32>} : memref<8x64xf32, #tpu.memory_space<vmem>>, vector<16xf32>,
      %swap3A_2135 = arith.constant 6 : i32
      %swap3A_2136 = arith.index_cast %swap3A_2135 : i32 to index
      %swap3A_2137 = arith.constant 16 : index
      %swap3A_2138 = tpu.vector_load %arg12[%swap3A_2136, %swap3A_2137] {strides = array<i32>} : memref<8x64xf32, #tpu.memory_space<vmem>>, vector<16xf32>,
      tpu.vector_store %arg12[%swap3A_2136, %swap3A_2137], %add3A_2118 {strides = array<i32>} : memref<8x64xf32, #tpu.memory_space<vmem>>, vector<16xf32>,
      %swap3A_2139 = arith.constant 6 : i32
      %swap3A_2140 = arith.index_cast %swap3A_2139 : i32 to index
      %swap3A_2141 = arith.constant 32 : index
      %swap3A_2142 = tpu.vector_load %arg12[%swap3A_2140, %swap3A_2141] {strides = array<i32>} : memref<8x64xf32, #tpu.memory_space<vmem>>, vector<16xf32>,
      tpu.vector_store %arg12[%swap3A_2140, %swap3A_2141], %add3A_2124 {strides = array<i32>} : memref<8x64xf32, #tpu.memory_space<vmem>>, vector<16xf32>,
      %swap3A_2143 = arith.constant 6 : i32
      %swap3A_2144 = arith.index_cast %swap3A_2143 : i32 to index
      %swap3A_2145 = arith.constant 48 : index
      %swap3A_2146 = tpu.vector_load %arg12[%swap3A_2144, %swap3A_2145] {strides = array<i32>} : memref<8x64xf32, #tpu.memory_space<vmem>>, vector<16xf32>,
      tpu.vector_store %arg12[%swap3A_2144, %swap3A_2145], %add3A_2130 {strides = array<i32>} : memref<8x64xf32, #tpu.memory_space<vmem>>, vector<16xf32>,
      %mul3A_2147 = arith.constant 8 : i32
      %mul3A_2148 = arith.muli %scan3A_47, %mul3A_2147 : i32
      %add3A_2149 = arith.constant 7 : i32
      %add3A_2150 = arith.addi %mul3A_2148, %add3A_2149 : i32
      %broadcast_in_dim3A_2151 = vector.broadcast %add3A_2150 : i32 to vector<16xi32>
      %get3A_2152 = arith.constant 0 : index
      %get3A_2153 = tpu.vector_load %arg11[%get3A_2152] {strides = array<i32>} : memref<64xf32, #tpu.memory_space<vmem>>, vector<16xf32>,
      %get3A_2154 = arith.constant 16 : index
      %get3A_2155 = tpu.vector_load %arg11[%get3A_2154] {strides = array<i32>} : memref<64xf32, #tpu.memory_space<vmem>>, vector<16xf32>,
      %get3A_2156 = arith.constant 32 : index
      %get3A_2157 = tpu.vector_load %arg11[%get3A_2156] {strides = array<i32>} : memref<64xf32, #tpu.memory_space<vmem>>, vector<16xf32>,
      %get3A_2158 = arith.constant 48 : index
      %get3A_2159 = tpu.vector_load %arg11[%get3A_2158] {strides = array<i32>} : memref<64xf32, #tpu.memory_space<vmem>>, vector<16xf32>,
      %broadcast_in_dim3A_2160 = arith.constant 0 : i32
      %broadcast_in_dim3A_2161 = vector.broadcast %broadcast_in_dim3A_2160 : i32 to vector<16xi32>
      %gather3A_2162 = tpu.vector_load_idx %arg7[%broadcast_in_dim3A_2151, %broadcast_in_dim3A_2161] : memref<1000x16xf32, #tpu.memory_space<vmem>>[vector<16xi32>, vector<16xi32>], vector<16xf32>,
      %get3A_2163 = arith.constant 112 : i32
      %get3A_2164 = arith.index_cast %get3A_2163 : i32 to index
      %get3A_2165 = arith.constant 0 : index
      %get3A_2166 = tpu.vector_load %arg10[%get3A_2164, %get3A_2165] {strides = array<i32>} : memref<128x64xf32, #tpu.memory_space<vmem>>, vector<16xf32>,
      %mul3A_2167 = arith.mulf %gather3A_2162, %get3A_2166 : vector<16xf32>
      %add3A_2168 = arith.addf %get3A_2153, %mul3A_2167 : vector<16xf32>
      %get3A_2169 = arith.constant 112 : i32
      %get3A_2170 = arith.index_cast %get3A_2169 : i32 to index
      %get3A_2171 = arith.constant 16 : index
      %get3A_2172 = tpu.vector_load %arg10[%get3A_2170, %get3A_2171] {strides = array<i32>} : memref<128x64xf32, #tpu.memory_space<vmem>>, vector<16xf32>,
      %mul3A_2173 = arith.mulf %gather3A_2162, %get3A_2172 : vector<16xf32>
      %add3A_2174 = arith.addf %get3A_2155, %mul3A_2173 : vector<16xf32>
      %get3A_2175 = arith.constant 112 : i32
      %get3A_2176 = arith.index_cast %get3A_2175 : i32 to index
      %get3A_2177 = arith.constant 32 : index
      %get3A_2178 = tpu.vector_load %arg10[%get3A_2176, %get3A_2177] {strides = array<i32>} : memref<128x64xf32, #tpu.memory_space<vmem>>, vector<16xf32>,
      %mul3A_2179 = arith.mulf %gather3A_2162, %get3A_2178 : vector<16xf32>
      %add3A_2180 = arith.addf %get3A_2157, %mul3A_2179 : vector<16xf32>
      %get3A_2181 = arith.constant 112 : i32
      %get3A_2182 = arith.index_cast %get3A_2181 : i32 to index
      %get3A_2183 = arith.constant 48 : index
      %get3A_2184 = tpu.vector_load %arg10[%get3A_2182, %get3A_2183] {strides = array<i32>} : memref<128x64xf32, #tpu.memory_space<vmem>>, vector<16xf32>,
      %mul3A_2185 = arith.mulf %gather3A_2162, %get3A_2184 : vector<16xf32>
      %add3A_2186 = arith.addf %get3A_2159, %mul3A_2185 : vector<16xf32>
      %broadcast_in_dim3A_2187 = arith.constant 1 : i32
      %broadcast_in_dim3A_2188 = vector.broadcast %broadcast_in_dim3A_2187 : i32 to vector<16xi32>
      %gather3A_2189 = tpu.vector_load_idx %arg7[%broadcast_in_dim3A_2151, %broadcast_in_dim3A_2188] : memref<1000x16xf32, #tpu.memory_space<vmem>>[vector<16xi32>, vector<16xi32>], vector<16xf32>,
      %get3A_2190 = arith.constant 113 : i32
      %get3A_2191 = arith.index_cast %get3A_2190 : i32 to index
      %get3A_2192 = arith.constant 0 : index
      %get3A_2193 = tpu.vector_load %arg10[%get3A_2191, %get3A_2192] {strides = array<i32>} : memref<128x64xf32, #tpu.memory_space<vmem>>, vector<16xf32>,
      %mul3A_2194 = arith.mulf %gather3A_2189, %get3A_2193 : vector<16xf32>
      %add3A_2195 = arith.addf %add3A_2168, %mul3A_2194 : vector<16xf32>
      %get3A_2196 = arith.constant 113 : i32
      %get3A_2197 = arith.index_cast %get3A_2196 : i32 to index
      %get3A_2198 = arith.constant 16 : index
      %get3A_2199 = tpu.vector_load %arg10[%get3A_2197, %get3A_2198] {strides = array<i32>} : memref<128x64xf32, #tpu.memory_space<vmem>>, vector<16xf32>,
      %mul3A_2200 = arith.mulf %gather3A_2189, %get3A_2199 : vector<16xf32>
      %add3A_2201 = arith.addf %add3A_2174, %mul3A_2200 : vector<16xf32>
      %get3A_2202 = arith.constant 113 : i32
      %get3A_2203 = arith.index_cast %get3A_2202 : i32 to index
      %get3A_2204 = arith.constant 32 : index
      %get3A_2205 = tpu.vector_load %arg10[%get3A_2203, %get3A_2204] {strides = array<i32>} : memref<128x64xf32, #tpu.memory_space<vmem>>, vector<16xf32>,
      %mul3A_2206 = arith.mulf %gather3A_2189, %get3A_2205 : vector<16xf32>
      %add3A_2207 = arith.addf %add3A_2180, %mul3A_2206 : vector<16xf32>
      %get3A_2208 = arith.constant 113 : i32
      %get3A_2209 = arith.index_cast %get3A_2208 : i32 to index
      %get3A_2210 = arith.constant 48 : index
      %get3A_2211 = tpu.vector_load %arg10[%get3A_2209, %get3A_2210] {strides = array<i32>} : memref<128x64xf32, #tpu.memory_space<vmem>>, vector<16xf32>,
      %mul3A_2212 = arith.mulf %gather3A_2189, %get3A_2211 : vector<16xf32>
      %add3A_2213 = arith.addf %add3A_2186, %mul3A_2212 : vector<16xf32>
      %broadcast_in_dim3A_2214 = arith.constant 2 : i32
      %broadcast_in_dim3A_2215 = vector.broadcast %broadcast_in_dim3A_2214 : i32 to vector<16xi32>
      %gather3A_2216 = tpu.vector_load_idx %arg7[%broadcast_in_dim3A_2151, %broadcast_in_dim3A_2215] : memref<1000x16xf32, #tpu.memory_space<vmem>>[vector<16xi32>, vector<16xi32>], vector<16xf32>,
      %get3A_2217 = arith.constant 114 : i32
      %get3A_2218 = arith.index_cast %get3A_2217 : i32 to index
      %get3A_2219 = arith.constant 0 : index
      %get3A_2220 = tpu.vector_load %arg10[%get3A_2218, %get3A_2219] {strides = array<i32>} : memref<128x64xf32, #tpu.memory_space<vmem>>, vector<16xf32>,
      %mul3A_2221 = arith.mulf %gather3A_2216, %get3A_2220 : vector<16xf32>
      %add3A_2222 = arith.addf %add3A_2195, %mul3A_2221 : vector<16xf32>
      %get3A_2223 = arith.constant 114 : i32
      %get3A_2224 = arith.index_cast %get3A_2223 : i32 to index
      %get3A_2225 = arith.constant 16 : index
      %get3A_2226 = tpu.vector_load %arg10[%get3A_2224, %get3A_2225] {strides = array<i32>} : memref<128x64xf32, #tpu.memory_space<vmem>>, vector<16xf32>,
      %mul3A_2227 = arith.mulf %gather3A_2216, %get3A_2226 : vector<16xf32>
      %add3A_2228 = arith.addf %add3A_2201, %mul3A_2227 : vector<16xf32>
      %get3A_2229 = arith.constant 114 : i32
      %get3A_2230 = arith.index_cast %get3A_2229 : i32 to index
      %get3A_2231 = arith.constant 32 : index
      %get3A_2232 = tpu.vector_load %arg10[%get3A_2230, %get3A_2231] {strides = array<i32>} : memref<128x64xf32, #tpu.memory_space<vmem>>, vector<16xf32>,
      %mul3A_2233 = arith.mulf %gather3A_2216, %get3A_2232 : vector<16xf32>
      %add3A_2234 = arith.addf %add3A_2207, %mul3A_2233 : vector<16xf32>
      %get3A_2235 = arith.constant 114 : i32
      %get3A_2236 = arith.index_cast %get3A_2235 : i32 to index
      %get3A_2237 = arith.constant 48 : index
      %get3A_2238 = tpu.vector_load %arg10[%get3A_2236, %get3A_2237] {strides = array<i32>} : memref<128x64xf32, #tpu.memory_space<vmem>>, vector<16xf32>,
      %mul3A_2239 = arith.mulf %gather3A_2216, %get3A_2238 : vector<16xf32>
      %add3A_2240 = arith.addf %add3A_2213, %mul3A_2239 : vector<16xf32>
      %broadcast_in_dim3A_2241 = arith.constant 3 : i32
      %broadcast_in_dim3A_2242 = vector.broadcast %broadcast_in_dim3A_2241 : i32 to vector<16xi32>
      %gather3A_2243 = tpu.vector_load_idx %arg7[%broadcast_in_dim3A_2151, %broadcast_in_dim3A_2242] : memref<1000x16xf32, #tpu.memory_space<vmem>>[vector<16xi32>, vector<16xi32>], vector<16xf32>,
      %get3A_2244 = arith.constant 115 : i32
      %get3A_2245 = arith.index_cast %get3A_2244 : i32 to index
      %get3A_2246 = arith.constant 0 : index
      %get3A_2247 = tpu.vector_load %arg10[%get3A_2245, %get3A_2246] {strides = array<i32>} : memref<128x64xf32, #tpu.memory_space<vmem>>, vector<16xf32>,
      %mul3A_2248 = arith.mulf %gather3A_2243, %get3A_2247 : vector<16xf32>
      %add3A_2249 = arith.addf %add3A_2222, %mul3A_2248 : vector<16xf32>
      %get3A_2250 = arith.constant 115 : i32
      %get3A_2251 = arith.index_cast %get3A_2250 : i32 to index
      %get3A_2252 = arith.constant 16 : index
      %get3A_2253 = tpu.vector_load %arg10[%get3A_2251, %get3A_2252] {strides = array<i32>} : memref<128x64xf32, #tpu.memory_space<vmem>>, vector<16xf32>,
      %mul3A_2254 = arith.mulf %gather3A_2243, %get3A_2253 : vector<16xf32>
      %add3A_2255 = arith.addf %add3A_2228, %mul3A_2254 : vector<16xf32>
      %get3A_2256 = arith.constant 115 : i32
      %get3A_2257 = arith.index_cast %get3A_2256 : i32 to index
      %get3A_2258 = arith.constant 32 : index
      %get3A_2259 = tpu.vector_load %arg10[%get3A_2257, %get3A_2258] {strides = array<i32>} : memref<128x64xf32, #tpu.memory_space<vmem>>, vector<16xf32>,
      %mul3A_2260 = arith.mulf %gather3A_2243, %get3A_2259 : vector<16xf32>
      %add3A_2261 = arith.addf %add3A_2234, %mul3A_2260 : vector<16xf32>
      %get3A_2262 = arith.constant 115 : i32
      %get3A_2263 = arith.index_cast %get3A_2262 : i32 to index
      %get3A_2264 = arith.constant 48 : index
      %get3A_2265 = tpu.vector_load %arg10[%get3A_2263, %get3A_2264] {strides = array<i32>} : memref<128x64xf32, #tpu.memory_space<vmem>>, vector<16xf32>,
      %mul3A_2266 = arith.mulf %gather3A_2243, %get3A_2265 : vector<16xf32>
      %add3A_2267 = arith.addf %add3A_2240, %mul3A_2266 : vector<16xf32>
      %broadcast_in_dim3A_2268 = arith.constant 4 : i32
      %broadcast_in_dim3A_2269 = vector.broadcast %broadcast_in_dim3A_2268 : i32 to vector<16xi32>
      %gather3A_2270 = tpu.vector_load_idx %arg7[%broadcast_in_dim3A_2151, %broadcast_in_dim3A_2269] : memref<1000x16xf32, #tpu.memory_space<vmem>>[vector<16xi32>, vector<16xi32>], vector<16xf32>,
      %get3A_2271 = arith.constant 116 : i32
      %get3A_2272 = arith.index_cast %get3A_2271 : i32 to index
      %get3A_2273 = arith.constant 0 : index
      %get3A_2274 = tpu.vector_load %arg10[%get3A_2272, %get3A_2273] {strides = array<i32>} : memref<128x64xf32, #tpu.memory_space<vmem>>, vector<16xf32>,
      %mul3A_2275 = arith.mulf %gather3A_2270, %get3A_2274 : vector<16xf32>
      %add3A_2276 = arith.addf %add3A_2249, %mul3A_2275 : vector<16xf32>
      %get3A_2277 = arith.constant 116 : i32
      %get3A_2278 = arith.index_cast %get3A_2277 : i32 to index
      %get3A_2279 = arith.constant 16 : index
      %get3A_2280 = tpu.vector_load %arg10[%get3A_2278, %get3A_2279] {strides = array<i32>} : memref<128x64xf32, #tpu.memory_space<vmem>>, vector<16xf32>,
      %mul3A_2281 = arith.mulf %gather3A_2270, %get3A_2280 : vector<16xf32>
      %add3A_2282 = arith.addf %add3A_2255, %mul3A_2281 : vector<16xf32>
      %get3A_2283 = arith.constant 116 : i32
      %get3A_2284 = arith.index_cast %get3A_2283 : i32 to index
      %get3A_2285 = arith.constant 32 : index
      %get3A_2286 = tpu.vector_load %arg10[%get3A_2284, %get3A_2285] {strides = array<i32>} : memref<128x64xf32, #tpu.memory_space<vmem>>, vector<16xf32>,
      %mul3A_2287 = arith.mulf %gather3A_2270, %get3A_2286 : vector<16xf32>
      %add3A_2288 = arith.addf %add3A_2261, %mul3A_2287 : vector<16xf32>
      %get3A_2289 = arith.constant 116 : i32
      %get3A_2290 = arith.index_cast %get3A_2289 : i32 to index
      %get3A_2291 = arith.constant 48 : index
      %get3A_2292 = tpu.vector_load %arg10[%get3A_2290, %get3A_2291] {strides = array<i32>} : memref<128x64xf32, #tpu.memory_space<vmem>>, vector<16xf32>,
      %mul3A_2293 = arith.mulf %gather3A_2270, %get3A_2292 : vector<16xf32>
      %add3A_2294 = arith.addf %add3A_2267, %mul3A_2293 : vector<16xf32>
      %broadcast_in_dim3A_2295 = arith.constant 5 : i32
      %broadcast_in_dim3A_2296 = vector.broadcast %broadcast_in_dim3A_2295 : i32 to vector<16xi32>
      %gather3A_2297 = tpu.vector_load_idx %arg7[%broadcast_in_dim3A_2151, %broadcast_in_dim3A_2296] : memref<1000x16xf32, #tpu.memory_space<vmem>>[vector<16xi32>, vector<16xi32>], vector<16xf32>,
      %get3A_2298 = arith.constant 117 : i32
      %get3A_2299 = arith.index_cast %get3A_2298 : i32 to index
      %get3A_2300 = arith.constant 0 : index
      %get3A_2301 = tpu.vector_load %arg10[%get3A_2299, %get3A_2300] {strides = array<i32>} : memref<128x64xf32, #tpu.memory_space<vmem>>, vector<16xf32>,
      %mul3A_2302 = arith.mulf %gather3A_2297, %get3A_2301 : vector<16xf32>
      %add3A_2303 = arith.addf %add3A_2276, %mul3A_2302 : vector<16xf32>
      %get3A_2304 = arith.constant 117 : i32
      %get3A_2305 = arith.index_cast %get3A_2304 : i32 to index
      %get3A_2306 = arith.constant 16 : index
      %get3A_2307 = tpu.vector_load %arg10[%get3A_2305, %get3A_2306] {strides = array<i32>} : memref<128x64xf32, #tpu.memory_space<vmem>>, vector<16xf32>,
      %mul3A_2308 = arith.mulf %gather3A_2297, %get3A_2307 : vector<16xf32>
      %add3A_2309 = arith.addf %add3A_2282, %mul3A_2308 : vector<16xf32>
      %get3A_2310 = arith.constant 117 : i32
      %get3A_2311 = arith.index_cast %get3A_2310 : i32 to index
      %get3A_2312 = arith.constant 32 : index
      %get3A_2313 = tpu.vector_load %arg10[%get3A_2311, %get3A_2312] {strides = array<i32>} : memref<128x64xf32, #tpu.memory_space<vmem>>, vector<16xf32>,
      %mul3A_2314 = arith.mulf %gather3A_2297, %get3A_2313 : vector<16xf32>
      %add3A_2315 = arith.addf %add3A_2288, %mul3A_2314 : vector<16xf32>
      %get3A_2316 = arith.constant 117 : i32
      %get3A_2317 = arith.index_cast %get3A_2316 : i32 to index
      %get3A_2318 = arith.constant 48 : index
      %get3A_2319 = tpu.vector_load %arg10[%get3A_2317, %get3A_2318] {strides = array<i32>} : memref<128x64xf32, #tpu.memory_space<vmem>>, vector<16xf32>,
      %mul3A_2320 = arith.mulf %gather3A_2297, %get3A_2319 : vector<16xf32>
      %add3A_2321 = arith.addf %add3A_2294, %mul3A_2320 : vector<16xf32>
      %broadcast_in_dim3A_2322 = arith.constant 6 : i32
      %broadcast_in_dim3A_2323 = vector.broadcast %broadcast_in_dim3A_2322 : i32 to vector<16xi32>
      %gather3A_2324 = tpu.vector_load_idx %arg7[%broadcast_in_dim3A_2151, %broadcast_in_dim3A_2323] : memref<1000x16xf32, #tpu.memory_space<vmem>>[vector<16xi32>, vector<16xi32>], vector<16xf32>,
      %get3A_2325 = arith.constant 118 : i32
      %get3A_2326 = arith.index_cast %get3A_2325 : i32 to index
      %get3A_2327 = arith.constant 0 : index
      %get3A_2328 = tpu.vector_load %arg10[%get3A_2326, %get3A_2327] {strides = array<i32>} : memref<128x64xf32, #tpu.memory_space<vmem>>, vector<16xf32>,
      %mul3A_2329 = arith.mulf %gather3A_2324, %get3A_2328 : vector<16xf32>
      %add3A_2330 = arith.addf %add3A_2303, %mul3A_2329 : vector<16xf32>
      %get3A_2331 = arith.constant 118 : i32
      %get3A_2332 = arith.index_cast %get3A_2331 : i32 to index
      %get3A_2333 = arith.constant 16 : index
      %get3A_2334 = tpu.vector_load %arg10[%get3A_2332, %get3A_2333] {strides = array<i32>} : memref<128x64xf32, #tpu.memory_space<vmem>>, vector<16xf32>,
      %mul3A_2335 = arith.mulf %gather3A_2324, %get3A_2334 : vector<16xf32>
      %add3A_2336 = arith.addf %add3A_2309, %mul3A_2335 : vector<16xf32>
      %get3A_2337 = arith.constant 118 : i32
      %get3A_2338 = arith.index_cast %get3A_2337 : i32 to index
      %get3A_2339 = arith.constant 32 : index
      %get3A_2340 = tpu.vector_load %arg10[%get3A_2338, %get3A_2339] {strides = array<i32>} : memref<128x64xf32, #tpu.memory_space<vmem>>, vector<16xf32>,
      %mul3A_2341 = arith.mulf %gather3A_2324, %get3A_2340 : vector<16xf32>
      %add3A_2342 = arith.addf %add3A_2315, %mul3A_2341 : vector<16xf32>
      %get3A_2343 = arith.constant 118 : i32
      %get3A_2344 = arith.index_cast %get3A_2343 : i32 to index
      %get3A_2345 = arith.constant 48 : index
      %get3A_2346 = tpu.vector_load %arg10[%get3A_2344, %get3A_2345] {strides = array<i32>} : memref<128x64xf32, #tpu.memory_space<vmem>>, vector<16xf32>,
      %mul3A_2347 = arith.mulf %gather3A_2324, %get3A_2346 : vector<16xf32>
      %add3A_2348 = arith.addf %add3A_2321, %mul3A_2347 : vector<16xf32>
      %broadcast_in_dim3A_2349 = arith.constant 7 : i32
      %broadcast_in_dim3A_2350 = vector.broadcast %broadcast_in_dim3A_2349 : i32 to vector<16xi32>
      %gather3A_2351 = tpu.vector_load_idx %arg7[%broadcast_in_dim3A_2151, %broadcast_in_dim3A_2350] : memref<1000x16xf32, #tpu.memory_space<vmem>>[vector<16xi32>, vector<16xi32>], vector<16xf32>,
      %get3A_2352 = arith.constant 119 : i32
      %get3A_2353 = arith.index_cast %get3A_2352 : i32 to index
      %get3A_2354 = arith.constant 0 : index
      %get3A_2355 = tpu.vector_load %arg10[%get3A_2353, %get3A_2354] {strides = array<i32>} : memref<128x64xf32, #tpu.memory_space<vmem>>, vector<16xf32>,
      %mul3A_2356 = arith.mulf %gather3A_2351, %get3A_2355 : vector<16xf32>
      %add3A_2357 = arith.addf %add3A_2330, %mul3A_2356 : vector<16xf32>
      %get3A_2358 = arith.constant 119 : i32
      %get3A_2359 = arith.index_cast %get3A_2358 : i32 to index
      %get3A_2360 = arith.constant 16 : index
      %get3A_2361 = tpu.vector_load %arg10[%get3A_2359, %get3A_2360] {strides = array<i32>} : memref<128x64xf32, #tpu.memory_space<vmem>>, vector<16xf32>,
      %mul3A_2362 = arith.mulf %gather3A_2351, %get3A_2361 : vector<16xf32>
      %add3A_2363 = arith.addf %add3A_2336, %mul3A_2362 : vector<16xf32>
      %get3A_2364 = arith.constant 119 : i32
      %get3A_2365 = arith.index_cast %get3A_2364 : i32 to index
      %get3A_2366 = arith.constant 32 : index
      %get3A_2367 = tpu.vector_load %arg10[%get3A_2365, %get3A_2366] {strides = array<i32>} : memref<128x64xf32, #tpu.memory_space<vmem>>, vector<16xf32>,
      %mul3A_2368 = arith.mulf %gather3A_2351, %get3A_2367 : vector<16xf32>
      %add3A_2369 = arith.addf %add3A_2342, %mul3A_2368 : vector<16xf32>
      %get3A_2370 = arith.constant 119 : i32
      %get3A_2371 = arith.index_cast %get3A_2370 : i32 to index
      %get3A_2372 = arith.constant 48 : index
      %get3A_2373 = tpu.vector_load %arg10[%get3A_2371, %get3A_2372] {strides = array<i32>} : memref<128x64xf32, #tpu.memory_space<vmem>>, vector<16xf32>,
      %mul3A_2374 = arith.mulf %gather3A_2351, %get3A_2373 : vector<16xf32>
      %add3A_2375 = arith.addf %add3A_2348, %mul3A_2374 : vector<16xf32>
      %broadcast_in_dim3A_2376 = arith.constant 8 : i32
      %broadcast_in_dim3A_2377 = vector.broadcast %broadcast_in_dim3A_2376 : i32 to vector<16xi32>
      %gather3A_2378 = tpu.vector_load_idx %arg7[%broadcast_in_dim3A_2151, %broadcast_in_dim3A_2377] : memref<1000x16xf32, #tpu.memory_space<vmem>>[vector<16xi32>, vector<16xi32>], vector<16xf32>,
      %get3A_2379 = arith.constant 120 : i32
      %get3A_2380 = arith.index_cast %get3A_2379 : i32 to index
      %get3A_2381 = arith.constant 0 : index
      %get3A_2382 = tpu.vector_load %arg10[%get3A_2380, %get3A_2381] {strides = array<i32>} : memref<128x64xf32, #tpu.memory_space<vmem>>, vector<16xf32>,
      %mul3A_2383 = arith.mulf %gather3A_2378, %get3A_2382 : vector<16xf32>
      %add3A_2384 = arith.addf %add3A_2357, %mul3A_2383 : vector<16xf32>
      %get3A_2385 = arith.constant 120 : i32
      %get3A_2386 = arith.index_cast %get3A_2385 : i32 to index
      %get3A_2387 = arith.constant 16 : index
      %get3A_2388 = tpu.vector_load %arg10[%get3A_2386, %get3A_2387] {strides = array<i32>} : memref<128x64xf32, #tpu.memory_space<vmem>>, vector<16xf32>,
      %mul3A_2389 = arith.mulf %gather3A_2378, %get3A_2388 : vector<16xf32>
      %add3A_2390 = arith.addf %add3A_2363, %mul3A_2389 : vector<16xf32>
      %get3A_2391 = arith.constant 120 : i32
      %get3A_2392 = arith.index_cast %get3A_2391 : i32 to index
      %get3A_2393 = arith.constant 32 : index
      %get3A_2394 = tpu.vector_load %arg10[%get3A_2392, %get3A_2393] {strides = array<i32>} : memref<128x64xf32, #tpu.memory_space<vmem>>, vector<16xf32>,
      %mul3A_2395 = arith.mulf %gather3A_2378, %get3A_2394 : vector<16xf32>
      %add3A_2396 = arith.addf %add3A_2369, %mul3A_2395 : vector<16xf32>
      %get3A_2397 = arith.constant 120 : i32
      %get3A_2398 = arith.index_cast %get3A_2397 : i32 to index
      %get3A_2399 = arith.constant 48 : index
      %get3A_2400 = tpu.vector_load %arg10[%get3A_2398, %get3A_2399] {strides = array<i32>} : memref<128x64xf32, #tpu.memory_space<vmem>>, vector<16xf32>,
      %mul3A_2401 = arith.mulf %gather3A_2378, %get3A_2400 : vector<16xf32>
      %add3A_2402 = arith.addf %add3A_2375, %mul3A_2401 : vector<16xf32>
      %broadcast_in_dim3A_2403 = arith.constant 9 : i32
      %broadcast_in_dim3A_2404 = vector.broadcast %broadcast_in_dim3A_2403 : i32 to vector<16xi32>
      %gather3A_2405 = tpu.vector_load_idx %arg7[%broadcast_in_dim3A_2151, %broadcast_in_dim3A_2404] : memref<1000x16xf32, #tpu.memory_space<vmem>>[vector<16xi32>, vector<16xi32>], vector<16xf32>,
      %get3A_2406 = arith.constant 121 : i32
      %get3A_2407 = arith.index_cast %get3A_2406 : i32 to index
      %get3A_2408 = arith.constant 0 : index
      %get3A_2409 = tpu.vector_load %arg10[%get3A_2407, %get3A_2408] {strides = array<i32>} : memref<128x64xf32, #tpu.memory_space<vmem>>, vector<16xf32>,
      %mul3A_2410 = arith.mulf %gather3A_2405, %get3A_2409 : vector<16xf32>
      %add3A_2411 = arith.addf %add3A_2384, %mul3A_2410 : vector<16xf32>
      %get3A_2412 = arith.constant 121 : i32
      %get3A_2413 = arith.index_cast %get3A_2412 : i32 to index
      %get3A_2414 = arith.constant 16 : index
      %get3A_2415 = tpu.vector_load %arg10[%get3A_2413, %get3A_2414] {strides = array<i32>} : memref<128x64xf32, #tpu.memory_space<vmem>>, vector<16xf32>,
      %mul3A_2416 = arith.mulf %gather3A_2405, %get3A_2415 : vector<16xf32>
      %add3A_2417 = arith.addf %add3A_2390, %mul3A_2416 : vector<16xf32>
      %get3A_2418 = arith.constant 121 : i32
      %get3A_2419 = arith.index_cast %get3A_2418 : i32 to index
      %get3A_2420 = arith.constant 32 : index
      %get3A_2421 = tpu.vector_load %arg10[%get3A_2419, %get3A_2420] {strides = array<i32>} : memref<128x64xf32, #tpu.memory_space<vmem>>, vector<16xf32>,
      %mul3A_2422 = arith.mulf %gather3A_2405, %get3A_2421 : vector<16xf32>
      %add3A_2423 = arith.addf %add3A_2396, %mul3A_2422 : vector<16xf32>
      %get3A_2424 = arith.constant 121 : i32
      %get3A_2425 = arith.index_cast %get3A_2424 : i32 to index
      %get3A_2426 = arith.constant 48 : index
      %get3A_2427 = tpu.vector_load %arg10[%get3A_2425, %get3A_2426] {strides = array<i32>} : memref<128x64xf32, #tpu.memory_space<vmem>>, vector<16xf32>,
      %mul3A_2428 = arith.mulf %gather3A_2405, %get3A_2427 : vector<16xf32>
      %add3A_2429 = arith.addf %add3A_2402, %mul3A_2428 : vector<16xf32>
      %swap3A_2430 = arith.constant 7 : i32
      %swap3A_2431 = arith.index_cast %swap3A_2430 : i32 to index
      %swap3A_2432 = arith.constant 0 : index
      %swap3A_2433 = tpu.vector_load %arg12[%swap3A_2431, %swap3A_2432] {strides = array<i32>} : memref<8x64xf32, #tpu.memory_space<vmem>>, vector<16xf32>,
      tpu.vector_store %arg12[%swap3A_2431, %swap3A_2432], %add3A_2411 {strides = array<i32>} : memref<8x64xf32, #tpu.memory_space<vmem>>, vector<16xf32>,
      %swap3A_2434 = arith.constant 7 : i32
      %swap3A_2435 = arith.index_cast %swap3A_2434 : i32 to index
      %swap3A_2436 = arith.constant 16 : index
      %swap3A_2437 = tpu.vector_load %arg12[%swap3A_2435, %swap3A_2436] {strides = array<i32>} : memref<8x64xf32, #tpu.memory_space<vmem>>, vector<16xf32>,
      tpu.vector_store %arg12[%swap3A_2435, %swap3A_2436], %add3A_2417 {strides = array<i32>} : memref<8x64xf32, #tpu.memory_space<vmem>>, vector<16xf32>,
      %swap3A_2438 = arith.constant 7 : i32
      %swap3A_2439 = arith.index_cast %swap3A_2438 : i32 to index
      %swap3A_2440 = arith.constant 32 : index
      %swap3A_2441 = tpu.vector_load %arg12[%swap3A_2439, %swap3A_2440] {strides = array<i32>} : memref<8x64xf32, #tpu.memory_space<vmem>>, vector<16xf32>,
      tpu.vector_store %arg12[%swap3A_2439, %swap3A_2440], %add3A_2423 {strides = array<i32>} : memref<8x64xf32, #tpu.memory_space<vmem>>, vector<16xf32>,
      %swap3A_2442 = arith.constant 7 : i32
      %swap3A_2443 = arith.index_cast %swap3A_2442 : i32 to index
      %swap3A_2444 = arith.constant 48 : index
      %swap3A_2445 = tpu.vector_load %arg12[%swap3A_2443, %swap3A_2444] {strides = array<i32>} : memref<8x64xf32, #tpu.memory_space<vmem>>, vector<16xf32>,
      tpu.vector_store %arg12[%swap3A_2443, %swap3A_2444], %add3A_2429 {strides = array<i32>} : memref<8x64xf32, #tpu.memory_space<vmem>>, vector<16xf32>,
      %mul3A_2446 = arith.constant 8 : i32
      %mul3A_2447 = arith.muli %scan3A_47, %mul3A_2446 : i32
      %add3A_2448 = arith.addi %mul3A_32, %mul3A_2447 : i32
      "tpu.region"() ({
        %run_scoped3A = tpu.sem_alloc : memref<!tpu.dma_semaphore, #tpu.memory_space<semaphore_mem>>
        %dma_start3A_2449 = arith.constant 0 : i32
        %dma_start3A_2450 = tpu.memref_slice %arg6[%add3A_2448, %dma_start3A_2449] : memref<32000x64xf32, #tpu.memory_space<hbm>> -> memref<8x64xf32, #tpu.memory_space<hbm>>
        %dma_start3A_2451 = arith.constant 0 : i32
        %dma_start3A_2452 = tpu.memref_slice %arg6[%add3A_2448, %dma_start3A_2451] : memref<32000x64xf32, #tpu.memory_space<hbm>> -> memref<8x64xf32, #tpu.memory_space<hbm>>
        tpu.enqueue_dma source(%arg12 : memref<8x64xf32, #tpu.memory_space<vmem>>) target(%dma_start3A_2452 : memref<8x64xf32, #tpu.memory_space<hbm>>) target_semaphore(%run_scoped3A : memref<!tpu.dma_semaphore, #tpu.memory_space<semaphore_mem>>)
        %dma_wait3A_2453 = arith.constant 0 : i32
        %dma_wait3A_2454 = tpu.memref_slice %arg6[%add3A_2448, %dma_wait3A_2453] : memref<32000x64xf32, #tpu.memory_space<hbm>> -> memref<8x64xf32, #tpu.memory_space<hbm>>
        %dma_wait3A_2455 = arith.constant 0 : i32
        %dma_wait3A_2456 = tpu.memref_slice %arg6[%add3A_2448, %dma_wait3A_2455] : memref<32000x64xf32, #tpu.memory_space<hbm>> -> memref<8x64xf32, #tpu.memory_space<hbm>>
        tpu.wait_dma2 semaphore(%run_scoped3A : memref<!tpu.dma_semaphore, #tpu.memory_space<semaphore_mem>>) src(%arg12 : memref<8x64xf32, #tpu.memory_space<vmem>>) dst(%dma_wait3A_2456 : memref<8x64xf32, #tpu.memory_space<hbm>>)
        tpu.yield
      }) : () -> ()
    }
    %scan3A_46 = arith.constant 125 : i32
    return
  }
}

module attributes {stable_mosaic.version = 14 : i64} {
  func.func @_proj_body(%arg0: i32, %arg1: memref<1x1000x1024xf32, #tpu.memory_space<vmem>>, %arg2: memref<1024x1024xf32, #tpu.memory_space<vmem>>, %arg3: memref<1x1024xf32, #tpu.memory_space<vmem>>, %arg4: memref<1024x1024xf32, #tpu.memory_space<vmem>>, %arg5: memref<1x1024xf32, #tpu.memory_space<vmem>>, %arg6: memref<1024x1024xf32, #tpu.memory_space<vmem>>, %arg7: memref<1x1000x1024xf32, #tpu.memory_space<vmem>>, %arg8: memref<1x1000x1024xf32, #tpu.memory_space<vmem>>, %arg9: memref<1x1000x1024xf32, #tpu.memory_space<vmem>>) attributes {dimension_semantics = [#tpu.dimension_semantics<arbitrary>], iteration_bounds = array<i64: 2>, scalar_prefetch = 0 : i64, scratch_operands = 0 : i64, tpu.core_type = #tpu.core_type<tc>, window_params = [{transform_indices = @transform_0, window_bounds = array<i64: 1, 1000, 1024>}, {pipeline_mode = #tpu.pipeline_mode<synchronous>, transform_indices = @transform_1, window_bounds = array<i64: 1024, 1024>}, {pipeline_mode = #tpu.pipeline_mode<synchronous>, transform_indices = @transform_2, window_bounds = array<i64: 1, 1024>}, {pipeline_mode = #tpu.pipeline_mode<synchronous>, transform_indices = @transform_3, window_bounds = array<i64: 1024, 1024>}, {pipeline_mode = #tpu.pipeline_mode<synchronous>, transform_indices = @transform_4, window_bounds = array<i64: 1, 1024>}, {pipeline_mode = #tpu.pipeline_mode<synchronous>, transform_indices = @transform_5, window_bounds = array<i64: 1024, 1024>}, {transform_indices = @transform_6, window_bounds = array<i64: 1, 1000, 1024>}, {transform_indices = @transform_7, window_bounds = array<i64: 1, 1000, 1024>}, {transform_indices = @transform_8, window_bounds = array<i64: 1, 1000, 1024>}]} {
    %get3A = arith.constant 0 : index
    %get3A_0 = arith.constant 0 : index
    %get3A_1 = arith.constant 0 : index
    %get3A_2 = vector.load %arg1[%get3A, %get3A_0, %get3A_1] : memref<1x1000x1024xf32, #tpu.memory_space<vmem>>, vector<1x1000x1024xf32>
    %get3A_3 = vector.shape_cast %get3A_2 : vector<1x1000x1024xf32> to vector<1000x1024xf32>
    %get3A_4 = arith.constant 0 : index
    %get3A_5 = arith.constant 0 : index
    %get3A_6 = vector.load %arg2[%get3A_4, %get3A_5] : memref<1024x1024xf32, #tpu.memory_space<vmem>>, vector<1024x1024xf32>
    %dot_general3A = arith.constant dense<0.000000e+00> : vector<1000x1024xf32>
    %dot_general3A_7 = tpu.matmul %get3A_3, %get3A_6, %dot_general3A {dimension_numbers = #tpu.dot_dimension_numbers<[1], [1], [0], [0], [0, 0, 1, 0], [], []>, transpose_lhs_hint = false} : vector<1000x1024xf32>, vector<1024x1024xf32>, vector<1000x1024xf32> -> vector<1000x1024xf32>
    %get3A_8 = arith.constant 0 : index
    %get3A_9 = arith.constant 0 : index
    %get3A_10 = vector.load %arg3[%get3A_8, %get3A_9] : memref<1x1024xf32, #tpu.memory_space<vmem>>, vector<1x1024xf32>
    %add3A = vector.broadcast %get3A_10 : vector<1x1024xf32> to vector<1000x1024xf32>
    %add3A_11 = arith.addf %dot_general3A_7, %add3A : vector<1000x1024xf32>
    %swap3A = arith.constant 0 : index
    %swap3A_12 = arith.constant 0 : index
    %swap3A_13 = arith.constant 0 : index
    %swap3A_14 = vector.load %arg7[%swap3A, %swap3A_12, %swap3A_13] : memref<1x1000x1024xf32, #tpu.memory_space<vmem>>, vector<1x1000x1024xf32>
    %swap3A_15 = vector.shape_cast %swap3A_14 : vector<1x1000x1024xf32> to vector<1000x1024xf32>
    %swap3A_16 = vector.shape_cast %add3A_11 : vector<1000x1024xf32> to vector<1x1000x1024xf32>
    tpu.vector_store %arg7[%swap3A, %swap3A_12, %swap3A_13], %swap3A_16 {strides = array<i32>} : memref<1x1000x1024xf32, #tpu.memory_space<vmem>>, vector<1x1000x1024xf32>,
    %get3A_17 = arith.constant 0 : index
    %get3A_18 = arith.constant 0 : index
    %get3A_19 = vector.load %arg4[%get3A_17, %get3A_18] : memref<1024x1024xf32, #tpu.memory_space<vmem>>, vector<1024x1024xf32>
    %dot_general3A_20 = arith.constant dense<0.000000e+00> : vector<1000x1024xf32>
    %dot_general3A_21 = tpu.matmul %get3A_3, %get3A_19, %dot_general3A_20 {dimension_numbers = #tpu.dot_dimension_numbers<[1], [1], [0], [0], [0, 0, 1, 0], [], []>, transpose_lhs_hint = false} : vector<1000x1024xf32>, vector<1024x1024xf32>, vector<1000x1024xf32> -> vector<1000x1024xf32>
    %get3A_22 = arith.constant 0 : index
    %get3A_23 = arith.constant 0 : index
    %get3A_24 = vector.load %arg5[%get3A_22, %get3A_23] : memref<1x1024xf32, #tpu.memory_space<vmem>>, vector<1x1024xf32>
    %add3A_25 = vector.broadcast %get3A_24 : vector<1x1024xf32> to vector<1000x1024xf32>
    %add3A_26 = arith.addf %dot_general3A_21, %add3A_25 : vector<1000x1024xf32>
    %swap3A_27 = arith.constant 0 : index
    %swap3A_28 = arith.constant 0 : index
    %swap3A_29 = arith.constant 0 : index
    %swap3A_30 = vector.load %arg8[%swap3A_27, %swap3A_28, %swap3A_29] : memref<1x1000x1024xf32, #tpu.memory_space<vmem>>, vector<1x1000x1024xf32>
    %swap3A_31 = vector.shape_cast %swap3A_30 : vector<1x1000x1024xf32> to vector<1000x1024xf32>
    %swap3A_32 = vector.shape_cast %add3A_26 : vector<1000x1024xf32> to vector<1x1000x1024xf32>
    tpu.vector_store %arg8[%swap3A_27, %swap3A_28, %swap3A_29], %swap3A_32 {strides = array<i32>} : memref<1x1000x1024xf32, #tpu.memory_space<vmem>>, vector<1x1000x1024xf32>,
    %get3A_33 = arith.constant 0 : index
    %get3A_34 = arith.constant 0 : index
    %get3A_35 = vector.load %arg6[%get3A_33, %get3A_34] : memref<1024x1024xf32, #tpu.memory_space<vmem>>, vector<1024x1024xf32>
    %dot_general3A_36 = arith.constant dense<0.000000e+00> : vector<1000x1024xf32>
    %dot_general3A_37 = tpu.matmul %get3A_3, %get3A_35, %dot_general3A_36 {dimension_numbers = #tpu.dot_dimension_numbers<[1], [1], [0], [0], [0, 0, 1, 0], [], []>, transpose_lhs_hint = false} : vector<1000x1024xf32>, vector<1024x1024xf32>, vector<1000x1024xf32> -> vector<1000x1024xf32>
    %swap3A_38 = arith.constant 0 : index
    %swap3A_39 = arith.constant 0 : index
    %swap3A_40 = arith.constant 0 : index
    %swap3A_41 = vector.load %arg9[%swap3A_38, %swap3A_39, %swap3A_40] : memref<1x1000x1024xf32, #tpu.memory_space<vmem>>, vector<1x1000x1024xf32>
    %swap3A_42 = vector.shape_cast %swap3A_41 : vector<1x1000x1024xf32> to vector<1000x1024xf32>
    %swap3A_43 = vector.shape_cast %dot_general3A_37 : vector<1000x1024xf32> to vector<1x1000x1024xf32>
    tpu.vector_store %arg9[%swap3A_38, %swap3A_39, %swap3A_40], %swap3A_43 {strides = array<i32>} : memref<1x1000x1024xf32, #tpu.memory_space<vmem>>, vector<1x1000x1024xf32>,
    return
  }
  func.func @transform_0(%arg0: i32) -> (i32, i32, i32) {
    %c0_i32 = arith.constant 0 : i32
    %c0_i32_0 = arith.constant 0 : i32
    %c0_i32_1 = arith.constant 0 : i32
    return %arg0, %c0_i32, %c0_i32_0 : i32, i32, i32
  }
  func.func @transform_1(%arg0: i32) -> (i32, i32) {
    %c0_i32 = arith.constant 0 : i32
    %c0_i32_0 = arith.constant 0 : i32
    %c0_i32_1 = arith.constant 0 : i32
    return %c0_i32, %c0_i32_0 : i32, i32
  }
  func.func @transform_2(%arg0: i32) -> (i32, i32) {
    %c0_i32 = arith.constant 0 : i32
    %c0_i32_0 = arith.constant 0 : i32
    %c0_i32_1 = arith.constant 0 : i32
    return %c0_i32, %c0_i32_0 : i32, i32
  }
  func.func @transform_3(%arg0: i32) -> (i32, i32) {
    %c0_i32 = arith.constant 0 : i32
    %c0_i32_0 = arith.constant 0 : i32
    %c0_i32_1 = arith.constant 0 : i32
    return %c0_i32, %c0_i32_0 : i32, i32
  }
  func.func @transform_4(%arg0: i32) -> (i32, i32) {
    %c0_i32 = arith.constant 0 : i32
    %c0_i32_0 = arith.constant 0 : i32
    %c0_i32_1 = arith.constant 0 : i32
    return %c0_i32, %c0_i32_0 : i32, i32
  }
  func.func @transform_5(%arg0: i32) -> (i32, i32) {
    %c0_i32 = arith.constant 0 : i32
    %c0_i32_0 = arith.constant 0 : i32
    %c0_i32_1 = arith.constant 0 : i32
    return %c0_i32, %c0_i32_0 : i32, i32
  }
  func.func @transform_6(%arg0: i32) -> (i32, i32, i32) {
    %c0_i32 = arith.constant 0 : i32
    %c0_i32_0 = arith.constant 0 : i32
    %c0_i32_1 = arith.constant 0 : i32
    return %arg0, %c0_i32, %c0_i32_0 : i32, i32, i32
  }
  func.func @transform_7(%arg0: i32) -> (i32, i32, i32) {
    %c0_i32 = arith.constant 0 : i32
    %c0_i32_0 = arith.constant 0 : i32
    %c0_i32_1 = arith.constant 0 : i32
    return %arg0, %c0_i32, %c0_i32_0 : i32, i32, i32
  }
  func.func @transform_8(%arg0: i32) -> (i32, i32, i32) {
    %c0_i32 = arith.constant 0 : i32
    %c0_i32_0 = arith.constant 0 : i32
    %c0_i32_1 = arith.constant 0 : i32
    return %arg0, %c0_i32, %c0_i32_0 : i32, i32, i32
  }
}

module attributes {stable_mosaic.version = 14 : i64} {
  func.func @_attn_body(%arg0: i32, %arg1: i32, %arg2: memref<1x5x1000x512xf32, #tpu.memory_space<vmem>>, %arg3: memref<1x40x1024xf32, #tpu.memory_space<vmem>>, %arg4: memref<1x1000x1024xf32, #tpu.memory_space<vmem>>, %arg5: memref<512x128xf32, #tpu.memory_space<vmem>>, %arg6: memref<1x128xf32, #tpu.memory_space<vmem>>, %arg7: memref<8x128xf32, #tpu.memory_space<vmem>>, %arg8: memref<1024x128xf32, #tpu.memory_space<vmem>>, %arg9: memref<1x5x16x128xf32, #tpu.memory_space<vmem>>, %arg10: memref<1x5x16x128xi32, #tpu.memory_space<vmem>>) attributes {dimension_semantics = [#tpu.dimension_semantics<arbitrary>, #tpu.dimension_semantics<arbitrary>], iteration_bounds = array<i64: 2, 25>, scalar_prefetch = 0 : i64, scratch_operands = 0 : i64, tpu.core_type = #tpu.core_type<tc>, window_params = [{transform_indices = @transform_0, window_bounds = array<i64: 1, 5, 1000, 512>}, {transform_indices = @transform_1, window_bounds = array<i64: 1, 40, 1024>}, {transform_indices = @transform_2, window_bounds = array<i64: 1, 1000, 1024>}, {pipeline_mode = #tpu.pipeline_mode<synchronous>, transform_indices = @transform_3, window_bounds = array<i64: 512, 128>}, {pipeline_mode = #tpu.pipeline_mode<synchronous>, transform_indices = @transform_4, window_bounds = array<i64: 1, 128>}, {pipeline_mode = #tpu.pipeline_mode<synchronous>, transform_indices = @transform_5, window_bounds = array<i64: 8, 128>}, {pipeline_mode = #tpu.pipeline_mode<synchronous>, transform_indices = @transform_6, window_bounds = array<i64: 1024, 128>}, {transform_indices = @transform_7, window_bounds = array<i64: 1, 5, 16, 128>}, {transform_indices = @transform_8, window_bounds = array<i64: 1, 5, 16, 128>}]} {
    %get3A = arith.constant 0 : index
    %get3A_0 = arith.constant 0 : index
    %get3A_1 = arith.constant 0 : index
    %get3A_2 = vector.load %arg4[%get3A, %get3A_0, %get3A_1] : memref<1x1000x1024xf32, #tpu.memory_space<vmem>>, vector<1x1000x1024xf32>
    %get3A_3 = vector.shape_cast %get3A_2 : vector<1x1000x1024xf32> to vector<1000x1024xf32>
    %iota3A = tpu.iota {dimensions = array<i32: 0>} : vector<1000x128xi32>
    %get3A_4 = arith.constant 0 : index
    %get3A_5 = arith.constant 0 : index
    %get3A_6 = arith.constant 0 : index
    %get3A_7 = arith.constant 0 : index
    %get3A_8 = vector.load %arg2[%get3A_4, %get3A_5, %get3A_6, %get3A_7] : memref<1x5x1000x512xf32, #tpu.memory_space<vmem>>, vector<1x1x1000x512xf32>
    %get3A_9 = vector.shape_cast %get3A_8 : vector<1x1x1000x512xf32> to vector<1000x512xf32>
    %get3A_10 = arith.constant 0 : index
    %get3A_11 = arith.constant 0 : index
    %get3A_12 = vector.load %arg5[%get3A_10, %get3A_11] : memref<512x128xf32, #tpu.memory_space<vmem>>, vector<512x128xf32>
    %dot_general3A = arith.constant dense<0.000000e+00> : vector<1000x128xf32>
    %dot_general3A_13 = tpu.matmul %get3A_9, %get3A_12, %dot_general3A {dimension_numbers = #tpu.dot_dimension_numbers<[1], [0], [0], [1], [0, 0, 1, 1], [], []>, transpose_lhs_hint = false} : vector<1000x512xf32>, vector<512x128xf32>, vector<1000x128xf32> -> vector<1000x128xf32>
    %get3A_14 = arith.constant 0 : index
    %get3A_15 = arith.constant 0 : index
    %get3A_16 = vector.load %arg6[%get3A_14, %get3A_15] : memref<1x128xf32, #tpu.memory_space<vmem>>, vector<1x128xf32>
    %add3A = vector.broadcast %get3A_16 : vector<1x128xf32> to vector<1000x128xf32>
    %add3A_17 = arith.addf %dot_general3A_13, %add3A : vector<1000x128xf32>
    %max3A = arith.constant 9.99999997E-7 : f32
    %max3A_18 = vector.broadcast %max3A : f32 to vector<1000x128xf32>
    %max3A_19 = arith.maximumf %add3A_17, %max3A_18 : vector<1000x128xf32>
    %log3A = math.log %max3A_19 : vector<1000x128xf32>
    %get3A_20 = arith.constant 0 : index
    %get3A_21 = arith.constant 0 : index
    %get3A_22 = arith.constant 0 : index
    %get3A_23 = vector.load %arg3[%get3A_20, %get3A_21, %get3A_22] : memref<1x40x1024xf32, #tpu.memory_space<vmem>>, vector<1x8x1024xf32>
    %get3A_24 = vector.shape_cast %get3A_23 : vector<1x8x1024xf32> to vector<8x1024xf32>
    %transpose3A = tpu.transpose %get3A_24, [1, 0] : vector<8x1024xf32> -> vector<1024x8xf32>
    %get3A_25 = arith.constant 0 : index
    %get3A_26 = arith.constant 0 : index
    %get3A_27 = vector.load %arg7[%get3A_25, %get3A_26] : memref<8x128xf32, #tpu.memory_space<vmem>>, vector<8x128xf32>
    %dot_general3A_28 = arith.constant dense<0.000000e+00> : vector<1024x128xf32>
    %dot_general3A_29 = tpu.matmul %transpose3A, %get3A_27, %dot_general3A_28 {dimension_numbers = #tpu.dot_dimension_numbers<[1], [0], [0], [1], [0, 0, 1, 1], [], []>, transpose_lhs_hint = false} : vector<1024x8xf32>, vector<8x128xf32>, vector<1024x128xf32> -> vector<1024x128xf32>
    %get3A_30 = arith.constant 0 : index
    %get3A_31 = arith.constant 0 : index
    %get3A_32 = vector.load %arg8[%get3A_30, %get3A_31] : memref<1024x128xf32, #tpu.memory_space<vmem>>, vector<1024x128xf32>
    %mul3A = arith.mulf %dot_general3A_29, %get3A_32 : vector<1024x128xf32>
    %dot_general3A_33 = arith.constant dense<0.000000e+00> : vector<1000x128xf32>
    %dot_general3A_34 = tpu.matmul %get3A_3, %mul3A, %dot_general3A_33 {dimension_numbers = #tpu.dot_dimension_numbers<[1], [0], [0], [1], [0, 0, 1, 1], [], []>, transpose_lhs_hint = false} : vector<1000x1024xf32>, vector<1024x128xf32>, vector<1000x128xf32> -> vector<1000x128xf32>
    %mul3A_35 = arith.constant 1.250000e-01 : f32
    %mul3A_36 = vector.broadcast %mul3A_35 : f32 to vector<1000x128xf32>
    %mul3A_37 = arith.mulf %dot_general3A_34, %mul3A_36 : vector<1000x128xf32>
    %add3A_38 = arith.addf %mul3A_37, %log3A : vector<1000x128xf32>
    %reduce_max3A = arith.constant dense<0xFF800000> : vector<128xf32>
    %reduce_max3A_39 = vector.multi_reduction <maximumf>, %add3A_38, %reduce_max3A [0] : vector<1000x128xf32> to vector<128xf32>
    %broadcast_in_dim3A = vector.shape_cast %reduce_max3A_39 : vector<128xf32> to vector<1x128xf32>
    %eq3A = vector.broadcast %broadcast_in_dim3A : vector<1x128xf32> to vector<1000x128xf32>
    %eq3A_40 = arith.cmpf oeq, %add3A_38, %eq3A : vector<1000x128xf32>
    %jit3A = arith.constant 1073741824 : i32
    %broadcast_in_dim3A_41 = vector.broadcast %jit3A : i32 to vector<1000x128xi32>
    %select_n3A = arith.select %eq3A_40, %iota3A, %broadcast_in_dim3A_41 : vector<1000x128xi1>, vector<1000x128xi32>
    %reduce_min3A = arith.constant dense<2147483647> : vector<128xi32>
    %reduce_min3A_42 = vector.multi_reduction <minsi>, %select_n3A, %reduce_min3A [0] : vector<1000x128xi32> to vector<128xi32>
    %broadcast_in_dim3A_43 = vector.shape_cast %reduce_min3A_42 : vector<128xi32> to vector<1x128xi32>
    %eq3A_44 = vector.broadcast %broadcast_in_dim3A_43 : vector<1x128xi32> to vector<1000x128xi32>
    %eq3A_45 = arith.cmpi eq, %iota3A, %eq3A_44 : vector<1000x128xi32>
    %jit3A_46 = arith.constant 0xFF800000 : f32
    %broadcast_in_dim3A_47 = vector.broadcast %jit3A_46 : f32 to vector<1000x128xf32>
    %select_n3A_48 = arith.select %eq3A_45, %broadcast_in_dim3A_47, %add3A_38 : vector<1000x128xi1>, vector<1000x128xf32>
    %reduce_max3A_49 = arith.constant dense<0xFF800000> : vector<128xf32>
    %reduce_max3A_50 = vector.multi_reduction <maximumf>, %select_n3A_48, %reduce_max3A_49 [0] : vector<1000x128xf32> to vector<128xf32>
    %broadcast_in_dim3A_51 = vector.shape_cast %reduce_max3A_50 : vector<128xf32> to vector<1x128xf32>
    %eq3A_52 = vector.broadcast %broadcast_in_dim3A_51 : vector<1x128xf32> to vector<1000x128xf32>
    %eq3A_53 = arith.cmpf oeq, %select_n3A_48, %eq3A_52 : vector<1000x128xf32>
    %jit3A_54 = arith.constant 1073741824 : i32
    %broadcast_in_dim3A_55 = vector.broadcast %jit3A_54 : i32 to vector<1000x128xi32>
    %select_n3A_56 = arith.select %eq3A_53, %iota3A, %broadcast_in_dim3A_55 : vector<1000x128xi1>, vector<1000x128xi32>
    %reduce_min3A_57 = arith.constant dense<2147483647> : vector<128xi32>
    %reduce_min3A_58 = vector.multi_reduction <minsi>, %select_n3A_56, %reduce_min3A_57 [0] : vector<1000x128xi32> to vector<128xi32>
    %broadcast_in_dim3A_59 = vector.shape_cast %reduce_min3A_58 : vector<128xi32> to vector<1x128xi32>
    %eq3A_60 = vector.broadcast %broadcast_in_dim3A_59 : vector<1x128xi32> to vector<1000x128xi32>
    %eq3A_61 = arith.cmpi eq, %iota3A, %eq3A_60 : vector<1000x128xi32>
    %jit3A_62 = arith.constant 0xFF800000 : f32
    %broadcast_in_dim3A_63 = vector.broadcast %jit3A_62 : f32 to vector<1000x128xf32>
    %select_n3A_64 = arith.select %eq3A_61, %broadcast_in_dim3A_63, %select_n3A_48 : vector<1000x128xi1>, vector<1000x128xf32>
    %reduce_max3A_65 = arith.constant dense<0xFF800000> : vector<128xf32>
    %reduce_max3A_66 = vector.multi_reduction <maximumf>, %select_n3A_64, %reduce_max3A_65 [0] : vector<1000x128xf32> to vector<128xf32>
    %broadcast_in_dim3A_67 = vector.shape_cast %reduce_max3A_66 : vector<128xf32> to vector<1x128xf32>
    %eq3A_68 = vector.broadcast %broadcast_in_dim3A_67 : vector<1x128xf32> to vector<1000x128xf32>
    %eq3A_69 = arith.cmpf oeq, %select_n3A_64, %eq3A_68 : vector<1000x128xf32>
    %jit3A_70 = arith.constant 1073741824 : i32
    %broadcast_in_dim3A_71 = vector.broadcast %jit3A_70 : i32 to vector<1000x128xi32>
    %select_n3A_72 = arith.select %eq3A_69, %iota3A, %broadcast_in_dim3A_71 : vector<1000x128xi1>, vector<1000x128xi32>
    %reduce_min3A_73 = arith.constant dense<2147483647> : vector<128xi32>
    %reduce_min3A_74 = vector.multi_reduction <minsi>, %select_n3A_72, %reduce_min3A_73 [0] : vector<1000x128xi32> to vector<128xi32>
    %broadcast_in_dim3A_75 = vector.shape_cast %reduce_min3A_74 : vector<128xi32> to vector<1x128xi32>
    %eq3A_76 = vector.broadcast %broadcast_in_dim3A_75 : vector<1x128xi32> to vector<1000x128xi32>
    %eq3A_77 = arith.cmpi eq, %iota3A, %eq3A_76 : vector<1000x128xi32>
    %jit3A_78 = arith.constant 0xFF800000 : f32
    %broadcast_in_dim3A_79 = vector.broadcast %jit3A_78 : f32 to vector<1000x128xf32>
    %select_n3A_80 = arith.select %eq3A_77, %broadcast_in_dim3A_79, %select_n3A_64 : vector<1000x128xi1>, vector<1000x128xf32>
    %reduce_max3A_81 = arith.constant dense<0xFF800000> : vector<128xf32>
    %reduce_max3A_82 = vector.multi_reduction <maximumf>, %select_n3A_80, %reduce_max3A_81 [0] : vector<1000x128xf32> to vector<128xf32>
    %broadcast_in_dim3A_83 = vector.shape_cast %reduce_max3A_82 : vector<128xf32> to vector<1x128xf32>
    %eq3A_84 = vector.broadcast %broadcast_in_dim3A_83 : vector<1x128xf32> to vector<1000x128xf32>
    %eq3A_85 = arith.cmpf oeq, %select_n3A_80, %eq3A_84 : vector<1000x128xf32>
    %jit3A_86 = arith.constant 1073741824 : i32
    %broadcast_in_dim3A_87 = vector.broadcast %jit3A_86 : i32 to vector<1000x128xi32>
    %select_n3A_88 = arith.select %eq3A_85, %iota3A, %broadcast_in_dim3A_87 : vector<1000x128xi1>, vector<1000x128xi32>
    %reduce_min3A_89 = arith.constant dense<2147483647> : vector<128xi32>
    %reduce_min3A_90 = vector.multi_reduction <minsi>, %select_n3A_88, %reduce_min3A_89 [0] : vector<1000x128xi32> to vector<128xi32>
    %broadcast_in_dim3A_91 = vector.shape_cast %reduce_min3A_90 : vector<128xi32> to vector<1x128xi32>
    %eq3A_92 = vector.broadcast %broadcast_in_dim3A_91 : vector<1x128xi32> to vector<1000x128xi32>
    %eq3A_93 = arith.cmpi eq, %iota3A, %eq3A_92 : vector<1000x128xi32>
    %jit3A_94 = arith.constant 0xFF800000 : f32
    %broadcast_in_dim3A_95 = vector.broadcast %jit3A_94 : f32 to vector<1000x128xf32>
    %select_n3A_96 = arith.select %eq3A_93, %broadcast_in_dim3A_95, %select_n3A_80 : vector<1000x128xi1>, vector<1000x128xf32>
    %reduce_max3A_97 = arith.constant dense<0xFF800000> : vector<128xf32>
    %reduce_max3A_98 = vector.multi_reduction <maximumf>, %select_n3A_96, %reduce_max3A_97 [0] : vector<1000x128xf32> to vector<128xf32>
    %broadcast_in_dim3A_99 = vector.shape_cast %reduce_max3A_98 : vector<128xf32> to vector<1x128xf32>
    %eq3A_100 = vector.broadcast %broadcast_in_dim3A_99 : vector<1x128xf32> to vector<1000x128xf32>
    %eq3A_101 = arith.cmpf oeq, %select_n3A_96, %eq3A_100 : vector<1000x128xf32>
    %jit3A_102 = arith.constant 1073741824 : i32
    %broadcast_in_dim3A_103 = vector.broadcast %jit3A_102 : i32 to vector<1000x128xi32>
    %select_n3A_104 = arith.select %eq3A_101, %iota3A, %broadcast_in_dim3A_103 : vector<1000x128xi1>, vector<1000x128xi32>
    %reduce_min3A_105 = arith.constant dense<2147483647> : vector<128xi32>
    %reduce_min3A_106 = vector.multi_reduction <minsi>, %select_n3A_104, %reduce_min3A_105 [0] : vector<1000x128xi32> to vector<128xi32>
    %broadcast_in_dim3A_107 = vector.shape_cast %reduce_min3A_106 : vector<128xi32> to vector<1x128xi32>
    %eq3A_108 = vector.broadcast %broadcast_in_dim3A_107 : vector<1x128xi32> to vector<1000x128xi32>
    %eq3A_109 = arith.cmpi eq, %iota3A, %eq3A_108 : vector<1000x128xi32>
    %jit3A_110 = arith.constant 0xFF800000 : f32
    %broadcast_in_dim3A_111 = vector.broadcast %jit3A_110 : f32 to vector<1000x128xf32>
    %select_n3A_112 = arith.select %eq3A_109, %broadcast_in_dim3A_111, %select_n3A_96 : vector<1000x128xi1>, vector<1000x128xf32>
    %reduce_max3A_113 = arith.constant dense<0xFF800000> : vector<128xf32>
    %reduce_max3A_114 = vector.multi_reduction <maximumf>, %select_n3A_112, %reduce_max3A_113 [0] : vector<1000x128xf32> to vector<128xf32>
    %broadcast_in_dim3A_115 = vector.shape_cast %reduce_max3A_114 : vector<128xf32> to vector<1x128xf32>
    %eq3A_116 = vector.broadcast %broadcast_in_dim3A_115 : vector<1x128xf32> to vector<1000x128xf32>
    %eq3A_117 = arith.cmpf oeq, %select_n3A_112, %eq3A_116 : vector<1000x128xf32>
    %jit3A_118 = arith.constant 1073741824 : i32
    %broadcast_in_dim3A_119 = vector.broadcast %jit3A_118 : i32 to vector<1000x128xi32>
    %select_n3A_120 = arith.select %eq3A_117, %iota3A, %broadcast_in_dim3A_119 : vector<1000x128xi1>, vector<1000x128xi32>
    %reduce_min3A_121 = arith.constant dense<2147483647> : vector<128xi32>
    %reduce_min3A_122 = vector.multi_reduction <minsi>, %select_n3A_120, %reduce_min3A_121 [0] : vector<1000x128xi32> to vector<128xi32>
    %broadcast_in_dim3A_123 = vector.shape_cast %reduce_min3A_122 : vector<128xi32> to vector<1x128xi32>
    %eq3A_124 = vector.broadcast %broadcast_in_dim3A_123 : vector<1x128xi32> to vector<1000x128xi32>
    %eq3A_125 = arith.cmpi eq, %iota3A, %eq3A_124 : vector<1000x128xi32>
    %jit3A_126 = arith.constant 0xFF800000 : f32
    %broadcast_in_dim3A_127 = vector.broadcast %jit3A_126 : f32 to vector<1000x128xf32>
    %select_n3A_128 = arith.select %eq3A_125, %broadcast_in_dim3A_127, %select_n3A_112 : vector<1000x128xi1>, vector<1000x128xf32>
    %reduce_max3A_129 = arith.constant dense<0xFF800000> : vector<128xf32>
    %reduce_max3A_130 = vector.multi_reduction <maximumf>, %select_n3A_128, %reduce_max3A_129 [0] : vector<1000x128xf32> to vector<128xf32>
    %broadcast_in_dim3A_131 = vector.shape_cast %reduce_max3A_130 : vector<128xf32> to vector<1x128xf32>
    %eq3A_132 = vector.broadcast %broadcast_in_dim3A_131 : vector<1x128xf32> to vector<1000x128xf32>
    %eq3A_133 = arith.cmpf oeq, %select_n3A_128, %eq3A_132 : vector<1000x128xf32>
    %jit3A_134 = arith.constant 1073741824 : i32
    %broadcast_in_dim3A_135 = vector.broadcast %jit3A_134 : i32 to vector<1000x128xi32>
    %select_n3A_136 = arith.select %eq3A_133, %iota3A, %broadcast_in_dim3A_135 : vector<1000x128xi1>, vector<1000x128xi32>
    %reduce_min3A_137 = arith.constant dense<2147483647> : vector<128xi32>
    %reduce_min3A_138 = vector.multi_reduction <minsi>, %select_n3A_136, %reduce_min3A_137 [0] : vector<1000x128xi32> to vector<128xi32>
    %broadcast_in_dim3A_139 = vector.shape_cast %reduce_min3A_138 : vector<128xi32> to vector<1x128xi32>
    %eq3A_140 = vector.broadcast %broadcast_in_dim3A_139 : vector<1x128xi32> to vector<1000x128xi32>
    %eq3A_141 = arith.cmpi eq, %iota3A, %eq3A_140 : vector<1000x128xi32>
    %jit3A_142 = arith.constant 0xFF800000 : f32
    %broadcast_in_dim3A_143 = vector.broadcast %jit3A_142 : f32 to vector<1000x128xf32>
    %select_n3A_144 = arith.select %eq3A_141, %broadcast_in_dim3A_143, %select_n3A_128 : vector<1000x128xi1>, vector<1000x128xf32>
    %reduce_max3A_145 = arith.constant dense<0xFF800000> : vector<128xf32>
    %reduce_max3A_146 = vector.multi_reduction <maximumf>, %select_n3A_144, %reduce_max3A_145 [0] : vector<1000x128xf32> to vector<128xf32>
    %broadcast_in_dim3A_147 = vector.shape_cast %reduce_max3A_146 : vector<128xf32> to vector<1x128xf32>
    %eq3A_148 = vector.broadcast %broadcast_in_dim3A_147 : vector<1x128xf32> to vector<1000x128xf32>
    %eq3A_149 = arith.cmpf oeq, %select_n3A_144, %eq3A_148 : vector<1000x128xf32>
    %jit3A_150 = arith.constant 1073741824 : i32
    %broadcast_in_dim3A_151 = vector.broadcast %jit3A_150 : i32 to vector<1000x128xi32>
    %select_n3A_152 = arith.select %eq3A_149, %iota3A, %broadcast_in_dim3A_151 : vector<1000x128xi1>, vector<1000x128xi32>
    %reduce_min3A_153 = arith.constant dense<2147483647> : vector<128xi32>
    %reduce_min3A_154 = vector.multi_reduction <minsi>, %select_n3A_152, %reduce_min3A_153 [0] : vector<1000x128xi32> to vector<128xi32>
    %broadcast_in_dim3A_155 = vector.shape_cast %reduce_min3A_154 : vector<128xi32> to vector<1x128xi32>
    %eq3A_156 = vector.broadcast %broadcast_in_dim3A_155 : vector<1x128xi32> to vector<1000x128xi32>
    %eq3A_157 = arith.cmpi eq, %iota3A, %eq3A_156 : vector<1000x128xi32>
    %jit3A_158 = arith.constant 0xFF800000 : f32
    %broadcast_in_dim3A_159 = vector.broadcast %jit3A_158 : f32 to vector<1000x128xf32>
    %select_n3A_160 = arith.select %eq3A_157, %broadcast_in_dim3A_159, %select_n3A_144 : vector<1000x128xi1>, vector<1000x128xf32>
    %reduce_max3A_161 = arith.constant dense<0xFF800000> : vector<128xf32>
    %reduce_max3A_162 = vector.multi_reduction <maximumf>, %select_n3A_160, %reduce_max3A_161 [0] : vector<1000x128xf32> to vector<128xf32>
    %broadcast_in_dim3A_163 = vector.shape_cast %reduce_max3A_162 : vector<128xf32> to vector<1x128xf32>
    %eq3A_164 = vector.broadcast %broadcast_in_dim3A_163 : vector<1x128xf32> to vector<1000x128xf32>
    %eq3A_165 = arith.cmpf oeq, %select_n3A_160, %eq3A_164 : vector<1000x128xf32>
    %jit3A_166 = arith.constant 1073741824 : i32
    %broadcast_in_dim3A_167 = vector.broadcast %jit3A_166 : i32 to vector<1000x128xi32>
    %select_n3A_168 = arith.select %eq3A_165, %iota3A, %broadcast_in_dim3A_167 : vector<1000x128xi1>, vector<1000x128xi32>
    %reduce_min3A_169 = arith.constant dense<2147483647> : vector<128xi32>
    %reduce_min3A_170 = vector.multi_reduction <minsi>, %select_n3A_168, %reduce_min3A_169 [0] : vector<1000x128xi32> to vector<128xi32>
    %broadcast_in_dim3A_171 = vector.shape_cast %reduce_min3A_170 : vector<128xi32> to vector<1x128xi32>
    %eq3A_172 = vector.broadcast %broadcast_in_dim3A_171 : vector<1x128xi32> to vector<1000x128xi32>
    %eq3A_173 = arith.cmpi eq, %iota3A, %eq3A_172 : vector<1000x128xi32>
    %jit3A_174 = arith.constant 0xFF800000 : f32
    %broadcast_in_dim3A_175 = vector.broadcast %jit3A_174 : f32 to vector<1000x128xf32>
    %select_n3A_176 = arith.select %eq3A_173, %broadcast_in_dim3A_175, %select_n3A_160 : vector<1000x128xi1>, vector<1000x128xf32>
    %reduce_max3A_177 = arith.constant dense<0xFF800000> : vector<128xf32>
    %reduce_max3A_178 = vector.multi_reduction <maximumf>, %select_n3A_176, %reduce_max3A_177 [0] : vector<1000x128xf32> to vector<128xf32>
    %broadcast_in_dim3A_179 = vector.shape_cast %reduce_max3A_178 : vector<128xf32> to vector<1x128xf32>
    %eq3A_180 = vector.broadcast %broadcast_in_dim3A_179 : vector<1x128xf32> to vector<1000x128xf32>
    %eq3A_181 = arith.cmpf oeq, %select_n3A_176, %eq3A_180 : vector<1000x128xf32>
    %jit3A_182 = arith.constant 1073741824 : i32
    %broadcast_in_dim3A_183 = vector.broadcast %jit3A_182 : i32 to vector<1000x128xi32>
    %select_n3A_184 = arith.select %eq3A_181, %iota3A, %broadcast_in_dim3A_183 : vector<1000x128xi1>, vector<1000x128xi32>
    %reduce_min3A_185 = arith.constant dense<2147483647> : vector<128xi32>
    %reduce_min3A_186 = vector.multi_reduction <minsi>, %select_n3A_184, %reduce_min3A_185 [0] : vector<1000x128xi32> to vector<128xi32>
    %broadcast_in_dim3A_187 = vector.shape_cast %reduce_min3A_186 : vector<128xi32> to vector<1x128xi32>
    %concatenate3A = tpu.concatenate %broadcast_in_dim3A, %broadcast_in_dim3A_51, %broadcast_in_dim3A_67, %broadcast_in_dim3A_83, %broadcast_in_dim3A_99, %broadcast_in_dim3A_115, %broadcast_in_dim3A_131, %broadcast_in_dim3A_147, %broadcast_in_dim3A_163, %broadcast_in_dim3A_179 in 0 : vector<1x128xf32>, vector<1x128xf32>, vector<1x128xf32>, vector<1x128xf32>, vector<1x128xf32>, vector<1x128xf32>, vector<1x128xf32>, vector<1x128xf32>, vector<1x128xf32>, vector<1x128xf32> -> vector<10x128xf32>
    %slice3A = vector.extract_strided_slice %concatenate3A {offsets = [0, 0], sizes = [1, 128], strides = [1, 1]} : vector<10x128xf32> to vector<1x128xf32>
    %sub3A = vector.broadcast %slice3A : vector<1x128xf32> to vector<10x128xf32>
    %sub3A_188 = arith.subf %concatenate3A, %sub3A : vector<10x128xf32>
    %exp3A = math.exp %sub3A_188 : vector<10x128xf32>
    %reduce_sum3A = arith.constant dense<0.000000e+00> : vector<128xf32>
    %reduce_sum3A_189 = vector.multi_reduction <add>, %exp3A, %reduce_sum3A [0] : vector<10x128xf32> to vector<128xf32>
    %broadcast_in_dim3A_190 = vector.shape_cast %reduce_sum3A_189 : vector<128xf32> to vector<1x128xf32>
    %div3A = vector.broadcast %broadcast_in_dim3A_190 : vector<1x128xf32> to vector<10x128xf32>
    %div3A_191 = arith.divf %exp3A, %div3A : vector<10x128xf32>
    %broadcast_in_dim3A_192 = arith.constant 0.000000e+00 : f32
    %broadcast_in_dim3A_193 = vector.broadcast %broadcast_in_dim3A_192 : f32 to vector<6x128xf32>
    %concatenate3A_194 = tpu.concatenate %div3A_191, %broadcast_in_dim3A_193 in 0 : vector<10x128xf32>, vector<6x128xf32> -> vector<16x128xf32>
    %swap3A = arith.constant 0 : index
    %swap3A_195 = arith.constant 0 : index
    %swap3A_196 = arith.constant 0 : index
    %swap3A_197 = arith.constant 0 : index
    %swap3A_198 = vector.load %arg9[%swap3A, %swap3A_195, %swap3A_196, %swap3A_197] : memref<1x5x16x128xf32, #tpu.memory_space<vmem>>, vector<1x1x16x128xf32>
    %swap3A_199 = vector.shape_cast %swap3A_198 : vector<1x1x16x128xf32> to vector<16x128xf32>
    %swap3A_200 = vector.shape_cast %concatenate3A_194 : vector<16x128xf32> to vector<1x1x16x128xf32>
    tpu.vector_store %arg9[%swap3A, %swap3A_195, %swap3A_196, %swap3A_197], %swap3A_200 {strides = array<i32>} : memref<1x5x16x128xf32, #tpu.memory_space<vmem>>, vector<1x1x16x128xf32>,
    %broadcast_in_dim3A_201 = arith.constant 0 : i32
    %broadcast_in_dim3A_202 = vector.broadcast %broadcast_in_dim3A_201 : i32 to vector<6x128xi32>
    %concatenate3A_203 = tpu.concatenate %broadcast_in_dim3A_43, %broadcast_in_dim3A_59, %broadcast_in_dim3A_75, %broadcast_in_dim3A_91, %broadcast_in_dim3A_107, %broadcast_in_dim3A_123, %broadcast_in_dim3A_139, %broadcast_in_dim3A_155, %broadcast_in_dim3A_171, %broadcast_in_dim3A_187, %broadcast_in_dim3A_202 in 0 : vector<1x128xi32>, vector<1x128xi32>, vector<1x128xi32>, vector<1x128xi32>, vector<1x128xi32>, vector<1x128xi32>, vector<1x128xi32>, vector<1x128xi32>, vector<1x128xi32>, vector<1x128xi32>, vector<6x128xi32> -> vector<16x128xi32>
    %swap3A_204 = arith.constant 0 : index
    %swap3A_205 = arith.constant 0 : index
    %swap3A_206 = arith.constant 0 : index
    %swap3A_207 = arith.constant 0 : index
    %swap3A_208 = vector.load %arg10[%swap3A_204, %swap3A_205, %swap3A_206, %swap3A_207] : memref<1x5x16x128xi32, #tpu.memory_space<vmem>>, vector<1x1x16x128xi32>
    %swap3A_209 = vector.shape_cast %swap3A_208 : vector<1x1x16x128xi32> to vector<16x128xi32>
    %swap3A_210 = vector.shape_cast %concatenate3A_203 : vector<16x128xi32> to vector<1x1x16x128xi32>
    tpu.vector_store %arg10[%swap3A_204, %swap3A_205, %swap3A_206, %swap3A_207], %swap3A_210 {strides = array<i32>} : memref<1x5x16x128xi32, #tpu.memory_space<vmem>>, vector<1x1x16x128xi32>,
    %get3A_211 = arith.constant 0 : index
    %get3A_212 = arith.constant 1 : index
    %get3A_213 = arith.constant 0 : index
    %get3A_214 = arith.constant 0 : index
    %get3A_215 = vector.load %arg2[%get3A_211, %get3A_212, %get3A_213, %get3A_214] : memref<1x5x1000x512xf32, #tpu.memory_space<vmem>>, vector<1x1x1000x512xf32>
    %get3A_216 = vector.shape_cast %get3A_215 : vector<1x1x1000x512xf32> to vector<1000x512xf32>
    %get3A_217 = arith.constant 0 : index
    %get3A_218 = arith.constant 0 : index
    %get3A_219 = vector.load %arg5[%get3A_217, %get3A_218] : memref<512x128xf32, #tpu.memory_space<vmem>>, vector<512x128xf32>
    %dot_general3A_220 = arith.constant dense<0.000000e+00> : vector<1000x128xf32>
    %dot_general3A_221 = tpu.matmul %get3A_216, %get3A_219, %dot_general3A_220 {dimension_numbers = #tpu.dot_dimension_numbers<[1], [0], [0], [1], [0, 0, 1, 1], [], []>, transpose_lhs_hint = false} : vector<1000x512xf32>, vector<512x128xf32>, vector<1000x128xf32> -> vector<1000x128xf32>
    %get3A_222 = arith.constant 0 : index
    %get3A_223 = arith.constant 0 : index
    %get3A_224 = vector.load %arg6[%get3A_222, %get3A_223] : memref<1x128xf32, #tpu.memory_space<vmem>>, vector<1x128xf32>
    %add3A_225 = vector.broadcast %get3A_224 : vector<1x128xf32> to vector<1000x128xf32>
    %add3A_226 = arith.addf %dot_general3A_221, %add3A_225 : vector<1000x128xf32>
    %max3A_227 = arith.constant 9.99999997E-7 : f32
    %max3A_228 = vector.broadcast %max3A_227 : f32 to vector<1000x128xf32>
    %max3A_229 = arith.maximumf %add3A_226, %max3A_228 : vector<1000x128xf32>
    %log3A_230 = math.log %max3A_229 : vector<1000x128xf32>
    %get3A_231 = arith.constant 0 : index
    %get3A_232 = arith.constant 8 : index
    %get3A_233 = arith.constant 0 : index
    %get3A_234 = vector.load %arg3[%get3A_231, %get3A_232, %get3A_233] : memref<1x40x1024xf32, #tpu.memory_space<vmem>>, vector<1x8x1024xf32>
    %get3A_235 = vector.shape_cast %get3A_234 : vector<1x8x1024xf32> to vector<8x1024xf32>
    %transpose3A_236 = tpu.transpose %get3A_235, [1, 0] : vector<8x1024xf32> -> vector<1024x8xf32>
    %get3A_237 = arith.constant 0 : index
    %get3A_238 = arith.constant 0 : index
    %get3A_239 = vector.load %arg7[%get3A_237, %get3A_238] : memref<8x128xf32, #tpu.memory_space<vmem>>, vector<8x128xf32>
    %dot_general3A_240 = arith.constant dense<0.000000e+00> : vector<1024x128xf32>
    %dot_general3A_241 = tpu.matmul %transpose3A_236, %get3A_239, %dot_general3A_240 {dimension_numbers = #tpu.dot_dimension_numbers<[1], [0], [0], [1], [0, 0, 1, 1], [], []>, transpose_lhs_hint = false} : vector<1024x8xf32>, vector<8x128xf32>, vector<1024x128xf32> -> vector<1024x128xf32>
    %get3A_242 = arith.constant 0 : index
    %get3A_243 = arith.constant 0 : index
    %get3A_244 = vector.load %arg8[%get3A_242, %get3A_243] : memref<1024x128xf32, #tpu.memory_space<vmem>>, vector<1024x128xf32>
    %mul3A_245 = arith.mulf %dot_general3A_241, %get3A_244 : vector<1024x128xf32>
    %dot_general3A_246 = arith.constant dense<0.000000e+00> : vector<1000x128xf32>
    %dot_general3A_247 = tpu.matmul %get3A_3, %mul3A_245, %dot_general3A_246 {dimension_numbers = #tpu.dot_dimension_numbers<[1], [0], [0], [1], [0, 0, 1, 1], [], []>, transpose_lhs_hint = false} : vector<1000x1024xf32>, vector<1024x128xf32>, vector<1000x128xf32> -> vector<1000x128xf32>
    %mul3A_248 = arith.constant 1.250000e-01 : f32
    %mul3A_249 = vector.broadcast %mul3A_248 : f32 to vector<1000x128xf32>
    %mul3A_250 = arith.mulf %dot_general3A_247, %mul3A_249 : vector<1000x128xf32>
    %add3A_251 = arith.addf %mul3A_250, %log3A_230 : vector<1000x128xf32>
    %reduce_max3A_252 = arith.constant dense<0xFF800000> : vector<128xf32>
    %reduce_max3A_253 = vector.multi_reduction <maximumf>, %add3A_251, %reduce_max3A_252 [0] : vector<1000x128xf32> to vector<128xf32>
    %broadcast_in_dim3A_254 = vector.shape_cast %reduce_max3A_253 : vector<128xf32> to vector<1x128xf32>
    %eq3A_255 = vector.broadcast %broadcast_in_dim3A_254 : vector<1x128xf32> to vector<1000x128xf32>
    %eq3A_256 = arith.cmpf oeq, %add3A_251, %eq3A_255 : vector<1000x128xf32>
    %jit3A_257 = arith.constant 1073741824 : i32
    %broadcast_in_dim3A_258 = vector.broadcast %jit3A_257 : i32 to vector<1000x128xi32>
    %select_n3A_259 = arith.select %eq3A_256, %iota3A, %broadcast_in_dim3A_258 : vector<1000x128xi1>, vector<1000x128xi32>
    %reduce_min3A_260 = arith.constant dense<2147483647> : vector<128xi32>
    %reduce_min3A_261 = vector.multi_reduction <minsi>, %select_n3A_259, %reduce_min3A_260 [0] : vector<1000x128xi32> to vector<128xi32>
    %broadcast_in_dim3A_262 = vector.shape_cast %reduce_min3A_261 : vector<128xi32> to vector<1x128xi32>
    %eq3A_263 = vector.broadcast %broadcast_in_dim3A_262 : vector<1x128xi32> to vector<1000x128xi32>
    %eq3A_264 = arith.cmpi eq, %iota3A, %eq3A_263 : vector<1000x128xi32>
    %jit3A_265 = arith.constant 0xFF800000 : f32
    %broadcast_in_dim3A_266 = vector.broadcast %jit3A_265 : f32 to vector<1000x128xf32>
    %select_n3A_267 = arith.select %eq3A_264, %broadcast_in_dim3A_266, %add3A_251 : vector<1000x128xi1>, vector<1000x128xf32>
    %reduce_max3A_268 = arith.constant dense<0xFF800000> : vector<128xf32>
    %reduce_max3A_269 = vector.multi_reduction <maximumf>, %select_n3A_267, %reduce_max3A_268 [0] : vector<1000x128xf32> to vector<128xf32>
    %broadcast_in_dim3A_270 = vector.shape_cast %reduce_max3A_269 : vector<128xf32> to vector<1x128xf32>
    %eq3A_271 = vector.broadcast %broadcast_in_dim3A_270 : vector<1x128xf32> to vector<1000x128xf32>
    %eq3A_272 = arith.cmpf oeq, %select_n3A_267, %eq3A_271 : vector<1000x128xf32>
    %jit3A_273 = arith.constant 1073741824 : i32
    %broadcast_in_dim3A_274 = vector.broadcast %jit3A_273 : i32 to vector<1000x128xi32>
    %select_n3A_275 = arith.select %eq3A_272, %iota3A, %broadcast_in_dim3A_274 : vector<1000x128xi1>, vector<1000x128xi32>
    %reduce_min3A_276 = arith.constant dense<2147483647> : vector<128xi32>
    %reduce_min3A_277 = vector.multi_reduction <minsi>, %select_n3A_275, %reduce_min3A_276 [0] : vector<1000x128xi32> to vector<128xi32>
    %broadcast_in_dim3A_278 = vector.shape_cast %reduce_min3A_277 : vector<128xi32> to vector<1x128xi32>
    %eq3A_279 = vector.broadcast %broadcast_in_dim3A_278 : vector<1x128xi32> to vector<1000x128xi32>
    %eq3A_280 = arith.cmpi eq, %iota3A, %eq3A_279 : vector<1000x128xi32>
    %jit3A_281 = arith.constant 0xFF800000 : f32
    %broadcast_in_dim3A_282 = vector.broadcast %jit3A_281 : f32 to vector<1000x128xf32>
    %select_n3A_283 = arith.select %eq3A_280, %broadcast_in_dim3A_282, %select_n3A_267 : vector<1000x128xi1>, vector<1000x128xf32>
    %reduce_max3A_284 = arith.constant dense<0xFF800000> : vector<128xf32>
    %reduce_max3A_285 = vector.multi_reduction <maximumf>, %select_n3A_283, %reduce_max3A_284 [0] : vector<1000x128xf32> to vector<128xf32>
    %broadcast_in_dim3A_286 = vector.shape_cast %reduce_max3A_285 : vector<128xf32> to vector<1x128xf32>
    %eq3A_287 = vector.broadcast %broadcast_in_dim3A_286 : vector<1x128xf32> to vector<1000x128xf32>
    %eq3A_288 = arith.cmpf oeq, %select_n3A_283, %eq3A_287 : vector<1000x128xf32>
    %jit3A_289 = arith.constant 1073741824 : i32
    %broadcast_in_dim3A_290 = vector.broadcast %jit3A_289 : i32 to vector<1000x128xi32>
    %select_n3A_291 = arith.select %eq3A_288, %iota3A, %broadcast_in_dim3A_290 : vector<1000x128xi1>, vector<1000x128xi32>
    %reduce_min3A_292 = arith.constant dense<2147483647> : vector<128xi32>
    %reduce_min3A_293 = vector.multi_reduction <minsi>, %select_n3A_291, %reduce_min3A_292 [0] : vector<1000x128xi32> to vector<128xi32>
    %broadcast_in_dim3A_294 = vector.shape_cast %reduce_min3A_293 : vector<128xi32> to vector<1x128xi32>
    %eq3A_295 = vector.broadcast %broadcast_in_dim3A_294 : vector<1x128xi32> to vector<1000x128xi32>
    %eq3A_296 = arith.cmpi eq, %iota3A, %eq3A_295 : vector<1000x128xi32>
    %jit3A_297 = arith.constant 0xFF800000 : f32
    %broadcast_in_dim3A_298 = vector.broadcast %jit3A_297 : f32 to vector<1000x128xf32>
    %select_n3A_299 = arith.select %eq3A_296, %broadcast_in_dim3A_298, %select_n3A_283 : vector<1000x128xi1>, vector<1000x128xf32>
    %reduce_max3A_300 = arith.constant dense<0xFF800000> : vector<128xf32>
    %reduce_max3A_301 = vector.multi_reduction <maximumf>, %select_n3A_299, %reduce_max3A_300 [0] : vector<1000x128xf32> to vector<128xf32>
    %broadcast_in_dim3A_302 = vector.shape_cast %reduce_max3A_301 : vector<128xf32> to vector<1x128xf32>
    %eq3A_303 = vector.broadcast %broadcast_in_dim3A_302 : vector<1x128xf32> to vector<1000x128xf32>
    %eq3A_304 = arith.cmpf oeq, %select_n3A_299, %eq3A_303 : vector<1000x128xf32>
    %jit3A_305 = arith.constant 1073741824 : i32
    %broadcast_in_dim3A_306 = vector.broadcast %jit3A_305 : i32 to vector<1000x128xi32>
    %select_n3A_307 = arith.select %eq3A_304, %iota3A, %broadcast_in_dim3A_306 : vector<1000x128xi1>, vector<1000x128xi32>
    %reduce_min3A_308 = arith.constant dense<2147483647> : vector<128xi32>
    %reduce_min3A_309 = vector.multi_reduction <minsi>, %select_n3A_307, %reduce_min3A_308 [0] : vector<1000x128xi32> to vector<128xi32>
    %broadcast_in_dim3A_310 = vector.shape_cast %reduce_min3A_309 : vector<128xi32> to vector<1x128xi32>
    %eq3A_311 = vector.broadcast %broadcast_in_dim3A_310 : vector<1x128xi32> to vector<1000x128xi32>
    %eq3A_312 = arith.cmpi eq, %iota3A, %eq3A_311 : vector<1000x128xi32>
    %jit3A_313 = arith.constant 0xFF800000 : f32
    %broadcast_in_dim3A_314 = vector.broadcast %jit3A_313 : f32 to vector<1000x128xf32>
    %select_n3A_315 = arith.select %eq3A_312, %broadcast_in_dim3A_314, %select_n3A_299 : vector<1000x128xi1>, vector<1000x128xf32>
    %reduce_max3A_316 = arith.constant dense<0xFF800000> : vector<128xf32>
    %reduce_max3A_317 = vector.multi_reduction <maximumf>, %select_n3A_315, %reduce_max3A_316 [0] : vector<1000x128xf32> to vector<128xf32>
    %broadcast_in_dim3A_318 = vector.shape_cast %reduce_max3A_317 : vector<128xf32> to vector<1x128xf32>
    %eq3A_319 = vector.broadcast %broadcast_in_dim3A_318 : vector<1x128xf32> to vector<1000x128xf32>
    %eq3A_320 = arith.cmpf oeq, %select_n3A_315, %eq3A_319 : vector<1000x128xf32>
    %jit3A_321 = arith.constant 1073741824 : i32
    %broadcast_in_dim3A_322 = vector.broadcast %jit3A_321 : i32 to vector<1000x128xi32>
    %select_n3A_323 = arith.select %eq3A_320, %iota3A, %broadcast_in_dim3A_322 : vector<1000x128xi1>, vector<1000x128xi32>
    %reduce_min3A_324 = arith.constant dense<2147483647> : vector<128xi32>
    %reduce_min3A_325 = vector.multi_reduction <minsi>, %select_n3A_323, %reduce_min3A_324 [0] : vector<1000x128xi32> to vector<128xi32>
    %broadcast_in_dim3A_326 = vector.shape_cast %reduce_min3A_325 : vector<128xi32> to vector<1x128xi32>
    %eq3A_327 = vector.broadcast %broadcast_in_dim3A_326 : vector<1x128xi32> to vector<1000x128xi32>
    %eq3A_328 = arith.cmpi eq, %iota3A, %eq3A_327 : vector<1000x128xi32>
    %jit3A_329 = arith.constant 0xFF800000 : f32
    %broadcast_in_dim3A_330 = vector.broadcast %jit3A_329 : f32 to vector<1000x128xf32>
    %select_n3A_331 = arith.select %eq3A_328, %broadcast_in_dim3A_330, %select_n3A_315 : vector<1000x128xi1>, vector<1000x128xf32>
    %reduce_max3A_332 = arith.constant dense<0xFF800000> : vector<128xf32>
    %reduce_max3A_333 = vector.multi_reduction <maximumf>, %select_n3A_331, %reduce_max3A_332 [0] : vector<1000x128xf32> to vector<128xf32>
    %broadcast_in_dim3A_334 = vector.shape_cast %reduce_max3A_333 : vector<128xf32> to vector<1x128xf32>
    %eq3A_335 = vector.broadcast %broadcast_in_dim3A_334 : vector<1x128xf32> to vector<1000x128xf32>
    %eq3A_336 = arith.cmpf oeq, %select_n3A_331, %eq3A_335 : vector<1000x128xf32>
    %jit3A_337 = arith.constant 1073741824 : i32
    %broadcast_in_dim3A_338 = vector.broadcast %jit3A_337 : i32 to vector<1000x128xi32>
    %select_n3A_339 = arith.select %eq3A_336, %iota3A, %broadcast_in_dim3A_338 : vector<1000x128xi1>, vector<1000x128xi32>
    %reduce_min3A_340 = arith.constant dense<2147483647> : vector<128xi32>
    %reduce_min3A_341 = vector.multi_reduction <minsi>, %select_n3A_339, %reduce_min3A_340 [0] : vector<1000x128xi32> to vector<128xi32>
    %broadcast_in_dim3A_342 = vector.shape_cast %reduce_min3A_341 : vector<128xi32> to vector<1x128xi32>
    %eq3A_343 = vector.broadcast %broadcast_in_dim3A_342 : vector<1x128xi32> to vector<1000x128xi32>
    %eq3A_344 = arith.cmpi eq, %iota3A, %eq3A_343 : vector<1000x128xi32>
    %jit3A_345 = arith.constant 0xFF800000 : f32
    %broadcast_in_dim3A_346 = vector.broadcast %jit3A_345 : f32 to vector<1000x128xf32>
    %select_n3A_347 = arith.select %eq3A_344, %broadcast_in_dim3A_346, %select_n3A_331 : vector<1000x128xi1>, vector<1000x128xf32>
    %reduce_max3A_348 = arith.constant dense<0xFF800000> : vector<128xf32>
    %reduce_max3A_349 = vector.multi_reduction <maximumf>, %select_n3A_347, %reduce_max3A_348 [0] : vector<1000x128xf32> to vector<128xf32>
    %broadcast_in_dim3A_350 = vector.shape_cast %reduce_max3A_349 : vector<128xf32> to vector<1x128xf32>
    %eq3A_351 = vector.broadcast %broadcast_in_dim3A_350 : vector<1x128xf32> to vector<1000x128xf32>
    %eq3A_352 = arith.cmpf oeq, %select_n3A_347, %eq3A_351 : vector<1000x128xf32>
    %jit3A_353 = arith.constant 1073741824 : i32
    %broadcast_in_dim3A_354 = vector.broadcast %jit3A_353 : i32 to vector<1000x128xi32>
    %select_n3A_355 = arith.select %eq3A_352, %iota3A, %broadcast_in_dim3A_354 : vector<1000x128xi1>, vector<1000x128xi32>
    %reduce_min3A_356 = arith.constant dense<2147483647> : vector<128xi32>
    %reduce_min3A_357 = vector.multi_reduction <minsi>, %select_n3A_355, %reduce_min3A_356 [0] : vector<1000x128xi32> to vector<128xi32>
    %broadcast_in_dim3A_358 = vector.shape_cast %reduce_min3A_357 : vector<128xi32> to vector<1x128xi32>
    %eq3A_359 = vector.broadcast %broadcast_in_dim3A_358 : vector<1x128xi32> to vector<1000x128xi32>
    %eq3A_360 = arith.cmpi eq, %iota3A, %eq3A_359 : vector<1000x128xi32>
    %jit3A_361 = arith.constant 0xFF800000 : f32
    %broadcast_in_dim3A_362 = vector.broadcast %jit3A_361 : f32 to vector<1000x128xf32>
    %select_n3A_363 = arith.select %eq3A_360, %broadcast_in_dim3A_362, %select_n3A_347 : vector<1000x128xi1>, vector<1000x128xf32>
    %reduce_max3A_364 = arith.constant dense<0xFF800000> : vector<128xf32>
    %reduce_max3A_365 = vector.multi_reduction <maximumf>, %select_n3A_363, %reduce_max3A_364 [0] : vector<1000x128xf32> to vector<128xf32>
    %broadcast_in_dim3A_366 = vector.shape_cast %reduce_max3A_365 : vector<128xf32> to vector<1x128xf32>
    %eq3A_367 = vector.broadcast %broadcast_in_dim3A_366 : vector<1x128xf32> to vector<1000x128xf32>
    %eq3A_368 = arith.cmpf oeq, %select_n3A_363, %eq3A_367 : vector<1000x128xf32>
    %jit3A_369 = arith.constant 1073741824 : i32
    %broadcast_in_dim3A_370 = vector.broadcast %jit3A_369 : i32 to vector<1000x128xi32>
    %select_n3A_371 = arith.select %eq3A_368, %iota3A, %broadcast_in_dim3A_370 : vector<1000x128xi1>, vector<1000x128xi32>
    %reduce_min3A_372 = arith.constant dense<2147483647> : vector<128xi32>
    %reduce_min3A_373 = vector.multi_reduction <minsi>, %select_n3A_371, %reduce_min3A_372 [0] : vector<1000x128xi32> to vector<128xi32>
    %broadcast_in_dim3A_374 = vector.shape_cast %reduce_min3A_373 : vector<128xi32> to vector<1x128xi32>
    %eq3A_375 = vector.broadcast %broadcast_in_dim3A_374 : vector<1x128xi32> to vector<1000x128xi32>
    %eq3A_376 = arith.cmpi eq, %iota3A, %eq3A_375 : vector<1000x128xi32>
    %jit3A_377 = arith.constant 0xFF800000 : f32
    %broadcast_in_dim3A_378 = vector.broadcast %jit3A_377 : f32 to vector<1000x128xf32>
    %select_n3A_379 = arith.select %eq3A_376, %broadcast_in_dim3A_378, %select_n3A_363 : vector<1000x128xi1>, vector<1000x128xf32>
    %reduce_max3A_380 = arith.constant dense<0xFF800000> : vector<128xf32>
    %reduce_max3A_381 = vector.multi_reduction <maximumf>, %select_n3A_379, %reduce_max3A_380 [0] : vector<1000x128xf32> to vector<128xf32>
    %broadcast_in_dim3A_382 = vector.shape_cast %reduce_max3A_381 : vector<128xf32> to vector<1x128xf32>
    %eq3A_383 = vector.broadcast %broadcast_in_dim3A_382 : vector<1x128xf32> to vector<1000x128xf32>
    %eq3A_384 = arith.cmpf oeq, %select_n3A_379, %eq3A_383 : vector<1000x128xf32>
    %jit3A_385 = arith.constant 1073741824 : i32
    %broadcast_in_dim3A_386 = vector.broadcast %jit3A_385 : i32 to vector<1000x128xi32>
    %select_n3A_387 = arith.select %eq3A_384, %iota3A, %broadcast_in_dim3A_386 : vector<1000x128xi1>, vector<1000x128xi32>
    %reduce_min3A_388 = arith.constant dense<2147483647> : vector<128xi32>
    %reduce_min3A_389 = vector.multi_reduction <minsi>, %select_n3A_387, %reduce_min3A_388 [0] : vector<1000x128xi32> to vector<128xi32>
    %broadcast_in_dim3A_390 = vector.shape_cast %reduce_min3A_389 : vector<128xi32> to vector<1x128xi32>
    %eq3A_391 = vector.broadcast %broadcast_in_dim3A_390 : vector<1x128xi32> to vector<1000x128xi32>
    %eq3A_392 = arith.cmpi eq, %iota3A, %eq3A_391 : vector<1000x128xi32>
    %jit3A_393 = arith.constant 0xFF800000 : f32
    %broadcast_in_dim3A_394 = vector.broadcast %jit3A_393 : f32 to vector<1000x128xf32>
    %select_n3A_395 = arith.select %eq3A_392, %broadcast_in_dim3A_394, %select_n3A_379 : vector<1000x128xi1>, vector<1000x128xf32>
    %reduce_max3A_396 = arith.constant dense<0xFF800000> : vector<128xf32>
    %reduce_max3A_397 = vector.multi_reduction <maximumf>, %select_n3A_395, %reduce_max3A_396 [0] : vector<1000x128xf32> to vector<128xf32>
    %broadcast_in_dim3A_398 = vector.shape_cast %reduce_max3A_397 : vector<128xf32> to vector<1x128xf32>
    %eq3A_399 = vector.broadcast %broadcast_in_dim3A_398 : vector<1x128xf32> to vector<1000x128xf32>
    %eq3A_400 = arith.cmpf oeq, %select_n3A_395, %eq3A_399 : vector<1000x128xf32>
    %jit3A_401 = arith.constant 1073741824 : i32
    %broadcast_in_dim3A_402 = vector.broadcast %jit3A_401 : i32 to vector<1000x128xi32>
    %select_n3A_403 = arith.select %eq3A_400, %iota3A, %broadcast_in_dim3A_402 : vector<1000x128xi1>, vector<1000x128xi32>
    %reduce_min3A_404 = arith.constant dense<2147483647> : vector<128xi32>
    %reduce_min3A_405 = vector.multi_reduction <minsi>, %select_n3A_403, %reduce_min3A_404 [0] : vector<1000x128xi32> to vector<128xi32>
    %broadcast_in_dim3A_406 = vector.shape_cast %reduce_min3A_405 : vector<128xi32> to vector<1x128xi32>
    %concatenate3A_407 = tpu.concatenate %broadcast_in_dim3A_254, %broadcast_in_dim3A_270, %broadcast_in_dim3A_286, %broadcast_in_dim3A_302, %broadcast_in_dim3A_318, %broadcast_in_dim3A_334, %broadcast_in_dim3A_350, %broadcast_in_dim3A_366, %broadcast_in_dim3A_382, %broadcast_in_dim3A_398 in 0 : vector<1x128xf32>, vector<1x128xf32>, vector<1x128xf32>, vector<1x128xf32>, vector<1x128xf32>, vector<1x128xf32>, vector<1x128xf32>, vector<1x128xf32>, vector<1x128xf32>, vector<1x128xf32> -> vector<10x128xf32>
    %slice3A_408 = vector.extract_strided_slice %concatenate3A_407 {offsets = [0, 0], sizes = [1, 128], strides = [1, 1]} : vector<10x128xf32> to vector<1x128xf32>
    %sub3A_409 = vector.broadcast %slice3A_408 : vector<1x128xf32> to vector<10x128xf32>
    %sub3A_410 = arith.subf %concatenate3A_407, %sub3A_409 : vector<10x128xf32>
    %exp3A_411 = math.exp %sub3A_410 : vector<10x128xf32>
    %reduce_sum3A_412 = arith.constant dense<0.000000e+00> : vector<128xf32>
    %reduce_sum3A_413 = vector.multi_reduction <add>, %exp3A_411, %reduce_sum3A_412 [0] : vector<10x128xf32> to vector<128xf32>
    %broadcast_in_dim3A_414 = vector.shape_cast %reduce_sum3A_413 : vector<128xf32> to vector<1x128xf32>
    %div3A_415 = vector.broadcast %broadcast_in_dim3A_414 : vector<1x128xf32> to vector<10x128xf32>
    %div3A_416 = arith.divf %exp3A_411, %div3A_415 : vector<10x128xf32>
    %broadcast_in_dim3A_417 = arith.constant 0.000000e+00 : f32
    %broadcast_in_dim3A_418 = vector.broadcast %broadcast_in_dim3A_417 : f32 to vector<6x128xf32>
    %concatenate3A_419 = tpu.concatenate %div3A_416, %broadcast_in_dim3A_418 in 0 : vector<10x128xf32>, vector<6x128xf32> -> vector<16x128xf32>
    %swap3A_420 = arith.constant 0 : index
    %swap3A_421 = arith.constant 1 : index
    %swap3A_422 = arith.constant 0 : index
    %swap3A_423 = arith.constant 0 : index
    %swap3A_424 = vector.load %arg9[%swap3A_420, %swap3A_421, %swap3A_422, %swap3A_423] : memref<1x5x16x128xf32, #tpu.memory_space<vmem>>, vector<1x1x16x128xf32>
    %swap3A_425 = vector.shape_cast %swap3A_424 : vector<1x1x16x128xf32> to vector<16x128xf32>
    %swap3A_426 = vector.shape_cast %concatenate3A_419 : vector<16x128xf32> to vector<1x1x16x128xf32>
    tpu.vector_store %arg9[%swap3A_420, %swap3A_421, %swap3A_422, %swap3A_423], %swap3A_426 {strides = array<i32>} : memref<1x5x16x128xf32, #tpu.memory_space<vmem>>, vector<1x1x16x128xf32>,
    %broadcast_in_dim3A_427 = arith.constant 0 : i32
    %broadcast_in_dim3A_428 = vector.broadcast %broadcast_in_dim3A_427 : i32 to vector<6x128xi32>
    %concatenate3A_429 = tpu.concatenate %broadcast_in_dim3A_262, %broadcast_in_dim3A_278, %broadcast_in_dim3A_294, %broadcast_in_dim3A_310, %broadcast_in_dim3A_326, %broadcast_in_dim3A_342, %broadcast_in_dim3A_358, %broadcast_in_dim3A_374, %broadcast_in_dim3A_390, %broadcast_in_dim3A_406, %broadcast_in_dim3A_428 in 0 : vector<1x128xi32>, vector<1x128xi32>, vector<1x128xi32>, vector<1x128xi32>, vector<1x128xi32>, vector<1x128xi32>, vector<1x128xi32>, vector<1x128xi32>, vector<1x128xi32>, vector<1x128xi32>, vector<6x128xi32> -> vector<16x128xi32>
    %swap3A_430 = arith.constant 0 : index
    %swap3A_431 = arith.constant 1 : index
    %swap3A_432 = arith.constant 0 : index
    %swap3A_433 = arith.constant 0 : index
    %swap3A_434 = vector.load %arg10[%swap3A_430, %swap3A_431, %swap3A_432, %swap3A_433] : memref<1x5x16x128xi32, #tpu.memory_space<vmem>>, vector<1x1x16x128xi32>
    %swap3A_435 = vector.shape_cast %swap3A_434 : vector<1x1x16x128xi32> to vector<16x128xi32>
    %swap3A_436 = vector.shape_cast %concatenate3A_429 : vector<16x128xi32> to vector<1x1x16x128xi32>
    tpu.vector_store %arg10[%swap3A_430, %swap3A_431, %swap3A_432, %swap3A_433], %swap3A_436 {strides = array<i32>} : memref<1x5x16x128xi32, #tpu.memory_space<vmem>>, vector<1x1x16x128xi32>,
    %get3A_437 = arith.constant 0 : index
    %get3A_438 = arith.constant 2 : index
    %get3A_439 = arith.constant 0 : index
    %get3A_440 = arith.constant 0 : index
    %get3A_441 = vector.load %arg2[%get3A_437, %get3A_438, %get3A_439, %get3A_440] : memref<1x5x1000x512xf32, #tpu.memory_space<vmem>>, vector<1x1x1000x512xf32>
    %get3A_442 = vector.shape_cast %get3A_441 : vector<1x1x1000x512xf32> to vector<1000x512xf32>
    %get3A_443 = arith.constant 0 : index
    %get3A_444 = arith.constant 0 : index
    %get3A_445 = vector.load %arg5[%get3A_443, %get3A_444] : memref<512x128xf32, #tpu.memory_space<vmem>>, vector<512x128xf32>
    %dot_general3A_446 = arith.constant dense<0.000000e+00> : vector<1000x128xf32>
    %dot_general3A_447 = tpu.matmul %get3A_442, %get3A_445, %dot_general3A_446 {dimension_numbers = #tpu.dot_dimension_numbers<[1], [0], [0], [1], [0, 0, 1, 1], [], []>, transpose_lhs_hint = false} : vector<1000x512xf32>, vector<512x128xf32>, vector<1000x128xf32> -> vector<1000x128xf32>
    %get3A_448 = arith.constant 0 : index
    %get3A_449 = arith.constant 0 : index
    %get3A_450 = vector.load %arg6[%get3A_448, %get3A_449] : memref<1x128xf32, #tpu.memory_space<vmem>>, vector<1x128xf32>
    %add3A_451 = vector.broadcast %get3A_450 : vector<1x128xf32> to vector<1000x128xf32>
    %add3A_452 = arith.addf %dot_general3A_447, %add3A_451 : vector<1000x128xf32>
    %max3A_453 = arith.constant 9.99999997E-7 : f32
    %max3A_454 = vector.broadcast %max3A_453 : f32 to vector<1000x128xf32>
    %max3A_455 = arith.maximumf %add3A_452, %max3A_454 : vector<1000x128xf32>
    %log3A_456 = math.log %max3A_455 : vector<1000x128xf32>
    %get3A_457 = arith.constant 0 : index
    %get3A_458 = arith.constant 16 : index
    %get3A_459 = arith.constant 0 : index
    %get3A_460 = vector.load %arg3[%get3A_457, %get3A_458, %get3A_459] : memref<1x40x1024xf32, #tpu.memory_space<vmem>>, vector<1x8x1024xf32>
    %get3A_461 = vector.shape_cast %get3A_460 : vector<1x8x1024xf32> to vector<8x1024xf32>
    %transpose3A_462 = tpu.transpose %get3A_461, [1, 0] : vector<8x1024xf32> -> vector<1024x8xf32>
    %get3A_463 = arith.constant 0 : index
    %get3A_464 = arith.constant 0 : index
    %get3A_465 = vector.load %arg7[%get3A_463, %get3A_464] : memref<8x128xf32, #tpu.memory_space<vmem>>, vector<8x128xf32>
    %dot_general3A_466 = arith.constant dense<0.000000e+00> : vector<1024x128xf32>
    %dot_general3A_467 = tpu.matmul %transpose3A_462, %get3A_465, %dot_general3A_466 {dimension_numbers = #tpu.dot_dimension_numbers<[1], [0], [0], [1], [0, 0, 1, 1], [], []>, transpose_lhs_hint = false} : vector<1024x8xf32>, vector<8x128xf32>, vector<1024x128xf32> -> vector<1024x128xf32>
    %get3A_468 = arith.constant 0 : index
    %get3A_469 = arith.constant 0 : index
    %get3A_470 = vector.load %arg8[%get3A_468, %get3A_469] : memref<1024x128xf32, #tpu.memory_space<vmem>>, vector<1024x128xf32>
    %mul3A_471 = arith.mulf %dot_general3A_467, %get3A_470 : vector<1024x128xf32>
    %dot_general3A_472 = arith.constant dense<0.000000e+00> : vector<1000x128xf32>
    %dot_general3A_473 = tpu.matmul %get3A_3, %mul3A_471, %dot_general3A_472 {dimension_numbers = #tpu.dot_dimension_numbers<[1], [0], [0], [1], [0, 0, 1, 1], [], []>, transpose_lhs_hint = false} : vector<1000x1024xf32>, vector<1024x128xf32>, vector<1000x128xf32> -> vector<1000x128xf32>
    %mul3A_474 = arith.constant 1.250000e-01 : f32
    %mul3A_475 = vector.broadcast %mul3A_474 : f32 to vector<1000x128xf32>
    %mul3A_476 = arith.mulf %dot_general3A_473, %mul3A_475 : vector<1000x128xf32>
    %add3A_477 = arith.addf %mul3A_476, %log3A_456 : vector<1000x128xf32>
    %reduce_max3A_478 = arith.constant dense<0xFF800000> : vector<128xf32>
    %reduce_max3A_479 = vector.multi_reduction <maximumf>, %add3A_477, %reduce_max3A_478 [0] : vector<1000x128xf32> to vector<128xf32>
    %broadcast_in_dim3A_480 = vector.shape_cast %reduce_max3A_479 : vector<128xf32> to vector<1x128xf32>
    %eq3A_481 = vector.broadcast %broadcast_in_dim3A_480 : vector<1x128xf32> to vector<1000x128xf32>
    %eq3A_482 = arith.cmpf oeq, %add3A_477, %eq3A_481 : vector<1000x128xf32>
    %jit3A_483 = arith.constant 1073741824 : i32
    %broadcast_in_dim3A_484 = vector.broadcast %jit3A_483 : i32 to vector<1000x128xi32>
    %select_n3A_485 = arith.select %eq3A_482, %iota3A, %broadcast_in_dim3A_484 : vector<1000x128xi1>, vector<1000x128xi32>
    %reduce_min3A_486 = arith.constant dense<2147483647> : vector<128xi32>
    %reduce_min3A_487 = vector.multi_reduction <minsi>, %select_n3A_485, %reduce_min3A_486 [0] : vector<1000x128xi32> to vector<128xi32>
    %broadcast_in_dim3A_488 = vector.shape_cast %reduce_min3A_487 : vector<128xi32> to vector<1x128xi32>
    %eq3A_489 = vector.broadcast %broadcast_in_dim3A_488 : vector<1x128xi32> to vector<1000x128xi32>
    %eq3A_490 = arith.cmpi eq, %iota3A, %eq3A_489 : vector<1000x128xi32>
    %jit3A_491 = arith.constant 0xFF800000 : f32
    %broadcast_in_dim3A_492 = vector.broadcast %jit3A_491 : f32 to vector<1000x128xf32>
    %select_n3A_493 = arith.select %eq3A_490, %broadcast_in_dim3A_492, %add3A_477 : vector<1000x128xi1>, vector<1000x128xf32>
    %reduce_max3A_494 = arith.constant dense<0xFF800000> : vector<128xf32>
    %reduce_max3A_495 = vector.multi_reduction <maximumf>, %select_n3A_493, %reduce_max3A_494 [0] : vector<1000x128xf32> to vector<128xf32>
    %broadcast_in_dim3A_496 = vector.shape_cast %reduce_max3A_495 : vector<128xf32> to vector<1x128xf32>
    %eq3A_497 = vector.broadcast %broadcast_in_dim3A_496 : vector<1x128xf32> to vector<1000x128xf32>
    %eq3A_498 = arith.cmpf oeq, %select_n3A_493, %eq3A_497 : vector<1000x128xf32>
    %jit3A_499 = arith.constant 1073741824 : i32
    %broadcast_in_dim3A_500 = vector.broadcast %jit3A_499 : i32 to vector<1000x128xi32>
    %select_n3A_501 = arith.select %eq3A_498, %iota3A, %broadcast_in_dim3A_500 : vector<1000x128xi1>, vector<1000x128xi32>
    %reduce_min3A_502 = arith.constant dense<2147483647> : vector<128xi32>
    %reduce_min3A_503 = vector.multi_reduction <minsi>, %select_n3A_501, %reduce_min3A_502 [0] : vector<1000x128xi32> to vector<128xi32>
    %broadcast_in_dim3A_504 = vector.shape_cast %reduce_min3A_503 : vector<128xi32> to vector<1x128xi32>
    %eq3A_505 = vector.broadcast %broadcast_in_dim3A_504 : vector<1x128xi32> to vector<1000x128xi32>
    %eq3A_506 = arith.cmpi eq, %iota3A, %eq3A_505 : vector<1000x128xi32>
    %jit3A_507 = arith.constant 0xFF800000 : f32
    %broadcast_in_dim3A_508 = vector.broadcast %jit3A_507 : f32 to vector<1000x128xf32>
    %select_n3A_509 = arith.select %eq3A_506, %broadcast_in_dim3A_508, %select_n3A_493 : vector<1000x128xi1>, vector<1000x128xf32>
    %reduce_max3A_510 = arith.constant dense<0xFF800000> : vector<128xf32>
    %reduce_max3A_511 = vector.multi_reduction <maximumf>, %select_n3A_509, %reduce_max3A_510 [0] : vector<1000x128xf32> to vector<128xf32>
    %broadcast_in_dim3A_512 = vector.shape_cast %reduce_max3A_511 : vector<128xf32> to vector<1x128xf32>
    %eq3A_513 = vector.broadcast %broadcast_in_dim3A_512 : vector<1x128xf32> to vector<1000x128xf32>
    %eq3A_514 = arith.cmpf oeq, %select_n3A_509, %eq3A_513 : vector<1000x128xf32>
    %jit3A_515 = arith.constant 1073741824 : i32
    %broadcast_in_dim3A_516 = vector.broadcast %jit3A_515 : i32 to vector<1000x128xi32>
    %select_n3A_517 = arith.select %eq3A_514, %iota3A, %broadcast_in_dim3A_516 : vector<1000x128xi1>, vector<1000x128xi32>
    %reduce_min3A_518 = arith.constant dense<2147483647> : vector<128xi32>
    %reduce_min3A_519 = vector.multi_reduction <minsi>, %select_n3A_517, %reduce_min3A_518 [0] : vector<1000x128xi32> to vector<128xi32>
    %broadcast_in_dim3A_520 = vector.shape_cast %reduce_min3A_519 : vector<128xi32> to vector<1x128xi32>
    %eq3A_521 = vector.broadcast %broadcast_in_dim3A_520 : vector<1x128xi32> to vector<1000x128xi32>
    %eq3A_522 = arith.cmpi eq, %iota3A, %eq3A_521 : vector<1000x128xi32>
    %jit3A_523 = arith.constant 0xFF800000 : f32
    %broadcast_in_dim3A_524 = vector.broadcast %jit3A_523 : f32 to vector<1000x128xf32>
    %select_n3A_525 = arith.select %eq3A_522, %broadcast_in_dim3A_524, %select_n3A_509 : vector<1000x128xi1>, vector<1000x128xf32>
    %reduce_max3A_526 = arith.constant dense<0xFF800000> : vector<128xf32>
    %reduce_max3A_527 = vector.multi_reduction <maximumf>, %select_n3A_525, %reduce_max3A_526 [0] : vector<1000x128xf32> to vector<128xf32>
    %broadcast_in_dim3A_528 = vector.shape_cast %reduce_max3A_527 : vector<128xf32> to vector<1x128xf32>
    %eq3A_529 = vector.broadcast %broadcast_in_dim3A_528 : vector<1x128xf32> to vector<1000x128xf32>
    %eq3A_530 = arith.cmpf oeq, %select_n3A_525, %eq3A_529 : vector<1000x128xf32>
    %jit3A_531 = arith.constant 1073741824 : i32
    %broadcast_in_dim3A_532 = vector.broadcast %jit3A_531 : i32 to vector<1000x128xi32>
    %select_n3A_533 = arith.select %eq3A_530, %iota3A, %broadcast_in_dim3A_532 : vector<1000x128xi1>, vector<1000x128xi32>
    %reduce_min3A_534 = arith.constant dense<2147483647> : vector<128xi32>
    %reduce_min3A_535 = vector.multi_reduction <minsi>, %select_n3A_533, %reduce_min3A_534 [0] : vector<1000x128xi32> to vector<128xi32>
    %broadcast_in_dim3A_536 = vector.shape_cast %reduce_min3A_535 : vector<128xi32> to vector<1x128xi32>
    %eq3A_537 = vector.broadcast %broadcast_in_dim3A_536 : vector<1x128xi32> to vector<1000x128xi32>
    %eq3A_538 = arith.cmpi eq, %iota3A, %eq3A_537 : vector<1000x128xi32>
    %jit3A_539 = arith.constant 0xFF800000 : f32
    %broadcast_in_dim3A_540 = vector.broadcast %jit3A_539 : f32 to vector<1000x128xf32>
    %select_n3A_541 = arith.select %eq3A_538, %broadcast_in_dim3A_540, %select_n3A_525 : vector<1000x128xi1>, vector<1000x128xf32>
    %reduce_max3A_542 = arith.constant dense<0xFF800000> : vector<128xf32>
    %reduce_max3A_543 = vector.multi_reduction <maximumf>, %select_n3A_541, %reduce_max3A_542 [0] : vector<1000x128xf32> to vector<128xf32>
    %broadcast_in_dim3A_544 = vector.shape_cast %reduce_max3A_543 : vector<128xf32> to vector<1x128xf32>
    %eq3A_545 = vector.broadcast %broadcast_in_dim3A_544 : vector<1x128xf32> to vector<1000x128xf32>
    %eq3A_546 = arith.cmpf oeq, %select_n3A_541, %eq3A_545 : vector<1000x128xf32>
    %jit3A_547 = arith.constant 1073741824 : i32
    %broadcast_in_dim3A_548 = vector.broadcast %jit3A_547 : i32 to vector<1000x128xi32>
    %select_n3A_549 = arith.select %eq3A_546, %iota3A, %broadcast_in_dim3A_548 : vector<1000x128xi1>, vector<1000x128xi32>
    %reduce_min3A_550 = arith.constant dense<2147483647> : vector<128xi32>
    %reduce_min3A_551 = vector.multi_reduction <minsi>, %select_n3A_549, %reduce_min3A_550 [0] : vector<1000x128xi32> to vector<128xi32>
    %broadcast_in_dim3A_552 = vector.shape_cast %reduce_min3A_551 : vector<128xi32> to vector<1x128xi32>
    %eq3A_553 = vector.broadcast %broadcast_in_dim3A_552 : vector<1x128xi32> to vector<1000x128xi32>
    %eq3A_554 = arith.cmpi eq, %iota3A, %eq3A_553 : vector<1000x128xi32>
    %jit3A_555 = arith.constant 0xFF800000 : f32
    %broadcast_in_dim3A_556 = vector.broadcast %jit3A_555 : f32 to vector<1000x128xf32>
    %select_n3A_557 = arith.select %eq3A_554, %broadcast_in_dim3A_556, %select_n3A_541 : vector<1000x128xi1>, vector<1000x128xf32>
    %reduce_max3A_558 = arith.constant dense<0xFF800000> : vector<128xf32>
    %reduce_max3A_559 = vector.multi_reduction <maximumf>, %select_n3A_557, %reduce_max3A_558 [0] : vector<1000x128xf32> to vector<128xf32>
    %broadcast_in_dim3A_560 = vector.shape_cast %reduce_max3A_559 : vector<128xf32> to vector<1x128xf32>
    %eq3A_561 = vector.broadcast %broadcast_in_dim3A_560 : vector<1x128xf32> to vector<1000x128xf32>
    %eq3A_562 = arith.cmpf oeq, %select_n3A_557, %eq3A_561 : vector<1000x128xf32>
    %jit3A_563 = arith.constant 1073741824 : i32
    %broadcast_in_dim3A_564 = vector.broadcast %jit3A_563 : i32 to vector<1000x128xi32>
    %select_n3A_565 = arith.select %eq3A_562, %iota3A, %broadcast_in_dim3A_564 : vector<1000x128xi1>, vector<1000x128xi32>
    %reduce_min3A_566 = arith.constant dense<2147483647> : vector<128xi32>
    %reduce_min3A_567 = vector.multi_reduction <minsi>, %select_n3A_565, %reduce_min3A_566 [0] : vector<1000x128xi32> to vector<128xi32>
    %broadcast_in_dim3A_568 = vector.shape_cast %reduce_min3A_567 : vector<128xi32> to vector<1x128xi32>
    %eq3A_569 = vector.broadcast %broadcast_in_dim3A_568 : vector<1x128xi32> to vector<1000x128xi32>
    %eq3A_570 = arith.cmpi eq, %iota3A, %eq3A_569 : vector<1000x128xi32>
    %jit3A_571 = arith.constant 0xFF800000 : f32
    %broadcast_in_dim3A_572 = vector.broadcast %jit3A_571 : f32 to vector<1000x128xf32>
    %select_n3A_573 = arith.select %eq3A_570, %broadcast_in_dim3A_572, %select_n3A_557 : vector<1000x128xi1>, vector<1000x128xf32>
    %reduce_max3A_574 = arith.constant dense<0xFF800000> : vector<128xf32>
    %reduce_max3A_575 = vector.multi_reduction <maximumf>, %select_n3A_573, %reduce_max3A_574 [0] : vector<1000x128xf32> to vector<128xf32>
    %broadcast_in_dim3A_576 = vector.shape_cast %reduce_max3A_575 : vector<128xf32> to vector<1x128xf32>
    %eq3A_577 = vector.broadcast %broadcast_in_dim3A_576 : vector<1x128xf32> to vector<1000x128xf32>
    %eq3A_578 = arith.cmpf oeq, %select_n3A_573, %eq3A_577 : vector<1000x128xf32>
    %jit3A_579 = arith.constant 1073741824 : i32
    %broadcast_in_dim3A_580 = vector.broadcast %jit3A_579 : i32 to vector<1000x128xi32>
    %select_n3A_581 = arith.select %eq3A_578, %iota3A, %broadcast_in_dim3A_580 : vector<1000x128xi1>, vector<1000x128xi32>
    %reduce_min3A_582 = arith.constant dense<2147483647> : vector<128xi32>
    %reduce_min3A_583 = vector.multi_reduction <minsi>, %select_n3A_581, %reduce_min3A_582 [0] : vector<1000x128xi32> to vector<128xi32>
    %broadcast_in_dim3A_584 = vector.shape_cast %reduce_min3A_583 : vector<128xi32> to vector<1x128xi32>
    %eq3A_585 = vector.broadcast %broadcast_in_dim3A_584 : vector<1x128xi32> to vector<1000x128xi32>
    %eq3A_586 = arith.cmpi eq, %iota3A, %eq3A_585 : vector<1000x128xi32>
    %jit3A_587 = arith.constant 0xFF800000 : f32
    %broadcast_in_dim3A_588 = vector.broadcast %jit3A_587 : f32 to vector<1000x128xf32>
    %select_n3A_589 = arith.select %eq3A_586, %broadcast_in_dim3A_588, %select_n3A_573 : vector<1000x128xi1>, vector<1000x128xf32>
    %reduce_max3A_590 = arith.constant dense<0xFF800000> : vector<128xf32>
    %reduce_max3A_591 = vector.multi_reduction <maximumf>, %select_n3A_589, %reduce_max3A_590 [0] : vector<1000x128xf32> to vector<128xf32>
    %broadcast_in_dim3A_592 = vector.shape_cast %reduce_max3A_591 : vector<128xf32> to vector<1x128xf32>
    %eq3A_593 = vector.broadcast %broadcast_in_dim3A_592 : vector<1x128xf32> to vector<1000x128xf32>
    %eq3A_594 = arith.cmpf oeq, %select_n3A_589, %eq3A_593 : vector<1000x128xf32>
    %jit3A_595 = arith.constant 1073741824 : i32
    %broadcast_in_dim3A_596 = vector.broadcast %jit3A_595 : i32 to vector<1000x128xi32>
    %select_n3A_597 = arith.select %eq3A_594, %iota3A, %broadcast_in_dim3A_596 : vector<1000x128xi1>, vector<1000x128xi32>
    %reduce_min3A_598 = arith.constant dense<2147483647> : vector<128xi32>
    %reduce_min3A_599 = vector.multi_reduction <minsi>, %select_n3A_597, %reduce_min3A_598 [0] : vector<1000x128xi32> to vector<128xi32>
    %broadcast_in_dim3A_600 = vector.shape_cast %reduce_min3A_599 : vector<128xi32> to vector<1x128xi32>
    %eq3A_601 = vector.broadcast %broadcast_in_dim3A_600 : vector<1x128xi32> to vector<1000x128xi32>
    %eq3A_602 = arith.cmpi eq, %iota3A, %eq3A_601 : vector<1000x128xi32>
    %jit3A_603 = arith.constant 0xFF800000 : f32
    %broadcast_in_dim3A_604 = vector.broadcast %jit3A_603 : f32 to vector<1000x128xf32>
    %select_n3A_605 = arith.select %eq3A_602, %broadcast_in_dim3A_604, %select_n3A_589 : vector<1000x128xi1>, vector<1000x128xf32>
    %reduce_max3A_606 = arith.constant dense<0xFF800000> : vector<128xf32>
    %reduce_max3A_607 = vector.multi_reduction <maximumf>, %select_n3A_605, %reduce_max3A_606 [0] : vector<1000x128xf32> to vector<128xf32>
    %broadcast_in_dim3A_608 = vector.shape_cast %reduce_max3A_607 : vector<128xf32> to vector<1x128xf32>
    %eq3A_609 = vector.broadcast %broadcast_in_dim3A_608 : vector<1x128xf32> to vector<1000x128xf32>
    %eq3A_610 = arith.cmpf oeq, %select_n3A_605, %eq3A_609 : vector<1000x128xf32>
    %jit3A_611 = arith.constant 1073741824 : i32
    %broadcast_in_dim3A_612 = vector.broadcast %jit3A_611 : i32 to vector<1000x128xi32>
    %select_n3A_613 = arith.select %eq3A_610, %iota3A, %broadcast_in_dim3A_612 : vector<1000x128xi1>, vector<1000x128xi32>
    %reduce_min3A_614 = arith.constant dense<2147483647> : vector<128xi32>
    %reduce_min3A_615 = vector.multi_reduction <minsi>, %select_n3A_613, %reduce_min3A_614 [0] : vector<1000x128xi32> to vector<128xi32>
    %broadcast_in_dim3A_616 = vector.shape_cast %reduce_min3A_615 : vector<128xi32> to vector<1x128xi32>
    %eq3A_617 = vector.broadcast %broadcast_in_dim3A_616 : vector<1x128xi32> to vector<1000x128xi32>
    %eq3A_618 = arith.cmpi eq, %iota3A, %eq3A_617 : vector<1000x128xi32>
    %jit3A_619 = arith.constant 0xFF800000 : f32
    %broadcast_in_dim3A_620 = vector.broadcast %jit3A_619 : f32 to vector<1000x128xf32>
    %select_n3A_621 = arith.select %eq3A_618, %broadcast_in_dim3A_620, %select_n3A_605 : vector<1000x128xi1>, vector<1000x128xf32>
    %reduce_max3A_622 = arith.constant dense<0xFF800000> : vector<128xf32>
    %reduce_max3A_623 = vector.multi_reduction <maximumf>, %select_n3A_621, %reduce_max3A_622 [0] : vector<1000x128xf32> to vector<128xf32>
    %broadcast_in_dim3A_624 = vector.shape_cast %reduce_max3A_623 : vector<128xf32> to vector<1x128xf32>
    %eq3A_625 = vector.broadcast %broadcast_in_dim3A_624 : vector<1x128xf32> to vector<1000x128xf32>
    %eq3A_626 = arith.cmpf oeq, %select_n3A_621, %eq3A_625 : vector<1000x128xf32>
    %jit3A_627 = arith.constant 1073741824 : i32
    %broadcast_in_dim3A_628 = vector.broadcast %jit3A_627 : i32 to vector<1000x128xi32>
    %select_n3A_629 = arith.select %eq3A_626, %iota3A, %broadcast_in_dim3A_628 : vector<1000x128xi1>, vector<1000x128xi32>
    %reduce_min3A_630 = arith.constant dense<2147483647> : vector<128xi32>
    %reduce_min3A_631 = vector.multi_reduction <minsi>, %select_n3A_629, %reduce_min3A_630 [0] : vector<1000x128xi32> to vector<128xi32>
    %broadcast_in_dim3A_632 = vector.shape_cast %reduce_min3A_631 : vector<128xi32> to vector<1x128xi32>
    %concatenate3A_633 = tpu.concatenate %broadcast_in_dim3A_480, %broadcast_in_dim3A_496, %broadcast_in_dim3A_512, %broadcast_in_dim3A_528, %broadcast_in_dim3A_544, %broadcast_in_dim3A_560, %broadcast_in_dim3A_576, %broadcast_in_dim3A_592, %broadcast_in_dim3A_608, %broadcast_in_dim3A_624 in 0 : vector<1x128xf32>, vector<1x128xf32>, vector<1x128xf32>, vector<1x128xf32>, vector<1x128xf32>, vector<1x128xf32>, vector<1x128xf32>, vector<1x128xf32>, vector<1x128xf32>, vector<1x128xf32> -> vector<10x128xf32>
    %slice3A_634 = vector.extract_strided_slice %concatenate3A_633 {offsets = [0, 0], sizes = [1, 128], strides = [1, 1]} : vector<10x128xf32> to vector<1x128xf32>
    %sub3A_635 = vector.broadcast %slice3A_634 : vector<1x128xf32> to vector<10x128xf32>
    %sub3A_636 = arith.subf %concatenate3A_633, %sub3A_635 : vector<10x128xf32>
    %exp3A_637 = math.exp %sub3A_636 : vector<10x128xf32>
    %reduce_sum3A_638 = arith.constant dense<0.000000e+00> : vector<128xf32>
    %reduce_sum3A_639 = vector.multi_reduction <add>, %exp3A_637, %reduce_sum3A_638 [0] : vector<10x128xf32> to vector<128xf32>
    %broadcast_in_dim3A_640 = vector.shape_cast %reduce_sum3A_639 : vector<128xf32> to vector<1x128xf32>
    %div3A_641 = vector.broadcast %broadcast_in_dim3A_640 : vector<1x128xf32> to vector<10x128xf32>
    %div3A_642 = arith.divf %exp3A_637, %div3A_641 : vector<10x128xf32>
    %broadcast_in_dim3A_643 = arith.constant 0.000000e+00 : f32
    %broadcast_in_dim3A_644 = vector.broadcast %broadcast_in_dim3A_643 : f32 to vector<6x128xf32>
    %concatenate3A_645 = tpu.concatenate %div3A_642, %broadcast_in_dim3A_644 in 0 : vector<10x128xf32>, vector<6x128xf32> -> vector<16x128xf32>
    %swap3A_646 = arith.constant 0 : index
    %swap3A_647 = arith.constant 2 : index
    %swap3A_648 = arith.constant 0 : index
    %swap3A_649 = arith.constant 0 : index
    %swap3A_650 = vector.load %arg9[%swap3A_646, %swap3A_647, %swap3A_648, %swap3A_649] : memref<1x5x16x128xf32, #tpu.memory_space<vmem>>, vector<1x1x16x128xf32>
    %swap3A_651 = vector.shape_cast %swap3A_650 : vector<1x1x16x128xf32> to vector<16x128xf32>
    %swap3A_652 = vector.shape_cast %concatenate3A_645 : vector<16x128xf32> to vector<1x1x16x128xf32>
    tpu.vector_store %arg9[%swap3A_646, %swap3A_647, %swap3A_648, %swap3A_649], %swap3A_652 {strides = array<i32>} : memref<1x5x16x128xf32, #tpu.memory_space<vmem>>, vector<1x1x16x128xf32>,
    %broadcast_in_dim3A_653 = arith.constant 0 : i32
    %broadcast_in_dim3A_654 = vector.broadcast %broadcast_in_dim3A_653 : i32 to vector<6x128xi32>
    %concatenate3A_655 = tpu.concatenate %broadcast_in_dim3A_488, %broadcast_in_dim3A_504, %broadcast_in_dim3A_520, %broadcast_in_dim3A_536, %broadcast_in_dim3A_552, %broadcast_in_dim3A_568, %broadcast_in_dim3A_584, %broadcast_in_dim3A_600, %broadcast_in_dim3A_616, %broadcast_in_dim3A_632, %broadcast_in_dim3A_654 in 0 : vector<1x128xi32>, vector<1x128xi32>, vector<1x128xi32>, vector<1x128xi32>, vector<1x128xi32>, vector<1x128xi32>, vector<1x128xi32>, vector<1x128xi32>, vector<1x128xi32>, vector<1x128xi32>, vector<6x128xi32> -> vector<16x128xi32>
    %swap3A_656 = arith.constant 0 : index
    %swap3A_657 = arith.constant 2 : index
    %swap3A_658 = arith.constant 0 : index
    %swap3A_659 = arith.constant 0 : index
    %swap3A_660 = vector.load %arg10[%swap3A_656, %swap3A_657, %swap3A_658, %swap3A_659] : memref<1x5x16x128xi32, #tpu.memory_space<vmem>>, vector<1x1x16x128xi32>
    %swap3A_661 = vector.shape_cast %swap3A_660 : vector<1x1x16x128xi32> to vector<16x128xi32>
    %swap3A_662 = vector.shape_cast %concatenate3A_655 : vector<16x128xi32> to vector<1x1x16x128xi32>
    tpu.vector_store %arg10[%swap3A_656, %swap3A_657, %swap3A_658, %swap3A_659], %swap3A_662 {strides = array<i32>} : memref<1x5x16x128xi32, #tpu.memory_space<vmem>>, vector<1x1x16x128xi32>,
    %get3A_663 = arith.constant 0 : index
    %get3A_664 = arith.constant 3 : index
    %get3A_665 = arith.constant 0 : index
    %get3A_666 = arith.constant 0 : index
    %get3A_667 = vector.load %arg2[%get3A_663, %get3A_664, %get3A_665, %get3A_666] : memref<1x5x1000x512xf32, #tpu.memory_space<vmem>>, vector<1x1x1000x512xf32>
    %get3A_668 = vector.shape_cast %get3A_667 : vector<1x1x1000x512xf32> to vector<1000x512xf32>
    %get3A_669 = arith.constant 0 : index
    %get3A_670 = arith.constant 0 : index
    %get3A_671 = vector.load %arg5[%get3A_669, %get3A_670] : memref<512x128xf32, #tpu.memory_space<vmem>>, vector<512x128xf32>
    %dot_general3A_672 = arith.constant dense<0.000000e+00> : vector<1000x128xf32>
    %dot_general3A_673 = tpu.matmul %get3A_668, %get3A_671, %dot_general3A_672 {dimension_numbers = #tpu.dot_dimension_numbers<[1], [0], [0], [1], [0, 0, 1, 1], [], []>, transpose_lhs_hint = false} : vector<1000x512xf32>, vector<512x128xf32>, vector<1000x128xf32> -> vector<1000x128xf32>
    %get3A_674 = arith.constant 0 : index
    %get3A_675 = arith.constant 0 : index
    %get3A_676 = vector.load %arg6[%get3A_674, %get3A_675] : memref<1x128xf32, #tpu.memory_space<vmem>>, vector<1x128xf32>
    %add3A_677 = vector.broadcast %get3A_676 : vector<1x128xf32> to vector<1000x128xf32>
    %add3A_678 = arith.addf %dot_general3A_673, %add3A_677 : vector<1000x128xf32>
    %max3A_679 = arith.constant 9.99999997E-7 : f32
    %max3A_680 = vector.broadcast %max3A_679 : f32 to vector<1000x128xf32>
    %max3A_681 = arith.maximumf %add3A_678, %max3A_680 : vector<1000x128xf32>
    %log3A_682 = math.log %max3A_681 : vector<1000x128xf32>
    %get3A_683 = arith.constant 0 : index
    %get3A_684 = arith.constant 24 : index
    %get3A_685 = arith.constant 0 : index
    %get3A_686 = vector.load %arg3[%get3A_683, %get3A_684, %get3A_685] : memref<1x40x1024xf32, #tpu.memory_space<vmem>>, vector<1x8x1024xf32>
    %get3A_687 = vector.shape_cast %get3A_686 : vector<1x8x1024xf32> to vector<8x1024xf32>
    %transpose3A_688 = tpu.transpose %get3A_687, [1, 0] : vector<8x1024xf32> -> vector<1024x8xf32>
    %get3A_689 = arith.constant 0 : index
    %get3A_690 = arith.constant 0 : index
    %get3A_691 = vector.load %arg7[%get3A_689, %get3A_690] : memref<8x128xf32, #tpu.memory_space<vmem>>, vector<8x128xf32>
    %dot_general3A_692 = arith.constant dense<0.000000e+00> : vector<1024x128xf32>
    %dot_general3A_693 = tpu.matmul %transpose3A_688, %get3A_691, %dot_general3A_692 {dimension_numbers = #tpu.dot_dimension_numbers<[1], [0], [0], [1], [0, 0, 1, 1], [], []>, transpose_lhs_hint = false} : vector<1024x8xf32>, vector<8x128xf32>, vector<1024x128xf32> -> vector<1024x128xf32>
    %get3A_694 = arith.constant 0 : index
    %get3A_695 = arith.constant 0 : index
    %get3A_696 = vector.load %arg8[%get3A_694, %get3A_695] : memref<1024x128xf32, #tpu.memory_space<vmem>>, vector<1024x128xf32>
    %mul3A_697 = arith.mulf %dot_general3A_693, %get3A_696 : vector<1024x128xf32>
    %dot_general3A_698 = arith.constant dense<0.000000e+00> : vector<1000x128xf32>
    %dot_general3A_699 = tpu.matmul %get3A_3, %mul3A_697, %dot_general3A_698 {dimension_numbers = #tpu.dot_dimension_numbers<[1], [0], [0], [1], [0, 0, 1, 1], [], []>, transpose_lhs_hint = false} : vector<1000x1024xf32>, vector<1024x128xf32>, vector<1000x128xf32> -> vector<1000x128xf32>
    %mul3A_700 = arith.constant 1.250000e-01 : f32
    %mul3A_701 = vector.broadcast %mul3A_700 : f32 to vector<1000x128xf32>
    %mul3A_702 = arith.mulf %dot_general3A_699, %mul3A_701 : vector<1000x128xf32>
    %add3A_703 = arith.addf %mul3A_702, %log3A_682 : vector<1000x128xf32>
    %reduce_max3A_704 = arith.constant dense<0xFF800000> : vector<128xf32>
    %reduce_max3A_705 = vector.multi_reduction <maximumf>, %add3A_703, %reduce_max3A_704 [0] : vector<1000x128xf32> to vector<128xf32>
    %broadcast_in_dim3A_706 = vector.shape_cast %reduce_max3A_705 : vector<128xf32> to vector<1x128xf32>
    %eq3A_707 = vector.broadcast %broadcast_in_dim3A_706 : vector<1x128xf32> to vector<1000x128xf32>
    %eq3A_708 = arith.cmpf oeq, %add3A_703, %eq3A_707 : vector<1000x128xf32>
    %jit3A_709 = arith.constant 1073741824 : i32
    %broadcast_in_dim3A_710 = vector.broadcast %jit3A_709 : i32 to vector<1000x128xi32>
    %select_n3A_711 = arith.select %eq3A_708, %iota3A, %broadcast_in_dim3A_710 : vector<1000x128xi1>, vector<1000x128xi32>
    %reduce_min3A_712 = arith.constant dense<2147483647> : vector<128xi32>
    %reduce_min3A_713 = vector.multi_reduction <minsi>, %select_n3A_711, %reduce_min3A_712 [0] : vector<1000x128xi32> to vector<128xi32>
    %broadcast_in_dim3A_714 = vector.shape_cast %reduce_min3A_713 : vector<128xi32> to vector<1x128xi32>
    %eq3A_715 = vector.broadcast %broadcast_in_dim3A_714 : vector<1x128xi32> to vector<1000x128xi32>
    %eq3A_716 = arith.cmpi eq, %iota3A, %eq3A_715 : vector<1000x128xi32>
    %jit3A_717 = arith.constant 0xFF800000 : f32
    %broadcast_in_dim3A_718 = vector.broadcast %jit3A_717 : f32 to vector<1000x128xf32>
    %select_n3A_719 = arith.select %eq3A_716, %broadcast_in_dim3A_718, %add3A_703 : vector<1000x128xi1>, vector<1000x128xf32>
    %reduce_max3A_720 = arith.constant dense<0xFF800000> : vector<128xf32>
    %reduce_max3A_721 = vector.multi_reduction <maximumf>, %select_n3A_719, %reduce_max3A_720 [0] : vector<1000x128xf32> to vector<128xf32>
    %broadcast_in_dim3A_722 = vector.shape_cast %reduce_max3A_721 : vector<128xf32> to vector<1x128xf32>
    %eq3A_723 = vector.broadcast %broadcast_in_dim3A_722 : vector<1x128xf32> to vector<1000x128xf32>
    %eq3A_724 = arith.cmpf oeq, %select_n3A_719, %eq3A_723 : vector<1000x128xf32>
    %jit3A_725 = arith.constant 1073741824 : i32
    %broadcast_in_dim3A_726 = vector.broadcast %jit3A_725 : i32 to vector<1000x128xi32>
    %select_n3A_727 = arith.select %eq3A_724, %iota3A, %broadcast_in_dim3A_726 : vector<1000x128xi1>, vector<1000x128xi32>
    %reduce_min3A_728 = arith.constant dense<2147483647> : vector<128xi32>
    %reduce_min3A_729 = vector.multi_reduction <minsi>, %select_n3A_727, %reduce_min3A_728 [0] : vector<1000x128xi32> to vector<128xi32>
    %broadcast_in_dim3A_730 = vector.shape_cast %reduce_min3A_729 : vector<128xi32> to vector<1x128xi32>
    %eq3A_731 = vector.broadcast %broadcast_in_dim3A_730 : vector<1x128xi32> to vector<1000x128xi32>
    %eq3A_732 = arith.cmpi eq, %iota3A, %eq3A_731 : vector<1000x128xi32>
    %jit3A_733 = arith.constant 0xFF800000 : f32
    %broadcast_in_dim3A_734 = vector.broadcast %jit3A_733 : f32 to vector<1000x128xf32>
    %select_n3A_735 = arith.select %eq3A_732, %broadcast_in_dim3A_734, %select_n3A_719 : vector<1000x128xi1>, vector<1000x128xf32>
    %reduce_max3A_736 = arith.constant dense<0xFF800000> : vector<128xf32>
    %reduce_max3A_737 = vector.multi_reduction <maximumf>, %select_n3A_735, %reduce_max3A_736 [0] : vector<1000x128xf32> to vector<128xf32>
    %broadcast_in_dim3A_738 = vector.shape_cast %reduce_max3A_737 : vector<128xf32> to vector<1x128xf32>
    %eq3A_739 = vector.broadcast %broadcast_in_dim3A_738 : vector<1x128xf32> to vector<1000x128xf32>
    %eq3A_740 = arith.cmpf oeq, %select_n3A_735, %eq3A_739 : vector<1000x128xf32>
    %jit3A_741 = arith.constant 1073741824 : i32
    %broadcast_in_dim3A_742 = vector.broadcast %jit3A_741 : i32 to vector<1000x128xi32>
    %select_n3A_743 = arith.select %eq3A_740, %iota3A, %broadcast_in_dim3A_742 : vector<1000x128xi1>, vector<1000x128xi32>
    %reduce_min3A_744 = arith.constant dense<2147483647> : vector<128xi32>
    %reduce_min3A_745 = vector.multi_reduction <minsi>, %select_n3A_743, %reduce_min3A_744 [0] : vector<1000x128xi32> to vector<128xi32>
    %broadcast_in_dim3A_746 = vector.shape_cast %reduce_min3A_745 : vector<128xi32> to vector<1x128xi32>
    %eq3A_747 = vector.broadcast %broadcast_in_dim3A_746 : vector<1x128xi32> to vector<1000x128xi32>
    %eq3A_748 = arith.cmpi eq, %iota3A, %eq3A_747 : vector<1000x128xi32>
    %jit3A_749 = arith.constant 0xFF800000 : f32
    %broadcast_in_dim3A_750 = vector.broadcast %jit3A_749 : f32 to vector<1000x128xf32>
    %select_n3A_751 = arith.select %eq3A_748, %broadcast_in_dim3A_750, %select_n3A_735 : vector<1000x128xi1>, vector<1000x128xf32>
    %reduce_max3A_752 = arith.constant dense<0xFF800000> : vector<128xf32>
    %reduce_max3A_753 = vector.multi_reduction <maximumf>, %select_n3A_751, %reduce_max3A_752 [0] : vector<1000x128xf32> to vector<128xf32>
    %broadcast_in_dim3A_754 = vector.shape_cast %reduce_max3A_753 : vector<128xf32> to vector<1x128xf32>
    %eq3A_755 = vector.broadcast %broadcast_in_dim3A_754 : vector<1x128xf32> to vector<1000x128xf32>
    %eq3A_756 = arith.cmpf oeq, %select_n3A_751, %eq3A_755 : vector<1000x128xf32>
    %jit3A_757 = arith.constant 1073741824 : i32
    %broadcast_in_dim3A_758 = vector.broadcast %jit3A_757 : i32 to vector<1000x128xi32>
    %select_n3A_759 = arith.select %eq3A_756, %iota3A, %broadcast_in_dim3A_758 : vector<1000x128xi1>, vector<1000x128xi32>
    %reduce_min3A_760 = arith.constant dense<2147483647> : vector<128xi32>
    %reduce_min3A_761 = vector.multi_reduction <minsi>, %select_n3A_759, %reduce_min3A_760 [0] : vector<1000x128xi32> to vector<128xi32>
    %broadcast_in_dim3A_762 = vector.shape_cast %reduce_min3A_761 : vector<128xi32> to vector<1x128xi32>
    %eq3A_763 = vector.broadcast %broadcast_in_dim3A_762 : vector<1x128xi32> to vector<1000x128xi32>
    %eq3A_764 = arith.cmpi eq, %iota3A, %eq3A_763 : vector<1000x128xi32>
    %jit3A_765 = arith.constant 0xFF800000 : f32
    %broadcast_in_dim3A_766 = vector.broadcast %jit3A_765 : f32 to vector<1000x128xf32>
    %select_n3A_767 = arith.select %eq3A_764, %broadcast_in_dim3A_766, %select_n3A_751 : vector<1000x128xi1>, vector<1000x128xf32>
    %reduce_max3A_768 = arith.constant dense<0xFF800000> : vector<128xf32>
    %reduce_max3A_769 = vector.multi_reduction <maximumf>, %select_n3A_767, %reduce_max3A_768 [0] : vector<1000x128xf32> to vector<128xf32>
    %broadcast_in_dim3A_770 = vector.shape_cast %reduce_max3A_769 : vector<128xf32> to vector<1x128xf32>
    %eq3A_771 = vector.broadcast %broadcast_in_dim3A_770 : vector<1x128xf32> to vector<1000x128xf32>
    %eq3A_772 = arith.cmpf oeq, %select_n3A_767, %eq3A_771 : vector<1000x128xf32>
    %jit3A_773 = arith.constant 1073741824 : i32
    %broadcast_in_dim3A_774 = vector.broadcast %jit3A_773 : i32 to vector<1000x128xi32>
    %select_n3A_775 = arith.select %eq3A_772, %iota3A, %broadcast_in_dim3A_774 : vector<1000x128xi1>, vector<1000x128xi32>
    %reduce_min3A_776 = arith.constant dense<2147483647> : vector<128xi32>
    %reduce_min3A_777 = vector.multi_reduction <minsi>, %select_n3A_775, %reduce_min3A_776 [0] : vector<1000x128xi32> to vector<128xi32>
    %broadcast_in_dim3A_778 = vector.shape_cast %reduce_min3A_777 : vector<128xi32> to vector<1x128xi32>
    %eq3A_779 = vector.broadcast %broadcast_in_dim3A_778 : vector<1x128xi32> to vector<1000x128xi32>
    %eq3A_780 = arith.cmpi eq, %iota3A, %eq3A_779 : vector<1000x128xi32>
    %jit3A_781 = arith.constant 0xFF800000 : f32
    %broadcast_in_dim3A_782 = vector.broadcast %jit3A_781 : f32 to vector<1000x128xf32>
    %select_n3A_783 = arith.select %eq3A_780, %broadcast_in_dim3A_782, %select_n3A_767 : vector<1000x128xi1>, vector<1000x128xf32>
    %reduce_max3A_784 = arith.constant dense<0xFF800000> : vector<128xf32>
    %reduce_max3A_785 = vector.multi_reduction <maximumf>, %select_n3A_783, %reduce_max3A_784 [0] : vector<1000x128xf32> to vector<128xf32>
    %broadcast_in_dim3A_786 = vector.shape_cast %reduce_max3A_785 : vector<128xf32> to vector<1x128xf32>
    %eq3A_787 = vector.broadcast %broadcast_in_dim3A_786 : vector<1x128xf32> to vector<1000x128xf32>
    %eq3A_788 = arith.cmpf oeq, %select_n3A_783, %eq3A_787 : vector<1000x128xf32>
    %jit3A_789 = arith.constant 1073741824 : i32
    %broadcast_in_dim3A_790 = vector.broadcast %jit3A_789 : i32 to vector<1000x128xi32>
    %select_n3A_791 = arith.select %eq3A_788, %iota3A, %broadcast_in_dim3A_790 : vector<1000x128xi1>, vector<1000x128xi32>
    %reduce_min3A_792 = arith.constant dense<2147483647> : vector<128xi32>
    %reduce_min3A_793 = vector.multi_reduction <minsi>, %select_n3A_791, %reduce_min3A_792 [0] : vector<1000x128xi32> to vector<128xi32>
    %broadcast_in_dim3A_794 = vector.shape_cast %reduce_min3A_793 : vector<128xi32> to vector<1x128xi32>
    %eq3A_795 = vector.broadcast %broadcast_in_dim3A_794 : vector<1x128xi32> to vector<1000x128xi32>
    %eq3A_796 = arith.cmpi eq, %iota3A, %eq3A_795 : vector<1000x128xi32>
    %jit3A_797 = arith.constant 0xFF800000 : f32
    %broadcast_in_dim3A_798 = vector.broadcast %jit3A_797 : f32 to vector<1000x128xf32>
    %select_n3A_799 = arith.select %eq3A_796, %broadcast_in_dim3A_798, %select_n3A_783 : vector<1000x128xi1>, vector<1000x128xf32>
    %reduce_max3A_800 = arith.constant dense<0xFF800000> : vector<128xf32>
    %reduce_max3A_801 = vector.multi_reduction <maximumf>, %select_n3A_799, %reduce_max3A_800 [0] : vector<1000x128xf32> to vector<128xf32>
    %broadcast_in_dim3A_802 = vector.shape_cast %reduce_max3A_801 : vector<128xf32> to vector<1x128xf32>
    %eq3A_803 = vector.broadcast %broadcast_in_dim3A_802 : vector<1x128xf32> to vector<1000x128xf32>
    %eq3A_804 = arith.cmpf oeq, %select_n3A_799, %eq3A_803 : vector<1000x128xf32>
    %jit3A_805 = arith.constant 1073741824 : i32
    %broadcast_in_dim3A_806 = vector.broadcast %jit3A_805 : i32 to vector<1000x128xi32>
    %select_n3A_807 = arith.select %eq3A_804, %iota3A, %broadcast_in_dim3A_806 : vector<1000x128xi1>, vector<1000x128xi32>
    %reduce_min3A_808 = arith.constant dense<2147483647> : vector<128xi32>
    %reduce_min3A_809 = vector.multi_reduction <minsi>, %select_n3A_807, %reduce_min3A_808 [0] : vector<1000x128xi32> to vector<128xi32>
    %broadcast_in_dim3A_810 = vector.shape_cast %reduce_min3A_809 : vector<128xi32> to vector<1x128xi32>
    %eq3A_811 = vector.broadcast %broadcast_in_dim3A_810 : vector<1x128xi32> to vector<1000x128xi32>
    %eq3A_812 = arith.cmpi eq, %iota3A, %eq3A_811 : vector<1000x128xi32>
    %jit3A_813 = arith.constant 0xFF800000 : f32
    %broadcast_in_dim3A_814 = vector.broadcast %jit3A_813 : f32 to vector<1000x128xf32>
    %select_n3A_815 = arith.select %eq3A_812, %broadcast_in_dim3A_814, %select_n3A_799 : vector<1000x128xi1>, vector<1000x128xf32>
    %reduce_max3A_816 = arith.constant dense<0xFF800000> : vector<128xf32>
    %reduce_max3A_817 = vector.multi_reduction <maximumf>, %select_n3A_815, %reduce_max3A_816 [0] : vector<1000x128xf32> to vector<128xf32>
    %broadcast_in_dim3A_818 = vector.shape_cast %reduce_max3A_817 : vector<128xf32> to vector<1x128xf32>
    %eq3A_819 = vector.broadcast %broadcast_in_dim3A_818 : vector<1x128xf32> to vector<1000x128xf32>
    %eq3A_820 = arith.cmpf oeq, %select_n3A_815, %eq3A_819 : vector<1000x128xf32>
    %jit3A_821 = arith.constant 1073741824 : i32
    %broadcast_in_dim3A_822 = vector.broadcast %jit3A_821 : i32 to vector<1000x128xi32>
    %select_n3A_823 = arith.select %eq3A_820, %iota3A, %broadcast_in_dim3A_822 : vector<1000x128xi1>, vector<1000x128xi32>
    %reduce_min3A_824 = arith.constant dense<2147483647> : vector<128xi32>
    %reduce_min3A_825 = vector.multi_reduction <minsi>, %select_n3A_823, %reduce_min3A_824 [0] : vector<1000x128xi32> to vector<128xi32>
    %broadcast_in_dim3A_826 = vector.shape_cast %reduce_min3A_825 : vector<128xi32> to vector<1x128xi32>
    %eq3A_827 = vector.broadcast %broadcast_in_dim3A_826 : vector<1x128xi32> to vector<1000x128xi32>
    %eq3A_828 = arith.cmpi eq, %iota3A, %eq3A_827 : vector<1000x128xi32>
    %jit3A_829 = arith.constant 0xFF800000 : f32
    %broadcast_in_dim3A_830 = vector.broadcast %jit3A_829 : f32 to vector<1000x128xf32>
    %select_n3A_831 = arith.select %eq3A_828, %broadcast_in_dim3A_830, %select_n3A_815 : vector<1000x128xi1>, vector<1000x128xf32>
    %reduce_max3A_832 = arith.constant dense<0xFF800000> : vector<128xf32>
    %reduce_max3A_833 = vector.multi_reduction <maximumf>, %select_n3A_831, %reduce_max3A_832 [0] : vector<1000x128xf32> to vector<128xf32>
    %broadcast_in_dim3A_834 = vector.shape_cast %reduce_max3A_833 : vector<128xf32> to vector<1x128xf32>
    %eq3A_835 = vector.broadcast %broadcast_in_dim3A_834 : vector<1x128xf32> to vector<1000x128xf32>
    %eq3A_836 = arith.cmpf oeq, %select_n3A_831, %eq3A_835 : vector<1000x128xf32>
    %jit3A_837 = arith.constant 1073741824 : i32
    %broadcast_in_dim3A_838 = vector.broadcast %jit3A_837 : i32 to vector<1000x128xi32>
    %select_n3A_839 = arith.select %eq3A_836, %iota3A, %broadcast_in_dim3A_838 : vector<1000x128xi1>, vector<1000x128xi32>
    %reduce_min3A_840 = arith.constant dense<2147483647> : vector<128xi32>
    %reduce_min3A_841 = vector.multi_reduction <minsi>, %select_n3A_839, %reduce_min3A_840 [0] : vector<1000x128xi32> to vector<128xi32>
    %broadcast_in_dim3A_842 = vector.shape_cast %reduce_min3A_841 : vector<128xi32> to vector<1x128xi32>
    %eq3A_843 = vector.broadcast %broadcast_in_dim3A_842 : vector<1x128xi32> to vector<1000x128xi32>
    %eq3A_844 = arith.cmpi eq, %iota3A, %eq3A_843 : vector<1000x128xi32>
    %jit3A_845 = arith.constant 0xFF800000 : f32
    %broadcast_in_dim3A_846 = vector.broadcast %jit3A_845 : f32 to vector<1000x128xf32>
    %select_n3A_847 = arith.select %eq3A_844, %broadcast_in_dim3A_846, %select_n3A_831 : vector<1000x128xi1>, vector<1000x128xf32>
    %reduce_max3A_848 = arith.constant dense<0xFF800000> : vector<128xf32>
    %reduce_max3A_849 = vector.multi_reduction <maximumf>, %select_n3A_847, %reduce_max3A_848 [0] : vector<1000x128xf32> to vector<128xf32>
    %broadcast_in_dim3A_850 = vector.shape_cast %reduce_max3A_849 : vector<128xf32> to vector<1x128xf32>
    %eq3A_851 = vector.broadcast %broadcast_in_dim3A_850 : vector<1x128xf32> to vector<1000x128xf32>
    %eq3A_852 = arith.cmpf oeq, %select_n3A_847, %eq3A_851 : vector<1000x128xf32>
    %jit3A_853 = arith.constant 1073741824 : i32
    %broadcast_in_dim3A_854 = vector.broadcast %jit3A_853 : i32 to vector<1000x128xi32>
    %select_n3A_855 = arith.select %eq3A_852, %iota3A, %broadcast_in_dim3A_854 : vector<1000x128xi1>, vector<1000x128xi32>
    %reduce_min3A_856 = arith.constant dense<2147483647> : vector<128xi32>
    %reduce_min3A_857 = vector.multi_reduction <minsi>, %select_n3A_855, %reduce_min3A_856 [0] : vector<1000x128xi32> to vector<128xi32>
    %broadcast_in_dim3A_858 = vector.shape_cast %reduce_min3A_857 : vector<128xi32> to vector<1x128xi32>
    %concatenate3A_859 = tpu.concatenate %broadcast_in_dim3A_706, %broadcast_in_dim3A_722, %broadcast_in_dim3A_738, %broadcast_in_dim3A_754, %broadcast_in_dim3A_770, %broadcast_in_dim3A_786, %broadcast_in_dim3A_802, %broadcast_in_dim3A_818, %broadcast_in_dim3A_834, %broadcast_in_dim3A_850 in 0 : vector<1x128xf32>, vector<1x128xf32>, vector<1x128xf32>, vector<1x128xf32>, vector<1x128xf32>, vector<1x128xf32>, vector<1x128xf32>, vector<1x128xf32>, vector<1x128xf32>, vector<1x128xf32> -> vector<10x128xf32>
    %slice3A_860 = vector.extract_strided_slice %concatenate3A_859 {offsets = [0, 0], sizes = [1, 128], strides = [1, 1]} : vector<10x128xf32> to vector<1x128xf32>
    %sub3A_861 = vector.broadcast %slice3A_860 : vector<1x128xf32> to vector<10x128xf32>
    %sub3A_862 = arith.subf %concatenate3A_859, %sub3A_861 : vector<10x128xf32>
    %exp3A_863 = math.exp %sub3A_862 : vector<10x128xf32>
    %reduce_sum3A_864 = arith.constant dense<0.000000e+00> : vector<128xf32>
    %reduce_sum3A_865 = vector.multi_reduction <add>, %exp3A_863, %reduce_sum3A_864 [0] : vector<10x128xf32> to vector<128xf32>
    %broadcast_in_dim3A_866 = vector.shape_cast %reduce_sum3A_865 : vector<128xf32> to vector<1x128xf32>
    %div3A_867 = vector.broadcast %broadcast_in_dim3A_866 : vector<1x128xf32> to vector<10x128xf32>
    %div3A_868 = arith.divf %exp3A_863, %div3A_867 : vector<10x128xf32>
    %broadcast_in_dim3A_869 = arith.constant 0.000000e+00 : f32
    %broadcast_in_dim3A_870 = vector.broadcast %broadcast_in_dim3A_869 : f32 to vector<6x128xf32>
    %concatenate3A_871 = tpu.concatenate %div3A_868, %broadcast_in_dim3A_870 in 0 : vector<10x128xf32>, vector<6x128xf32> -> vector<16x128xf32>
    %swap3A_872 = arith.constant 0 : index
    %swap3A_873 = arith.constant 3 : index
    %swap3A_874 = arith.constant 0 : index
    %swap3A_875 = arith.constant 0 : index
    %swap3A_876 = vector.load %arg9[%swap3A_872, %swap3A_873, %swap3A_874, %swap3A_875] : memref<1x5x16x128xf32, #tpu.memory_space<vmem>>, vector<1x1x16x128xf32>
    %swap3A_877 = vector.shape_cast %swap3A_876 : vector<1x1x16x128xf32> to vector<16x128xf32>
    %swap3A_878 = vector.shape_cast %concatenate3A_871 : vector<16x128xf32> to vector<1x1x16x128xf32>
    tpu.vector_store %arg9[%swap3A_872, %swap3A_873, %swap3A_874, %swap3A_875], %swap3A_878 {strides = array<i32>} : memref<1x5x16x128xf32, #tpu.memory_space<vmem>>, vector<1x1x16x128xf32>,
    %broadcast_in_dim3A_879 = arith.constant 0 : i32
    %broadcast_in_dim3A_880 = vector.broadcast %broadcast_in_dim3A_879 : i32 to vector<6x128xi32>
    %concatenate3A_881 = tpu.concatenate %broadcast_in_dim3A_714, %broadcast_in_dim3A_730, %broadcast_in_dim3A_746, %broadcast_in_dim3A_762, %broadcast_in_dim3A_778, %broadcast_in_dim3A_794, %broadcast_in_dim3A_810, %broadcast_in_dim3A_826, %broadcast_in_dim3A_842, %broadcast_in_dim3A_858, %broadcast_in_dim3A_880 in 0 : vector<1x128xi32>, vector<1x128xi32>, vector<1x128xi32>, vector<1x128xi32>, vector<1x128xi32>, vector<1x128xi32>, vector<1x128xi32>, vector<1x128xi32>, vector<1x128xi32>, vector<1x128xi32>, vector<6x128xi32> -> vector<16x128xi32>
    %swap3A_882 = arith.constant 0 : index
    %swap3A_883 = arith.constant 3 : index
    %swap3A_884 = arith.constant 0 : index
    %swap3A_885 = arith.constant 0 : index
    %swap3A_886 = vector.load %arg10[%swap3A_882, %swap3A_883, %swap3A_884, %swap3A_885] : memref<1x5x16x128xi32, #tpu.memory_space<vmem>>, vector<1x1x16x128xi32>
    %swap3A_887 = vector.shape_cast %swap3A_886 : vector<1x1x16x128xi32> to vector<16x128xi32>
    %swap3A_888 = vector.shape_cast %concatenate3A_881 : vector<16x128xi32> to vector<1x1x16x128xi32>
    tpu.vector_store %arg10[%swap3A_882, %swap3A_883, %swap3A_884, %swap3A_885], %swap3A_888 {strides = array<i32>} : memref<1x5x16x128xi32, #tpu.memory_space<vmem>>, vector<1x1x16x128xi32>,
    %get3A_889 = arith.constant 0 : index
    %get3A_890 = arith.constant 4 : index
    %get3A_891 = arith.constant 0 : index
    %get3A_892 = arith.constant 0 : index
    %get3A_893 = vector.load %arg2[%get3A_889, %get3A_890, %get3A_891, %get3A_892] : memref<1x5x1000x512xf32, #tpu.memory_space<vmem>>, vector<1x1x1000x512xf32>
    %get3A_894 = vector.shape_cast %get3A_893 : vector<1x1x1000x512xf32> to vector<1000x512xf32>
    %get3A_895 = arith.constant 0 : index
    %get3A_896 = arith.constant 0 : index
    %get3A_897 = vector.load %arg5[%get3A_895, %get3A_896] : memref<512x128xf32, #tpu.memory_space<vmem>>, vector<512x128xf32>
    %dot_general3A_898 = arith.constant dense<0.000000e+00> : vector<1000x128xf32>
    %dot_general3A_899 = tpu.matmul %get3A_894, %get3A_897, %dot_general3A_898 {dimension_numbers = #tpu.dot_dimension_numbers<[1], [0], [0], [1], [0, 0, 1, 1], [], []>, transpose_lhs_hint = false} : vector<1000x512xf32>, vector<512x128xf32>, vector<1000x128xf32> -> vector<1000x128xf32>
    %get3A_900 = arith.constant 0 : index
    %get3A_901 = arith.constant 0 : index
    %get3A_902 = vector.load %arg6[%get3A_900, %get3A_901] : memref<1x128xf32, #tpu.memory_space<vmem>>, vector<1x128xf32>
    %add3A_903 = vector.broadcast %get3A_902 : vector<1x128xf32> to vector<1000x128xf32>
    %add3A_904 = arith.addf %dot_general3A_899, %add3A_903 : vector<1000x128xf32>
    %max3A_905 = arith.constant 9.99999997E-7 : f32
    %max3A_906 = vector.broadcast %max3A_905 : f32 to vector<1000x128xf32>
    %max3A_907 = arith.maximumf %add3A_904, %max3A_906 : vector<1000x128xf32>
    %log3A_908 = math.log %max3A_907 : vector<1000x128xf32>
    %get3A_909 = arith.constant 0 : index
    %get3A_910 = arith.constant 32 : index
    %get3A_911 = arith.constant 0 : index
    %get3A_912 = vector.load %arg3[%get3A_909, %get3A_910, %get3A_911] : memref<1x40x1024xf32, #tpu.memory_space<vmem>>, vector<1x8x1024xf32>
    %get3A_913 = vector.shape_cast %get3A_912 : vector<1x8x1024xf32> to vector<8x1024xf32>
    %transpose3A_914 = tpu.transpose %get3A_913, [1, 0] : vector<8x1024xf32> -> vector<1024x8xf32>
    %get3A_915 = arith.constant 0 : index
    %get3A_916 = arith.constant 0 : index
    %get3A_917 = vector.load %arg7[%get3A_915, %get3A_916] : memref<8x128xf32, #tpu.memory_space<vmem>>, vector<8x128xf32>
    %dot_general3A_918 = arith.constant dense<0.000000e+00> : vector<1024x128xf32>
    %dot_general3A_919 = tpu.matmul %transpose3A_914, %get3A_917, %dot_general3A_918 {dimension_numbers = #tpu.dot_dimension_numbers<[1], [0], [0], [1], [0, 0, 1, 1], [], []>, transpose_lhs_hint = false} : vector<1024x8xf32>, vector<8x128xf32>, vector<1024x128xf32> -> vector<1024x128xf32>
    %get3A_920 = arith.constant 0 : index
    %get3A_921 = arith.constant 0 : index
    %get3A_922 = vector.load %arg8[%get3A_920, %get3A_921] : memref<1024x128xf32, #tpu.memory_space<vmem>>, vector<1024x128xf32>
    %mul3A_923 = arith.mulf %dot_general3A_919, %get3A_922 : vector<1024x128xf32>
    %dot_general3A_924 = arith.constant dense<0.000000e+00> : vector<1000x128xf32>
    %dot_general3A_925 = tpu.matmul %get3A_3, %mul3A_923, %dot_general3A_924 {dimension_numbers = #tpu.dot_dimension_numbers<[1], [0], [0], [1], [0, 0, 1, 1], [], []>, transpose_lhs_hint = false} : vector<1000x1024xf32>, vector<1024x128xf32>, vector<1000x128xf32> -> vector<1000x128xf32>
    %mul3A_926 = arith.constant 1.250000e-01 : f32
    %mul3A_927 = vector.broadcast %mul3A_926 : f32 to vector<1000x128xf32>
    %mul3A_928 = arith.mulf %dot_general3A_925, %mul3A_927 : vector<1000x128xf32>
    %add3A_929 = arith.addf %mul3A_928, %log3A_908 : vector<1000x128xf32>
    %reduce_max3A_930 = arith.constant dense<0xFF800000> : vector<128xf32>
    %reduce_max3A_931 = vector.multi_reduction <maximumf>, %add3A_929, %reduce_max3A_930 [0] : vector<1000x128xf32> to vector<128xf32>
    %broadcast_in_dim3A_932 = vector.shape_cast %reduce_max3A_931 : vector<128xf32> to vector<1x128xf32>
    %eq3A_933 = vector.broadcast %broadcast_in_dim3A_932 : vector<1x128xf32> to vector<1000x128xf32>
    %eq3A_934 = arith.cmpf oeq, %add3A_929, %eq3A_933 : vector<1000x128xf32>
    %jit3A_935 = arith.constant 1073741824 : i32
    %broadcast_in_dim3A_936 = vector.broadcast %jit3A_935 : i32 to vector<1000x128xi32>
    %select_n3A_937 = arith.select %eq3A_934, %iota3A, %broadcast_in_dim3A_936 : vector<1000x128xi1>, vector<1000x128xi32>
    %reduce_min3A_938 = arith.constant dense<2147483647> : vector<128xi32>
    %reduce_min3A_939 = vector.multi_reduction <minsi>, %select_n3A_937, %reduce_min3A_938 [0] : vector<1000x128xi32> to vector<128xi32>
    %broadcast_in_dim3A_940 = vector.shape_cast %reduce_min3A_939 : vector<128xi32> to vector<1x128xi32>
    %eq3A_941 = vector.broadcast %broadcast_in_dim3A_940 : vector<1x128xi32> to vector<1000x128xi32>
    %eq3A_942 = arith.cmpi eq, %iota3A, %eq3A_941 : vector<1000x128xi32>
    %jit3A_943 = arith.constant 0xFF800000 : f32
    %broadcast_in_dim3A_944 = vector.broadcast %jit3A_943 : f32 to vector<1000x128xf32>
    %select_n3A_945 = arith.select %eq3A_942, %broadcast_in_dim3A_944, %add3A_929 : vector<1000x128xi1>, vector<1000x128xf32>
    %reduce_max3A_946 = arith.constant dense<0xFF800000> : vector<128xf32>
    %reduce_max3A_947 = vector.multi_reduction <maximumf>, %select_n3A_945, %reduce_max3A_946 [0] : vector<1000x128xf32> to vector<128xf32>
    %broadcast_in_dim3A_948 = vector.shape_cast %reduce_max3A_947 : vector<128xf32> to vector<1x128xf32>
    %eq3A_949 = vector.broadcast %broadcast_in_dim3A_948 : vector<1x128xf32> to vector<1000x128xf32>
    %eq3A_950 = arith.cmpf oeq, %select_n3A_945, %eq3A_949 : vector<1000x128xf32>
    %jit3A_951 = arith.constant 1073741824 : i32
    %broadcast_in_dim3A_952 = vector.broadcast %jit3A_951 : i32 to vector<1000x128xi32>
    %select_n3A_953 = arith.select %eq3A_950, %iota3A, %broadcast_in_dim3A_952 : vector<1000x128xi1>, vector<1000x128xi32>
    %reduce_min3A_954 = arith.constant dense<2147483647> : vector<128xi32>
    %reduce_min3A_955 = vector.multi_reduction <minsi>, %select_n3A_953, %reduce_min3A_954 [0] : vector<1000x128xi32> to vector<128xi32>
    %broadcast_in_dim3A_956 = vector.shape_cast %reduce_min3A_955 : vector<128xi32> to vector<1x128xi32>
    %eq3A_957 = vector.broadcast %broadcast_in_dim3A_956 : vector<1x128xi32> to vector<1000x128xi32>
    %eq3A_958 = arith.cmpi eq, %iota3A, %eq3A_957 : vector<1000x128xi32>
    %jit3A_959 = arith.constant 0xFF800000 : f32
    %broadcast_in_dim3A_960 = vector.broadcast %jit3A_959 : f32 to vector<1000x128xf32>
    %select_n3A_961 = arith.select %eq3A_958, %broadcast_in_dim3A_960, %select_n3A_945 : vector<1000x128xi1>, vector<1000x128xf32>
    %reduce_max3A_962 = arith.constant dense<0xFF800000> : vector<128xf32>
    %reduce_max3A_963 = vector.multi_reduction <maximumf>, %select_n3A_961, %reduce_max3A_962 [0] : vector<1000x128xf32> to vector<128xf32>
    %broadcast_in_dim3A_964 = vector.shape_cast %reduce_max3A_963 : vector<128xf32> to vector<1x128xf32>
    %eq3A_965 = vector.broadcast %broadcast_in_dim3A_964 : vector<1x128xf32> to vector<1000x128xf32>
    %eq3A_966 = arith.cmpf oeq, %select_n3A_961, %eq3A_965 : vector<1000x128xf32>
    %jit3A_967 = arith.constant 1073741824 : i32
    %broadcast_in_dim3A_968 = vector.broadcast %jit3A_967 : i32 to vector<1000x128xi32>
    %select_n3A_969 = arith.select %eq3A_966, %iota3A, %broadcast_in_dim3A_968 : vector<1000x128xi1>, vector<1000x128xi32>
    %reduce_min3A_970 = arith.constant dense<2147483647> : vector<128xi32>
    %reduce_min3A_971 = vector.multi_reduction <minsi>, %select_n3A_969, %reduce_min3A_970 [0] : vector<1000x128xi32> to vector<128xi32>
    %broadcast_in_dim3A_972 = vector.shape_cast %reduce_min3A_971 : vector<128xi32> to vector<1x128xi32>
    %eq3A_973 = vector.broadcast %broadcast_in_dim3A_972 : vector<1x128xi32> to vector<1000x128xi32>
    %eq3A_974 = arith.cmpi eq, %iota3A, %eq3A_973 : vector<1000x128xi32>
    %jit3A_975 = arith.constant 0xFF800000 : f32
    %broadcast_in_dim3A_976 = vector.broadcast %jit3A_975 : f32 to vector<1000x128xf32>
    %select_n3A_977 = arith.select %eq3A_974, %broadcast_in_dim3A_976, %select_n3A_961 : vector<1000x128xi1>, vector<1000x128xf32>
    %reduce_max3A_978 = arith.constant dense<0xFF800000> : vector<128xf32>
    %reduce_max3A_979 = vector.multi_reduction <maximumf>, %select_n3A_977, %reduce_max3A_978 [0] : vector<1000x128xf32> to vector<128xf32>
    %broadcast_in_dim3A_980 = vector.shape_cast %reduce_max3A_979 : vector<128xf32> to vector<1x128xf32>
    %eq3A_981 = vector.broadcast %broadcast_in_dim3A_980 : vector<1x128xf32> to vector<1000x128xf32>
    %eq3A_982 = arith.cmpf oeq, %select_n3A_977, %eq3A_981 : vector<1000x128xf32>
    %jit3A_983 = arith.constant 1073741824 : i32
    %broadcast_in_dim3A_984 = vector.broadcast %jit3A_983 : i32 to vector<1000x128xi32>
    %select_n3A_985 = arith.select %eq3A_982, %iota3A, %broadcast_in_dim3A_984 : vector<1000x128xi1>, vector<1000x128xi32>
    %reduce_min3A_986 = arith.constant dense<2147483647> : vector<128xi32>
    %reduce_min3A_987 = vector.multi_reduction <minsi>, %select_n3A_985, %reduce_min3A_986 [0] : vector<1000x128xi32> to vector<128xi32>
    %broadcast_in_dim3A_988 = vector.shape_cast %reduce_min3A_987 : vector<128xi32> to vector<1x128xi32>
    %eq3A_989 = vector.broadcast %broadcast_in_dim3A_988 : vector<1x128xi32> to vector<1000x128xi32>
    %eq3A_990 = arith.cmpi eq, %iota3A, %eq3A_989 : vector<1000x128xi32>
    %jit3A_991 = arith.constant 0xFF800000 : f32
    %broadcast_in_dim3A_992 = vector.broadcast %jit3A_991 : f32 to vector<1000x128xf32>
    %select_n3A_993 = arith.select %eq3A_990, %broadcast_in_dim3A_992, %select_n3A_977 : vector<1000x128xi1>, vector<1000x128xf32>
    %reduce_max3A_994 = arith.constant dense<0xFF800000> : vector<128xf32>
    %reduce_max3A_995 = vector.multi_reduction <maximumf>, %select_n3A_993, %reduce_max3A_994 [0] : vector<1000x128xf32> to vector<128xf32>
    %broadcast_in_dim3A_996 = vector.shape_cast %reduce_max3A_995 : vector<128xf32> to vector<1x128xf32>
    %eq3A_997 = vector.broadcast %broadcast_in_dim3A_996 : vector<1x128xf32> to vector<1000x128xf32>
    %eq3A_998 = arith.cmpf oeq, %select_n3A_993, %eq3A_997 : vector<1000x128xf32>
    %jit3A_999 = arith.constant 1073741824 : i32
    %broadcast_in_dim3A_1000 = vector.broadcast %jit3A_999 : i32 to vector<1000x128xi32>
    %select_n3A_1001 = arith.select %eq3A_998, %iota3A, %broadcast_in_dim3A_1000 : vector<1000x128xi1>, vector<1000x128xi32>
    %reduce_min3A_1002 = arith.constant dense<2147483647> : vector<128xi32>
    %reduce_min3A_1003 = vector.multi_reduction <minsi>, %select_n3A_1001, %reduce_min3A_1002 [0] : vector<1000x128xi32> to vector<128xi32>
    %broadcast_in_dim3A_1004 = vector.shape_cast %reduce_min3A_1003 : vector<128xi32> to vector<1x128xi32>
    %eq3A_1005 = vector.broadcast %broadcast_in_dim3A_1004 : vector<1x128xi32> to vector<1000x128xi32>
    %eq3A_1006 = arith.cmpi eq, %iota3A, %eq3A_1005 : vector<1000x128xi32>
    %jit3A_1007 = arith.constant 0xFF800000 : f32
    %broadcast_in_dim3A_1008 = vector.broadcast %jit3A_1007 : f32 to vector<1000x128xf32>
    %select_n3A_1009 = arith.select %eq3A_1006, %broadcast_in_dim3A_1008, %select_n3A_993 : vector<1000x128xi1>, vector<1000x128xf32>
    %reduce_max3A_1010 = arith.constant dense<0xFF800000> : vector<128xf32>
    %reduce_max3A_1011 = vector.multi_reduction <maximumf>, %select_n3A_1009, %reduce_max3A_1010 [0] : vector<1000x128xf32> to vector<128xf32>
    %broadcast_in_dim3A_1012 = vector.shape_cast %reduce_max3A_1011 : vector<128xf32> to vector<1x128xf32>
    %eq3A_1013 = vector.broadcast %broadcast_in_dim3A_1012 : vector<1x128xf32> to vector<1000x128xf32>
    %eq3A_1014 = arith.cmpf oeq, %select_n3A_1009, %eq3A_1013 : vector<1000x128xf32>
    %jit3A_1015 = arith.constant 1073741824 : i32
    %broadcast_in_dim3A_1016 = vector.broadcast %jit3A_1015 : i32 to vector<1000x128xi32>
    %select_n3A_1017 = arith.select %eq3A_1014, %iota3A, %broadcast_in_dim3A_1016 : vector<1000x128xi1>, vector<1000x128xi32>
    %reduce_min3A_1018 = arith.constant dense<2147483647> : vector<128xi32>
    %reduce_min3A_1019 = vector.multi_reduction <minsi>, %select_n3A_1017, %reduce_min3A_1018 [0] : vector<1000x128xi32> to vector<128xi32>
    %broadcast_in_dim3A_1020 = vector.shape_cast %reduce_min3A_1019 : vector<128xi32> to vector<1x128xi32>
    %eq3A_1021 = vector.broadcast %broadcast_in_dim3A_1020 : vector<1x128xi32> to vector<1000x128xi32>
    %eq3A_1022 = arith.cmpi eq, %iota3A, %eq3A_1021 : vector<1000x128xi32>
    %jit3A_1023 = arith.constant 0xFF800000 : f32
    %broadcast_in_dim3A_1024 = vector.broadcast %jit3A_1023 : f32 to vector<1000x128xf32>
    %select_n3A_1025 = arith.select %eq3A_1022, %broadcast_in_dim3A_1024, %select_n3A_1009 : vector<1000x128xi1>, vector<1000x128xf32>
    %reduce_max3A_1026 = arith.constant dense<0xFF800000> : vector<128xf32>
    %reduce_max3A_1027 = vector.multi_reduction <maximumf>, %select_n3A_1025, %reduce_max3A_1026 [0] : vector<1000x128xf32> to vector<128xf32>
    %broadcast_in_dim3A_1028 = vector.shape_cast %reduce_max3A_1027 : vector<128xf32> to vector<1x128xf32>
    %eq3A_1029 = vector.broadcast %broadcast_in_dim3A_1028 : vector<1x128xf32> to vector<1000x128xf32>
    %eq3A_1030 = arith.cmpf oeq, %select_n3A_1025, %eq3A_1029 : vector<1000x128xf32>
    %jit3A_1031 = arith.constant 1073741824 : i32
    %broadcast_in_dim3A_1032 = vector.broadcast %jit3A_1031 : i32 to vector<1000x128xi32>
    %select_n3A_1033 = arith.select %eq3A_1030, %iota3A, %broadcast_in_dim3A_1032 : vector<1000x128xi1>, vector<1000x128xi32>
    %reduce_min3A_1034 = arith.constant dense<2147483647> : vector<128xi32>
    %reduce_min3A_1035 = vector.multi_reduction <minsi>, %select_n3A_1033, %reduce_min3A_1034 [0] : vector<1000x128xi32> to vector<128xi32>
    %broadcast_in_dim3A_1036 = vector.shape_cast %reduce_min3A_1035 : vector<128xi32> to vector<1x128xi32>
    %eq3A_1037 = vector.broadcast %broadcast_in_dim3A_1036 : vector<1x128xi32> to vector<1000x128xi32>
    %eq3A_1038 = arith.cmpi eq, %iota3A, %eq3A_1037 : vector<1000x128xi32>
    %jit3A_1039 = arith.constant 0xFF800000 : f32
    %broadcast_in_dim3A_1040 = vector.broadcast %jit3A_1039 : f32 to vector<1000x128xf32>
    %select_n3A_1041 = arith.select %eq3A_1038, %broadcast_in_dim3A_1040, %select_n3A_1025 : vector<1000x128xi1>, vector<1000x128xf32>
    %reduce_max3A_1042 = arith.constant dense<0xFF800000> : vector<128xf32>
    %reduce_max3A_1043 = vector.multi_reduction <maximumf>, %select_n3A_1041, %reduce_max3A_1042 [0] : vector<1000x128xf32> to vector<128xf32>
    %broadcast_in_dim3A_1044 = vector.shape_cast %reduce_max3A_1043 : vector<128xf32> to vector<1x128xf32>
    %eq3A_1045 = vector.broadcast %broadcast_in_dim3A_1044 : vector<1x128xf32> to vector<1000x128xf32>
    %eq3A_1046 = arith.cmpf oeq, %select_n3A_1041, %eq3A_1045 : vector<1000x128xf32>
    %jit3A_1047 = arith.constant 1073741824 : i32
    %broadcast_in_dim3A_1048 = vector.broadcast %jit3A_1047 : i32 to vector<1000x128xi32>
    %select_n3A_1049 = arith.select %eq3A_1046, %iota3A, %broadcast_in_dim3A_1048 : vector<1000x128xi1>, vector<1000x128xi32>
    %reduce_min3A_1050 = arith.constant dense<2147483647> : vector<128xi32>
    %reduce_min3A_1051 = vector.multi_reduction <minsi>, %select_n3A_1049, %reduce_min3A_1050 [0] : vector<1000x128xi32> to vector<128xi32>
    %broadcast_in_dim3A_1052 = vector.shape_cast %reduce_min3A_1051 : vector<128xi32> to vector<1x128xi32>
    %eq3A_1053 = vector.broadcast %broadcast_in_dim3A_1052 : vector<1x128xi32> to vector<1000x128xi32>
    %eq3A_1054 = arith.cmpi eq, %iota3A, %eq3A_1053 : vector<1000x128xi32>
    %jit3A_1055 = arith.constant 0xFF800000 : f32
    %broadcast_in_dim3A_1056 = vector.broadcast %jit3A_1055 : f32 to vector<1000x128xf32>
    %select_n3A_1057 = arith.select %eq3A_1054, %broadcast_in_dim3A_1056, %select_n3A_1041 : vector<1000x128xi1>, vector<1000x128xf32>
    %reduce_max3A_1058 = arith.constant dense<0xFF800000> : vector<128xf32>
    %reduce_max3A_1059 = vector.multi_reduction <maximumf>, %select_n3A_1057, %reduce_max3A_1058 [0] : vector<1000x128xf32> to vector<128xf32>
    %broadcast_in_dim3A_1060 = vector.shape_cast %reduce_max3A_1059 : vector<128xf32> to vector<1x128xf32>
    %eq3A_1061 = vector.broadcast %broadcast_in_dim3A_1060 : vector<1x128xf32> to vector<1000x128xf32>
    %eq3A_1062 = arith.cmpf oeq, %select_n3A_1057, %eq3A_1061 : vector<1000x128xf32>
    %jit3A_1063 = arith.constant 1073741824 : i32
    %broadcast_in_dim3A_1064 = vector.broadcast %jit3A_1063 : i32 to vector<1000x128xi32>
    %select_n3A_1065 = arith.select %eq3A_1062, %iota3A, %broadcast_in_dim3A_1064 : vector<1000x128xi1>, vector<1000x128xi32>
    %reduce_min3A_1066 = arith.constant dense<2147483647> : vector<128xi32>
    %reduce_min3A_1067 = vector.multi_reduction <minsi>, %select_n3A_1065, %reduce_min3A_1066 [0] : vector<1000x128xi32> to vector<128xi32>
    %broadcast_in_dim3A_1068 = vector.shape_cast %reduce_min3A_1067 : vector<128xi32> to vector<1x128xi32>
    %eq3A_1069 = vector.broadcast %broadcast_in_dim3A_1068 : vector<1x128xi32> to vector<1000x128xi32>
    %eq3A_1070 = arith.cmpi eq, %iota3A, %eq3A_1069 : vector<1000x128xi32>
    %jit3A_1071 = arith.constant 0xFF800000 : f32
    %broadcast_in_dim3A_1072 = vector.broadcast %jit3A_1071 : f32 to vector<1000x128xf32>
    %select_n3A_1073 = arith.select %eq3A_1070, %broadcast_in_dim3A_1072, %select_n3A_1057 : vector<1000x128xi1>, vector<1000x128xf32>
    %reduce_max3A_1074 = arith.constant dense<0xFF800000> : vector<128xf32>
    %reduce_max3A_1075 = vector.multi_reduction <maximumf>, %select_n3A_1073, %reduce_max3A_1074 [0] : vector<1000x128xf32> to vector<128xf32>
    %broadcast_in_dim3A_1076 = vector.shape_cast %reduce_max3A_1075 : vector<128xf32> to vector<1x128xf32>
    %eq3A_1077 = vector.broadcast %broadcast_in_dim3A_1076 : vector<1x128xf32> to vector<1000x128xf32>
    %eq3A_1078 = arith.cmpf oeq, %select_n3A_1073, %eq3A_1077 : vector<1000x128xf32>
    %jit3A_1079 = arith.constant 1073741824 : i32
    %broadcast_in_dim3A_1080 = vector.broadcast %jit3A_1079 : i32 to vector<1000x128xi32>
    %select_n3A_1081 = arith.select %eq3A_1078, %iota3A, %broadcast_in_dim3A_1080 : vector<1000x128xi1>, vector<1000x128xi32>
    %reduce_min3A_1082 = arith.constant dense<2147483647> : vector<128xi32>
    %reduce_min3A_1083 = vector.multi_reduction <minsi>, %select_n3A_1081, %reduce_min3A_1082 [0] : vector<1000x128xi32> to vector<128xi32>
    %broadcast_in_dim3A_1084 = vector.shape_cast %reduce_min3A_1083 : vector<128xi32> to vector<1x128xi32>
    %concatenate3A_1085 = tpu.concatenate %broadcast_in_dim3A_932, %broadcast_in_dim3A_948, %broadcast_in_dim3A_964, %broadcast_in_dim3A_980, %broadcast_in_dim3A_996, %broadcast_in_dim3A_1012, %broadcast_in_dim3A_1028, %broadcast_in_dim3A_1044, %broadcast_in_dim3A_1060, %broadcast_in_dim3A_1076 in 0 : vector<1x128xf32>, vector<1x128xf32>, vector<1x128xf32>, vector<1x128xf32>, vector<1x128xf32>, vector<1x128xf32>, vector<1x128xf32>, vector<1x128xf32>, vector<1x128xf32>, vector<1x128xf32> -> vector<10x128xf32>
    %slice3A_1086 = vector.extract_strided_slice %concatenate3A_1085 {offsets = [0, 0], sizes = [1, 128], strides = [1, 1]} : vector<10x128xf32> to vector<1x128xf32>
    %sub3A_1087 = vector.broadcast %slice3A_1086 : vector<1x128xf32> to vector<10x128xf32>
    %sub3A_1088 = arith.subf %concatenate3A_1085, %sub3A_1087 : vector<10x128xf32>
    %exp3A_1089 = math.exp %sub3A_1088 : vector<10x128xf32>
    %reduce_sum3A_1090 = arith.constant dense<0.000000e+00> : vector<128xf32>
    %reduce_sum3A_1091 = vector.multi_reduction <add>, %exp3A_1089, %reduce_sum3A_1090 [0] : vector<10x128xf32> to vector<128xf32>
    %broadcast_in_dim3A_1092 = vector.shape_cast %reduce_sum3A_1091 : vector<128xf32> to vector<1x128xf32>
    %div3A_1093 = vector.broadcast %broadcast_in_dim3A_1092 : vector<1x128xf32> to vector<10x128xf32>
    %div3A_1094 = arith.divf %exp3A_1089, %div3A_1093 : vector<10x128xf32>
    %broadcast_in_dim3A_1095 = arith.constant 0.000000e+00 : f32
    %broadcast_in_dim3A_1096 = vector.broadcast %broadcast_in_dim3A_1095 : f32 to vector<6x128xf32>
    %concatenate3A_1097 = tpu.concatenate %div3A_1094, %broadcast_in_dim3A_1096 in 0 : vector<10x128xf32>, vector<6x128xf32> -> vector<16x128xf32>
    %swap3A_1098 = arith.constant 0 : index
    %swap3A_1099 = arith.constant 4 : index
    %swap3A_1100 = arith.constant 0 : index
    %swap3A_1101 = arith.constant 0 : index
    %swap3A_1102 = vector.load %arg9[%swap3A_1098, %swap3A_1099, %swap3A_1100, %swap3A_1101] : memref<1x5x16x128xf32, #tpu.memory_space<vmem>>, vector<1x1x16x128xf32>
    %swap3A_1103 = vector.shape_cast %swap3A_1102 : vector<1x1x16x128xf32> to vector<16x128xf32>
    %swap3A_1104 = vector.shape_cast %concatenate3A_1097 : vector<16x128xf32> to vector<1x1x16x128xf32>
    tpu.vector_store %arg9[%swap3A_1098, %swap3A_1099, %swap3A_1100, %swap3A_1101], %swap3A_1104 {strides = array<i32>} : memref<1x5x16x128xf32, #tpu.memory_space<vmem>>, vector<1x1x16x128xf32>,
    %broadcast_in_dim3A_1105 = arith.constant 0 : i32
    %broadcast_in_dim3A_1106 = vector.broadcast %broadcast_in_dim3A_1105 : i32 to vector<6x128xi32>
    %concatenate3A_1107 = tpu.concatenate %broadcast_in_dim3A_940, %broadcast_in_dim3A_956, %broadcast_in_dim3A_972, %broadcast_in_dim3A_988, %broadcast_in_dim3A_1004, %broadcast_in_dim3A_1020, %broadcast_in_dim3A_1036, %broadcast_in_dim3A_1052, %broadcast_in_dim3A_1068, %broadcast_in_dim3A_1084, %broadcast_in_dim3A_1106 in 0 : vector<1x128xi32>, vector<1x128xi32>, vector<1x128xi32>, vector<1x128xi32>, vector<1x128xi32>, vector<1x128xi32>, vector<1x128xi32>, vector<1x128xi32>, vector<1x128xi32>, vector<1x128xi32>, vector<6x128xi32> -> vector<16x128xi32>
    %swap3A_1108 = arith.constant 0 : index
    %swap3A_1109 = arith.constant 4 : index
    %swap3A_1110 = arith.constant 0 : index
    %swap3A_1111 = arith.constant 0 : index
    %swap3A_1112 = vector.load %arg10[%swap3A_1108, %swap3A_1109, %swap3A_1110, %swap3A_1111] : memref<1x5x16x128xi32, #tpu.memory_space<vmem>>, vector<1x1x16x128xi32>
    %swap3A_1113 = vector.shape_cast %swap3A_1112 : vector<1x1x16x128xi32> to vector<16x128xi32>
    %swap3A_1114 = vector.shape_cast %concatenate3A_1107 : vector<16x128xi32> to vector<1x1x16x128xi32>
    tpu.vector_store %arg10[%swap3A_1108, %swap3A_1109, %swap3A_1110, %swap3A_1111], %swap3A_1114 {strides = array<i32>} : memref<1x5x16x128xi32, #tpu.memory_space<vmem>>, vector<1x1x16x128xi32>,
    return
  }
  func.func @transform_0(%arg0: i32, %arg1: i32) -> (i32, i32, i32, i32) {
    %c0_i32 = arith.constant 0 : i32
    %c0_i32_0 = arith.constant 0 : i32
    %c0_i32_1 = arith.constant 0 : i32
    return %arg0, %arg1, %c0_i32, %c0_i32_0 : i32, i32, i32, i32
  }
  func.func @transform_1(%arg0: i32, %arg1: i32) -> (i32, i32, i32) {
    %c0_i32 = arith.constant 0 : i32
    %c0_i32_0 = arith.constant 0 : i32
    return %arg0, %arg1, %c0_i32 : i32, i32, i32
  }
  func.func @transform_2(%arg0: i32, %arg1: i32) -> (i32, i32, i32) {
    %c0_i32 = arith.constant 0 : i32
    %c0_i32_0 = arith.constant 0 : i32
    %c0_i32_1 = arith.constant 0 : i32
    return %arg0, %c0_i32, %c0_i32_0 : i32, i32, i32
  }
  func.func @transform_3(%arg0: i32, %arg1: i32) -> (i32, i32) {
    %c0_i32 = arith.constant 0 : i32
    %c0_i32_0 = arith.constant 0 : i32
    %c0_i32_1 = arith.constant 0 : i32
    return %c0_i32, %c0_i32_0 : i32, i32
  }
  func.func @transform_4(%arg0: i32, %arg1: i32) -> (i32, i32) {
    %c0_i32 = arith.constant 0 : i32
    %c0_i32_0 = arith.constant 0 : i32
    %c0_i32_1 = arith.constant 0 : i32
    return %c0_i32, %c0_i32_0 : i32, i32
  }
  func.func @transform_5(%arg0: i32, %arg1: i32) -> (i32, i32) {
    %c0_i32 = arith.constant 0 : i32
    %c0_i32_0 = arith.constant 0 : i32
    %c0_i32_1 = arith.constant 0 : i32
    return %c0_i32, %c0_i32_0 : i32, i32
  }
  func.func @transform_6(%arg0: i32, %arg1: i32) -> (i32, i32) {
    %c0_i32 = arith.constant 0 : i32
    %c0_i32_0 = arith.constant 0 : i32
    %c0_i32_1 = arith.constant 0 : i32
    return %c0_i32, %c0_i32_0 : i32, i32
  }
  func.func @transform_7(%arg0: i32, %arg1: i32) -> (i32, i32, i32, i32) {
    %c0_i32 = arith.constant 0 : i32
    %c0_i32_0 = arith.constant 0 : i32
    %c0_i32_1 = arith.constant 0 : i32
    return %arg0, %arg1, %c0_i32, %c0_i32_0 : i32, i32, i32, i32
  }
  func.func @transform_8(%arg0: i32, %arg1: i32) -> (i32, i32, i32, i32) {
    %c0_i32 = arith.constant 0 : i32
    %c0_i32_0 = arith.constant 0 : i32
    %c0_i32_1 = arith.constant 0 : i32
    return %arg0, %arg1, %c0_i32, %c0_i32_0 : i32, i32, i32, i32
  }
}

</mosaic_0001>

<sc_bundles>
// kernel: kernel.5.cloned.1.call-start
scs
__scs_entry_jumppad:
0x0: {  	(pc) =	sbr.rel $0x88, $3  }
0x1: {  	(tag) =	ssettag $0x0;
	lr =	simm.s32 $0x1  }
0x2: {  	[smem:$0x3F97] =	sst lr;
	_ =	strace $0xD0000000  }
0x3: {  	_ = 	snop  }
0x4: {  	_ = 	snop  }
0x5: {  	_ = 	snop  }
0x6: {  	_ = 	snop  }
0x7: {  	_ = 	snop  }
__scs_overlays_trampoline_lowered:
0x8: {  	[smem:$0x3FA6] =	sst s0  }
0x9: {  	[smem:$0x3FA7] =	sst s1  }
0xa: {  	[smem:$0x3FA8] =	sst s2  }
0xb: {  	[smem:$0x3FA9] =	sst s3  }
0xc: {  	[smem:$0x3FAA] =	sst s4  }
0xd: {  	[smem:$0x3FAB] =	sst s5  }
0xe: {  	[smem:$0x3FAC] =	sst s6  }
0xf: {  	[smem:$0x3FAD] =	sst s7  }
0x10: {  	[smem:$0x3FAE] =	sst s8  }
0x11: {  	[smem:$0x3FAF] =	sst s9;
	s0 =	simm.s32 @!p0 $0x0  }
0x12: {  	s1 =	sld [smem:$0x3F95];
	s0 =	simm.s32 @p0 $0x1  }
0x13: {  	[smem:$0x3FB0] =	sst s0;
	s0 =	simm.s32 @!p1 $0x0  }
0x14: {  	s2 =	sld [smem:$0x3F94];
	s0 =	simm.s32 @p1 $0x1  }
0x15: {  	[smem:$0x3FB1] =	sst s0;
	s0 =	simm.s32 @!p2 $0x0  }
0x16: {  	s3 =	sld [smem:$0x3FDB];
	s0 =	simm.s32 @p2 $0x1  }
0x17: {  	s4 =	simm.s32 $0x1BF5;
	[smem:$0x3FB3] =	sst s0  }
0x18: {  	s0 =	sld [smem:$0x3F96];
	_ =	swait.ge [sflag:s4], $0x0  }
0x19: {  	s7 =	sld [smem:$0x3F97]  }
0x1a: {  	s8 =	sadd.s32 $0xFFFFE003, lr  }
0x1b: {  	s9 =	sadd.s32 $0xFFFFFEF7, lr;
	s5 =	simm.s32 $0xFFFFFFFF;
	p2 =	slt.u32 s8, $0xFFFFF086  }
0x1c: {  	p1 =	slt.u32 s9, $0xF7A;
	s5 =	simm.s32 @!p2 $0x0  }
0x1d: {  	s5 =	simm.s32 @p1 $0x1;
	p0 =	seq.s32 s7, s2  }
0x1e: {  	s7 =	smul.u32 @!p0 $0xF7A, s2;
	p2 =	seq.s32 @!p0 s5, $0x0  }
0x1f: {  	s9 =	smul.u32 $0xF7A, s1;
	s8 =	simm.s32 @!p0 $0x1BF5;
	p2 =	por !p2, p0  }
0x20: {  	[sflag:s8] =	ssyncset.s32 @!p0 $0xFFFFF086;
	s6 =	sadd.s32 @!p0 s3, s7;
	s7 =	simm.s32 @!p0 $0x108  }
0x21: {  	s3 =	sadd.s32 s3, s9;
	s6 =	sadd.s32 @!p0 $0x88, s6;
	s7 =	simm.s32 @p2 $0x1082  }
0x22: {  	[simem:s7], [sflag:s8] =	dma.local @!p0 [hbm:s6], $0xF7A  }
0x23: {  	s9 =	sor.u32 $0xD0000000, s2;
	s6 =	simm.s32 $0x108;
	_ =	swait.ge @!p0 [sflag:s8], $0x0  }
0x24: {  	s3 =	sadd.s32 $0x88, s3;
	s6 =	simm.s32 @!p1 $0x1082;
	[sflag:s4] =	ssyncset.s32 $0xFFFFF086  }
0x25: {  	[simem:s6], [sflag:s4] =	dma.local [hbm:s3], $0xF7A  }
0x26: {  	[smem:$0x3F97] =	sst s1;
	(tag) =	ssettag s2;
	_ =	strace s9  }
0x27: {  	s1 =	sld [smem:$0x3FA7]  }
0x28: {  	s2 =	sld [smem:$0x3FA8]  }
0x29: {  	s4 =	sld [smem:$0x3FAA]  }
0x2a: {  	p0 =	seq.s32 s5, $0x0;
	s5 =	sld [smem:$0x3FAB]  }
0x2b: {  	s6 =	sld [smem:$0x3FAC]  }
0x2c: {  	s7 =	sld [smem:$0x3FAD]  }
0x2d: {  	s3 =	simm.s32 $0x108;
	s8 =	sld [smem:$0x3FAE]  }
0x2e: {  	s3 =	simm.s32 @!p0 $0x1082;
	s9 =	sld [smem:$0x3FAF]  }
0x2f: {  	lr =	sadd.s32 s0, s3;
	s0 =	sld [smem:$0x3FA6]  }
0x30: {  	s3 =	sld [smem:$0x3FA9]  }
0x31: {  	[smem:$0x3FB2] =	sst s10  }
0x32: {  	s10 =	sld [smem:$0x3FB0];
	_ =	sdelay $0x3  }
0x33: {  	p0 =	seq.s32 s10, $0x1;
	s10 =	sld [smem:$0x3FB2];
	_ =	sdelay $0x3  }
0x34: {  	[smem:$0x3FB2] =	sst s10  }
0x35: {  	s10 =	sld [smem:$0x3FB1];
	_ =	sdelay $0x3  }
0x36: {  	p1 =	seq.s32 s10, $0x1;
	s10 =	sld [smem:$0x3FB2];
	_ =	sdelay $0x3  }
0x37: {  	[smem:$0x3FB2] =	sst s10  }
0x38: {  	s10 =	sld [smem:$0x3FB3]  }
0x39: {  	_ = 	snop;
	(pc) =	sbr.ind lr, $3  }
0x3a: {  	_ = 	snop  }
0x3b: {  	_ = 	snop  }
0x3c: {  	p2 =	seq.s32 s10, $0x1;
	s10 =	sld [smem:$0x3FB2]  }
0x3d: {  	_ =	shalt  }
0x3e: {  	_ =	shalt  }
0x3f: {  	_ =	shalt  }
0x40: {  	_ =	shalt  }
0x41: {  	_ =	shalt  }
0x42: {  	_ =	shalt  }
0x43: {  	_ =	shalt  }
0x44: {  	_ =	shalt  }
0x45: {  	_ =	shalt  }
0x46: {  	_ =	shalt  }
0x47: {  	_ =	shalt  }
0x48: {  	_ =	shalt  }
0x49: {  	_ =	shalt  }
0x4a: {  	_ =	shalt  }
0x4b: {  	_ =	shalt  }
0x4c: {  	_ =	shalt  }
0x4d: {  	_ =	shalt  }
0x4e: {  	_ =	shalt  }
0x4f: {  	_ =	shalt  }
0x50: {  	_ =	shalt  }
0x51: {  	_ =	shalt  }
0x52: {  	_ =	shalt  }
0x53: {  	_ =	shalt  }
0x54: {  	_ =	shalt  }
0x55: {  	_ =	shalt  }
0x56: {  	_ =	shalt  }
0x57: {  	_ =	shalt  }
0x58: {  	_ =	shalt  }
0x59: {  	_ =	shalt  }
0x5a: {  	_ =	shalt  }
0x5b: {  	_ =	shalt  }
0x5c: {  	_ =	shalt  }
0x5d: {  	_ =	shalt  }
0x5e: {  	_ =	shalt  }
0x5f: {  	_ =	shalt  }
0x60: {  	_ =	shalt  }
0x61: {  	_ =	shalt  }
0x62: {  	_ =	shalt  }
0x63: {  	_ =	shalt  }
0x64: {  	_ =	shalt  }
0x65: {  	_ =	shalt  }
0x66: {  	_ =	shalt  }
0x67: {  	_ =	shalt  }
0x68: {  	_ =	shalt  }
0x69: {  	_ =	shalt  }
0x6a: {  	_ =	shalt  }
0x6b: {  	_ =	shalt  }
0x6c: {  	_ =	shalt  }
0x6d: {  	_ =	shalt  }
0x6e: {  	_ =	shalt  }
0x6f: {  	_ =	shalt  }
0x70: {  	_ =	shalt  }
0x71: {  	_ =	shalt  }
0x72: {  	_ =	shalt  }
0x73: {  	_ =	shalt  }
0x74: {  	_ =	shalt  }
0x75: {  	_ =	shalt  }
0x76: {  	_ =	shalt  }
0x77: {  	_ =	shalt  }
0x78: {  	_ =	shalt  }
0x79: {  	_ =	shalt  }
0x7a: {  	_ =	shalt  }
0x7b: {  	_ =	shalt  }
0x7c: {  	_ =	shalt  }
0x7d: {  	_ =	shalt  }
0x7e: {  	_ =	shalt  }
0x7f: {  	_ =	shalt  }
0x80: {  	_ =	shalt  }
0x81: {  	_ =	shalt  }
0x82: {  	_ =	shalt  }
0x83: {  	_ =	shalt  }
0x84: {  	_ =	shalt  }
0x85: {  	_ =	shalt  }
0x86: {  	_ =	shalt  }
0x87: {  	_ =	shalt  }
.Lfunc_end0:
.L_simem_size_0:
called_computation_lowered:
.L_overlay_start_0:
0x88: {  	s2 =	sld [smem:$0x3FD9]  }
0x89: {  	s3 =	sld [smem:$0x3FFE];
	_ =	sdelay $0x1  }
0x8a: {  	s1 =	srdreg.scid  }
0x8b: {  	s0 =	sand.u32 $0x1, s1  }
0x8c: {  	s17 =	sshll.u32 s0, $0xA;
	s2 =	sadd.s32 s3, s2  }
0x8d: {  	s2 =	sadd.s32 s2, s17  }
0x8e: {  	[smem:$0x3FBE] =	sst s2  }
0x8f: {  	_ = 	snop  }
0x90: {  	s2 =	sld [smem:$0x3FD0];
	(tm) =	ssettm $0x1  }
0x91: {  	s18 =	sld [smem:$0x3FFB];
	_ =	sdelay $0x3  }
0x92: {  	_ =	strace s18  }
0x93: {  	s3 =	sld [smem:$0x3FFC];
	_ =	sdelay $0x3  }
0x94: {  	_ =	strace s3  }
0x95: {  	s3 =	sld [smem:$0x3FFD];
	_ =	sdelay $0x3  }
0x96: {  	_ =	strace s3  }
0x97: {  	_ =	strace $0x8FFFFFFF  }
0x98: {  	s19 =	sld [smem:$0x3FDB];
	_ =	sdelay $0x1  }
0x99: {  	s4 =	simm.s32 $_scs_section_size  }
0x9a: {  	s5 =	simm.s32 $_size__tile_overlayer_lowered;
	s6 =	simm.s32 $_tile_overlayer_lowered  }
0x9b: {  	s22 =	simm.s32 $0x1BFF;
	s21 =	sshll.u32 s6, $0x1;
	s3 =	sadd.s32 s4, s19  }
0x9c: {  	s7 =	simm.s32 $0x0;
	s20 =	sshll.u32 s5, $0x1;
	s5 =	sadd.s32 s21, s3  }
0x9d: {  	[timem:s7], [sflag:s22] =	dma.local [hbm:s5], s20  }
0x9e: {  	_ =	swait.ge [sflag:s22], s20  }
0x9f: {  	s4 =	ssub.s32 $0x0, s20;
	[sflag:s22] =	ssyncset.done $0x0  }
0xa0: {  	[sflag:s22] =	ssyncadd.s32 s4;
	_ =	sdelay $0x1  }
0xa1: {  	s23 =	simm.s32 $0x1B8B  }
0xa2: {  	_ =	swait.ge [sflag:s23], $0x1  }
0xa3: {  	[sflag:s23] =	ssyncset.done $0x0  }
0xa4: {  	s25 =	simm.s32 $0x1B8E;
	s24 =	sld [smem:$0x3FFE];
	[sflag:s23] =	ssyncadd.s32 $0xFFFFFFFF  }
0xa5: {  	s26 =	simm.s32 $execute0_lowered;
	[smem:$0x3FD2] =	sst s25  }
0xa6: {  	s5 =	sshll.u32 s26, $0x1;
	_ =	strace $0x80000046;
	[dreg:$0x1] =	wrdreg $0xFFFFFFFF  }
0xa7: {  	s28 =	simm.s32 $_size_execute0_lowered;
	s3 =	sadd.s32 s3, s5;
	[dreg:$0x0] =	wrdreg $0x0  }
0xa8: {  	s5 =	sshll.u32 s28, $0x1;
	[dreg:$0x2] =	wrdreg s3  }
0xa9: {  	[dreg:$0x3] =	wrdreg s5  }
0xaa: {  	[dreg:$0x4] =	wrdreg $0xC0  }
0xab: {  	_ =	task [dreg:s7], $0x5FFFF  }
0xac: {  	[dreg:$0x1] =	wrdreg $0xFFFFFFFF  }
0xad: {  	[dreg:$0x0] =	wrdreg $0x60  }
0xae: {  	[dreg:$0x2] =	wrdreg s24  }
0xaf: {  	[dreg:$0x3] =	wrdreg s2  }
0xb0: {  	[dreg:$0x4] =	wrdreg $0x9  }
0xb1: {  	_ =	task.clear_ibuf [dreg:s7], $0x5FFFF;
	_ =	strace $0x90000046  }
0xb2: {  	s29 =	simm.s32 $0x9;
	_ =	strace $0x80000048  }
0xb3: {  	_ =	swait.ge [sflag:s29], $0x1  }
0xb4: {  	[sflag:s29] =	ssyncadd.s32 $0xFFFFFFFF  }
0xb5: {  	_ =	strace $0x90000048  }
0xb6: {  	_ =	sfence  }
0xb7: {  	s30 =	sld [smem:$0x0];
	_ =	sdelay $0x2  }
0xb8: {  	s31 =	sshll.u32 s1, $0xD;
	s1 =	sshrl.u32 s1, $0x2  }
0xb9: {  	s3 =	sand.u32 $0x4000, s31;
	s1 =	sadd.s32 s1, s30  }
0xba: {  	s0 =	sor.u32 s3, s0;
	s1 =	sshll.u32 s1, $0x11  }
0xbb: {  	s0 =	sor.u32 s1, s0  }
0xbc: {  	s0 =	sadd.s32 $0x8F2B, s0  }
0xbd: {  	[sflag:s0] =	ssyncadd.remote.s32 $0x1  }
0xbe: {  	_ =	sfence.sel $0xFFFF  }
0xbf: {  	[dreg:$0x0] =	wrdreg $0xFFFFFFFF;
	(pc) =	sbr.abs _section_cstart, $3  }
0xc0: {  	[dreg:$0x1] =	wrdreg $0xFFFFFFFF  }
0xc1: {  	_ =	task.clear_ibuf [dreg:s7], $0x2FFFF;
	_ =	strace $0x9FFFFFFF  }
0xc2: {  	(tm) =	ssettm $0x7FFFFFFF  }
0xc3: {  	_ =	shalt  }
tec
execute0_lowered:
.L_overlay_start_1:
0x0: {  	(tag) =	ssettag $0x1  }
0x1: {  	s4 =	rddreg [dreg:$0x0]  }
0x2: {  	s1 =	srdreg.scid;
	s0 =	stileid.u32  }
0x3: {  	s2 =	rddreg [dreg:$0x1];
	s3 =	simm.s32 $0x0;
	s15 =	simm.s32 $0xDBC0  }
0x4: {  	s16 =	simm.s32 $0x0;
	s5 =	sand.u32 $0x1, s1;
	s6 =	sshll.u32 s0, $0x1  }
0x5: {  	s1 =	rddreg [dreg:$0x2];
	s9 =	smul.u32 $0x3E80, s0;
	s11 =	sshrl.u32 s0, $0x3  }
0x6: {  	[smem:$0x7FF] =	sst s3;
	s6 =	sor.u32 s5, s6;
	s11 =	smul.u32 $0x3E80, s11  }
0x7: {  	_ =	strace $0x80000047;
	s10 =	ssub.s32 $0x2, s5;
	s13 =	smul.u32 $0x1F40, s5  }
0x8: {  	s7 =	smul.u32 $0x7D0, s6;
	s8 =	sshll.u32 s6, $0x3;
	s9 =	sadd.s32 s9, s4  }
0x9: {  	s30 =	sshrl.u32 s10, $0x1;
	s12 =	sand.u32 $0xF, s6;
	s8 =	sadd.s32 s8, s4  }
0xa: {  	s10 =	ssub.s32 s10, s30;
	s14 =	sor.u32 s11, s12;
	s31 =	sadd.s32 s13, s9  }
0xb: {  	s9 =	simm.s32 $0x2;
	s11 =	simm.s32 $0xDB80;
	s12 =	simm.s32 $0x80  }
0xc: {  	s13 =	simm.s32 $0xBB80;
	s7 =	sadd.s32 s7, s4;
	s6 =	sadd.s32 $0x20E00, s8  }
0xd: {  	s8 =	sadd.s32 $0x21000, s31;
	v0 =	vmov s14;
	s14 =	simm.s32 $0x1;
	s4 =	sadd.s32 $0x11400, s7  }
0xe: {  	s5 =	sadd.s32 $0x1A00, s7;
	s7 =	smax.u32 s10, $0x1;
	s10 =	simm.s32 $0x3E80  }
.LBB2_1:
0xf: {  	[tilespmem:s3], [sflag:$0x2] =	stream.linear.gather [hbm4b:s4+s3], $0x3E80, $0x38;
	[tilespmem:$0xDDC0] =	vst v63  }
0x10: {  	_ =	swait.ge [sflag:s9], $0x3E80  }
0x11: {  	[sflag:s9] =	ssyncset.done $0x0  }
0x12: {  	[sflag:s9] =	ssyncadd.s32 $0xFFFFC180  }
0x13: {  	[tilespmem:s10], [sflag:$0x2] =	stream.linear.gather [hbm4b:s5+s3], $0x3E80, $0x38;
	[tilespmem:$0xDDC0] =	vst v63  }
0x14: {  	_ =	swait.ge [sflag:s9], $0x3E80  }
0x15: {  	[sflag:s9] =	ssyncset.done $0x0  }
0x16: {  	[sflag:s9] =	ssyncadd.s32 $0xFFFFC180  }
0x17: {  	[tilespmem:s11], [sflag:$0x2] =	stream.linear.gather [hbm4b:s6+s3], $0x40, $0x38;
	[tilespmem:$0xDDC0] =	vst v63  }
0x18: {  	_ =	swait.ge [sflag:s9], $0x40  }
0x19: {  	s20 =	simm.s32 $0x0;
	s19 =	simm.s32 $0x10;
	[sflag:s9] =	ssyncset.done $0x0  }
0x1a: {  	s17 =	simm.s32 $0x0;
	s18 =	simm.s32 $0x0;
	[sflag:s9] =	ssyncadd.s32 $0xFFFFFFC0  }
.LBB2_2:
0x1b: {  	p0 =	sne.s32 s19, $0x3E70;
	v1 =	vld [tilespmem:s20+$0x3E80];
	_ =	sdelay $0x2  }
.Ltmp0:
0x1c: {  	(pc) =	sbr.rel @p0 .LBB2_2-.Ltmp0, $4  }
0x1d: {  	s20 =	sand.u32 $0xFE00, s17  }
0x1e: {  	s21 =	sand.u32 $0x70, s18;
	s18 =	smov.u32 s19;
	s20 =	sshrl.u32 s20, $0x2;
	v1 =	vshll.u32 v1, $0x4  }
0x1f: {  	s17 =	sadd.s32 $0x40, s17;
	s21 =	sor.u32 s21, s20;
	v1 =	vadd.s32 v0, v1  }
0x20: {  	s19 =	sadd.s32 $0x10, s19;
	s20 =	sshra.s32 s17, $0x2;
	[tilespmem:s21+$0x7D00] =	vst v1  }
0x21: {  	v1 =	vld [tilespmem:s20+$0x3E80];
	_ =	sdelay $0x3  }
0x22: {  	s17 =	sand.u32 $0xFE00, s17  }
0x23: {  	s18 =	sand.u32 $0x70, s18;
	s17 =	sshrl.u32 s17, $0x2;
	v1 =	vshll.u32 v1, $0x4  }
0x24: {  	s17 =	sor.u32 s18, s17;
	v1 =	vadd.s32 v0, v1  }
0x25: {  	s19 =	smov.u32 s8;
	s18 =	simm.s32 $0x7D00;
	[tilespmem:s17+$0x7D00] =	vst v1;
	s17 =	simm.s32 $0x7  }
.LBB2_4:
0x26: {  	[tilespmem:s13], [sflag:$0x1] =	stream.indirect.gather [hbm4b:s2+s12], $0x40, s18, s12, $0xb8;
	[tilespmem:$0xDDC0] =	vst v63  }
0x27: {  	_ =	swait.ge [sflag:s14], $0x2000  }
0x28: {  	[sflag:s14] =	ssyncset.done $0x0  }
0x29: {  	[sflag:s14] =	ssyncadd.s32 $0xFFFFE000  }
0x2a: {  	v2 =	vld [tilespmem:$0xDB80]  }
0x2b: {  	v3 =	vld [tilespmem:$0xDB90]  }
0x2c: {  	v4 =	vld [tilespmem:$0xDBA0]  }
0x2d: {  	v5 =	vld [tilespmem:$0xDBB0]  }
0x2e: {  	v8 =	vld [tilespmem:$0xBB80]  }
0x2f: {  	v9 =	vld [tilespmem:$0xBB90]  }
0x30: {  	v10 =	vld [tilespmem:$0xBBA0]  }
0x31: {  	v11 =	vld [tilespmem:$0xBBB0]  }
0x32: {  	v13 =	vld [tilespmem:$0xBBC0]  }
0x33: {  	v14 =	vld [tilespmem:$0xBBD0]  }
0x34: {  	v15 =	vld [tilespmem:$0xBBE0]  }
0x35: {  	v16 =	vld [tilespmem:$0xBBF0]  }
0x36: {  	v18 =	vld [tilespmem:$0xBC00]  }
0x37: {  	v19 =	vld [tilespmem:$0xBC10]  }
0x38: {  	v20 =	vld [tilespmem:$0xBC20]  }
0x39: {  	v21 =	vld [tilespmem:$0xBC30]  }
0x3a: {  	v23 =	vld [tilespmem:$0xBC40]  }
0x3b: {  	v24 =	vld [tilespmem:$0xBC50]  }
0x3c: {  	v25 =	vld [tilespmem:$0xBC60]  }
0x3d: {  	v26 =	vld [tilespmem:$0xBC70]  }
0x3e: {  	v28 =	vld [tilespmem:$0xBC80]  }
0x3f: {  	v29 =	vld [tilespmem:$0xBC90]  }
0x40: {  	v30 =	vld [tilespmem:$0xBCA0]  }
0x41: {  	v31 =	vld [tilespmem:$0xBCB0]  }
0x42: {  	v33 =	vld [tilespmem:$0xBCC0]  }
0x43: {  	v34 =	vld [tilespmem:$0xBCD0]  }
0x44: {  	v46 =	vld [tilespmem:$0xBCE0]  }
0x45: {  	v48 =	vld [tilespmem:$0xBCF0]  }
0x46: {  	v53 =	vld [tilespmem:$0xBD00]  }
0x47: {  	s20 =	sshll.u32 s17, $0x4;
	v56 =	vld [tilespmem:$0xBD10]  }
0x48: {  	s21 =	sadd.s32 $0xFFFFFF90, s20;
	v57 =	vld [tilespmem:$0xBD20]  }
0x49: {  	v1 =	vmov s21;
	v59 =	vld [tilespmem:$0xBD30]  }
0x4a: {  	v7 =	vor.u32 $0x1, v1;
	v37 =	vld [tilespmem:$0xBD70]  }
0x4b: {  	v12 =	vor.u32 $0x2, v1;
	v40 =	vld [tilespmem:$0xBD80]  }
0x4c: {  	v17 =	vor.u32 $0x3, v1;
	v42 =	vld [tilespmem:$0xBD90]  }
0x4d: {  	v22 =	vor.u32 $0x4, v1;
	v44 =	vld [tilespmem:$0xBDA0]  }
0x4e: {  	v27 =	vor.u32 $0x5, v1;
	v6 =	vld.idx.msk [tilespmem:v1+s3+$0x0], $0xffff  }
0x4f: {  	v32 =	vor.u32 $0x6, v1;
	v7 =	vld.idx.msk [tilespmem:v7+s3+$0x0], $0xffff  }
0x50: {  	v12 =	vld.idx.msk [tilespmem:v12+s3+$0x0], $0xffff  }
0x51: {  	v51 =	vor.u32 $0x7, v1;
	v61 =	vor.u32 $0x8, v1;
	v1 =	vor.u32 $0x9, v1;
	v17 =	vld.idx.msk [tilespmem:v17+s3+$0x0], $0xffff  }
0x52: {  	v22 =	vld.idx.msk [tilespmem:v22+s3+$0x0], $0xffff  }
0x53: {  	v27 =	vld.idx.msk [tilespmem:v27+s3+$0x0], $0xffff  }
0x54: {  	v50 =	vld.idx.msk [tilespmem:v32+s3+$0x0], $0xffff  }
0x55: {  	v32 =	vld [tilespmem:$0xBD60]  }
0x56: {  	v1 =	vld.idx.msk [tilespmem:v1+s3+$0x0], $0xffff  }
0x57: {  	v47 =	vmul.f32 v13, v7;
	v13 =	vld.idx.msk [tilespmem:v51+s3+$0x0], $0xffff  }
0x58: {  	v8 =	vmul.f32 v8, v6;
	v62 =	vmul.f32 v24, v17;
	v24 =	vld [tilespmem:$0xBD40]  }
0x59: {  	v63 =	vmul.f32 v25, v17;
	v25 =	vmul.f32 v26, v17;
	v26 =	vld [tilespmem:$0xBD50]  }
0x5a: {  	v9 =	vmul.f32 v9, v6;
	v54 =	vmul.f32 v18, v12;
	v18 =	vld.idx.msk [tilespmem:v61+s3+$0x0], $0xffff  }
0x5b: {  	v10 =	vmul.f32 v10, v6;
	v45 =	vmul.f32 v56, v50;
	v56 =	vld [tilespmem:$0xBDF0]  }
0x5c: {  	v6 =	vmul.f32 v11, v6;
	v36 =	vmul.f32 v30, v22;
	v30 =	vld [tilespmem:$0xC1C0]  }
0x5d: {  	v49 =	vmul.f32 v14, v7;
	v39 =	vmul.f32 v33, v27;
	v33 =	vld [tilespmem:$0xC1D0]  }
0x5e: {  	v58 =	vmul.f32 v20, v12;
	v20 =	vld [tilespmem:$0xD1C0];
	v2 =	vadd.f32 v8, v2;
	v3 =	vadd.f32 v9, v3  }
0x5f: {  	v52 =	vmul.f32 v15, v7;
	v4 =	vadd.f32 v10, v4;
	v8 =	vmul.f32 v46, v27;
	v46 =	vld [tilespmem:$0xBDB0]  }
0x60: {  	v7 =	vmul.f32 v16, v7;
	v2 =	vadd.f32 v47, v2;
	v3 =	vadd.f32 v49, v3;
	v49 =	vld [tilespmem:$0xBDC0]  }
0x61: {  	v55 =	vmul.f32 v19, v12;
	v5 =	vadd.f32 v6, v5;
	v4 =	vadd.f32 v52, v4;
	v52 =	vld [tilespmem:$0xBDD0]  }
0x62: {  	v12 =	vmul.f32 v21, v12;
	v60 =	vmul.f32 v23, v17;
	v2 =	vadd.f32 v54, v2;
	v54 =	vld [tilespmem:$0xBDE0]  }
0x63: {  	v43 =	vmul.f32 v53, v50;
	v5 =	vadd.f32 v7, v5;
	v53 =	vmul.f32 v37, v13;
	v37 =	vld [tilespmem:$0xBF90]  }
0x64: {  	v7 =	vmul.f32 v57, v50;
	v57 =	vmul.f32 v42, v18;
	v42 =	vld [tilespmem:$0xBFD0]  }
0x65: {  	v4 =	vadd.f32 v58, v4;
	v5 =	vadd.f32 v12, v5;
	v58 =	vmul.f32 v44, v18;
	v44 =	vld [tilespmem:$0xBFF0]  }
0x66: {  	v47 =	vmul.f32 v59, v50;
	v59 =	vmul.f32 v46, v18;
	v46 =	vld [tilespmem:$0xC000]  }
0x67: {  	v28 =	vmul.f32 v28, v22;
	v3 =	vadd.f32 v55, v3;
	v5 =	vadd.f32 v25, v5;
	v25 =	vld [tilespmem:$0xC1A0]  }
0x68: {  	v2 =	vadd.f32 v60, v2;
	v4 =	vadd.f32 v63, v4;
	v60 =	vmul.f32 v49, v1;
	v49 =	vld [tilespmem:$0xC030]  }
0x69: {  	v38 =	vmul.f32 v31, v22;
	v61 =	vmul.f32 v52, v1;
	v52 =	vld [tilespmem:$0xC050]  }
0x6a: {  	v35 =	vmul.f32 v29, v22;
	v3 =	vadd.f32 v62, v3;
	v4 =	vadd.f32 v36, v4;
	v36 =	vld [tilespmem:$0xBF80]  }
0x6b: {  	v41 =	vmul.f32 v34, v27;
	v5 =	vadd.f32 v38, v5;
	v38 =	vld [tilespmem:$0xBFA0]  }
0x6c: {  	v2 =	vadd.f32 v28, v2;
	v3 =	vadd.f32 v35, v3;
	v62 =	vmul.f32 v54, v1;
	v54 =	vld [tilespmem:$0xC070]  }
0x6d: {  	v10 =	vmul.f32 v48, v27;
	v1 =	vmul.f32 v56, v1;
	v56 =	vld [tilespmem:$0xC080]  }
0x6e: {  	v2 =	vadd.f32 v39, v2;
	v3 =	vadd.f32 v41, v3;
	v39 =	vld [tilespmem:$0xBFB0]  }
0x6f: {  	v48 =	vmul.f32 v24, v13;
	v4 =	vadd.f32 v8, v4;
	v5 =	vadd.f32 v10, v5;
	v41 =	vld [tilespmem:$0xBFC0]  }
0x70: {  	v50 =	vmul.f32 v26, v13;
	v2 =	vadd.f32 v43, v2;
	v3 =	vadd.f32 v45, v3;
	v43 =	vld [tilespmem:$0xBFE0]  }
0x71: {  	v51 =	vmul.f32 v32, v13;
	v4 =	vadd.f32 v7, v4;
	v5 =	vadd.f32 v47, v5;
	v47 =	vld [tilespmem:$0xC010]  }
0x72: {  	v2 =	vadd.f32 v48, v2;
	v48 =	vld [tilespmem:$0xC020]  }
0x73: {  	v3 =	vadd.f32 v50, v3;
	v4 =	vadd.f32 v51, v4;
	v51 =	vld [tilespmem:$0xC040]  }
0x74: {  	v55 =	vmul.f32 v40, v18;
	v5 =	vadd.f32 v53, v5;
	v53 =	vld [tilespmem:$0xC060]  }
0x75: {  	v3 =	vadd.f32 v57, v3;
	v57 =	vld [tilespmem:$0xC090]  }
0x76: {  	v2 =	vadd.f32 v55, v2;
	v4 =	vadd.f32 v58, v4;
	v58 =	vld [tilespmem:$0xC0A0]  }
0x77: {  	v5 =	vadd.f32 v59, v5;
	v59 =	vld [tilespmem:$0xC0B0]  }
0x78: {  	s25 =	sadd.s32 $0xFFFFFFA0, s20;
	v2 =	vadd.f32 v60, v2;
	v3 =	vadd.f32 v61, v3;
	v61 =	vld [tilespmem:$0xC0C0]  }
0x79: {  	v6 =	vmov s25;
	v4 =	vadd.f32 v62, v4;
	v62 =	vld [tilespmem:$0xC0D0]  }
0x7a: {  	v35 =	vor.u32 $0x1, v6;
	[tilespmem:$0xDBC0] =	vst v2;
	v2 =	vld [tilespmem:$0xDB80]  }
0x7b: {  	v40 =	vor.u32 $0x2, v6;
	v1 =	vadd.f32 v1, v5;
	[tilespmem:$0xDBD0] =	vst v3;
	v3 =	vld [tilespmem:$0xDB90]  }
0x7c: {  	v45 =	vor.u32 $0x3, v6;
	[tilespmem:$0xDBE0] =	vst v4;
	v4 =	vld [tilespmem:$0xDBA0]  }
0x7d: {  	v50 =	vor.u32 $0x4, v6;
	[tilespmem:$0xDBF0] =	vst v1;
	v1 =	vld [tilespmem:$0xDBB0]  }
0x7e: {  	v55 =	vor.u32 $0x5, v6;
	v63 =	vld.idx.msk [tilespmem:v6+s3+$0x0], $0xffff  }
0x7f: {  	v7 =	vld.idx.msk [tilespmem:v35+s3+$0x0], $0xffff  }
0x80: {  	v12 =	vld.idx.msk [tilespmem:v40+s3+$0x0], $0xffff  }
0x81: {  	v17 =	vld.idx.msk [tilespmem:v45+s3+$0x0], $0xffff  }
0x82: {  	v60 =	vor.u32 $0x6, v6;
	v22 =	vld.idx.msk [tilespmem:v50+s3+$0x0], $0xffff  }
0x83: {  	v27 =	vld.idx.msk [tilespmem:v55+s3+$0x0], $0xffff  }
0x84: {  	v35 =	vld [tilespmem:$0xC0F0];
	v8 =	vmul.f32 v36, v63  }
0x85: {  	v40 =	vld [tilespmem:$0xC100];
	v9 =	vmul.f32 v37, v63;
	v10 =	vmul.f32 v38, v63  }
0x86: {  	v55 =	vld [tilespmem:$0xC160];
	v5 =	vmul.f32 v39, v63;
	v63 =	vmul.f32 v41, v7  }
0x87: {  	v36 =	vmul.f32 v42, v7;
	v37 =	vld.idx.msk [tilespmem:v60+s3+$0x0], $0xffff;
	v39 =	vmul.f32 v43, v7  }
0x88: {  	v7 =	vmul.f32 v44, v7;
	v41 =	vmul.f32 v46, v12;
	v43 =	vld [tilespmem:$0xC110]  }
0x89: {  	v42 =	vmul.f32 v47, v12;
	v44 =	vld [tilespmem:$0xC120];
	v45 =	vmul.f32 v48, v12  }
0x8a: {  	v46 =	vld [tilespmem:$0xC130];
	v12 =	vmul.f32 v49, v12;
	v47 =	vmul.f32 v51, v17  }
0x8b: {  	v49 =	vmul.f32 v52, v17;
	v50 =	vmul.f32 v53, v17;
	v51 =	vld [tilespmem:$0xC140]  }
0x8c: {  	v52 =	vmul.f32 v54, v17;
	v53 =	vld [tilespmem:$0xC150];
	v54 =	vmul.f32 v56, v22  }
0x8d: {  	v38 =	vor.u32 $0x7, v6;
	v56 =	vmul.f32 v57, v22;
	v57 =	vmul.f32 v58, v22;
	v58 =	vld [tilespmem:$0xC170]  }
0x8e: {  	v48 =	vor.u32 $0x8, v6;
	v60 =	vmul.f32 v61, v27;
	v61 =	vld [tilespmem:$0xC180]  }
0x8f: {  	v6 =	vor.u32 $0x9, v6;
	v2 =	vadd.f32 v8, v2;
	v8 =	vld [tilespmem:$0xC0E0]  }
0x90: {  	v4 =	vadd.f32 v10, v4;
	v10 =	vmul.f32 v35, v27;
	v35 =	vld [tilespmem:$0xC1E0]  }
0x91: {  	v2 =	vadd.f32 v63, v2;
	v63 =	vld [tilespmem:$0xC190]  }
0x92: {  	v13 =	vld.idx.msk [tilespmem:v38+s3+$0x0], $0xffff  }
0x93: {  	v1 =	vadd.f32 v5, v1;
	v18 =	vld.idx.msk [tilespmem:v48+s3+$0x0], $0xffff  }
0x94: {  	v3 =	vadd.f32 v9, v3;
	v24 =	vmul.f32 v40, v37;
	v26 =	vmul.f32 v43, v37;
	v6 =	vld.idx.msk [tilespmem:v6+s3+$0x0], $0xffff  }
0x95: {  	v1 =	vadd.f32 v7, v1;
	v7 =	vmul.f32 v44, v37;
	v28 =	vmul.f32 v46, v37;
	v37 =	vld [tilespmem:$0xC1F0]  }
0x96: {  	v3 =	vadd.f32 v36, v3;
	v46 =	vld [tilespmem:$0xC380]  }
0x97: {  	v48 =	vld [tilespmem:$0xC3A0];
	v2 =	vadd.f32 v41, v2  }
0x98: {  	v62 =	vmul.f32 v62, v27;
	v3 =	vadd.f32 v42, v3;
	v8 =	vmul.f32 v8, v27;
	v27 =	vld [tilespmem:$0xC1B0]  }
0x99: {  	v1 =	vadd.f32 v12, v1;
	v2 =	vadd.f32 v47, v2;
	v47 =	vld [tilespmem:$0xC390]  }
0x9a: {  	v4 =	vadd.f32 v39, v4;
	v3 =	vadd.f32 v49, v3;
	v49 =	vld [tilespmem:$0xC3B0]  }
0x9b: {  	v1 =	vadd.f32 v52, v1;
	v52 =	vld [tilespmem:$0xC3D0]  }
0x9c: {  	v4 =	vadd.f32 v45, v4;
	v29 =	vmul.f32 v51, v13;
	v51 =	vld [tilespmem:$0xC3C0]  }
0x9d: {  	v31 =	vmul.f32 v53, v13;
	v53 =	vld [tilespmem:$0xC3E0]  }
0x9e: {  	v4 =	vadd.f32 v50, v4;
	v2 =	vadd.f32 v54, v2;
	v54 =	vld [tilespmem:$0xC3F0]  }
0x9f: {  	v3 =	vadd.f32 v56, v3;
	v56 =	vld [tilespmem:$0xC400]  }
0xa0: {  	v59 =	vmul.f32 v59, v22;
	v4 =	vadd.f32 v57, v4;
	v57 =	vld [tilespmem:$0xC410]  }
0xa1: {  	v34 =	vmul.f32 v58, v13;
	v58 =	vld [tilespmem:$0xC420]  }
0xa2: {  	v1 =	vadd.f32 v59, v1;
	v59 =	vld [tilespmem:$0xC430]  }
0xa3: {  	v36 =	vmul.f32 v61, v18;
	v61 =	vld [tilespmem:$0xC440]  }
0xa4: {  	v38 =	vmul.f32 v63, v18;
	v63 =	vld [tilespmem:$0xC460];
	v2 =	vadd.f32 v60, v2  }
0xa5: {  	v39 =	vmul.f32 v25, v18;
	v25 =	vld [tilespmem:$0xC550];
	v3 =	vadd.f32 v62, v3  }
0xa6: {  	v41 =	vmul.f32 v30, v6;
	v30 =	vld [tilespmem:$0xC9C0];
	v4 =	vadd.f32 v8, v4;
	v2 =	vadd.f32 v24, v2  }
0xa7: {  	v42 =	vmul.f32 v33, v6;
	v33 =	vld [tilespmem:$0xC9D0];
	v1 =	vadd.f32 v10, v1;
	v3 =	vadd.f32 v26, v3  }
0xa8: {  	v32 =	vmul.f32 v55, v13;
	v62 =	vld [tilespmem:$0xC450];
	v4 =	vadd.f32 v7, v4;
	v2 =	vadd.f32 v29, v2  }
0xa9: {  	v1 =	vadd.f32 v28, v1;
	v28 =	vld [tilespmem:$0xC560];
	v3 =	vadd.f32 v31, v3  }
0xaa: {  	v4 =	vadd.f32 v32, v4;
	v2 =	vadd.f32 v36, v2;
	v36 =	vld [tilespmem:$0xC470]  }
0xab: {  	v40 =	vmul.f32 v27, v18;
	v1 =	vadd.f32 v34, v1;
	v3 =	vadd.f32 v38, v3;
	v38 =	vld [tilespmem:$0xC480]  }
0xac: {  	v4 =	vadd.f32 v39, v4;
	v39 =	vld [tilespmem:$0xC490]  }
0xad: {  	v43 =	vmul.f32 v35, v6;
	v1 =	vadd.f32 v40, v1;
	v40 =	vld [tilespmem:$0xC4A0]  }
0xae: {  	v44 =	vmul.f32 v37, v6;
	v2 =	vadd.f32 v41, v2;
	v41 =	vld [tilespmem:$0xC4B0]  }
0xaf: {  	s26 =	sadd.s32 $0xFFFFFFB0, s20;
	v4 =	vadd.f32 v43, v4;
	v43 =	vld [tilespmem:$0xC4C0]  }
0xb0: {  	v6 =	vmov s26;
	v3 =	vadd.f32 v42, v3;
	v1 =	vadd.f32 v44, v1;
	v44 =	vld [tilespmem:$0xC4D0]  }
0xb1: {  	v45 =	vor.u32 $0x1, v6;
	[tilespmem:$0xDC00] =	vst v2;
	v2 =	vld [tilespmem:$0xDB80]  }
0xb2: {  	v50 =	vor.u32 $0x2, v6;
	[tilespmem:$0xDC10] =	vst v3;
	v3 =	vld [tilespmem:$0xDB90]  }
0xb3: {  	v55 =	vor.u32 $0x3, v6;
	[tilespmem:$0xDC20] =	vst v4;
	v4 =	vld [tilespmem:$0xDBA0]  }
0xb4: {  	v60 =	vor.u32 $0x4, v6;
	[tilespmem:$0xDC30] =	vst v1;
	v1 =	vld [tilespmem:$0xDBB0]  }
0xb5: {  	v37 =	vor.u32 $0x5, v6;
	v5 =	vld.idx.msk [tilespmem:v6+s3+$0x0], $0xffff  }
0xb6: {  	v7 =	vld.idx.msk [tilespmem:v45+s3+$0x0], $0xffff  }
0xb7: {  	v12 =	vld.idx.msk [tilespmem:v50+s3+$0x0], $0xffff  }
0xb8: {  	v17 =	vld.idx.msk [tilespmem:v55+s3+$0x0], $0xffff  }
0xb9: {  	v42 =	vor.u32 $0x6, v6;
	v22 =	vld.idx.msk [tilespmem:v60+s3+$0x0], $0xffff  }
0xba: {  	v27 =	vld.idx.msk [tilespmem:v37+s3+$0x0], $0xffff  }
0xbb: {  	v45 =	vld [tilespmem:$0xC4E0]  }
0xbc: {  	v55 =	vld [tilespmem:$0xC510];
	v8 =	vmul.f32 v46, v5  }
0xbd: {  	v50 =	vor.u32 $0x7, v6;
	v9 =	vmul.f32 v47, v5;
	v10 =	vmul.f32 v48, v5;
	v47 =	vld [tilespmem:$0xC4F0]  }
0xbe: {  	v5 =	vmul.f32 v49, v5;
	v46 =	vmul.f32 v51, v7;
	v49 =	vld.idx.msk [tilespmem:v42+s3+$0x0], $0xffff  }
0xbf: {  	v48 =	vmul.f32 v52, v7;
	v51 =	vmul.f32 v53, v7;
	v52 =	vld [tilespmem:$0xC500]  }
0xc0: {  	v60 =	vor.u32 $0x8, v6;
	v7 =	vmul.f32 v54, v7;
	v53 =	vmul.f32 v56, v12;
	v56 =	vld [tilespmem:$0xC520]  }
0xc1: {  	v54 =	vmul.f32 v57, v12;
	v57 =	vmul.f32 v58, v12;
	v58 =	vld [tilespmem:$0xC530]  }
0xc2: {  	v12 =	vmul.f32 v59, v12;
	v59 =	vmul.f32 v61, v17;
	v13 =	vld.idx.msk [tilespmem:v50+s3+$0x0], $0xffff  }
0xc3: {  	v61 =	vmul.f32 v62, v17;
	v62 =	vmul.f32 v63, v17;
	v63 =	vld [tilespmem:$0xC540]  }
0xc4: {  	v6 =	vor.u32 $0x9, v6;
	v24 =	vmul.f32 v36, v17;
	v36 =	vld [tilespmem:$0xC570]  }
0xc5: {  	v18 =	vld.idx.msk [tilespmem:v60+s3+$0x0], $0xffff  }
0xc6: {  	v32 =	vmul.f32 v39, v22;
	v39 =	vld [tilespmem:$0xC580]  }
0xc7: {  	v37 =	vmul.f32 v41, v22;
	v41 =	vld [tilespmem:$0xC590]  }
0xc8: {  	v26 =	vmul.f32 v38, v22;
	v38 =	vmul.f32 v43, v27;
	v43 =	vld [tilespmem:$0xC5A0]  }
0xc9: {  	v6 =	vld.idx.msk [tilespmem:v6+s3+$0x0], $0xffff;
	v3 =	vadd.f32 v9, v3  }
0xca: {  	v2 =	vadd.f32 v8, v2;
	v4 =	vadd.f32 v10, v4;
	v8 =	vmul.f32 v45, v27;
	v45 =	vld [tilespmem:$0xC5B0]  }
0xcb: {  	v3 =	vadd.f32 v48, v3;
	v48 =	vld [tilespmem:$0xC5C0]  }
0xcc: {  	v35 =	vmul.f32 v40, v22;
	v4 =	vadd.f32 v51, v4;
	v51 =	vld [tilespmem:$0xC5D0]  }
0xcd: {  	v40 =	vmul.f32 v44, v27;
	v1 =	vadd.f32 v5, v1;
	v44 =	vmul.f32 v55, v49;
	v55 =	vld [tilespmem:$0xC5F0]  }
0xce: {  	v2 =	vadd.f32 v46, v2;
	v42 =	vmul.f32 v52, v49;
	v52 =	vmul.f32 v36, v13;
	v36 =	vld [tilespmem:$0xC780]  }
0xcf: {  	v1 =	vadd.f32 v7, v1;
	v7 =	vmul.f32 v56, v49;
	v56 =	vmul.f32 v41, v18;
	v41 =	vld [tilespmem:$0xC7C0]  }
0xd0: {  	v46 =	vmul.f32 v58, v49;
	v49 =	vmul.f32 v25, v13;
	v25 =	vld [tilespmem:$0xC9A0]  }
0xd1: {  	v2 =	vadd.f32 v53, v2;
	v53 =	vld [tilespmem:$0xC5E0]  }
0xd2: {  	v3 =	vadd.f32 v54, v3;
	v1 =	vadd.f32 v12, v1;
	v54 =	vmul.f32 v39, v18;
	v39 =	vld [tilespmem:$0xC7B0]  }
0xd3: {  	v4 =	vadd.f32 v57, v4;
	v57 =	vmul.f32 v43, v18;
	v43 =	vld [tilespmem:$0xC7E0];
	v2 =	vadd.f32 v59, v2  }
0xd4: {  	v3 =	vadd.f32 v61, v3;
	v1 =	vadd.f32 v24, v1;
	v59 =	vmul.f32 v48, v6;
	v48 =	vld [tilespmem:$0xC820]  }
0xd5: {  	v4 =	vadd.f32 v62, v4;
	v60 =	vmul.f32 v51, v6;
	v51 =	vld [tilespmem:$0xC840];
	v2 =	vadd.f32 v26, v2  }
0xd6: {  	v3 =	vadd.f32 v32, v3;
	v1 =	vadd.f32 v37, v1;
	v37 =	vld [tilespmem:$0xC790]  }
0xd7: {  	v10 =	vmul.f32 v47, v27;
	v61 =	vmul.f32 v53, v6;
	v53 =	vld [tilespmem:$0xC860];
	v2 =	vadd.f32 v38, v2  }
0xd8: {  	v4 =	vadd.f32 v35, v4;
	v3 =	vadd.f32 v40, v3;
	v38 =	vld [tilespmem:$0xC7A0]  }
0xd9: {  	v1 =	vadd.f32 v10, v1;
	v2 =	vadd.f32 v42, v2;
	v42 =	vld [tilespmem:$0xC7D0]  }
0xda: {  	v47 =	vmul.f32 v63, v13;
	v3 =	vadd.f32 v44, v3;
	v44 =	vld [tilespmem:$0xC7F0]  }
0xdb: {  	v4 =	vadd.f32 v8, v4;
	v1 =	vadd.f32 v46, v1;
	v46 =	vld [tilespmem:$0xC800]  }
0xdc: {  	v2 =	vadd.f32 v47, v2;
	v47 =	vld [tilespmem:$0xC810]  }
0xdd: {  	v50 =	vmul.f32 v28, v13;
	v4 =	vadd.f32 v7, v4;
	v3 =	vadd.f32 v49, v3;
	v49 =	vld [tilespmem:$0xC830]  }
0xde: {  	v1 =	vadd.f32 v52, v1;
	v52 =	vld [tilespmem:$0xC850]  }
0xdf: {  	v4 =	vadd.f32 v50, v4;
	v2 =	vadd.f32 v54, v2;
	v54 =	vld [tilespmem:$0xC870]  }
0xe0: {  	v58 =	vmul.f32 v45, v18;
	v3 =	vadd.f32 v56, v3;
	v56 =	vld [tilespmem:$0xC880]  }
0xe1: {  	v4 =	vadd.f32 v57, v4;
	v57 =	vld [tilespmem:$0xC890]  }
0xe2: {  	v1 =	vadd.f32 v58, v1;
	v58 =	vld [tilespmem:$0xC8A0]  }
0xe3: {  	v62 =	vmul.f32 v55, v6;
	v2 =	vadd.f32 v59, v2;
	v59 =	vld [tilespmem:$0xC8B0]  }
0xe4: {  	s28 =	sadd.s32 $0xFFFFFFC0, s20;
	v4 =	vadd.f32 v61, v4;
	v61 =	vld [tilespmem:$0xC8C0]  }
0xe5: {  	v6 =	vmov s28;
	v3 =	vadd.f32 v60, v3;
	v1 =	vadd.f32 v62, v1;
	v62 =	vld [tilespmem:$0xC8D0]  }
0xe6: {  	v35 =	vor.u32 $0x1, v6;
	[tilespmem:$0xDC40] =	vst v2;
	v2 =	vld [tilespmem:$0xDB80]  }
0xe7: {  	v40 =	vor.u32 $0x2, v6;
	[tilespmem:$0xDC50] =	vst v3;
	v3 =	vld [tilespmem:$0xDB90]  }
0xe8: {  	v45 =	vor.u32 $0x3, v6;
	[tilespmem:$0xDC60] =	vst v4;
	v4 =	vld [tilespmem:$0xDBA0]  }
0xe9: {  	v50 =	vor.u32 $0x4, v6;
	[tilespmem:$0xDC70] =	vst v1;
	v1 =	vld [tilespmem:$0xDBB0]  }
0xea: {  	v55 =	vor.u32 $0x5, v6;
	v63 =	vld.idx.msk [tilespmem:v6+s3+$0x0], $0xffff  }
0xeb: {  	v7 =	vld.idx.msk [tilespmem:v35+s3+$0x0], $0xffff  }
0xec: {  	v12 =	vld.idx.msk [tilespmem:v40+s3+$0x0], $0xffff  }
0xed: {  	v17 =	vld.idx.msk [tilespmem:v45+s3+$0x0], $0xffff  }
0xee: {  	v60 =	vor.u32 $0x6, v6;
	v22 =	vld.idx.msk [tilespmem:v50+s3+$0x0], $0xffff  }
0xef: {  	v27 =	vld.idx.msk [tilespmem:v55+s3+$0x0], $0xffff  }
0xf0: {  	v35 =	vld [tilespmem:$0xC8F0];
	v8 =	vmul.f32 v36, v63  }
0xf1: {  	v40 =	vld [tilespmem:$0xC900];
	v9 =	vmul.f32 v37, v63;
	v10 =	vmul.f32 v38, v63  }
0xf2: {  	v55 =	vld [tilespmem:$0xC960];
	v5 =	vmul.f32 v39, v63;
	v63 =	vmul.f32 v41, v7  }
0xf3: {  	v36 =	vmul.f32 v42, v7;
	v37 =	vld.idx.msk [tilespmem:v60+s3+$0x0], $0xffff;
	v39 =	vmul.f32 v43, v7  }
0xf4: {  	v7 =	vmul.f32 v44, v7;
	v41 =	vmul.f32 v46, v12;
	v43 =	vld [tilespmem:$0xC910]  }
0xf5: {  	v42 =	vmul.f32 v47, v12;
	v44 =	vld [tilespmem:$0xC920];
	v45 =	vmul.f32 v48, v12  }
0xf6: {  	v46 =	vld [tilespmem:$0xC930];
	v12 =	vmul.f32 v49, v12;
	v47 =	vmul.f32 v51, v17  }
0xf7: {  	v49 =	vmul.f32 v52, v17;
	v50 =	vmul.f32 v53, v17;
	v51 =	vld [tilespmem:$0xC940]  }
0xf8: {  	v52 =	vmul.f32 v54, v17;
	v53 =	vld [tilespmem:$0xC950];
	v54 =	vmul.f32 v56, v22  }
0xf9: {  	v38 =	vor.u32 $0x7, v6;
	v56 =	vmul.f32 v57, v22;
	v57 =	vmul.f32 v58, v22;
	v58 =	vld [tilespmem:$0xC970]  }
0xfa: {  	v48 =	vor.u32 $0x8, v6;
	v60 =	vmul.f32 v61, v27;
	v61 =	vld [tilespmem:$0xC980]  }
0xfb: {  	v6 =	vor.u32 $0x9, v6;
	v2 =	vadd.f32 v8, v2;
	v8 =	vld [tilespmem:$0xC8E0]  }
0xfc: {  	v4 =	vadd.f32 v10, v4;
	v10 =	vmul.f32 v35, v27;
	v35 =	vld [tilespmem:$0xC9E0]  }
0xfd: {  	v2 =	vadd.f32 v63, v2;
	v63 =	vld [tilespmem:$0xC990]  }
0xfe: {  	v13 =	vld.idx.msk [tilespmem:v38+s3+$0x0], $0xffff  }
0xff: {  	v1 =	vadd.f32 v5, v1;
	v18 =	vld.idx.msk [tilespmem:v48+s3+$0x0], $0xffff  }
0x100: {  	v3 =	vadd.f32 v9, v3;
	v24 =	vmul.f32 v40, v37;
	v26 =	vmul.f32 v43, v37;
	v6 =	vld.idx.msk [tilespmem:v6+s3+$0x0], $0xffff  }
0x101: {  	v1 =	vadd.f32 v7, v1;
	v7 =	vmul.f32 v44, v37;
	v28 =	vmul.f32 v46, v37;
	v37 =	vld [tilespmem:$0xC9F0]  }
0x102: {  	v3 =	vadd.f32 v36, v3;
	v46 =	vld [tilespmem:$0xCB80]  }
0x103: {  	v48 =	vld [tilespmem:$0xCBA0];
	v2 =	vadd.f32 v41, v2  }
0x104: {  	v62 =	vmul.f32 v62, v27;
	v3 =	vadd.f32 v42, v3;
	v8 =	vmul.f32 v8, v27;
	v27 =	vld [tilespmem:$0xC9B0]  }
0x105: {  	v1 =	vadd.f32 v12, v1;
	v2 =	vadd.f32 v47, v2;
	v47 =	vld [tilespmem:$0xCB90]  }
0x106: {  	v4 =	vadd.f32 v39, v4;
	v3 =	vadd.f32 v49, v3;
	v49 =	vld [tilespmem:$0xCBB0]  }
0x107: {  	v1 =	vadd.f32 v52, v1;
	v52 =	vld [tilespmem:$0xCBD0]  }
0x108: {  	v4 =	vadd.f32 v45, v4;
	v29 =	vmul.f32 v51, v13;
	v51 =	vld [tilespmem:$0xCBC0]  }
0x109: {  	v31 =	vmul.f32 v53, v13;
	v53 =	vld [tilespmem:$0xCBE0]  }
0x10a: {  	v4 =	vadd.f32 v50, v4;
	v2 =	vadd.f32 v54, v2;
	v54 =	vld [tilespmem:$0xCBF0]  }
0x10b: {  	v3 =	vadd.f32 v56, v3;
	v56 =	vld [tilespmem:$0xCC00]  }
0x10c: {  	v59 =	vmul.f32 v59, v22;
	v4 =	vadd.f32 v57, v4;
	v57 =	vld [tilespmem:$0xCC10]  }
0x10d: {  	v34 =	vmul.f32 v58, v13;
	v58 =	vld [tilespmem:$0xCC20]  }
0x10e: {  	v1 =	vadd.f32 v59, v1;
	v59 =	vld [tilespmem:$0xCC30]  }
0x10f: {  	v36 =	vmul.f32 v61, v18;
	v61 =	vld [tilespmem:$0xCC40]  }
0x110: {  	v38 =	vmul.f32 v63, v18;
	v63 =	vld [tilespmem:$0xCC60];
	v2 =	vadd.f32 v60, v2  }
0x111: {  	v41 =	vmul.f32 v30, v6;
	v30 =	vld [tilespmem:$0xCD70];
	v3 =	vadd.f32 v62, v3  }
0x112: {  	v43 =	vmul.f32 v35, v6;
	v35 =	vld [tilespmem:$0xCD80];
	v4 =	vadd.f32 v8, v4;
	v2 =	vadd.f32 v24, v2  }
0x113: {  	v1 =	vadd.f32 v10, v1;
	v62 =	vld [tilespmem:$0xCC50];
	v3 =	vadd.f32 v26, v3  }
0x114: {  	v32 =	vmul.f32 v55, v13;
	v4 =	vadd.f32 v7, v4;
	v24 =	vld [tilespmem:$0xCD50];
	v2 =	vadd.f32 v29, v2  }
0x115: {  	v1 =	vadd.f32 v28, v1;
	v26 =	vld [tilespmem:$0xCD60];
	v3 =	vadd.f32 v31, v3  }
0x116: {  	v39 =	vmul.f32 v25, v18;
	v4 =	vadd.f32 v32, v4;
	v2 =	vadd.f32 v36, v2;
	v36 =	vld [tilespmem:$0xCC70]  }
0x117: {  	v40 =	vmul.f32 v27, v18;
	v1 =	vadd.f32 v34, v1;
	v3 =	vadd.f32 v38, v3;
	v38 =	vld [tilespmem:$0xCC80]  }
0x118: {  	v4 =	vadd.f32 v39, v4;
	v39 =	vld [tilespmem:$0xCC90]  }
0x119: {  	v1 =	vadd.f32 v40, v1;
	v40 =	vld [tilespmem:$0xCCA0]  }
0x11a: {  	v42 =	vmul.f32 v33, v6;
	v44 =	vmul.f32 v37, v6;
	v2 =	vadd.f32 v41, v2;
	v41 =	vld [tilespmem:$0xCCB0]  }
0x11b: {  	s29 =	sadd.s32 $0xFFFFFFD0, s20;
	v4 =	vadd.f32 v43, v4;
	v43 =	vld [tilespmem:$0xCCC0]  }
0x11c: {  	v6 =	vmov s29;
	v3 =	vadd.f32 v42, v3;
	v1 =	vadd.f32 v44, v1;
	v44 =	vld [tilespmem:$0xCCD0]  }
0x11d: {  	v45 =	vor.u32 $0x1, v6;
	[tilespmem:$0xDC80] =	vst v2;
	v2 =	vld [tilespmem:$0xDB80]  }
0x11e: {  	v50 =	vor.u32 $0x2, v6;
	[tilespmem:$0xDC90] =	vst v3;
	v3 =	vld [tilespmem:$0xDB90]  }
0x11f: {  	v55 =	vor.u32 $0x3, v6;
	[tilespmem:$0xDCA0] =	vst v4;
	v4 =	vld [tilespmem:$0xDBA0]  }
0x120: {  	v60 =	vor.u32 $0x4, v6;
	[tilespmem:$0xDCB0] =	vst v1;
	v1 =	vld [tilespmem:$0xDBB0]  }
0x121: {  	v37 =	vor.u32 $0x5, v6;
	v5 =	vld.idx.msk [tilespmem:v6+s3+$0x0], $0xffff  }
0x122: {  	v7 =	vld.idx.msk [tilespmem:v45+s3+$0x0], $0xffff  }
0x123: {  	v12 =	vld.idx.msk [tilespmem:v50+s3+$0x0], $0xffff  }
0x124: {  	v17 =	vld.idx.msk [tilespmem:v55+s3+$0x0], $0xffff  }
0x125: {  	v22 =	vld.idx.msk [tilespmem:v60+s3+$0x0], $0xffff  }
0x126: {  	v42 =	vor.u32 $0x6, v6;
	v27 =	vld.idx.msk [tilespmem:v37+s3+$0x0], $0xffff  }
0x127: {  	v45 =	vld [tilespmem:$0xCCE0]  }
0x128: {  	v55 =	vld [tilespmem:$0xCD10]  }
0x129: {  	v37 =	vld [tilespmem:$0xCD90];
	v8 =	vmul.f32 v46, v5  }
0x12a: {  	v50 =	vor.u32 $0x7, v6;
	v9 =	vmul.f32 v47, v5;
	v10 =	vmul.f32 v48, v5;
	v47 =	vld [tilespmem:$0xCCF0]  }
0x12b: {  	v5 =	vmul.f32 v49, v5;
	v46 =	vmul.f32 v51, v7;
	v49 =	vld.idx.msk [tilespmem:v42+s3+$0x0], $0xffff  }
0x12c: {  	v60 =	vor.u32 $0x8, v6;
	v48 =	vmul.f32 v52, v7;
	v51 =	vmul.f32 v53, v7;
	v52 =	vld [tilespmem:$0xCD00]  }
0x12d: {  	v7 =	vmul.f32 v54, v7;
	v53 =	vmul.f32 v56, v12;
	v56 =	vld [tilespmem:$0xCD20]  }
0x12e: {  	v54 =	vmul.f32 v57, v12;
	v57 =	vmul.f32 v58, v12;
	v58 =	vld [tilespmem:$0xCD30]  }
0x12f: {  	v6 =	vor.u32 $0x9, v6;
	v12 =	vmul.f32 v59, v12;
	v59 =	vmul.f32 v61, v17;
	v13 =	vld.idx.msk [tilespmem:v50+s3+$0x0], $0xffff  }
0x130: {  	v61 =	vmul.f32 v62, v17;
	v62 =	vmul.f32 v63, v17;
	v63 =	vld [tilespmem:$0xCD40]  }
0x131: {  	v18 =	vld.idx.msk [tilespmem:v60+s3+$0x0], $0xffff  }
0x132: {  	v28 =	vmul.f32 v39, v22;
	v39 =	vld [tilespmem:$0xCDA0]  }
0x133: {  	v32 =	vmul.f32 v41, v22;
	v41 =	vld [tilespmem:$0xCDB0]  }
0x134: {  	v6 =	vld.idx.msk [tilespmem:v6+s3+$0x0], $0xffff  }
0x135: {  	v23 =	vmul.f32 v36, v17;
	v36 =	vmul.f32 v44, v27;
	v44 =	vld [tilespmem:$0xCDC0];
	v4 =	vadd.f32 v10, v4  }
0x136: {  	v25 =	vmul.f32 v38, v22;
	v29 =	vmul.f32 v40, v22;
	v60 =	vld [tilespmem:$0xCF80];
	v2 =	vadd.f32 v8, v2  }
0x137: {  	v1 =	vadd.f32 v5, v1;
	v4 =	vadd.f32 v51, v4;
	v51 =	vld [tilespmem:$0xCDF0];
	v10 =	vmul.f32 v47, v27  }
0x138: {  	v3 =	vadd.f32 v9, v3;
	v38 =	vmul.f32 v52, v49;
	v40 =	vmul.f32 v55, v49;
	v47 =	vld [tilespmem:$0xCDD0]  }
0x139: {  	v1 =	vadd.f32 v7, v1;
	v7 =	vmul.f32 v56, v49;
	v42 =	vmul.f32 v58, v49;
	v49 =	vld [tilespmem:$0xCDE0]  }
0x13a: {  	v33 =	vmul.f32 v43, v27;
	v43 =	vmul.f32 v63, v13;
	v63 =	vld [tilespmem:$0xCFB0]  }
0x13b: {  	v2 =	vadd.f32 v46, v2;
	v3 =	vadd.f32 v48, v3;
	v52 =	vmul.f32 v37, v18;
	v37 =	vld [tilespmem:$0xCFC0]  }
0x13c: {  	v55 =	vmul.f32 v44, v6;
	v44 =	vld [tilespmem:$0xD020]  }
0x13d: {  	v50 =	vmul.f32 v35, v18;
	v35 =	vld [tilespmem:$0xD100];
	v2 =	vadd.f32 v53, v2;
	v3 =	vadd.f32 v54, v3  }
0x13e: {  	v4 =	vadd.f32 v57, v4;
	v1 =	vadd.f32 v12, v1;
	v53 =	vmul.f32 v39, v18;
	v39 =	vld [tilespmem:$0xCFE0]  }
0x13f: {  	v2 =	vadd.f32 v59, v2;
	v3 =	vadd.f32 v61, v3;
	v61 =	vld [tilespmem:$0xCF90]  }
0x140: {  	v4 =	vadd.f32 v62, v4;
	v62 =	vld [tilespmem:$0xCFA0]  }
0x141: {  	v1 =	vadd.f32 v23, v1;
	v2 =	vadd.f32 v25, v2;
	v56 =	vmul.f32 v47, v6;
	v47 =	vld [tilespmem:$0xD040]  }
0x142: {  	v3 =	vadd.f32 v28, v3;
	v57 =	vmul.f32 v49, v6;
	v49 =	vld [tilespmem:$0xD060]  }
0x143: {  	v1 =	vadd.f32 v32, v1;
	v25 =	vld [tilespmem:$0xD1D0];
	v2 =	vadd.f32 v33, v2  }
0x144: {  	v4 =	vadd.f32 v29, v4;
	v29 =	vld [tilespmem:$0xD1F0];
	v3 =	vadd.f32 v36, v3  }
0x145: {  	v8 =	vmul.f32 v45, v27;
	v1 =	vadd.f32 v10, v1;
	v2 =	vadd.f32 v38, v2;
	v38 =	vld [tilespmem:$0xCFD0]  }
0x146: {  	v3 =	vadd.f32 v40, v3;
	v40 =	vld [tilespmem:$0xCFF0]  }
0x147: {  	v45 =	vmul.f32 v24, v13;
	v4 =	vadd.f32 v8, v4;
	v1 =	vadd.f32 v42, v1;
	v42 =	vld [tilespmem:$0xD000]  }
0x148: {  	v48 =	vmul.f32 v30, v13;
	v2 =	vadd.f32 v43, v2;
	v43 =	vld [tilespmem:$0xD010]  }
0x149: {  	v46 =	vmul.f32 v26, v13;
	v4 =	vadd.f32 v7, v4;
	v3 =	vadd.f32 v45, v3;
	v45 =	vld [tilespmem:$0xD030]  }
0x14a: {  	v1 =	vadd.f32 v48, v1;
	v48 =	vld [tilespmem:$0xD050]  }
0x14b: {  	v4 =	vadd.f32 v46, v4;
	v2 =	vadd.f32 v50, v2;
	v50 =	vld [tilespmem:$0xD070]  }
0x14c: {  	v54 =	vmul.f32 v41, v18;
	v3 =	vadd.f32 v52, v3;
	v52 =	vld [tilespmem:$0xD080]  }
0x14d: {  	v4 =	vadd.f32 v53, v4;
	v53 =	vld [tilespmem:$0xD090]  }
0x14e: {  	v1 =	vadd.f32 v54, v1;
	v54 =	vld [tilespmem:$0xD0A0]  }
0x14f: {  	v58 =	vmul.f32 v51, v6;
	v2 =	vadd.f32 v55, v2;
	v55 =	vld [tilespmem:$0xD0B0]  }
0x150: {  	s30 =	sadd.s32 $0xFFFFFFE0, s20;
	v4 =	vadd.f32 v57, v4;
	v57 =	vld [tilespmem:$0xD0C0]  }
0x151: {  	v6 =	vmov s30;
	v3 =	vadd.f32 v56, v3;
	v1 =	vadd.f32 v58, v1;
	v58 =	vld [tilespmem:$0xD0D0]  }
0x152: {  	v59 =	vor.u32 $0x1, v6;
	[tilespmem:$0xDCC0] =	vst v2;
	v2 =	vld [tilespmem:$0xDB80]  }
0x153: {  	v36 =	vor.u32 $0x2, v6;
	[tilespmem:$0xDCD0] =	vst v3;
	v3 =	vld [tilespmem:$0xDB90]  }
0x154: {  	v41 =	vor.u32 $0x3, v6;
	[tilespmem:$0xDCE0] =	vst v4;
	v4 =	vld [tilespmem:$0xDBA0]  }
0x155: {  	v46 =	vor.u32 $0x4, v6;
	[tilespmem:$0xDCF0] =	vst v1;
	v1 =	vld [tilespmem:$0xDBB0]  }
0x156: {  	v51 =	vor.u32 $0x5, v6;
	v5 =	vld.idx.msk [tilespmem:v6+s3+$0x0], $0xffff  }
0x157: {  	v7 =	vld.idx.msk [tilespmem:v59+s3+$0x0], $0xffff  }
0x158: {  	v12 =	vld.idx.msk [tilespmem:v36+s3+$0x0], $0xffff  }
0x159: {  	v17 =	vld.idx.msk [tilespmem:v41+s3+$0x0], $0xffff  }
0x15a: {  	v56 =	vor.u32 $0x6, v6;
	v22 =	vld.idx.msk [tilespmem:v46+s3+$0x0], $0xffff  }
0x15b: {  	v27 =	vld.idx.msk [tilespmem:v51+s3+$0x0], $0xffff  }
0x15c: {  	v59 =	vld [tilespmem:$0xD0E0];
	v8 =	vmul.f32 v60, v5  }
0x15d: {  	v41 =	vld [tilespmem:$0xD130];
	v9 =	vmul.f32 v61, v5;
	v10 =	vmul.f32 v62, v5  }
0x15e: {  	v46 =	vld [tilespmem:$0xD140];
	v5 =	vmul.f32 v63, v5;
	v60 =	vmul.f32 v37, v7  }
0x15f: {  	v11 =	vld.idx.msk [tilespmem:v56+s3+$0x0], $0xffff;
	v62 =	vmul.f32 v38, v7;
	v32 =	vmul.f32 v39, v7  }
0x160: {  	v56 =	vld [tilespmem:$0xD180];
	v7 =	vmul.f32 v40, v7;
	v36 =	vmul.f32 v42, v12  }
0x161: {  	v61 =	vld [tilespmem:$0xD0F0];
	v37 =	vmul.f32 v43, v12;
	v40 =	vmul.f32 v44, v12  }
0x162: {  	v38 =	vld [tilespmem:$0xD110];
	v12 =	vmul.f32 v45, v12;
	v42 =	vmul.f32 v47, v17  }
0x163: {  	v39 =	vld [tilespmem:$0xD120];
	v44 =	vmul.f32 v48, v17;
	v45 =	vmul.f32 v49, v17  }
0x164: {  	v63 =	vor.u32 $0x7, v6;
	v47 =	vmul.f32 v50, v17;
	v48 =	vld [tilespmem:$0xD150];
	v49 =	vmul.f32 v52, v22  }
0x165: {  	v43 =	vor.u32 $0x8, v6;
	v50 =	vld [tilespmem:$0xD160];
	v51 =	vmul.f32 v53, v22;
	v52 =	vmul.f32 v54, v22  }
0x166: {  	v53 =	vld [tilespmem:$0xD170];
	v54 =	vmul.f32 v55, v22;
	v6 =	vor.u32 $0x9, v6;
	v2 =	vadd.f32 v8, v2  }
0x167: {  	v55 =	vmul.f32 v57, v27;
	v57 =	vmul.f32 v58, v27;
	v58 =	vld [tilespmem:$0xD190];
	v3 =	vadd.f32 v9, v3  }
0x168: {  	v2 =	vadd.f32 v60, v2;
	v60 =	vld [tilespmem:$0xD1A0]  }
0x169: {  	v3 =	vadd.f32 v62, v3;
	v62 =	vld [tilespmem:$0xD1B0]  }
0x16a: {  	v13 =	vld.idx.msk [tilespmem:v63+s3+$0x0], $0xffff  }
0x16b: {  	v18 =	vld.idx.msk [tilespmem:v43+s3+$0x0], $0xffff  }
0x16c: {  	v4 =	vadd.f32 v10, v4;
	v1 =	vadd.f32 v5, v1;
	v6 =	vld.idx.msk [tilespmem:v6+s3+$0x0], $0xffff  }
0x16d: {  	v8 =	vmul.f32 v59, v27;
	v10 =	vmul.f32 v61, v27;
	v27 =	vld [tilespmem:$0xD1E0]  }
0x16e: {  	v4 =	vadd.f32 v32, v4;
	v1 =	vadd.f32 v7, v1;
	v7 =	vmul.f32 v39, v11;
	v39 =	vld [tilespmem:$0xD380]  }
0x16f: {  	v63 =	vmul.f32 v41, v11;
	v41 =	vld [tilespmem:$0xD3A0];
	v2 =	vadd.f32 v36, v2  }
0x170: {  	v3 =	vadd.f32 v37, v3;
	v4 =	vadd.f32 v40, v4;
	v40 =	vld [tilespmem:$0xD390]  }
0x171: {  	v2 =	vadd.f32 v42, v2;
	v42 =	vld [tilespmem:$0xD3B0]  }
0x172: {  	v1 =	vadd.f32 v12, v1;
	v3 =	vadd.f32 v44, v3;
	v44 =	vld [tilespmem:$0xD3C0]  }
0x173: {  	v4 =	vadd.f32 v45, v4;
	v45 =	vld [tilespmem:$0xD3D0]  }
0x174: {  	v1 =	vadd.f32 v47, v1;
	v47 =	vld [tilespmem:$0xD3F0]  }
0x175: {  	v16 =	vmul.f32 v46, v13;
	v46 =	vld [tilespmem:$0xD3E0]  }
0x176: {  	v2 =	vadd.f32 v49, v2;
	v49 =	vld [tilespmem:$0xD400]  }
0x177: {  	v24 =	vmul.f32 v50, v13;
	v50 =	vld [tilespmem:$0xD410]  }
0x178: {  	v3 =	vadd.f32 v51, v3;
	v51 =	vld [tilespmem:$0xD420]  }
0x179: {  	v4 =	vadd.f32 v52, v4;
	v52 =	vld [tilespmem:$0xD430]  }
0x17a: {  	v1 =	vadd.f32 v54, v1;
	v54 =	vld [tilespmem:$0xD440]  }
0x17b: {  	v28 =	vmul.f32 v56, v18;
	v56 =	vld [tilespmem:$0xD460]  }
0x17c: {  	v31 =	vmul.f32 v60, v18;
	v60 =	vld [tilespmem:$0xD490]  }
0x17d: {  	v59 =	vmul.f32 v35, v11;
	v2 =	vadd.f32 v55, v2;
	v55 =	vld [tilespmem:$0xD450]  }
0x17e: {  	v61 =	vmul.f32 v38, v11;
	v3 =	vadd.f32 v57, v3;
	v4 =	vadd.f32 v8, v4;
	v57 =	vld [tilespmem:$0xD470]  }
0x17f: {  	v1 =	vadd.f32 v10, v1;
	v2 =	vadd.f32 v59, v2;
	v59 =	vld [tilespmem:$0xD480]  }
0x180: {  	v3 =	vadd.f32 v61, v3;
	v4 =	vadd.f32 v7, v4;
	v61 =	vld [tilespmem:$0xD4A0]  }
0x181: {  	v23 =	vmul.f32 v48, v13;
	v26 =	vmul.f32 v53, v13;
	v1 =	vadd.f32 v63, v1;
	v63 =	vld [tilespmem:$0xD4C0]  }
0x182: {  	v2 =	vadd.f32 v16, v2;
	v4 =	vadd.f32 v24, v4;
	v24 =	vld [tilespmem:$0xD580]  }
0x183: {  	v30 =	vmul.f32 v58, v18;
	v3 =	vadd.f32 v23, v3;
	v1 =	vadd.f32 v26, v1;
	v26 =	vld [tilespmem:$0xD590]  }
0x184: {  	v32 =	vmul.f32 v62, v18;
	v4 =	vadd.f32 v31, v4;
	v31 =	vld [tilespmem:$0xD4B0]  }
0x185: {  	v34 =	vmul.f32 v25, v6;
	v2 =	vadd.f32 v28, v2;
	v3 =	vadd.f32 v30, v3;
	v28 =	vld [tilespmem:$0xD5A0]  }
0x186: {  	v33 =	vmul.f32 v20, v6;
	v36 =	vmul.f32 v29, v6;
	v1 =	vadd.f32 v32, v1;
	v30 =	vld [tilespmem:$0xD5B0]  }
0x187: {  	v3 =	vadd.f32 v34, v3;
	v34 =	vld [tilespmem:$0xD4D0]  }
0x188: {  	s31 =	sadd.s32 $0xFFFFFFF0, s20;
	v35 =	vmul.f32 v27, v6;
	v2 =	vadd.f32 v33, v2;
	v1 =	vadd.f32 v36, v1;
	v36 =	vld [tilespmem:$0xD4E0]  }
0x189: {  	v6 =	vmov s31;
	v33 =	vld [tilespmem:$0xD5C0]  }
0x18a: {  	v38 =	vor.u32 $0x1, v6;
	v4 =	vadd.f32 v35, v4;
	[tilespmem:$0xDD00] =	vst v2;
	v2 =	vld [tilespmem:$0xDB80]  }
0x18b: {  	v43 =	vor.u32 $0x2, v6;
	[tilespmem:$0xDD10] =	vst v3;
	v3 =	vld [tilespmem:$0xDB90]  }
0x18c: {  	v48 =	vor.u32 $0x3, v6;
	[tilespmem:$0xDD20] =	vst v4;
	v4 =	vld [tilespmem:$0xDBA0]  }
0x18d: {  	v53 =	vor.u32 $0x4, v6;
	[tilespmem:$0xDD30] =	vst v1;
	v1 =	vld [tilespmem:$0xDBB0]  }
0x18e: {  	v58 =	vor.u32 $0x5, v6;
	v37 =	vld.idx.msk [tilespmem:v6+s3+$0x0], $0xffff  }
0x18f: {  	v7 =	vld.idx.msk [tilespmem:v38+s3+$0x0], $0xffff  }
0x190: {  	v12 =	vld.idx.msk [tilespmem:v43+s3+$0x0], $0xffff  }
0x191: {  	v17 =	vld.idx.msk [tilespmem:v48+s3+$0x0], $0xffff  }
0x192: {  	v62 =	vor.u32 $0x6, v6;
	v22 =	vld.idx.msk [tilespmem:v53+s3+$0x0], $0xffff  }
0x193: {  	v27 =	vld.idx.msk [tilespmem:v58+s3+$0x0], $0xffff  }
0x194: {  	v38 =	vld [tilespmem:$0xD4F0];
	v8 =	vmul.f32 v39, v37  }
0x195: {  	v43 =	vld [tilespmem:$0xD500];
	v9 =	vmul.f32 v40, v37;
	v10 =	vmul.f32 v41, v37  }
0x196: {  	v58 =	vld [tilespmem:$0xD560];
	v5 =	vmul.f32 v42, v37;
	v37 =	vmul.f32 v44, v7  }
0x197: {  	v39 =	vmul.f32 v45, v7;
	v40 =	vld.idx.msk [tilespmem:v62+s3+$0x0], $0xffff;
	v42 =	vmul.f32 v46, v7  }
0x198: {  	v7 =	vmul.f32 v47, v7;
	v44 =	vmul.f32 v49, v12;
	v46 =	vld [tilespmem:$0xD510]  }
0x199: {  	v45 =	vmul.f32 v50, v12;
	v47 =	vld [tilespmem:$0xD520];
	v48 =	vmul.f32 v51, v12  }
0x19a: {  	v49 =	vld [tilespmem:$0xD530];
	v12 =	vmul.f32 v52, v12;
	v50 =	vmul.f32 v54, v17  }
0x19b: {  	v41 =	vor.u32 $0x7, v6;
	v52 =	vmul.f32 v55, v17;
	v53 =	vmul.f32 v56, v17;
	v54 =	vld [tilespmem:$0xD540]  }
0x19c: {  	v51 =	vor.u32 $0x8, v6;
	v55 =	vmul.f32 v57, v17;
	v56 =	vld [tilespmem:$0xD550];
	v57 =	vmul.f32 v59, v22  }
0x19d: {  	v59 =	vmul.f32 v60, v22;
	v60 =	vmul.f32 v61, v22;
	v61 =	vld [tilespmem:$0xD570];
	v6 =	vor.u32 $0x9, v6  }
0x19e: {  	v62 =	vmul.f32 v31, v22;
	v2 =	vadd.f32 v8, v2;
	v8 =	vmul.f32 v36, v27;
	v36 =	vld [tilespmem:$0xD5D0]  }
0x19f: {  	v3 =	vadd.f32 v9, v3;
	v4 =	vadd.f32 v10, v4;
	v10 =	vmul.f32 v38, v27;
	v38 =	vld [tilespmem:$0xD5E0]  }
0x1a0: {  	v63 =	vmul.f32 v63, v27;
	v1 =	vadd.f32 v5, v1;
	v2 =	vadd.f32 v37, v2;
	v13 =	vld.idx.msk [tilespmem:v41+s3+$0x0], $0xffff  }
0x1a1: {  	v25 =	vmul.f32 v34, v27;
	v3 =	vadd.f32 v39, v3;
	v4 =	vadd.f32 v42, v4;
	v18 =	vld.idx.msk [tilespmem:v51+s3+$0x0], $0xffff  }
0x1a2: {  	v1 =	vadd.f32 v7, v1;
	v27 =	vmul.f32 v43, v40;
	v29 =	vmul.f32 v46, v40;
	v6 =	vld.idx.msk [tilespmem:v6+s3+$0x0], $0xffff  }
0x1a3: {  	v7 =	vmul.f32 v47, v40;
	v31 =	vmul.f32 v49, v40;
	v40 =	vld [tilespmem:$0xD5F0];
	v2 =	vadd.f32 v44, v2  }
0x1a4: {  	v51 =	vld [tilespmem:$0xD790];
	v3 =	vadd.f32 v45, v3  }
0x1a5: {  	v4 =	vadd.f32 v48, v4;
	v2 =	vadd.f32 v50, v2;
	v50 =	vld [tilespmem:$0xD780]  }
0x1a6: {  	v1 =	vadd.f32 v12, v1;
	v3 =	vadd.f32 v52, v3;
	v52 =	vld [tilespmem:$0xD7A0]  }
0x1a7: {  	v4 =	vadd.f32 v53, v4;
	v53 =	vld [tilespmem:$0xD7B0]  }
0x1a8: {  	v1 =	vadd.f32 v55, v1;
	v55 =	vld [tilespmem:$0xD7C0]  }
0x1a9: {  	v34 =	vmul.f32 v56, v13;
	v56 =	vld [tilespmem:$0xD7D0]  }
0x1aa: {  	v2 =	vadd.f32 v57, v2;
	v57 =	vld [tilespmem:$0xD7E0]  }
0x1ab: {  	v35 =	vmul.f32 v58, v13;
	v58 =	vld [tilespmem:$0xD7F0]  }
0x1ac: {  	v4 =	vadd.f32 v60, v4;
	v1 =	vadd.f32 v62, v1;
	v60 =	vld [tilespmem:$0xD800]  }
0x1ad: {  	v3 =	vadd.f32 v59, v3;
	v37 =	vmul.f32 v61, v13;
	v61 =	vld [tilespmem:$0xD810]  }
0x1ae: {  	v32 =	vmul.f32 v54, v13;
	v62 =	vld [tilespmem:$0xD820];
	v2 =	vadd.f32 v63, v2;
	v1 =	vadd.f32 v10, v1  }
0x1af: {  	v45 =	vmul.f32 v36, v6;
	v36 =	vld [tilespmem:$0xD840];
	v3 =	vadd.f32 v25, v3;
	v4 =	vadd.f32 v8, v4  }
0x1b0: {  	v46 =	vmul.f32 v38, v6;
	v38 =	vld [tilespmem:$0xD860];
	v2 =	vadd.f32 v27, v2;
	v1 =	vadd.f32 v31, v1  }
0x1b1: {  	v63 =	vld [tilespmem:$0xD830];
	v3 =	vadd.f32 v29, v3;
	v4 =	vadd.f32 v7, v4  }
0x1b2: {  	v39 =	vmul.f32 v24, v18;
	v2 =	vadd.f32 v32, v2;
	v1 =	vadd.f32 v37, v1;
	v37 =	vld [tilespmem:$0xD850]  }
0x1b3: {  	v41 =	vmul.f32 v26, v18;
	v42 =	vmul.f32 v28, v18;
	v3 =	vadd.f32 v34, v3;
	v32 =	vld [tilespmem:$0xD940]  }
0x1b4: {  	v44 =	vmul.f32 v33, v6;
	v4 =	vadd.f32 v35, v4;
	v2 =	vadd.f32 v39, v2;
	v39 =	vld [tilespmem:$0xD870]  }
0x1b5: {  	v43 =	vmul.f32 v30, v18;
	v3 =	vadd.f32 v41, v3;
	v41 =	vld [tilespmem:$0xD880]  }
0x1b6: {  	v47 =	vmul.f32 v40, v6;
	v4 =	vadd.f32 v42, v4;
	v42 =	vld [tilespmem:$0xD890];
	v2 =	vadd.f32 v44, v2  }
0x1b7: {  	v6 =	vmov s20;
	v1 =	vadd.f32 v43, v1;
	v43 =	vld [tilespmem:$0xD8A0];
	v3 =	vadd.f32 v45, v3  }
0x1b8: {  	v4 =	vadd.f32 v46, v4;
	v44 =	vld [tilespmem:$0xD8B0];
	[tilespmem:$0xDD40] =	vst v2  }
0x1b9: {  	v49 =	vor.u32 $0x1, v6;
	v1 =	vadd.f32 v47, v1;
	v46 =	vld [tilespmem:$0xD8C0];
	[tilespmem:$0xDD50] =	vst v3  }
0x1ba: {  	v47 =	vld [tilespmem:$0xD8D0];
	[tilespmem:$0xDD60] =	vst v4  }
0x1bb: {  	v54 =	vor.u32 $0x2, v6;
	v2 =	vld [tilespmem:$0xDB80];
	[tilespmem:$0xDD70] =	vst v1  }
0x1bc: {  	v48 =	vld.idx.msk [tilespmem:v6+s3+$0x0], $0xffff  }
0x1bd: {  	v59 =	vor.u32 $0x3, v6;
	v3 =	vld [tilespmem:$0xDB90]  }
0x1be: {  	v35 =	vor.u32 $0x4, v6;
	v7 =	vld.idx.msk [tilespmem:v49+s3+$0x0], $0xffff  }
0x1bf: {  	v40 =	vor.u32 $0x5, v6;
	v4 =	vld [tilespmem:$0xDBA0]  }
0x1c0: {  	v12 =	vld.idx.msk [tilespmem:v54+s3+$0x0], $0xffff  }
0x1c1: {  	v1 =	vld [tilespmem:$0xDBB0];
	v8 =	vmul.f32 v50, v48  }
0x1c2: {  	v17 =	vld.idx.msk [tilespmem:v59+s3+$0x0], $0xffff;
	v9 =	vmul.f32 v51, v48;
	v10 =	vmul.f32 v52, v48  }
0x1c3: {  	v22 =	vld.idx.msk [tilespmem:v35+s3+$0x0], $0xffff;
	v5 =	vmul.f32 v53, v48;
	v49 =	vmul.f32 v55, v7  }
0x1c4: {  	v45 =	vor.u32 $0x6, v6;
	v27 =	vld.idx.msk [tilespmem:v40+s3+$0x0], $0xffff;
	v51 =	vmul.f32 v56, v7;
	v54 =	vmul.f32 v57, v7  }
0x1c5: {  	v59 =	vld [tilespmem:$0xD920];
	v7 =	vmul.f32 v58, v7;
	v56 =	vmul.f32 v60, v12  }
0x1c6: {  	v40 =	vld [tilespmem:$0xD970];
	v57 =	vmul.f32 v61, v12;
	v60 =	vmul.f32 v62, v12  }
0x1c7: {  	v48 =	vld [tilespmem:$0xD8E0];
	v12 =	vmul.f32 v63, v12;
	v62 =	vmul.f32 v36, v17  }
0x1c8: {  	v50 =	vld [tilespmem:$0xD8F0];
	v24 =	vmul.f32 v37, v17;
	v25 =	vmul.f32 v38, v17  }
0x1c9: {  	v52 =	vld.idx.msk [tilespmem:v45+s3+$0x0], $0xffff;
	v53 =	vor.u32 $0x7, v6;
	v35 =	vmul.f32 v39, v17;
	v38 =	vmul.f32 v41, v22  }
0x1ca: {  	v55 =	vld [tilespmem:$0xD900];
	v63 =	vor.u32 $0x8, v6;
	v39 =	vmul.f32 v42, v22;
	v41 =	vmul.f32 v43, v22  }
0x1cb: {  	v58 =	vld [tilespmem:$0xD910];
	v22 =	vmul.f32 v44, v22;
	v2 =	vadd.f32 v8, v2;
	v3 =	vadd.f32 v9, v3  }
0x1cc: {  	v61 =	vld [tilespmem:$0xD930];
	v6 =	vor.u32 $0x9, v6;
	v4 =	vadd.f32 v10, v4;
	v1 =	vadd.f32 v5, v1  }
0x1cd: {  	v36 =	vld [tilespmem:$0xD950];
	v42 =	vmul.f32 v46, v27;
	v2 =	vadd.f32 v49, v2;
	v3 =	vadd.f32 v51, v3  }
0x1ce: {  	v37 =	vld [tilespmem:$0xD960];
	v44 =	vmul.f32 v47, v27;
	v4 =	vadd.f32 v54, v4;
	v1 =	vadd.f32 v7, v1  }
0x1cf: {  	v43 =	vld [tilespmem:$0xD980];
	v8 =	vmul.f32 v48, v27;
	v2 =	vadd.f32 v56, v2;
	v3 =	vadd.f32 v57, v3  }
0x1d0: {  	v13 =	vld.idx.msk [tilespmem:v53+s3+$0x0], $0xffff;
	v10 =	vmul.f32 v50, v27;
	v4 =	vadd.f32 v60, v4;
	v1 =	vadd.f32 v12, v1  }
0x1d1: {  	v45 =	vld [tilespmem:$0xD990];
	v14 =	vmul.f32 v55, v52;
	v2 =	vadd.f32 v62, v2;
	v3 =	vadd.f32 v24, v3  }
0x1d2: {  	v18 =	vld.idx.msk [tilespmem:v63+s3+$0x0], $0xffff;
	v16 =	vmul.f32 v58, v52;
	v4 =	vadd.f32 v25, v4;
	v1 =	vadd.f32 v35, v1  }
0x1d3: {  	v46 =	vld [tilespmem:$0xD9A0];
	v7 =	vmul.f32 v59, v52;
	v2 =	vadd.f32 v38, v2;
	v3 =	vadd.f32 v39, v3  }
0x1d4: {  	v49 =	vld [tilespmem:$0xD9C0];
	v48 =	vmul.f32 v61, v52;
	v4 =	vadd.f32 v41, v4;
	v1 =	vadd.f32 v22, v1  }
0x1d5: {  	v6 =	vld.idx.msk [tilespmem:v6+s3+$0x0], $0xffff;
	v50 =	vmul.f32 v32, v13;
	v51 =	vmul.f32 v36, v13;
	v2 =	vadd.f32 v42, v2  }
0x1d6: {  	v47 =	vld [tilespmem:$0xD9B0];
	v5 =	vmul.f32 v37, v13;
	v53 =	vmul.f32 v40, v13;
	v3 =	vadd.f32 v44, v3  }
0x1d7: {  	v52 =	vld [tilespmem:$0xD9D0];
	v55 =	vmul.f32 v43, v18;
	v4 =	vadd.f32 v8, v4;
	v2 =	vadd.f32 v14, v2  }
0x1d8: {  	v54 =	vld [tilespmem:$0xD9E0];
	v57 =	vmul.f32 v45, v18;
	v1 =	vadd.f32 v10, v1;
	v3 =	vadd.f32 v16, v3  }
0x1d9: {  	v56 =	vld [tilespmem:$0xD9F0];
	v58 =	vmul.f32 v46, v18;
	v4 =	vadd.f32 v7, v4;
	v2 =	vadd.f32 v50, v2  }
0x1da: {  	v59 =	vmul.f32 v49, v6;
	v1 =	vadd.f32 v48, v1;
	v3 =	vadd.f32 v51, v3  }
0x1db: {  	v60 =	vmul.f32 v47, v18;
	v4 =	vadd.f32 v5, v4;
	v2 =	vadd.f32 v55, v2  }
0x1dc: {  	v61 =	vmul.f32 v52, v6;
	v1 =	vadd.f32 v53, v1;
	v3 =	vadd.f32 v57, v3  }
0x1dd: {  	v62 =	vmul.f32 v54, v6;
	v4 =	vadd.f32 v58, v4;
	v2 =	vadd.f32 v59, v2  }
0x1de: {  	v63 =	vmul.f32 v56, v6;
	v1 =	vadd.f32 v60, v1;
	v3 =	vadd.f32 v61, v3  }
0x1df: {  	v4 =	vadd.f32 v62, v4;
	[tilespmem:$0xDD80] =	vst v2  }
0x1e0: {  	v1 =	vadd.f32 v63, v1;
	[tilespmem:$0xDD90] =	vst v3  }
0x1e1: {  	p0 =	sne.s32 s17, $0x3E7;
	[tilespmem:$0xDDA0] =	vst v4  }
.Ltmp1:
0x1e2: {  	[tilespmem:$0xDDB0] =	vst v1;
	(pc) =	sbr.rel @p0 .LBB2_4-.Ltmp1, $4  }
0x1e3: {  	[hbm4b:s19+s3] =	stream.linear.scatter [tilespmem:s15], [sflag:$0x2], $0x200, $0x38;
	[tilespmem:$0xDDC0] =	vst v63  }
0x1e4: {  	_ =	swait.ge [sflag:s9], $0x200  }
0x1e5: {  	s18 =	sadd.s32 $0x80, s18;
	[sflag:s9] =	ssyncset.done $0x0  }
0x1e6: {  	s17 =	sadd.s32 $0x8, s17;
	s19 =	sadd.s32 $0x40, s19;
	[sflag:s9] =	ssyncadd.s32 $0xFFFFFE00  }
0x1e7: {  	s16 =	sadd.s32 $0x1, s16  }
0x1e8: {  	p0 =	sne.s32 s16, s7  }
.Ltmp2:
0x1e9: {  	_ = 	snop;
	(pc) =	sbr.rel @p0 .LBB2_1-.Ltmp2, $1  }
0x1ea: {  	_ =	sdelay $0x3  }
0x1eb: {  	_ =	sfence.sel $0x180000  }
0x1ec: {  	[bflag:$0x0] =	sbarrier.arrive $0xFFFF  }
0x1ed: {  	p0 =	sne.s32 s0, $0x0;
	_ =	strace $0x90000047  }
0x1ee: {  	s0 =	sadd.s32 @!p0 $0x100000, s1;
	[bflag:$0x2] =	sbarrier.arrive $0xFFFF  }
0x1ef: {  	[sflag:s0] =	ssyncadd.tile.s32 @!p0 $0x1;
	_ =	shalt  }
.Lfunc_end2:
_tile_overlayer_lowered:
.L_overlay_start_2:
0x1f0: {  	(tag) =	ssettag $0x2  }
0x1f1: {  	s0 =	rddreg [dreg:$0x0];
	s2 =	stileid.u32  }
0x1f2: {  	s1 =	rddreg [dreg:$0x1];
	p0 =	sne.s32 s2, $0x0  }
0x1f3: {  	s3 =	rddreg [dreg:$0x2];
	[bflag:$0x3] =	sbarrier.arrive $0xFFFF;
	s2 =	simm.s32 @!p0 $0x1C02  }
0x1f4: {  	[timem:s3], [sflag:s2] =	dma.local @!p0 [hbm:s0], s1  }
0x1f5: {  	s0 =	simm.s32 @!p0 $0x2  }
0x1f6: {  	_ =	swait.ge @!p0 [sflag:s0], s1  }
0x1f7: {  	s1 =	ssub.s32 @!p0 $0x0, s1;
	[sflag:s0] =	ssyncset.done @!p0 $0x0  }
0x1f8: {  	[sflag:s0] =	ssyncadd.s32 @!p0 s1  }
0x1f9: {  	[bflag:$0x3] =	sbarrier.arrive $0xFFFF  }
0x1fa: {  	_ =	shalt  }

</sc_bundles>
